<compile_context>
chip_gen: v7x
topology: tpu7x:2x2x1
jax: 0.10.2.dev20260603
libtpu: 0.0.44.dev20260713+nightly
codegen_flags: <defaults>
</compile_context>

<pallas_src>
import functools

import jax
import jax.numpy as jnp
from jax import lax
from jax.experimental import pallas as pl
from jax.experimental.pallas import tpu as pltpu
from jax.experimental.pallas import tpu_sc as plsc

VOCAB = 100000
MAX_POS = 2048
EMBED = 768
BATCH = 16
SEQ = 2048

_NC, _NS, _L = 2, 16, 16
_NW = _NC * _NS
_POS_PER_W = SEQ // _NW
_NB = 4


def _body(ids_hbm, token_hbm, pos_hbm, out_hbm,
          idx_v, oidx_v, pos_v, rows, gsem, ssem):
    wid = lax.axis_index("s") * _NC + lax.axis_index("c")
    s_base = wid * _POS_PER_W

    ids_src = ids_hbm.at[
        pl.ds(pl.multiple_of(s_base * BATCH, 8), _POS_PER_W * BATCH)]
    pltpu.sync_copy(ids_src, idx_v)
    pos_src = pos_hbm.at[pl.ds(s_base, _POS_PER_W)]
    pos_cp = pltpu.async_copy(pos_src, pos_v, gsem[_NB - 1])

    def fire_gather(s, p):
        pltpu.async_copy(
            token_hbm.at[idx_v.at[pl.ds(s * BATCH, BATCH)]], rows[p], gsem[p])

    def wait_gather(s, p):
        pltpu.make_async_copy(
            token_hbm.at[idx_v.at[pl.ds(s * BATCH, BATCH)]], rows[p],
            gsem[p]).wait()

    def fire_store(s, p):
        pltpu.async_copy(rows[p], out_hbm.at[oidx_v.at[s]], ssem[p])

    def wait_store(s, p):
        pltpu.make_async_copy(
            rows[p], out_hbm.at[oidx_v.at[s]], ssem[p]).wait()

    def add_chunk(s, p):
        pvals = [pos_v[s, pl.ds(k * _L, _L)] for k in range(EMBED // _L)]

        def add_row(j, c):
            for k in range(EMBED // _L):
                sl = pl.ds(k * _L, _L)
                rows[p][j, sl] = rows[p][j, sl] + pvals[k]
            return c

        lax.fori_loop(0, BATCH, add_row, 0)

    for t in range(_NB - 1):
        fire_gather(t, t)

    bvec = lax.iota(jnp.int32, _L) * SEQ + s_base

    def gen_oidx(s, c):
        oidx_v[s, :] = bvec + s
        return c

    lax.fori_loop(0, _POS_PER_W, gen_oidx, 0)
    pos_cp.wait()

    def body(i, carry):
        for u in range(_NB):
            s = i * _NB + u
            wait_gather(s, u)
            add_chunk(s, u)
            fire_store(s, u)
            pn = (u + _NB - 1) % _NB
            if u == 0:
                @pl.when(i > 0)
                def _():
                    wait_store(s - 1, pn)

                fire_gather(s + _NB - 1, pn)
            else:
                @pl.when(i < _POS_PER_W // _NB - 1)
                def _():
                    wait_store(s - 1, pn)
                    fire_gather(s + _NB - 1, pn)
        return carry

    lax.fori_loop(0, _POS_PER_W // _NB, body, 0)

    for u in range(_NB):
        wait_store(_POS_PER_W - _NB + u, u)


@functools.cache
def _build():
    return pl.kernel(
        _body,
        out_type=jax.ShapeDtypeStruct((BATCH * SEQ, EMBED), jnp.float32),
        mesh=plsc.VectorSubcoreMesh(
            core_axis_name="c", subcore_axis_name="s",
            num_cores=_NC, num_subcores=_NS,
        ),
        scratch_types=[
            pltpu.VMEM((_POS_PER_W * BATCH,), jnp.int32),
            pltpu.VMEM((_POS_PER_W, _L), jnp.int32),
            pltpu.VMEM((_POS_PER_W, EMBED), jnp.float32),
            [pltpu.VMEM((BATCH, EMBED), jnp.float32) for _ in range(_NB)],
            [pltpu.SemaphoreType.DMA for _ in range(_NB)],
            [pltpu.SemaphoreType.DMA for _ in range(_NB)],
        ],
    )


def kernel(input_ids, token_table, pos_table):
    ids_t = input_ids.astype(jnp.int32).T.reshape(-1)
    out = _build()(ids_t, token_table, pos_table)
    return out.reshape(BATCH, SEQ, EMBED)

# --- scband reference (transcript-rebuilt; emitter-appended) ---
"""Pipeline reference for scband-text-embeddings-38628935860799 (READ-ONLY COPY).

The authoritative reference and input builder live on the scoring server;
editing this copy changes nothing except your own understanding.
"""

import jax, jax.numpy as jnp
import numpy as np

VOCAB = 100000
MAX_POS = 2048
EMBED = 768
BATCH = 16
SEQ = 2048

def setup_inputs(seed: int = 0) -> dict:
    key = jax.random.key(seed)
    k1, k2, k3 = jax.random.split(key, 3)
    input_ids = jax.random.randint(k1, (BATCH, SEQ), 0, VOCAB, dtype=jnp.int64 if jax.config.jax_enable_x64 else jnp.int32)
    token_table = jax.random.normal(k2, (VOCAB, EMBED), dtype=jnp.float32) * 0.02
    pos_table = jax.random.normal(k3, (MAX_POS, EMBED), dtype=jnp.float32) * 0.02
    return {"input_ids": input_ids, "token_table": token_table, "pos_table": pos_table}

def reference(input_ids, token_table, pos_table):
    seq_length = input_ids.shape[-1]
    position_ids = jnp.arange(seq_length)[None, :]  # buffer position_ids[:, :seq_length]
    inputs_embeds = jnp.take(token_table, input_ids, axis=0)
    position_embeddings = jnp.take(pos_table, position_ids, axis=0)
    embeddings = inputs_embeds + position_embeddings
    return embeddings

if __name__ == "__main__":
    import jax
    _d = setup_inputs()
    print(jax.jit(kernel)(*tuple(_d.values())))

</pallas_src>

<mosaic_0001>
#map = affine_map<(d0, d1) -> (0)>
#map1 = affine_map<(d0, d1) -> (0, 0)>
module attributes {stable_mosaic.version = 14 : i64} {
  func.func @_body(%arg0: i32, %arg1: i32, %arg2: memref<32768xi32, #tpu.memory_space<hbm>>, %arg3: memref<100000x768xf32, #tpu.memory_space<hbm>>, %arg4: memref<2048x768xf32, #tpu.memory_space<hbm>>, %arg5: memref<32768x768xf32, #tpu.memory_space<hbm>>, %arg6: memref<1024xi32, #tpu.memory_space<vmem>>, %arg7: memref<64x16xi32, #tpu.memory_space<vmem>>, %arg8: memref<64x768xf32, #tpu.memory_space<vmem>>, %arg9: memref<16x768xf32, #tpu.memory_space<vmem>>, %arg10: memref<16x768xf32, #tpu.memory_space<vmem>>, %arg11: memref<16x768xf32, #tpu.memory_space<vmem>>, %arg12: memref<16x768xf32, #tpu.memory_space<vmem>>, %arg13: memref<!tpu.dma_semaphore, #tpu.memory_space<semaphore_mem>>, %arg14: memref<!tpu.dma_semaphore, #tpu.memory_space<semaphore_mem>>, %arg15: memref<!tpu.dma_semaphore, #tpu.memory_space<semaphore_mem>>, %arg16: memref<!tpu.dma_semaphore, #tpu.memory_space<semaphore_mem>>, %arg17: memref<!tpu.dma_semaphore, #tpu.memory_space<semaphore_mem>>, %arg18: memref<!tpu.dma_semaphore, #tpu.memory_space<semaphore_mem>>, %arg19: memref<!tpu.dma_semaphore, #tpu.memory_space<semaphore_mem>>, %arg20: memref<!tpu.dma_semaphore, #tpu.memory_space<semaphore_mem>>) attributes {dimension_semantics = [#tpu.dimension_semantics<core_parallel>, #tpu.dimension_semantics<subcore_parallel>], iteration_bounds = array<i64: 2, 16>, scalar_prefetch = 0 : i64, scratch_operands = 15 : i64, tpu.core_type = #tpu.core_type<sc_vector_subcore>, window_params = [{transform_indices = #map}, {transform_indices = #map1}, {transform_indices = #map1}, {transform_indices = #map1}]} {
    %mul3A = arith.constant 2 : i32
    %mul3A_0 = arith.muli %arg1, %mul3A : i32
    %add3A = arith.addi %mul3A_0, %arg0 : i32
    %mul3A_1 = arith.constant 64 : i32
    %mul3A_2 = arith.muli %add3A, %mul3A_1 : i32
    %mul3A_3 = arith.constant 16 : i32
    %mul3A_4 = arith.muli %mul3A_2, %mul3A_3 : i32
    %multiple_of3A = tpu.assume_multiple %mul3A_4, 8 : i32
    "tpu.region"() ({
      %run_scoped3A = tpu.sem_alloc : memref<!tpu.dma_semaphore, #tpu.memory_space<semaphore_mem>>
      %dma_start3A_70 = tpu.memref_slice %arg2[%multiple_of3A] : memref<32768xi32, #tpu.memory_space<hbm>> -> memref<1024xi32, #tpu.memory_space<hbm>>
      %dma_start3A_71 = tpu.memref_slice %arg2[%multiple_of3A] : memref<32768xi32, #tpu.memory_space<hbm>> -> memref<1024xi32, #tpu.memory_space<hbm>>
      tpu.enqueue_dma source(%dma_start3A_71 : memref<1024xi32, #tpu.memory_space<hbm>>) target(%arg6 : memref<1024xi32, #tpu.memory_space<vmem>>) target_semaphore(%run_scoped3A : memref<!tpu.dma_semaphore, #tpu.memory_space<semaphore_mem>>)
      %dma_wait3A_72 = tpu.memref_slice %arg2[%multiple_of3A] : memref<32768xi32, #tpu.memory_space<hbm>> -> memref<1024xi32, #tpu.memory_space<hbm>>
      %dma_wait3A_73 = tpu.memref_slice %arg2[%multiple_of3A] : memref<32768xi32, #tpu.memory_space<hbm>> -> memref<1024xi32, #tpu.memory_space<hbm>>
      tpu.wait_dma2 semaphore(%run_scoped3A : memref<!tpu.dma_semaphore, #tpu.memory_space<semaphore_mem>>) src(%dma_wait3A_73 : memref<1024xi32, #tpu.memory_space<hbm>>) dst(%arg6 : memref<1024xi32, #tpu.memory_space<vmem>>)
      tpu.yield
    }) : () -> ()
    %dma_start3A = arith.constant 0 : i32
    %dma_start3A_5 = tpu.memref_slice %arg4[%mul3A_2, %dma_start3A] : memref<2048x768xf32, #tpu.memory_space<hbm>> -> memref<64x768xf32, #tpu.memory_space<hbm>>
    %dma_start3A_6 = arith.constant 0 : i32
    %dma_start3A_7 = tpu.memref_slice %arg4[%mul3A_2, %dma_start3A_6] : memref<2048x768xf32, #tpu.memory_space<hbm>> -> memref<64x768xf32, #tpu.memory_space<hbm>>
    tpu.enqueue_dma source(%dma_start3A_7 : memref<64x768xf32, #tpu.memory_space<hbm>>) target(%arg8 : memref<64x768xf32, #tpu.memory_space<vmem>>) target_semaphore(%arg16 : memref<!tpu.dma_semaphore, #tpu.memory_space<semaphore_mem>>)
    %dma_start3A_8 = arith.constant 0 : i32
    %dma_start3A_9 = tpu.memref_slice %arg6[%dma_start3A_8] : memref<1024xi32, #tpu.memory_space<vmem>> -> memref<16xi32, #tpu.memory_space<vmem>>
    %dma_start3A_10 = arith.constant 0 : i32
    %dma_start3A_11 = arith.constant 0 : i32
    %dma_start3A_12 = tpu.memref_slice %arg3[%dma_start3A_10, %dma_start3A_11] : memref<100000x768xf32, #tpu.memory_space<hbm>> -> memref<100000x768xf32, #tpu.memory_space<hbm>>
    tpu.enqueue_indirect_dma source(%dma_start3A_12 : memref<100000x768xf32, #tpu.memory_space<hbm>>) target(%arg9 : memref<16x768xf32, #tpu.memory_space<vmem>>) offsets(%dma_start3A_9 : memref<16xi32, #tpu.memory_space<vmem>>) semaphore(%arg13 : memref<!tpu.dma_semaphore, #tpu.memory_space<semaphore_mem>>)
    %dma_start3A_13 = arith.constant 16 : i32
    %dma_start3A_14 = tpu.memref_slice %arg6[%dma_start3A_13] : memref<1024xi32, #tpu.memory_space<vmem>> -> memref<16xi32, #tpu.memory_space<vmem>>
    %dma_start3A_15 = arith.constant 0 : i32
    %dma_start3A_16 = arith.constant 0 : i32
    %dma_start3A_17 = tpu.memref_slice %arg3[%dma_start3A_15, %dma_start3A_16] : memref<100000x768xf32, #tpu.memory_space<hbm>> -> memref<100000x768xf32, #tpu.memory_space<hbm>>
    tpu.enqueue_indirect_dma source(%dma_start3A_17 : memref<100000x768xf32, #tpu.memory_space<hbm>>) target(%arg10 : memref<16x768xf32, #tpu.memory_space<vmem>>) offsets(%dma_start3A_14 : memref<16xi32, #tpu.memory_space<vmem>>) semaphore(%arg14 : memref<!tpu.dma_semaphore, #tpu.memory_space<semaphore_mem>>)
    %dma_start3A_18 = arith.constant 32 : i32
    %dma_start3A_19 = tpu.memref_slice %arg6[%dma_start3A_18] : memref<1024xi32, #tpu.memory_space<vmem>> -> memref<16xi32, #tpu.memory_space<vmem>>
    %dma_start3A_20 = arith.constant 0 : i32
    %dma_start3A_21 = arith.constant 0 : i32
    %dma_start3A_22 = tpu.memref_slice %arg3[%dma_start3A_20, %dma_start3A_21] : memref<100000x768xf32, #tpu.memory_space<hbm>> -> memref<100000x768xf32, #tpu.memory_space<hbm>>
    tpu.enqueue_indirect_dma source(%dma_start3A_22 : memref<100000x768xf32, #tpu.memory_space<hbm>>) target(%arg11 : memref<16x768xf32, #tpu.memory_space<vmem>>) offsets(%dma_start3A_19 : memref<16xi32, #tpu.memory_space<vmem>>) semaphore(%arg15 : memref<!tpu.dma_semaphore, #tpu.memory_space<semaphore_mem>>)
    %iota3A = tpu.iota {dimensions = array<i32: 0>} : vector<16xi32>
    %mul3A_23 = arith.constant 2048 : i32
    %mul3A_24 = vector.broadcast %mul3A_23 : i32 to vector<16xi32>
    %mul3A_25 = arith.muli %iota3A, %mul3A_24 : vector<16xi32>
    %add3A_26 = vector.broadcast %mul3A_2 : i32 to vector<16xi32>
    %add3A_27 = arith.addi %mul3A_25, %add3A_26 : vector<16xi32>
    %scan3A = arith.constant 0 : i32
    %scan3A_28 = arith.constant 0 : i32
    %scan3A_29 = arith.constant 64 : i32
    %scan3A_30 = arith.addi %scan3A_28, %scan3A_29 : i32
    %scan3A_31 = arith.constant 1 : i32
    scf.for %scan3A_70 = %scan3A_28 to %scan3A_30 step %scan3A_31  : i32 {
      %add3A_71 = vector.broadcast %scan3A_70 : i32 to vector<16xi32>
      %add3A_72 = arith.addi %add3A_27, %add3A_71 : vector<16xi32>
      %swap3A = arith.index_cast %scan3A_70 : i32 to index
      %swap3A_73 = arith.constant 0 : index
      %swap3A_74 = tpu.vector_load %arg7[%swap3A, %swap3A_73] {strides = array<i32>} : memref<64x16xi32, #tpu.memory_space<vmem>>, vector<1x16xi32>,
      %swap3A_75 = vector.shape_cast %swap3A_74 : vector<1x16xi32> to vector<16xi32>
      %swap3A_76 = vector.shape_cast %add3A_72 : vector<16xi32> to vector<1x16xi32>
      tpu.vector_store %arg7[%swap3A, %swap3A_73], %swap3A_76 {strides = array<i32>} : memref<64x16xi32, #tpu.memory_space<vmem>>, vector<1x16xi32>,
    }
    %scan3A_32 = arith.constant 64 : i32
    %dma_wait3A = arith.constant 0 : i32
    %dma_wait3A_33 = tpu.memref_slice %arg4[%mul3A_2, %dma_wait3A] : memref<2048x768xf32, #tpu.memory_space<hbm>> -> memref<64x768xf32, #tpu.memory_space<hbm>>
    %dma_wait3A_34 = arith.constant 0 : i32
    %dma_wait3A_35 = tpu.memref_slice %arg4[%mul3A_2, %dma_wait3A_34] : memref<2048x768xf32, #tpu.memory_space<hbm>> -> memref<64x768xf32, #tpu.memory_space<hbm>>
    tpu.wait_dma2 semaphore(%arg16 : memref<!tpu.dma_semaphore, #tpu.memory_space<semaphore_mem>>) src(%dma_wait3A_35 : memref<64x768xf32, #tpu.memory_space<hbm>>) dst(%arg8 : memref<64x768xf32, #tpu.memory_space<vmem>>)
    %scan3A_36 = arith.constant 0 : i32
    %scan3A_37 = arith.constant 0 : i32
    %scan3A_38 = arith.constant 16 : i32
    %scan3A_39 = arith.addi %scan3A_37, %scan3A_38 : i32
    %scan3A_40 = arith.constant 1 : i32
    scf.for %scan3A_70 = %scan3A_37 to %scan3A_39 step %scan3A_40  : i32 {
      %mul3A_71 = arith.constant 4 : i32
      %mul3A_72 = arith.muli %scan3A_70, %mul3A_71 : i32
      %add3A_73 = arith.constant 0 : i32
      %add3A_74 = arith.addi %mul3A_72, %add3A_73 : i32
      %mul3A_75 = arith.constant 16 : i32
      %mul3A_76 = arith.muli %add3A_74, %mul3A_75 : i32
      %dma_wait3A_77 = tpu.memref_slice %arg6[%mul3A_76] : memref<1024xi32, #tpu.memory_space<vmem>> -> memref<16xi32, #tpu.memory_space<vmem>>
      %dma_wait3A_78 = arith.constant 0 : i32
      %dma_wait3A_79 = arith.constant 0 : i32
      %dma_wait3A_80 = tpu.memref_slice %arg3[%dma_wait3A_78, %dma_wait3A_79] : memref<100000x768xf32, #tpu.memory_space<hbm>> -> memref<100000x768xf32, #tpu.memory_space<hbm>>
      tpu.wait_indirect_dma semaphore(%arg13 : memref<!tpu.dma_semaphore, #tpu.memory_space<semaphore_mem>>) src(%dma_wait3A_80 : memref<100000x768xf32, #tpu.memory_space<hbm>>) dst(%arg9 : memref<16x768xf32, #tpu.memory_space<vmem>>)
      %get3A = arith.index_cast %add3A_74 : i32 to index
      %get3A_81 = arith.constant 0 : index
      %get3A_82 = tpu.vector_load %arg8[%get3A, %get3A_81] {strides = array<i32>} : memref<64x768xf32, #tpu.memory_space<vmem>>, vector<1x16xf32>,
      %get3A_83 = vector.shape_cast %get3A_82 : vector<1x16xf32> to vector<16xf32>
      %get3A_84 = arith.index_cast %add3A_74 : i32 to index
      %get3A_85 = arith.constant 16 : index
      %get3A_86 = tpu.vector_load %arg8[%get3A_84, %get3A_85] {strides = array<i32>} : memref<64x768xf32, #tpu.memory_space<vmem>>, vector<1x16xf32>,
      %get3A_87 = vector.shape_cast %get3A_86 : vector<1x16xf32> to vector<16xf32>
      %get3A_88 = arith.index_cast %add3A_74 : i32 to index
      %get3A_89 = arith.constant 32 : index
      %get3A_90 = tpu.vector_load %arg8[%get3A_88, %get3A_89] {strides = array<i32>} : memref<64x768xf32, #tpu.memory_space<vmem>>, vector<1x16xf32>,
      %get3A_91 = vector.shape_cast %get3A_90 : vector<1x16xf32> to vector<16xf32>
      %get3A_92 = arith.index_cast %add3A_74 : i32 to index
      %get3A_93 = arith.constant 48 : index
      %get3A_94 = tpu.vector_load %arg8[%get3A_92, %get3A_93] {strides = array<i32>} : memref<64x768xf32, #tpu.memory_space<vmem>>, vector<1x16xf32>,
      %get3A_95 = vector.shape_cast %get3A_94 : vector<1x16xf32> to vector<16xf32>
      %get3A_96 = arith.index_cast %add3A_74 : i32 to index
      %get3A_97 = arith.constant 64 : index
      %get3A_98 = tpu.vector_load %arg8[%get3A_96, %get3A_97] {strides = array<i32>} : memref<64x768xf32, #tpu.memory_space<vmem>>, vector<1x16xf32>,
      %get3A_99 = vector.shape_cast %get3A_98 : vector<1x16xf32> to vector<16xf32>
      %get3A_100 = arith.index_cast %add3A_74 : i32 to index
      %get3A_101 = arith.constant 80 : index
      %get3A_102 = tpu.vector_load %arg8[%get3A_100, %get3A_101] {strides = array<i32>} : memref<64x768xf32, #tpu.memory_space<vmem>>, vector<1x16xf32>,
      %get3A_103 = vector.shape_cast %get3A_102 : vector<1x16xf32> to vector<16xf32>
      %get3A_104 = arith.index_cast %add3A_74 : i32 to index
      %get3A_105 = arith.constant 96 : index
      %get3A_106 = tpu.vector_load %arg8[%get3A_104, %get3A_105] {strides = array<i32>} : memref<64x768xf32, #tpu.memory_space<vmem>>, vector<1x16xf32>,
      %get3A_107 = vector.shape_cast %get3A_106 : vector<1x16xf32> to vector<16xf32>
      %get3A_108 = arith.index_cast %add3A_74 : i32 to index
      %get3A_109 = arith.constant 112 : index
      %get3A_110 = tpu.vector_load %arg8[%get3A_108, %get3A_109] {strides = array<i32>} : memref<64x768xf32, #tpu.memory_space<vmem>>, vector<1x16xf32>,
      %get3A_111 = vector.shape_cast %get3A_110 : vector<1x16xf32> to vector<16xf32>
      %get3A_112 = arith.index_cast %add3A_74 : i32 to index
      %get3A_113 = arith.constant 128 : index
      %get3A_114 = tpu.vector_load %arg8[%get3A_112, %get3A_113] {strides = array<i32>} : memref<64x768xf32, #tpu.memory_space<vmem>>, vector<1x16xf32>,
      %get3A_115 = vector.shape_cast %get3A_114 : vector<1x16xf32> to vector<16xf32>
      %get3A_116 = arith.index_cast %add3A_74 : i32 to index
      %get3A_117 = arith.constant 144 : index
      %get3A_118 = tpu.vector_load %arg8[%get3A_116, %get3A_117] {strides = array<i32>} : memref<64x768xf32, #tpu.memory_space<vmem>>, vector<1x16xf32>,
      %get3A_119 = vector.shape_cast %get3A_118 : vector<1x16xf32> to vector<16xf32>
      %get3A_120 = arith.index_cast %add3A_74 : i32 to index
      %get3A_121 = arith.constant 160 : index
      %get3A_122 = tpu.vector_load %arg8[%get3A_120, %get3A_121] {strides = array<i32>} : memref<64x768xf32, #tpu.memory_space<vmem>>, vector<1x16xf32>,
      %get3A_123 = vector.shape_cast %get3A_122 : vector<1x16xf32> to vector<16xf32>
      %get3A_124 = arith.index_cast %add3A_74 : i32 to index
      %get3A_125 = arith.constant 176 : index
      %get3A_126 = tpu.vector_load %arg8[%get3A_124, %get3A_125] {strides = array<i32>} : memref<64x768xf32, #tpu.memory_space<vmem>>, vector<1x16xf32>,
      %get3A_127 = vector.shape_cast %get3A_126 : vector<1x16xf32> to vector<16xf32>
      %get3A_128 = arith.index_cast %add3A_74 : i32 to index
      %get3A_129 = arith.constant 192 : index
      %get3A_130 = tpu.vector_load %arg8[%get3A_128, %get3A_129] {strides = array<i32>} : memref<64x768xf32, #tpu.memory_space<vmem>>, vector<1x16xf32>,
      %get3A_131 = vector.shape_cast %get3A_130 : vector<1x16xf32> to vector<16xf32>
      %get3A_132 = arith.index_cast %add3A_74 : i32 to index
      %get3A_133 = arith.constant 208 : index
      %get3A_134 = tpu.vector_load %arg8[%get3A_132, %get3A_133] {strides = array<i32>} : memref<64x768xf32, #tpu.memory_space<vmem>>, vector<1x16xf32>,
      %get3A_135 = vector.shape_cast %get3A_134 : vector<1x16xf32> to vector<16xf32>
      %get3A_136 = arith.index_cast %add3A_74 : i32 to index
      %get3A_137 = arith.constant 224 : index
      %get3A_138 = tpu.vector_load %arg8[%get3A_136, %get3A_137] {strides = array<i32>} : memref<64x768xf32, #tpu.memory_space<vmem>>, vector<1x16xf32>,
      %get3A_139 = vector.shape_cast %get3A_138 : vector<1x16xf32> to vector<16xf32>
      %get3A_140 = arith.index_cast %add3A_74 : i32 to index
      %get3A_141 = arith.constant 240 : index
      %get3A_142 = tpu.vector_load %arg8[%get3A_140, %get3A_141] {strides = array<i32>} : memref<64x768xf32, #tpu.memory_space<vmem>>, vector<1x16xf32>,
      %get3A_143 = vector.shape_cast %get3A_142 : vector<1x16xf32> to vector<16xf32>
      %get3A_144 = arith.index_cast %add3A_74 : i32 to index
      %get3A_145 = arith.constant 256 : index
      %get3A_146 = tpu.vector_load %arg8[%get3A_144, %get3A_145] {strides = array<i32>} : memref<64x768xf32, #tpu.memory_space<vmem>>, vector<1x16xf32>,
      %get3A_147 = vector.shape_cast %get3A_146 : vector<1x16xf32> to vector<16xf32>
      %get3A_148 = arith.index_cast %add3A_74 : i32 to index
      %get3A_149 = arith.constant 272 : index
      %get3A_150 = tpu.vector_load %arg8[%get3A_148, %get3A_149] {strides = array<i32>} : memref<64x768xf32, #tpu.memory_space<vmem>>, vector<1x16xf32>,
      %get3A_151 = vector.shape_cast %get3A_150 : vector<1x16xf32> to vector<16xf32>
      %get3A_152 = arith.index_cast %add3A_74 : i32 to index
      %get3A_153 = arith.constant 288 : index
      %get3A_154 = tpu.vector_load %arg8[%get3A_152, %get3A_153] {strides = array<i32>} : memref<64x768xf32, #tpu.memory_space<vmem>>, vector<1x16xf32>,
      %get3A_155 = vector.shape_cast %get3A_154 : vector<1x16xf32> to vector<16xf32>
      %get3A_156 = arith.index_cast %add3A_74 : i32 to index
      %get3A_157 = arith.constant 304 : index
      %get3A_158 = tpu.vector_load %arg8[%get3A_156, %get3A_157] {strides = array<i32>} : memref<64x768xf32, #tpu.memory_space<vmem>>, vector<1x16xf32>,
      %get3A_159 = vector.shape_cast %get3A_158 : vector<1x16xf32> to vector<16xf32>
      %get3A_160 = arith.index_cast %add3A_74 : i32 to index
      %get3A_161 = arith.constant 320 : index
      %get3A_162 = tpu.vector_load %arg8[%get3A_160, %get3A_161] {strides = array<i32>} : memref<64x768xf32, #tpu.memory_space<vmem>>, vector<1x16xf32>,
      %get3A_163 = vector.shape_cast %get3A_162 : vector<1x16xf32> to vector<16xf32>
      %get3A_164 = arith.index_cast %add3A_74 : i32 to index
      %get3A_165 = arith.constant 336 : index
      %get3A_166 = tpu.vector_load %arg8[%get3A_164, %get3A_165] {strides = array<i32>} : memref<64x768xf32, #tpu.memory_space<vmem>>, vector<1x16xf32>,
      %get3A_167 = vector.shape_cast %get3A_166 : vector<1x16xf32> to vector<16xf32>
      %get3A_168 = arith.index_cast %add3A_74 : i32 to index
      %get3A_169 = arith.constant 352 : index
      %get3A_170 = tpu.vector_load %arg8[%get3A_168, %get3A_169] {strides = array<i32>} : memref<64x768xf32, #tpu.memory_space<vmem>>, vector<1x16xf32>,
      %get3A_171 = vector.shape_cast %get3A_170 : vector<1x16xf32> to vector<16xf32>
      %get3A_172 = arith.index_cast %add3A_74 : i32 to index
      %get3A_173 = arith.constant 368 : index
      %get3A_174 = tpu.vector_load %arg8[%get3A_172, %get3A_173] {strides = array<i32>} : memref<64x768xf32, #tpu.memory_space<vmem>>, vector<1x16xf32>,
      %get3A_175 = vector.shape_cast %get3A_174 : vector<1x16xf32> to vector<16xf32>
      %get3A_176 = arith.index_cast %add3A_74 : i32 to index
      %get3A_177 = arith.constant 384 : index
      %get3A_178 = tpu.vector_load %arg8[%get3A_176, %get3A_177] {strides = array<i32>} : memref<64x768xf32, #tpu.memory_space<vmem>>, vector<1x16xf32>,
      %get3A_179 = vector.shape_cast %get3A_178 : vector<1x16xf32> to vector<16xf32>
      %get3A_180 = arith.index_cast %add3A_74 : i32 to index
      %get3A_181 = arith.constant 400 : index
      %get3A_182 = tpu.vector_load %arg8[%get3A_180, %get3A_181] {strides = array<i32>} : memref<64x768xf32, #tpu.memory_space<vmem>>, vector<1x16xf32>,
      %get3A_183 = vector.shape_cast %get3A_182 : vector<1x16xf32> to vector<16xf32>
      %get3A_184 = arith.index_cast %add3A_74 : i32 to index
      %get3A_185 = arith.constant 416 : index
      %get3A_186 = tpu.vector_load %arg8[%get3A_184, %get3A_185] {strides = array<i32>} : memref<64x768xf32, #tpu.memory_space<vmem>>, vector<1x16xf32>,
      %get3A_187 = vector.shape_cast %get3A_186 : vector<1x16xf32> to vector<16xf32>
      %get3A_188 = arith.index_cast %add3A_74 : i32 to index
      %get3A_189 = arith.constant 432 : index
      %get3A_190 = tpu.vector_load %arg8[%get3A_188, %get3A_189] {strides = array<i32>} : memref<64x768xf32, #tpu.memory_space<vmem>>, vector<1x16xf32>,
      %get3A_191 = vector.shape_cast %get3A_190 : vector<1x16xf32> to vector<16xf32>
      %get3A_192 = arith.index_cast %add3A_74 : i32 to index
      %get3A_193 = arith.constant 448 : index
      %get3A_194 = tpu.vector_load %arg8[%get3A_192, %get3A_193] {strides = array<i32>} : memref<64x768xf32, #tpu.memory_space<vmem>>, vector<1x16xf32>,
      %get3A_195 = vector.shape_cast %get3A_194 : vector<1x16xf32> to vector<16xf32>
      %get3A_196 = arith.index_cast %add3A_74 : i32 to index
      %get3A_197 = arith.constant 464 : index
      %get3A_198 = tpu.vector_load %arg8[%get3A_196, %get3A_197] {strides = array<i32>} : memref<64x768xf32, #tpu.memory_space<vmem>>, vector<1x16xf32>,
      %get3A_199 = vector.shape_cast %get3A_198 : vector<1x16xf32> to vector<16xf32>
      %get3A_200 = arith.index_cast %add3A_74 : i32 to index
      %get3A_201 = arith.constant 480 : index
      %get3A_202 = tpu.vector_load %arg8[%get3A_200, %get3A_201] {strides = array<i32>} : memref<64x768xf32, #tpu.memory_space<vmem>>, vector<1x16xf32>,
      %get3A_203 = vector.shape_cast %get3A_202 : vector<1x16xf32> to vector<16xf32>
      %get3A_204 = arith.index_cast %add3A_74 : i32 to index
      %get3A_205 = arith.constant 496 : index
      %get3A_206 = tpu.vector_load %arg8[%get3A_204, %get3A_205] {strides = array<i32>} : memref<64x768xf32, #tpu.memory_space<vmem>>, vector<1x16xf32>,
      %get3A_207 = vector.shape_cast %get3A_206 : vector<1x16xf32> to vector<16xf32>
      %get3A_208 = arith.index_cast %add3A_74 : i32 to index
      %get3A_209 = arith.constant 512 : index
      %get3A_210 = tpu.vector_load %arg8[%get3A_208, %get3A_209] {strides = array<i32>} : memref<64x768xf32, #tpu.memory_space<vmem>>, vector<1x16xf32>,
      %get3A_211 = vector.shape_cast %get3A_210 : vector<1x16xf32> to vector<16xf32>
      %get3A_212 = arith.index_cast %add3A_74 : i32 to index
      %get3A_213 = arith.constant 528 : index
      %get3A_214 = tpu.vector_load %arg8[%get3A_212, %get3A_213] {strides = array<i32>} : memref<64x768xf32, #tpu.memory_space<vmem>>, vector<1x16xf32>,
      %get3A_215 = vector.shape_cast %get3A_214 : vector<1x16xf32> to vector<16xf32>
      %get3A_216 = arith.index_cast %add3A_74 : i32 to index
      %get3A_217 = arith.constant 544 : index
      %get3A_218 = tpu.vector_load %arg8[%get3A_216, %get3A_217] {strides = array<i32>} : memref<64x768xf32, #tpu.memory_space<vmem>>, vector<1x16xf32>,
      %get3A_219 = vector.shape_cast %get3A_218 : vector<1x16xf32> to vector<16xf32>
      %get3A_220 = arith.index_cast %add3A_74 : i32 to index
      %get3A_221 = arith.constant 560 : index
      %get3A_222 = tpu.vector_load %arg8[%get3A_220, %get3A_221] {strides = array<i32>} : memref<64x768xf32, #tpu.memory_space<vmem>>, vector<1x16xf32>,
      %get3A_223 = vector.shape_cast %get3A_222 : vector<1x16xf32> to vector<16xf32>
      %get3A_224 = arith.index_cast %add3A_74 : i32 to index
      %get3A_225 = arith.constant 576 : index
      %get3A_226 = tpu.vector_load %arg8[%get3A_224, %get3A_225] {strides = array<i32>} : memref<64x768xf32, #tpu.memory_space<vmem>>, vector<1x16xf32>,
      %get3A_227 = vector.shape_cast %get3A_226 : vector<1x16xf32> to vector<16xf32>
      %get3A_228 = arith.index_cast %add3A_74 : i32 to index
      %get3A_229 = arith.constant 592 : index
      %get3A_230 = tpu.vector_load %arg8[%get3A_228, %get3A_229] {strides = array<i32>} : memref<64x768xf32, #tpu.memory_space<vmem>>, vector<1x16xf32>,
      %get3A_231 = vector.shape_cast %get3A_230 : vector<1x16xf32> to vector<16xf32>
      %get3A_232 = arith.index_cast %add3A_74 : i32 to index
      %get3A_233 = arith.constant 608 : index
      %get3A_234 = tpu.vector_load %arg8[%get3A_232, %get3A_233] {strides = array<i32>} : memref<64x768xf32, #tpu.memory_space<vmem>>, vector<1x16xf32>,
      %get3A_235 = vector.shape_cast %get3A_234 : vector<1x16xf32> to vector<16xf32>
      %get3A_236 = arith.index_cast %add3A_74 : i32 to index
      %get3A_237 = arith.constant 624 : index
      %get3A_238 = tpu.vector_load %arg8[%get3A_236, %get3A_237] {strides = array<i32>} : memref<64x768xf32, #tpu.memory_space<vmem>>, vector<1x16xf32>,
      %get3A_239 = vector.shape_cast %get3A_238 : vector<1x16xf32> to vector<16xf32>
      %get3A_240 = arith.index_cast %add3A_74 : i32 to index
      %get3A_241 = arith.constant 640 : index
      %get3A_242 = tpu.vector_load %arg8[%get3A_240, %get3A_241] {strides = array<i32>} : memref<64x768xf32, #tpu.memory_space<vmem>>, vector<1x16xf32>,
      %get3A_243 = vector.shape_cast %get3A_242 : vector<1x16xf32> to vector<16xf32>
      %get3A_244 = arith.index_cast %add3A_74 : i32 to index
      %get3A_245 = arith.constant 656 : index
      %get3A_246 = tpu.vector_load %arg8[%get3A_244, %get3A_245] {strides = array<i32>} : memref<64x768xf32, #tpu.memory_space<vmem>>, vector<1x16xf32>,
      %get3A_247 = vector.shape_cast %get3A_246 : vector<1x16xf32> to vector<16xf32>
      %get3A_248 = arith.index_cast %add3A_74 : i32 to index
      %get3A_249 = arith.constant 672 : index
      %get3A_250 = tpu.vector_load %arg8[%get3A_248, %get3A_249] {strides = array<i32>} : memref<64x768xf32, #tpu.memory_space<vmem>>, vector<1x16xf32>,
      %get3A_251 = vector.shape_cast %get3A_250 : vector<1x16xf32> to vector<16xf32>
      %get3A_252 = arith.index_cast %add3A_74 : i32 to index
      %get3A_253 = arith.constant 688 : index
      %get3A_254 = tpu.vector_load %arg8[%get3A_252, %get3A_253] {strides = array<i32>} : memref<64x768xf32, #tpu.memory_space<vmem>>, vector<1x16xf32>,
      %get3A_255 = vector.shape_cast %get3A_254 : vector<1x16xf32> to vector<16xf32>
      %get3A_256 = arith.index_cast %add3A_74 : i32 to index
      %get3A_257 = arith.constant 704 : index
      %get3A_258 = tpu.vector_load %arg8[%get3A_256, %get3A_257] {strides = array<i32>} : memref<64x768xf32, #tpu.memory_space<vmem>>, vector<1x16xf32>,
      %get3A_259 = vector.shape_cast %get3A_258 : vector<1x16xf32> to vector<16xf32>
      %get3A_260 = arith.index_cast %add3A_74 : i32 to index
      %get3A_261 = arith.constant 720 : index
      %get3A_262 = tpu.vector_load %arg8[%get3A_260, %get3A_261] {strides = array<i32>} : memref<64x768xf32, #tpu.memory_space<vmem>>, vector<1x16xf32>,
      %get3A_263 = vector.shape_cast %get3A_262 : vector<1x16xf32> to vector<16xf32>
      %get3A_264 = arith.index_cast %add3A_74 : i32 to index
      %get3A_265 = arith.constant 736 : index
      %get3A_266 = tpu.vector_load %arg8[%get3A_264, %get3A_265] {strides = array<i32>} : memref<64x768xf32, #tpu.memory_space<vmem>>, vector<1x16xf32>,
      %get3A_267 = vector.shape_cast %get3A_266 : vector<1x16xf32> to vector<16xf32>
      %get3A_268 = arith.index_cast %add3A_74 : i32 to index
      %get3A_269 = arith.constant 752 : index
      %get3A_270 = tpu.vector_load %arg8[%get3A_268, %get3A_269] {strides = array<i32>} : memref<64x768xf32, #tpu.memory_space<vmem>>, vector<1x16xf32>,
      %get3A_271 = vector.shape_cast %get3A_270 : vector<1x16xf32> to vector<16xf32>
      %scan3A_272 = arith.constant 0 : i32
      %scan3A_273 = arith.constant 0 : i32
      %scan3A_274 = arith.constant 16 : i32
      %scan3A_275 = arith.addi %scan3A_273, %scan3A_274 : i32
      %scan3A_276 = arith.constant 1 : i32
      scf.for %scan3A_951 = %scan3A_273 to %scan3A_275 step %scan3A_276  : i32 {
        %get3A_952 = arith.index_cast %scan3A_951 : i32 to index
        %get3A_953 = arith.constant 0 : index
        %get3A_954 = tpu.vector_load %arg9[%get3A_952, %get3A_953] {strides = array<i32>} : memref<16x768xf32, #tpu.memory_space<vmem>>, vector<1x16xf32>,
        %get3A_955 = vector.shape_cast %get3A_954 : vector<1x16xf32> to vector<16xf32>
        %add3A_956 = arith.addf %get3A_955, %get3A_83 : vector<16xf32>
        %swap3A = arith.index_cast %scan3A_951 : i32 to index
        %swap3A_957 = arith.constant 0 : index
        %swap3A_958 = tpu.vector_load %arg9[%swap3A, %swap3A_957] {strides = array<i32>} : memref<16x768xf32, #tpu.memory_space<vmem>>, vector<1x16xf32>,
        %swap3A_959 = vector.shape_cast %swap3A_958 : vector<1x16xf32> to vector<16xf32>
        %swap3A_960 = vector.shape_cast %add3A_956 : vector<16xf32> to vector<1x16xf32>
        tpu.vector_store %arg9[%swap3A, %swap3A_957], %swap3A_960 {strides = array<i32>} : memref<16x768xf32, #tpu.memory_space<vmem>>, vector<1x16xf32>,
        %get3A_961 = arith.index_cast %scan3A_951 : i32 to index
        %get3A_962 = arith.constant 16 : index
        %get3A_963 = tpu.vector_load %arg9[%get3A_961, %get3A_962] {strides = array<i32>} : memref<16x768xf32, #tpu.memory_space<vmem>>, vector<1x16xf32>,
        %get3A_964 = vector.shape_cast %get3A_963 : vector<1x16xf32> to vector<16xf32>
        %add3A_965 = arith.addf %get3A_964, %get3A_87 : vector<16xf32>
        %swap3A_966 = arith.index_cast %scan3A_951 : i32 to index
        %swap3A_967 = arith.constant 16 : index
        %swap3A_968 = tpu.vector_load %arg9[%swap3A_966, %swap3A_967] {strides = array<i32>} : memref<16x768xf32, #tpu.memory_space<vmem>>, vector<1x16xf32>,
        %swap3A_969 = vector.shape_cast %swap3A_968 : vector<1x16xf32> to vector<16xf32>
        %swap3A_970 = vector.shape_cast %add3A_965 : vector<16xf32> to vector<1x16xf32>
        tpu.vector_store %arg9[%swap3A_966, %swap3A_967], %swap3A_970 {strides = array<i32>} : memref<16x768xf32, #tpu.memory_space<vmem>>, vector<1x16xf32>,
        %get3A_971 = arith.index_cast %scan3A_951 : i32 to index
        %get3A_972 = arith.constant 32 : index
        %get3A_973 = tpu.vector_load %arg9[%get3A_971, %get3A_972] {strides = array<i32>} : memref<16x768xf32, #tpu.memory_space<vmem>>, vector<1x16xf32>,
        %get3A_974 = vector.shape_cast %get3A_973 : vector<1x16xf32> to vector<16xf32>
        %add3A_975 = arith.addf %get3A_974, %get3A_91 : vector<16xf32>
        %swap3A_976 = arith.index_cast %scan3A_951 : i32 to index
        %swap3A_977 = arith.constant 32 : index
        %swap3A_978 = tpu.vector_load %arg9[%swap3A_976, %swap3A_977] {strides = array<i32>} : memref<16x768xf32, #tpu.memory_space<vmem>>, vector<1x16xf32>,
        %swap3A_979 = vector.shape_cast %swap3A_978 : vector<1x16xf32> to vector<16xf32>
        %swap3A_980 = vector.shape_cast %add3A_975 : vector<16xf32> to vector<1x16xf32>
        tpu.vector_store %arg9[%swap3A_976, %swap3A_977], %swap3A_980 {strides = array<i32>} : memref<16x768xf32, #tpu.memory_space<vmem>>, vector<1x16xf32>,
        %get3A_981 = arith.index_cast %scan3A_951 : i32 to index
        %get3A_982 = arith.constant 48 : index
        %get3A_983 = tpu.vector_load %arg9[%get3A_981, %get3A_982] {strides = array<i32>} : memref<16x768xf32, #tpu.memory_space<vmem>>, vector<1x16xf32>,
        %get3A_984 = vector.shape_cast %get3A_983 : vector<1x16xf32> to vector<16xf32>
        %add3A_985 = arith.addf %get3A_984, %get3A_95 : vector<16xf32>
        %swap3A_986 = arith.index_cast %scan3A_951 : i32 to index
        %swap3A_987 = arith.constant 48 : index
        %swap3A_988 = tpu.vector_load %arg9[%swap3A_986, %swap3A_987] {strides = array<i32>} : memref<16x768xf32, #tpu.memory_space<vmem>>, vector<1x16xf32>,
        %swap3A_989 = vector.shape_cast %swap3A_988 : vector<1x16xf32> to vector<16xf32>
        %swap3A_990 = vector.shape_cast %add3A_985 : vector<16xf32> to vector<1x16xf32>
        tpu.vector_store %arg9[%swap3A_986, %swap3A_987], %swap3A_990 {strides = array<i32>} : memref<16x768xf32, #tpu.memory_space<vmem>>, vector<1x16xf32>,
        %get3A_991 = arith.index_cast %scan3A_951 : i32 to index
        %get3A_992 = arith.constant 64 : index
        %get3A_993 = tpu.vector_load %arg9[%get3A_991, %get3A_992] {strides = array<i32>} : memref<16x768xf32, #tpu.memory_space<vmem>>, vector<1x16xf32>,
        %get3A_994 = vector.shape_cast %get3A_993 : vector<1x16xf32> to vector<16xf32>
        %add3A_995 = arith.addf %get3A_994, %get3A_99 : vector<16xf32>
        %swap3A_996 = arith.index_cast %scan3A_951 : i32 to index
        %swap3A_997 = arith.constant 64 : index
        %swap3A_998 = tpu.vector_load %arg9[%swap3A_996, %swap3A_997] {strides = array<i32>} : memref<16x768xf32, #tpu.memory_space<vmem>>, vector<1x16xf32>,
        %swap3A_999 = vector.shape_cast %swap3A_998 : vector<1x16xf32> to vector<16xf32>
        %swap3A_1000 = vector.shape_cast %add3A_995 : vector<16xf32> to vector<1x16xf32>
        tpu.vector_store %arg9[%swap3A_996, %swap3A_997], %swap3A_1000 {strides = array<i32>} : memref<16x768xf32, #tpu.memory_space<vmem>>, vector<1x16xf32>,
        %get3A_1001 = arith.index_cast %scan3A_951 : i32 to index
        %get3A_1002 = arith.constant 80 : index
        %get3A_1003 = tpu.vector_load %arg9[%get3A_1001, %get3A_1002] {strides = array<i32>} : memref<16x768xf32, #tpu.memory_space<vmem>>, vector<1x16xf32>,
        %get3A_1004 = vector.shape_cast %get3A_1003 : vector<1x16xf32> to vector<16xf32>
        %add3A_1005 = arith.addf %get3A_1004, %get3A_103 : vector<16xf32>
        %swap3A_1006 = arith.index_cast %scan3A_951 : i32 to index
        %swap3A_1007 = arith.constant 80 : index
        %swap3A_1008 = tpu.vector_load %arg9[%swap3A_1006, %swap3A_1007] {strides = array<i32>} : memref<16x768xf32, #tpu.memory_space<vmem>>, vector<1x16xf32>,
        %swap3A_1009 = vector.shape_cast %swap3A_1008 : vector<1x16xf32> to vector<16xf32>
        %swap3A_1010 = vector.shape_cast %add3A_1005 : vector<16xf32> to vector<1x16xf32>
        tpu.vector_store %arg9[%swap3A_1006, %swap3A_1007], %swap3A_1010 {strides = array<i32>} : memref<16x768xf32, #tpu.memory_space<vmem>>, vector<1x16xf32>,
        %get3A_1011 = arith.index_cast %scan3A_951 : i32 to index
        %get3A_1012 = arith.constant 96 : index
        %get3A_1013 = tpu.vector_load %arg9[%get3A_1011, %get3A_1012] {strides = array<i32>} : memref<16x768xf32, #tpu.memory_space<vmem>>, vector<1x16xf32>,
        %get3A_1014 = vector.shape_cast %get3A_1013 : vector<1x16xf32> to vector<16xf32>
        %add3A_1015 = arith.addf %get3A_1014, %get3A_107 : vector<16xf32>
        %swap3A_1016 = arith.index_cast %scan3A_951 : i32 to index
        %swap3A_1017 = arith.constant 96 : index
        %swap3A_1018 = tpu.vector_load %arg9[%swap3A_1016, %swap3A_1017] {strides = array<i32>} : memref<16x768xf32, #tpu.memory_space<vmem>>, vector<1x16xf32>,
        %swap3A_1019 = vector.shape_cast %swap3A_1018 : vector<1x16xf32> to vector<16xf32>
        %swap3A_1020 = vector.shape_cast %add3A_1015 : vector<16xf32> to vector<1x16xf32>
        tpu.vector_store %arg9[%swap3A_1016, %swap3A_1017], %swap3A_1020 {strides = array<i32>} : memref<16x768xf32, #tpu.memory_space<vmem>>, vector<1x16xf32>,
        %get3A_1021 = arith.index_cast %scan3A_951 : i32 to index
        %get3A_1022 = arith.constant 112 : index
        %get3A_1023 = tpu.vector_load %arg9[%get3A_1021, %get3A_1022] {strides = array<i32>} : memref<16x768xf32, #tpu.memory_space<vmem>>, vector<1x16xf32>,
        %get3A_1024 = vector.shape_cast %get3A_1023 : vector<1x16xf32> to vector<16xf32>
        %add3A_1025 = arith.addf %get3A_1024, %get3A_111 : vector<16xf32>
        %swap3A_1026 = arith.index_cast %scan3A_951 : i32 to index
        %swap3A_1027 = arith.constant 112 : index
        %swap3A_1028 = tpu.vector_load %arg9[%swap3A_1026, %swap3A_1027] {strides = array<i32>} : memref<16x768xf32, #tpu.memory_space<vmem>>, vector<1x16xf32>,
        %swap3A_1029 = vector.shape_cast %swap3A_1028 : vector<1x16xf32> to vector<16xf32>
        %swap3A_1030 = vector.shape_cast %add3A_1025 : vector<16xf32> to vector<1x16xf32>
        tpu.vector_store %arg9[%swap3A_1026, %swap3A_1027], %swap3A_1030 {strides = array<i32>} : memref<16x768xf32, #tpu.memory_space<vmem>>, vector<1x16xf32>,
        %get3A_1031 = arith.index_cast %scan3A_951 : i32 to index
        %get3A_1032 = arith.constant 128 : index
        %get3A_1033 = tpu.vector_load %arg9[%get3A_1031, %get3A_1032] {strides = array<i32>} : memref<16x768xf32, #tpu.memory_space<vmem>>, vector<1x16xf32>,
        %get3A_1034 = vector.shape_cast %get3A_1033 : vector<1x16xf32> to vector<16xf32>
        %add3A_1035 = arith.addf %get3A_1034, %get3A_115 : vector<16xf32>
        %swap3A_1036 = arith.index_cast %scan3A_951 : i32 to index
        %swap3A_1037 = arith.constant 128 : index
        %swap3A_1038 = tpu.vector_load %arg9[%swap3A_1036, %swap3A_1037] {strides = array<i32>} : memref<16x768xf32, #tpu.memory_space<vmem>>, vector<1x16xf32>,
        %swap3A_1039 = vector.shape_cast %swap3A_1038 : vector<1x16xf32> to vector<16xf32>
        %swap3A_1040 = vector.shape_cast %add3A_1035 : vector<16xf32> to vector<1x16xf32>
        tpu.vector_store %arg9[%swap3A_1036, %swap3A_1037], %swap3A_1040 {strides = array<i32>} : memref<16x768xf32, #tpu.memory_space<vmem>>, vector<1x16xf32>,
        %get3A_1041 = arith.index_cast %scan3A_951 : i32 to index
        %get3A_1042 = arith.constant 144 : index
        %get3A_1043 = tpu.vector_load %arg9[%get3A_1041, %get3A_1042] {strides = array<i32>} : memref<16x768xf32, #tpu.memory_space<vmem>>, vector<1x16xf32>,
        %get3A_1044 = vector.shape_cast %get3A_1043 : vector<1x16xf32> to vector<16xf32>
        %add3A_1045 = arith.addf %get3A_1044, %get3A_119 : vector<16xf32>
        %swap3A_1046 = arith.index_cast %scan3A_951 : i32 to index
        %swap3A_1047 = arith.constant 144 : index
        %swap3A_1048 = tpu.vector_load %arg9[%swap3A_1046, %swap3A_1047] {strides = array<i32>} : memref<16x768xf32, #tpu.memory_space<vmem>>, vector<1x16xf32>,
        %swap3A_1049 = vector.shape_cast %swap3A_1048 : vector<1x16xf32> to vector<16xf32>
        %swap3A_1050 = vector.shape_cast %add3A_1045 : vector<16xf32> to vector<1x16xf32>
        tpu.vector_store %arg9[%swap3A_1046, %swap3A_1047], %swap3A_1050 {strides = array<i32>} : memref<16x768xf32, #tpu.memory_space<vmem>>, vector<1x16xf32>,
        %get3A_1051 = arith.index_cast %scan3A_951 : i32 to index
        %get3A_1052 = arith.constant 160 : index
        %get3A_1053 = tpu.vector_load %arg9[%get3A_1051, %get3A_1052] {strides = array<i32>} : memref<16x768xf32, #tpu.memory_space<vmem>>, vector<1x16xf32>,
        %get3A_1054 = vector.shape_cast %get3A_1053 : vector<1x16xf32> to vector<16xf32>
        %add3A_1055 = arith.addf %get3A_1054, %get3A_123 : vector<16xf32>
        %swap3A_1056 = arith.index_cast %scan3A_951 : i32 to index
        %swap3A_1057 = arith.constant 160 : index
        %swap3A_1058 = tpu.vector_load %arg9[%swap3A_1056, %swap3A_1057] {strides = array<i32>} : memref<16x768xf32, #tpu.memory_space<vmem>>, vector<1x16xf32>,
        %swap3A_1059 = vector.shape_cast %swap3A_1058 : vector<1x16xf32> to vector<16xf32>
        %swap3A_1060 = vector.shape_cast %add3A_1055 : vector<16xf32> to vector<1x16xf32>
        tpu.vector_store %arg9[%swap3A_1056, %swap3A_1057], %swap3A_1060 {strides = array<i32>} : memref<16x768xf32, #tpu.memory_space<vmem>>, vector<1x16xf32>,
        %get3A_1061 = arith.index_cast %scan3A_951 : i32 to index
        %get3A_1062 = arith.constant 176 : index
        %get3A_1063 = tpu.vector_load %arg9[%get3A_1061, %get3A_1062] {strides = array<i32>} : memref<16x768xf32, #tpu.memory_space<vmem>>, vector<1x16xf32>,
        %get3A_1064 = vector.shape_cast %get3A_1063 : vector<1x16xf32> to vector<16xf32>
        %add3A_1065 = arith.addf %get3A_1064, %get3A_127 : vector<16xf32>
        %swap3A_1066 = arith.index_cast %scan3A_951 : i32 to index
        %swap3A_1067 = arith.constant 176 : index
        %swap3A_1068 = tpu.vector_load %arg9[%swap3A_1066, %swap3A_1067] {strides = array<i32>} : memref<16x768xf32, #tpu.memory_space<vmem>>, vector<1x16xf32>,
        %swap3A_1069 = vector.shape_cast %swap3A_1068 : vector<1x16xf32> to vector<16xf32>
        %swap3A_1070 = vector.shape_cast %add3A_1065 : vector<16xf32> to vector<1x16xf32>
        tpu.vector_store %arg9[%swap3A_1066, %swap3A_1067], %swap3A_1070 {strides = array<i32>} : memref<16x768xf32, #tpu.memory_space<vmem>>, vector<1x16xf32>,
        %get3A_1071 = arith.index_cast %scan3A_951 : i32 to index
        %get3A_1072 = arith.constant 192 : index
        %get3A_1073 = tpu.vector_load %arg9[%get3A_1071, %get3A_1072] {strides = array<i32>} : memref<16x768xf32, #tpu.memory_space<vmem>>, vector<1x16xf32>,
        %get3A_1074 = vector.shape_cast %get3A_1073 : vector<1x16xf32> to vector<16xf32>
        %add3A_1075 = arith.addf %get3A_1074, %get3A_131 : vector<16xf32>
        %swap3A_1076 = arith.index_cast %scan3A_951 : i32 to index
        %swap3A_1077 = arith.constant 192 : index
        %swap3A_1078 = tpu.vector_load %arg9[%swap3A_1076, %swap3A_1077] {strides = array<i32>} : memref<16x768xf32, #tpu.memory_space<vmem>>, vector<1x16xf32>,
        %swap3A_1079 = vector.shape_cast %swap3A_1078 : vector<1x16xf32> to vector<16xf32>
        %swap3A_1080 = vector.shape_cast %add3A_1075 : vector<16xf32> to vector<1x16xf32>
        tpu.vector_store %arg9[%swap3A_1076, %swap3A_1077], %swap3A_1080 {strides = array<i32>} : memref<16x768xf32, #tpu.memory_space<vmem>>, vector<1x16xf32>,
        %get3A_1081 = arith.index_cast %scan3A_951 : i32 to index
        %get3A_1082 = arith.constant 208 : index
        %get3A_1083 = tpu.vector_load %arg9[%get3A_1081, %get3A_1082] {strides = array<i32>} : memref<16x768xf32, #tpu.memory_space<vmem>>, vector<1x16xf32>,
        %get3A_1084 = vector.shape_cast %get3A_1083 : vector<1x16xf32> to vector<16xf32>
        %add3A_1085 = arith.addf %get3A_1084, %get3A_135 : vector<16xf32>
        %swap3A_1086 = arith.index_cast %scan3A_951 : i32 to index
        %swap3A_1087 = arith.constant 208 : index
        %swap3A_1088 = tpu.vector_load %arg9[%swap3A_1086, %swap3A_1087] {strides = array<i32>} : memref<16x768xf32, #tpu.memory_space<vmem>>, vector<1x16xf32>,
        %swap3A_1089 = vector.shape_cast %swap3A_1088 : vector<1x16xf32> to vector<16xf32>
        %swap3A_1090 = vector.shape_cast %add3A_1085 : vector<16xf32> to vector<1x16xf32>
        tpu.vector_store %arg9[%swap3A_1086, %swap3A_1087], %swap3A_1090 {strides = array<i32>} : memref<16x768xf32, #tpu.memory_space<vmem>>, vector<1x16xf32>,
        %get3A_1091 = arith.index_cast %scan3A_951 : i32 to index
        %get3A_1092 = arith.constant 224 : index
        %get3A_1093 = tpu.vector_load %arg9[%get3A_1091, %get3A_1092] {strides = array<i32>} : memref<16x768xf32, #tpu.memory_space<vmem>>, vector<1x16xf32>,
        %get3A_1094 = vector.shape_cast %get3A_1093 : vector<1x16xf32> to vector<16xf32>
        %add3A_1095 = arith.addf %get3A_1094, %get3A_139 : vector<16xf32>
        %swap3A_1096 = arith.index_cast %scan3A_951 : i32 to index
        %swap3A_1097 = arith.constant 224 : index
        %swap3A_1098 = tpu.vector_load %arg9[%swap3A_1096, %swap3A_1097] {strides = array<i32>} : memref<16x768xf32, #tpu.memory_space<vmem>>, vector<1x16xf32>,
        %swap3A_1099 = vector.shape_cast %swap3A_1098 : vector<1x16xf32> to vector<16xf32>
        %swap3A_1100 = vector.shape_cast %add3A_1095 : vector<16xf32> to vector<1x16xf32>
        tpu.vector_store %arg9[%swap3A_1096, %swap3A_1097], %swap3A_1100 {strides = array<i32>} : memref<16x768xf32, #tpu.memory_space<vmem>>, vector<1x16xf32>,
        %get3A_1101 = arith.index_cast %scan3A_951 : i32 to index
        %get3A_1102 = arith.constant 240 : index
        %get3A_1103 = tpu.vector_load %arg9[%get3A_1101, %get3A_1102] {strides = array<i32>} : memref<16x768xf32, #tpu.memory_space<vmem>>, vector<1x16xf32>,
        %get3A_1104 = vector.shape_cast %get3A_1103 : vector<1x16xf32> to vector<16xf32>
        %add3A_1105 = arith.addf %get3A_1104, %get3A_143 : vector<16xf32>
        %swap3A_1106 = arith.index_cast %scan3A_951 : i32 to index
        %swap3A_1107 = arith.constant 240 : index
        %swap3A_1108 = tpu.vector_load %arg9[%swap3A_1106, %swap3A_1107] {strides = array<i32>} : memref<16x768xf32, #tpu.memory_space<vmem>>, vector<1x16xf32>,
        %swap3A_1109 = vector.shape_cast %swap3A_1108 : vector<1x16xf32> to vector<16xf32>
        %swap3A_1110 = vector.shape_cast %add3A_1105 : vector<16xf32> to vector<1x16xf32>
        tpu.vector_store %arg9[%swap3A_1106, %swap3A_1107], %swap3A_1110 {strides = array<i32>} : memref<16x768xf32, #tpu.memory_space<vmem>>, vector<1x16xf32>,
        %get3A_1111 = arith.index_cast %scan3A_951 : i32 to index
        %get3A_1112 = arith.constant 256 : index
        %get3A_1113 = tpu.vector_load %arg9[%get3A_1111, %get3A_1112] {strides = array<i32>} : memref<16x768xf32, #tpu.memory_space<vmem>>, vector<1x16xf32>,
        %get3A_1114 = vector.shape_cast %get3A_1113 : vector<1x16xf32> to vector<16xf32>
        %add3A_1115 = arith.addf %get3A_1114, %get3A_147 : vector<16xf32>
        %swap3A_1116 = arith.index_cast %scan3A_951 : i32 to index
        %swap3A_1117 = arith.constant 256 : index
        %swap3A_1118 = tpu.vector_load %arg9[%swap3A_1116, %swap3A_1117] {strides = array<i32>} : memref<16x768xf32, #tpu.memory_space<vmem>>, vector<1x16xf32>,
        %swap3A_1119 = vector.shape_cast %swap3A_1118 : vector<1x16xf32> to vector<16xf32>
        %swap3A_1120 = vector.shape_cast %add3A_1115 : vector<16xf32> to vector<1x16xf32>
        tpu.vector_store %arg9[%swap3A_1116, %swap3A_1117], %swap3A_1120 {strides = array<i32>} : memref<16x768xf32, #tpu.memory_space<vmem>>, vector<1x16xf32>,
        %get3A_1121 = arith.index_cast %scan3A_951 : i32 to index
        %get3A_1122 = arith.constant 272 : index
        %get3A_1123 = tpu.vector_load %arg9[%get3A_1121, %get3A_1122] {strides = array<i32>} : memref<16x768xf32, #tpu.memory_space<vmem>>, vector<1x16xf32>,
        %get3A_1124 = vector.shape_cast %get3A_1123 : vector<1x16xf32> to vector<16xf32>
        %add3A_1125 = arith.addf %get3A_1124, %get3A_151 : vector<16xf32>
        %swap3A_1126 = arith.index_cast %scan3A_951 : i32 to index
        %swap3A_1127 = arith.constant 272 : index
        %swap3A_1128 = tpu.vector_load %arg9[%swap3A_1126, %swap3A_1127] {strides = array<i32>} : memref<16x768xf32, #tpu.memory_space<vmem>>, vector<1x16xf32>,
        %swap3A_1129 = vector.shape_cast %swap3A_1128 : vector<1x16xf32> to vector<16xf32>
        %swap3A_1130 = vector.shape_cast %add3A_1125 : vector<16xf32> to vector<1x16xf32>
        tpu.vector_store %arg9[%swap3A_1126, %swap3A_1127], %swap3A_1130 {strides = array<i32>} : memref<16x768xf32, #tpu.memory_space<vmem>>, vector<1x16xf32>,
        %get3A_1131 = arith.index_cast %scan3A_951 : i32 to index
        %get3A_1132 = arith.constant 288 : index
        %get3A_1133 = tpu.vector_load %arg9[%get3A_1131, %get3A_1132] {strides = array<i32>} : memref<16x768xf32, #tpu.memory_space<vmem>>, vector<1x16xf32>,
        %get3A_1134 = vector.shape_cast %get3A_1133 : vector<1x16xf32> to vector<16xf32>
        %add3A_1135 = arith.addf %get3A_1134, %get3A_155 : vector<16xf32>
        %swap3A_1136 = arith.index_cast %scan3A_951 : i32 to index
        %swap3A_1137 = arith.constant 288 : index
        %swap3A_1138 = tpu.vector_load %arg9[%swap3A_1136, %swap3A_1137] {strides = array<i32>} : memref<16x768xf32, #tpu.memory_space<vmem>>, vector<1x16xf32>,
        %swap3A_1139 = vector.shape_cast %swap3A_1138 : vector<1x16xf32> to vector<16xf32>
        %swap3A_1140 = vector.shape_cast %add3A_1135 : vector<16xf32> to vector<1x16xf32>
        tpu.vector_store %arg9[%swap3A_1136, %swap3A_1137], %swap3A_1140 {strides = array<i32>} : memref<16x768xf32, #tpu.memory_space<vmem>>, vector<1x16xf32>,
        %get3A_1141 = arith.index_cast %scan3A_951 : i32 to index
        %get3A_1142 = arith.constant 304 : index
        %get3A_1143 = tpu.vector_load %arg9[%get3A_1141, %get3A_1142] {strides = array<i32>} : memref<16x768xf32, #tpu.memory_space<vmem>>, vector<1x16xf32>,
        %get3A_1144 = vector.shape_cast %get3A_1143 : vector<1x16xf32> to vector<16xf32>
        %add3A_1145 = arith.addf %get3A_1144, %get3A_159 : vector<16xf32>
        %swap3A_1146 = arith.index_cast %scan3A_951 : i32 to index
        %swap3A_1147 = arith.constant 304 : index
        %swap3A_1148 = tpu.vector_load %arg9[%swap3A_1146, %swap3A_1147] {strides = array<i32>} : memref<16x768xf32, #tpu.memory_space<vmem>>, vector<1x16xf32>,
        %swap3A_1149 = vector.shape_cast %swap3A_1148 : vector<1x16xf32> to vector<16xf32>
        %swap3A_1150 = vector.shape_cast %add3A_1145 : vector<16xf32> to vector<1x16xf32>
        tpu.vector_store %arg9[%swap3A_1146, %swap3A_1147], %swap3A_1150 {strides = array<i32>} : memref<16x768xf32, #tpu.memory_space<vmem>>, vector<1x16xf32>,
        %get3A_1151 = arith.index_cast %scan3A_951 : i32 to index
        %get3A_1152 = arith.constant 320 : index
        %get3A_1153 = tpu.vector_load %arg9[%get3A_1151, %get3A_1152] {strides = array<i32>} : memref<16x768xf32, #tpu.memory_space<vmem>>, vector<1x16xf32>,
        %get3A_1154 = vector.shape_cast %get3A_1153 : vector<1x16xf32> to vector<16xf32>
        %add3A_1155 = arith.addf %get3A_1154, %get3A_163 : vector<16xf32>
        %swap3A_1156 = arith.index_cast %scan3A_951 : i32 to index
        %swap3A_1157 = arith.constant 320 : index
        %swap3A_1158 = tpu.vector_load %arg9[%swap3A_1156, %swap3A_1157] {strides = array<i32>} : memref<16x768xf32, #tpu.memory_space<vmem>>, vector<1x16xf32>,
        %swap3A_1159 = vector.shape_cast %swap3A_1158 : vector<1x16xf32> to vector<16xf32>
        %swap3A_1160 = vector.shape_cast %add3A_1155 : vector<16xf32> to vector<1x16xf32>
        tpu.vector_store %arg9[%swap3A_1156, %swap3A_1157], %swap3A_1160 {strides = array<i32>} : memref<16x768xf32, #tpu.memory_space<vmem>>, vector<1x16xf32>,
        %get3A_1161 = arith.index_cast %scan3A_951 : i32 to index
        %get3A_1162 = arith.constant 336 : index
        %get3A_1163 = tpu.vector_load %arg9[%get3A_1161, %get3A_1162] {strides = array<i32>} : memref<16x768xf32, #tpu.memory_space<vmem>>, vector<1x16xf32>,
        %get3A_1164 = vector.shape_cast %get3A_1163 : vector<1x16xf32> to vector<16xf32>
        %add3A_1165 = arith.addf %get3A_1164, %get3A_167 : vector<16xf32>
        %swap3A_1166 = arith.index_cast %scan3A_951 : i32 to index
        %swap3A_1167 = arith.constant 336 : index
        %swap3A_1168 = tpu.vector_load %arg9[%swap3A_1166, %swap3A_1167] {strides = array<i32>} : memref<16x768xf32, #tpu.memory_space<vmem>>, vector<1x16xf32>,
        %swap3A_1169 = vector.shape_cast %swap3A_1168 : vector<1x16xf32> to vector<16xf32>
        %swap3A_1170 = vector.shape_cast %add3A_1165 : vector<16xf32> to vector<1x16xf32>
        tpu.vector_store %arg9[%swap3A_1166, %swap3A_1167], %swap3A_1170 {strides = array<i32>} : memref<16x768xf32, #tpu.memory_space<vmem>>, vector<1x16xf32>,
        %get3A_1171 = arith.index_cast %scan3A_951 : i32 to index
        %get3A_1172 = arith.constant 352 : index
        %get3A_1173 = tpu.vector_load %arg9[%get3A_1171, %get3A_1172] {strides = array<i32>} : memref<16x768xf32, #tpu.memory_space<vmem>>, vector<1x16xf32>,
        %get3A_1174 = vector.shape_cast %get3A_1173 : vector<1x16xf32> to vector<16xf32>
        %add3A_1175 = arith.addf %get3A_1174, %get3A_171 : vector<16xf32>
        %swap3A_1176 = arith.index_cast %scan3A_951 : i32 to index
        %swap3A_1177 = arith.constant 352 : index
        %swap3A_1178 = tpu.vector_load %arg9[%swap3A_1176, %swap3A_1177] {strides = array<i32>} : memref<16x768xf32, #tpu.memory_space<vmem>>, vector<1x16xf32>,
        %swap3A_1179 = vector.shape_cast %swap3A_1178 : vector<1x16xf32> to vector<16xf32>
        %swap3A_1180 = vector.shape_cast %add3A_1175 : vector<16xf32> to vector<1x16xf32>
        tpu.vector_store %arg9[%swap3A_1176, %swap3A_1177], %swap3A_1180 {strides = array<i32>} : memref<16x768xf32, #tpu.memory_space<vmem>>, vector<1x16xf32>,
        %get3A_1181 = arith.index_cast %scan3A_951 : i32 to index
        %get3A_1182 = arith.constant 368 : index
        %get3A_1183 = tpu.vector_load %arg9[%get3A_1181, %get3A_1182] {strides = array<i32>} : memref<16x768xf32, #tpu.memory_space<vmem>>, vector<1x16xf32>,
        %get3A_1184 = vector.shape_cast %get3A_1183 : vector<1x16xf32> to vector<16xf32>
        %add3A_1185 = arith.addf %get3A_1184, %get3A_175 : vector<16xf32>
        %swap3A_1186 = arith.index_cast %scan3A_951 : i32 to index
        %swap3A_1187 = arith.constant 368 : index
        %swap3A_1188 = tpu.vector_load %arg9[%swap3A_1186, %swap3A_1187] {strides = array<i32>} : memref<16x768xf32, #tpu.memory_space<vmem>>, vector<1x16xf32>,
        %swap3A_1189 = vector.shape_cast %swap3A_1188 : vector<1x16xf32> to vector<16xf32>
        %swap3A_1190 = vector.shape_cast %add3A_1185 : vector<16xf32> to vector<1x16xf32>
        tpu.vector_store %arg9[%swap3A_1186, %swap3A_1187], %swap3A_1190 {strides = array<i32>} : memref<16x768xf32, #tpu.memory_space<vmem>>, vector<1x16xf32>,
        %get3A_1191 = arith.index_cast %scan3A_951 : i32 to index
        %get3A_1192 = arith.constant 384 : index
        %get3A_1193 = tpu.vector_load %arg9[%get3A_1191, %get3A_1192] {strides = array<i32>} : memref<16x768xf32, #tpu.memory_space<vmem>>, vector<1x16xf32>,
        %get3A_1194 = vector.shape_cast %get3A_1193 : vector<1x16xf32> to vector<16xf32>
        %add3A_1195 = arith.addf %get3A_1194, %get3A_179 : vector<16xf32>
        %swap3A_1196 = arith.index_cast %scan3A_951 : i32 to index
        %swap3A_1197 = arith.constant 384 : index
        %swap3A_1198 = tpu.vector_load %arg9[%swap3A_1196, %swap3A_1197] {strides = array<i32>} : memref<16x768xf32, #tpu.memory_space<vmem>>, vector<1x16xf32>,
        %swap3A_1199 = vector.shape_cast %swap3A_1198 : vector<1x16xf32> to vector<16xf32>
        %swap3A_1200 = vector.shape_cast %add3A_1195 : vector<16xf32> to vector<1x16xf32>
        tpu.vector_store %arg9[%swap3A_1196, %swap3A_1197], %swap3A_1200 {strides = array<i32>} : memref<16x768xf32, #tpu.memory_space<vmem>>, vector<1x16xf32>,
        %get3A_1201 = arith.index_cast %scan3A_951 : i32 to index
        %get3A_1202 = arith.constant 400 : index
        %get3A_1203 = tpu.vector_load %arg9[%get3A_1201, %get3A_1202] {strides = array<i32>} : memref<16x768xf32, #tpu.memory_space<vmem>>, vector<1x16xf32>,
        %get3A_1204 = vector.shape_cast %get3A_1203 : vector<1x16xf32> to vector<16xf32>
        %add3A_1205 = arith.addf %get3A_1204, %get3A_183 : vector<16xf32>
        %swap3A_1206 = arith.index_cast %scan3A_951 : i32 to index
        %swap3A_1207 = arith.constant 400 : index
        %swap3A_1208 = tpu.vector_load %arg9[%swap3A_1206, %swap3A_1207] {strides = array<i32>} : memref<16x768xf32, #tpu.memory_space<vmem>>, vector<1x16xf32>,
        %swap3A_1209 = vector.shape_cast %swap3A_1208 : vector<1x16xf32> to vector<16xf32>
        %swap3A_1210 = vector.shape_cast %add3A_1205 : vector<16xf32> to vector<1x16xf32>
        tpu.vector_store %arg9[%swap3A_1206, %swap3A_1207], %swap3A_1210 {strides = array<i32>} : memref<16x768xf32, #tpu.memory_space<vmem>>, vector<1x16xf32>,
        %get3A_1211 = arith.index_cast %scan3A_951 : i32 to index
        %get3A_1212 = arith.constant 416 : index
        %get3A_1213 = tpu.vector_load %arg9[%get3A_1211, %get3A_1212] {strides = array<i32>} : memref<16x768xf32, #tpu.memory_space<vmem>>, vector<1x16xf32>,
        %get3A_1214 = vector.shape_cast %get3A_1213 : vector<1x16xf32> to vector<16xf32>
        %add3A_1215 = arith.addf %get3A_1214, %get3A_187 : vector<16xf32>
        %swap3A_1216 = arith.index_cast %scan3A_951 : i32 to index
        %swap3A_1217 = arith.constant 416 : index
        %swap3A_1218 = tpu.vector_load %arg9[%swap3A_1216, %swap3A_1217] {strides = array<i32>} : memref<16x768xf32, #tpu.memory_space<vmem>>, vector<1x16xf32>,
        %swap3A_1219 = vector.shape_cast %swap3A_1218 : vector<1x16xf32> to vector<16xf32>
        %swap3A_1220 = vector.shape_cast %add3A_1215 : vector<16xf32> to vector<1x16xf32>
        tpu.vector_store %arg9[%swap3A_1216, %swap3A_1217], %swap3A_1220 {strides = array<i32>} : memref<16x768xf32, #tpu.memory_space<vmem>>, vector<1x16xf32>,
        %get3A_1221 = arith.index_cast %scan3A_951 : i32 to index
        %get3A_1222 = arith.constant 432 : index
        %get3A_1223 = tpu.vector_load %arg9[%get3A_1221, %get3A_1222] {strides = array<i32>} : memref<16x768xf32, #tpu.memory_space<vmem>>, vector<1x16xf32>,
        %get3A_1224 = vector.shape_cast %get3A_1223 : vector<1x16xf32> to vector<16xf32>
        %add3A_1225 = arith.addf %get3A_1224, %get3A_191 : vector<16xf32>
        %swap3A_1226 = arith.index_cast %scan3A_951 : i32 to index
        %swap3A_1227 = arith.constant 432 : index
        %swap3A_1228 = tpu.vector_load %arg9[%swap3A_1226, %swap3A_1227] {strides = array<i32>} : memref<16x768xf32, #tpu.memory_space<vmem>>, vector<1x16xf32>,
        %swap3A_1229 = vector.shape_cast %swap3A_1228 : vector<1x16xf32> to vector<16xf32>
        %swap3A_1230 = vector.shape_cast %add3A_1225 : vector<16xf32> to vector<1x16xf32>
        tpu.vector_store %arg9[%swap3A_1226, %swap3A_1227], %swap3A_1230 {strides = array<i32>} : memref<16x768xf32, #tpu.memory_space<vmem>>, vector<1x16xf32>,
        %get3A_1231 = arith.index_cast %scan3A_951 : i32 to index
        %get3A_1232 = arith.constant 448 : index
        %get3A_1233 = tpu.vector_load %arg9[%get3A_1231, %get3A_1232] {strides = array<i32>} : memref<16x768xf32, #tpu.memory_space<vmem>>, vector<1x16xf32>,
        %get3A_1234 = vector.shape_cast %get3A_1233 : vector<1x16xf32> to vector<16xf32>
        %add3A_1235 = arith.addf %get3A_1234, %get3A_195 : vector<16xf32>
        %swap3A_1236 = arith.index_cast %scan3A_951 : i32 to index
        %swap3A_1237 = arith.constant 448 : index
        %swap3A_1238 = tpu.vector_load %arg9[%swap3A_1236, %swap3A_1237] {strides = array<i32>} : memref<16x768xf32, #tpu.memory_space<vmem>>, vector<1x16xf32>,
        %swap3A_1239 = vector.shape_cast %swap3A_1238 : vector<1x16xf32> to vector<16xf32>
        %swap3A_1240 = vector.shape_cast %add3A_1235 : vector<16xf32> to vector<1x16xf32>
        tpu.vector_store %arg9[%swap3A_1236, %swap3A_1237], %swap3A_1240 {strides = array<i32>} : memref<16x768xf32, #tpu.memory_space<vmem>>, vector<1x16xf32>,
        %get3A_1241 = arith.index_cast %scan3A_951 : i32 to index
        %get3A_1242 = arith.constant 464 : index
        %get3A_1243 = tpu.vector_load %arg9[%get3A_1241, %get3A_1242] {strides = array<i32>} : memref<16x768xf32, #tpu.memory_space<vmem>>, vector<1x16xf32>,
        %get3A_1244 = vector.shape_cast %get3A_1243 : vector<1x16xf32> to vector<16xf32>
        %add3A_1245 = arith.addf %get3A_1244, %get3A_199 : vector<16xf32>
        %swap3A_1246 = arith.index_cast %scan3A_951 : i32 to index
        %swap3A_1247 = arith.constant 464 : index
        %swap3A_1248 = tpu.vector_load %arg9[%swap3A_1246, %swap3A_1247] {strides = array<i32>} : memref<16x768xf32, #tpu.memory_space<vmem>>, vector<1x16xf32>,
        %swap3A_1249 = vector.shape_cast %swap3A_1248 : vector<1x16xf32> to vector<16xf32>
        %swap3A_1250 = vector.shape_cast %add3A_1245 : vector<16xf32> to vector<1x16xf32>
        tpu.vector_store %arg9[%swap3A_1246, %swap3A_1247], %swap3A_1250 {strides = array<i32>} : memref<16x768xf32, #tpu.memory_space<vmem>>, vector<1x16xf32>,
        %get3A_1251 = arith.index_cast %scan3A_951 : i32 to index
        %get3A_1252 = arith.constant 480 : index
        %get3A_1253 = tpu.vector_load %arg9[%get3A_1251, %get3A_1252] {strides = array<i32>} : memref<16x768xf32, #tpu.memory_space<vmem>>, vector<1x16xf32>,
        %get3A_1254 = vector.shape_cast %get3A_1253 : vector<1x16xf32> to vector<16xf32>
        %add3A_1255 = arith.addf %get3A_1254, %get3A_203 : vector<16xf32>
        %swap3A_1256 = arith.index_cast %scan3A_951 : i32 to index
        %swap3A_1257 = arith.constant 480 : index
        %swap3A_1258 = tpu.vector_load %arg9[%swap3A_1256, %swap3A_1257] {strides = array<i32>} : memref<16x768xf32, #tpu.memory_space<vmem>>, vector<1x16xf32>,
        %swap3A_1259 = vector.shape_cast %swap3A_1258 : vector<1x16xf32> to vector<16xf32>
        %swap3A_1260 = vector.shape_cast %add3A_1255 : vector<16xf32> to vector<1x16xf32>
        tpu.vector_store %arg9[%swap3A_1256, %swap3A_1257], %swap3A_1260 {strides = array<i32>} : memref<16x768xf32, #tpu.memory_space<vmem>>, vector<1x16xf32>,
        %get3A_1261 = arith.index_cast %scan3A_951 : i32 to index
        %get3A_1262 = arith.constant 496 : index
        %get3A_1263 = tpu.vector_load %arg9[%get3A_1261, %get3A_1262] {strides = array<i32>} : memref<16x768xf32, #tpu.memory_space<vmem>>, vector<1x16xf32>,
        %get3A_1264 = vector.shape_cast %get3A_1263 : vector<1x16xf32> to vector<16xf32>
        %add3A_1265 = arith.addf %get3A_1264, %get3A_207 : vector<16xf32>
        %swap3A_1266 = arith.index_cast %scan3A_951 : i32 to index
        %swap3A_1267 = arith.constant 496 : index
        %swap3A_1268 = tpu.vector_load %arg9[%swap3A_1266, %swap3A_1267] {strides = array<i32>} : memref<16x768xf32, #tpu.memory_space<vmem>>, vector<1x16xf32>,
        %swap3A_1269 = vector.shape_cast %swap3A_1268 : vector<1x16xf32> to vector<16xf32>
        %swap3A_1270 = vector.shape_cast %add3A_1265 : vector<16xf32> to vector<1x16xf32>
        tpu.vector_store %arg9[%swap3A_1266, %swap3A_1267], %swap3A_1270 {strides = array<i32>} : memref<16x768xf32, #tpu.memory_space<vmem>>, vector<1x16xf32>,
        %get3A_1271 = arith.index_cast %scan3A_951 : i32 to index
        %get3A_1272 = arith.constant 512 : index
        %get3A_1273 = tpu.vector_load %arg9[%get3A_1271, %get3A_1272] {strides = array<i32>} : memref<16x768xf32, #tpu.memory_space<vmem>>, vector<1x16xf32>,
        %get3A_1274 = vector.shape_cast %get3A_1273 : vector<1x16xf32> to vector<16xf32>
        %add3A_1275 = arith.addf %get3A_1274, %get3A_211 : vector<16xf32>
        %swap3A_1276 = arith.index_cast %scan3A_951 : i32 to index
        %swap3A_1277 = arith.constant 512 : index
        %swap3A_1278 = tpu.vector_load %arg9[%swap3A_1276, %swap3A_1277] {strides = array<i32>} : memref<16x768xf32, #tpu.memory_space<vmem>>, vector<1x16xf32>,
        %swap3A_1279 = vector.shape_cast %swap3A_1278 : vector<1x16xf32> to vector<16xf32>
        %swap3A_1280 = vector.shape_cast %add3A_1275 : vector<16xf32> to vector<1x16xf32>
        tpu.vector_store %arg9[%swap3A_1276, %swap3A_1277], %swap3A_1280 {strides = array<i32>} : memref<16x768xf32, #tpu.memory_space<vmem>>, vector<1x16xf32>,
        %get3A_1281 = arith.index_cast %scan3A_951 : i32 to index
        %get3A_1282 = arith.constant 528 : index
        %get3A_1283 = tpu.vector_load %arg9[%get3A_1281, %get3A_1282] {strides = array<i32>} : memref<16x768xf32, #tpu.memory_space<vmem>>, vector<1x16xf32>,
        %get3A_1284 = vector.shape_cast %get3A_1283 : vector<1x16xf32> to vector<16xf32>
        %add3A_1285 = arith.addf %get3A_1284, %get3A_215 : vector<16xf32>
        %swap3A_1286 = arith.index_cast %scan3A_951 : i32 to index
        %swap3A_1287 = arith.constant 528 : index
        %swap3A_1288 = tpu.vector_load %arg9[%swap3A_1286, %swap3A_1287] {strides = array<i32>} : memref<16x768xf32, #tpu.memory_space<vmem>>, vector<1x16xf32>,
        %swap3A_1289 = vector.shape_cast %swap3A_1288 : vector<1x16xf32> to vector<16xf32>
        %swap3A_1290 = vector.shape_cast %add3A_1285 : vector<16xf32> to vector<1x16xf32>
        tpu.vector_store %arg9[%swap3A_1286, %swap3A_1287], %swap3A_1290 {strides = array<i32>} : memref<16x768xf32, #tpu.memory_space<vmem>>, vector<1x16xf32>,
        %get3A_1291 = arith.index_cast %scan3A_951 : i32 to index
        %get3A_1292 = arith.constant 544 : index
        %get3A_1293 = tpu.vector_load %arg9[%get3A_1291, %get3A_1292] {strides = array<i32>} : memref<16x768xf32, #tpu.memory_space<vmem>>, vector<1x16xf32>,
        %get3A_1294 = vector.shape_cast %get3A_1293 : vector<1x16xf32> to vector<16xf32>
        %add3A_1295 = arith.addf %get3A_1294, %get3A_219 : vector<16xf32>
        %swap3A_1296 = arith.index_cast %scan3A_951 : i32 to index
        %swap3A_1297 = arith.constant 544 : index
        %swap3A_1298 = tpu.vector_load %arg9[%swap3A_1296, %swap3A_1297] {strides = array<i32>} : memref<16x768xf32, #tpu.memory_space<vmem>>, vector<1x16xf32>,
        %swap3A_1299 = vector.shape_cast %swap3A_1298 : vector<1x16xf32> to vector<16xf32>
        %swap3A_1300 = vector.shape_cast %add3A_1295 : vector<16xf32> to vector<1x16xf32>
        tpu.vector_store %arg9[%swap3A_1296, %swap3A_1297], %swap3A_1300 {strides = array<i32>} : memref<16x768xf32, #tpu.memory_space<vmem>>, vector<1x16xf32>,
        %get3A_1301 = arith.index_cast %scan3A_951 : i32 to index
        %get3A_1302 = arith.constant 560 : index
        %get3A_1303 = tpu.vector_load %arg9[%get3A_1301, %get3A_1302] {strides = array<i32>} : memref<16x768xf32, #tpu.memory_space<vmem>>, vector<1x16xf32>,
        %get3A_1304 = vector.shape_cast %get3A_1303 : vector<1x16xf32> to vector<16xf32>
        %add3A_1305 = arith.addf %get3A_1304, %get3A_223 : vector<16xf32>
        %swap3A_1306 = arith.index_cast %scan3A_951 : i32 to index
        %swap3A_1307 = arith.constant 560 : index
        %swap3A_1308 = tpu.vector_load %arg9[%swap3A_1306, %swap3A_1307] {strides = array<i32>} : memref<16x768xf32, #tpu.memory_space<vmem>>, vector<1x16xf32>,
        %swap3A_1309 = vector.shape_cast %swap3A_1308 : vector<1x16xf32> to vector<16xf32>
        %swap3A_1310 = vector.shape_cast %add3A_1305 : vector<16xf32> to vector<1x16xf32>
        tpu.vector_store %arg9[%swap3A_1306, %swap3A_1307], %swap3A_1310 {strides = array<i32>} : memref<16x768xf32, #tpu.memory_space<vmem>>, vector<1x16xf32>,
        %get3A_1311 = arith.index_cast %scan3A_951 : i32 to index
        %get3A_1312 = arith.constant 576 : index
        %get3A_1313 = tpu.vector_load %arg9[%get3A_1311, %get3A_1312] {strides = array<i32>} : memref<16x768xf32, #tpu.memory_space<vmem>>, vector<1x16xf32>,
        %get3A_1314 = vector.shape_cast %get3A_1313 : vector<1x16xf32> to vector<16xf32>
        %add3A_1315 = arith.addf %get3A_1314, %get3A_227 : vector<16xf32>
        %swap3A_1316 = arith.index_cast %scan3A_951 : i32 to index
        %swap3A_1317 = arith.constant 576 : index
        %swap3A_1318 = tpu.vector_load %arg9[%swap3A_1316, %swap3A_1317] {strides = array<i32>} : memref<16x768xf32, #tpu.memory_space<vmem>>, vector<1x16xf32>,
        %swap3A_1319 = vector.shape_cast %swap3A_1318 : vector<1x16xf32> to vector<16xf32>
        %swap3A_1320 = vector.shape_cast %add3A_1315 : vector<16xf32> to vector<1x16xf32>
        tpu.vector_store %arg9[%swap3A_1316, %swap3A_1317], %swap3A_1320 {strides = array<i32>} : memref<16x768xf32, #tpu.memory_space<vmem>>, vector<1x16xf32>,
        %get3A_1321 = arith.index_cast %scan3A_951 : i32 to index
        %get3A_1322 = arith.constant 592 : index
        %get3A_1323 = tpu.vector_load %arg9[%get3A_1321, %get3A_1322] {strides = array<i32>} : memref<16x768xf32, #tpu.memory_space<vmem>>, vector<1x16xf32>,
        %get3A_1324 = vector.shape_cast %get3A_1323 : vector<1x16xf32> to vector<16xf32>
        %add3A_1325 = arith.addf %get3A_1324, %get3A_231 : vector<16xf32>
        %swap3A_1326 = arith.index_cast %scan3A_951 : i32 to index
        %swap3A_1327 = arith.constant 592 : index
        %swap3A_1328 = tpu.vector_load %arg9[%swap3A_1326, %swap3A_1327] {strides = array<i32>} : memref<16x768xf32, #tpu.memory_space<vmem>>, vector<1x16xf32>,
        %swap3A_1329 = vector.shape_cast %swap3A_1328 : vector<1x16xf32> to vector<16xf32>
        %swap3A_1330 = vector.shape_cast %add3A_1325 : vector<16xf32> to vector<1x16xf32>
        tpu.vector_store %arg9[%swap3A_1326, %swap3A_1327], %swap3A_1330 {strides = array<i32>} : memref<16x768xf32, #tpu.memory_space<vmem>>, vector<1x16xf32>,
        %get3A_1331 = arith.index_cast %scan3A_951 : i32 to index
        %get3A_1332 = arith.constant 608 : index
        %get3A_1333 = tpu.vector_load %arg9[%get3A_1331, %get3A_1332] {strides = array<i32>} : memref<16x768xf32, #tpu.memory_space<vmem>>, vector<1x16xf32>,
        %get3A_1334 = vector.shape_cast %get3A_1333 : vector<1x16xf32> to vector<16xf32>
        %add3A_1335 = arith.addf %get3A_1334, %get3A_235 : vector<16xf32>
        %swap3A_1336 = arith.index_cast %scan3A_951 : i32 to index
        %swap3A_1337 = arith.constant 608 : index
        %swap3A_1338 = tpu.vector_load %arg9[%swap3A_1336, %swap3A_1337] {strides = array<i32>} : memref<16x768xf32, #tpu.memory_space<vmem>>, vector<1x16xf32>,
        %swap3A_1339 = vector.shape_cast %swap3A_1338 : vector<1x16xf32> to vector<16xf32>
        %swap3A_1340 = vector.shape_cast %add3A_1335 : vector<16xf32> to vector<1x16xf32>
        tpu.vector_store %arg9[%swap3A_1336, %swap3A_1337], %swap3A_1340 {strides = array<i32>} : memref<16x768xf32, #tpu.memory_space<vmem>>, vector<1x16xf32>,
        %get3A_1341 = arith.index_cast %scan3A_951 : i32 to index
        %get3A_1342 = arith.constant 624 : index
        %get3A_1343 = tpu.vector_load %arg9[%get3A_1341, %get3A_1342] {strides = array<i32>} : memref<16x768xf32, #tpu.memory_space<vmem>>, vector<1x16xf32>,
        %get3A_1344 = vector.shape_cast %get3A_1343 : vector<1x16xf32> to vector<16xf32>
        %add3A_1345 = arith.addf %get3A_1344, %get3A_239 : vector<16xf32>
        %swap3A_1346 = arith.index_cast %scan3A_951 : i32 to index
        %swap3A_1347 = arith.constant 624 : index
        %swap3A_1348 = tpu.vector_load %arg9[%swap3A_1346, %swap3A_1347] {strides = array<i32>} : memref<16x768xf32, #tpu.memory_space<vmem>>, vector<1x16xf32>,
        %swap3A_1349 = vector.shape_cast %swap3A_1348 : vector<1x16xf32> to vector<16xf32>
        %swap3A_1350 = vector.shape_cast %add3A_1345 : vector<16xf32> to vector<1x16xf32>
        tpu.vector_store %arg9[%swap3A_1346, %swap3A_1347], %swap3A_1350 {strides = array<i32>} : memref<16x768xf32, #tpu.memory_space<vmem>>, vector<1x16xf32>,
        %get3A_1351 = arith.index_cast %scan3A_951 : i32 to index
        %get3A_1352 = arith.constant 640 : index
        %get3A_1353 = tpu.vector_load %arg9[%get3A_1351, %get3A_1352] {strides = array<i32>} : memref<16x768xf32, #tpu.memory_space<vmem>>, vector<1x16xf32>,
        %get3A_1354 = vector.shape_cast %get3A_1353 : vector<1x16xf32> to vector<16xf32>
        %add3A_1355 = arith.addf %get3A_1354, %get3A_243 : vector<16xf32>
        %swap3A_1356 = arith.index_cast %scan3A_951 : i32 to index
        %swap3A_1357 = arith.constant 640 : index
        %swap3A_1358 = tpu.vector_load %arg9[%swap3A_1356, %swap3A_1357] {strides = array<i32>} : memref<16x768xf32, #tpu.memory_space<vmem>>, vector<1x16xf32>,
        %swap3A_1359 = vector.shape_cast %swap3A_1358 : vector<1x16xf32> to vector<16xf32>
        %swap3A_1360 = vector.shape_cast %add3A_1355 : vector<16xf32> to vector<1x16xf32>
        tpu.vector_store %arg9[%swap3A_1356, %swap3A_1357], %swap3A_1360 {strides = array<i32>} : memref<16x768xf32, #tpu.memory_space<vmem>>, vector<1x16xf32>,
        %get3A_1361 = arith.index_cast %scan3A_951 : i32 to index
        %get3A_1362 = arith.constant 656 : index
        %get3A_1363 = tpu.vector_load %arg9[%get3A_1361, %get3A_1362] {strides = array<i32>} : memref<16x768xf32, #tpu.memory_space<vmem>>, vector<1x16xf32>,
        %get3A_1364 = vector.shape_cast %get3A_1363 : vector<1x16xf32> to vector<16xf32>
        %add3A_1365 = arith.addf %get3A_1364, %get3A_247 : vector<16xf32>
        %swap3A_1366 = arith.index_cast %scan3A_951 : i32 to index
        %swap3A_1367 = arith.constant 656 : index
        %swap3A_1368 = tpu.vector_load %arg9[%swap3A_1366, %swap3A_1367] {strides = array<i32>} : memref<16x768xf32, #tpu.memory_space<vmem>>, vector<1x16xf32>,
        %swap3A_1369 = vector.shape_cast %swap3A_1368 : vector<1x16xf32> to vector<16xf32>
        %swap3A_1370 = vector.shape_cast %add3A_1365 : vector<16xf32> to vector<1x16xf32>
        tpu.vector_store %arg9[%swap3A_1366, %swap3A_1367], %swap3A_1370 {strides = array<i32>} : memref<16x768xf32, #tpu.memory_space<vmem>>, vector<1x16xf32>,
        %get3A_1371 = arith.index_cast %scan3A_951 : i32 to index
        %get3A_1372 = arith.constant 672 : index
        %get3A_1373 = tpu.vector_load %arg9[%get3A_1371, %get3A_1372] {strides = array<i32>} : memref<16x768xf32, #tpu.memory_space<vmem>>, vector<1x16xf32>,
        %get3A_1374 = vector.shape_cast %get3A_1373 : vector<1x16xf32> to vector<16xf32>
        %add3A_1375 = arith.addf %get3A_1374, %get3A_251 : vector<16xf32>
        %swap3A_1376 = arith.index_cast %scan3A_951 : i32 to index
        %swap3A_1377 = arith.constant 672 : index
        %swap3A_1378 = tpu.vector_load %arg9[%swap3A_1376, %swap3A_1377] {strides = array<i32>} : memref<16x768xf32, #tpu.memory_space<vmem>>, vector<1x16xf32>,
        %swap3A_1379 = vector.shape_cast %swap3A_1378 : vector<1x16xf32> to vector<16xf32>
        %swap3A_1380 = vector.shape_cast %add3A_1375 : vector<16xf32> to vector<1x16xf32>
        tpu.vector_store %arg9[%swap3A_1376, %swap3A_1377], %swap3A_1380 {strides = array<i32>} : memref<16x768xf32, #tpu.memory_space<vmem>>, vector<1x16xf32>,
        %get3A_1381 = arith.index_cast %scan3A_951 : i32 to index
        %get3A_1382 = arith.constant 688 : index
        %get3A_1383 = tpu.vector_load %arg9[%get3A_1381, %get3A_1382] {strides = array<i32>} : memref<16x768xf32, #tpu.memory_space<vmem>>, vector<1x16xf32>,
        %get3A_1384 = vector.shape_cast %get3A_1383 : vector<1x16xf32> to vector<16xf32>
        %add3A_1385 = arith.addf %get3A_1384, %get3A_255 : vector<16xf32>
        %swap3A_1386 = arith.index_cast %scan3A_951 : i32 to index
        %swap3A_1387 = arith.constant 688 : index
        %swap3A_1388 = tpu.vector_load %arg9[%swap3A_1386, %swap3A_1387] {strides = array<i32>} : memref<16x768xf32, #tpu.memory_space<vmem>>, vector<1x16xf32>,
        %swap3A_1389 = vector.shape_cast %swap3A_1388 : vector<1x16xf32> to vector<16xf32>
        %swap3A_1390 = vector.shape_cast %add3A_1385 : vector<16xf32> to vector<1x16xf32>
        tpu.vector_store %arg9[%swap3A_1386, %swap3A_1387], %swap3A_1390 {strides = array<i32>} : memref<16x768xf32, #tpu.memory_space<vmem>>, vector<1x16xf32>,
        %get3A_1391 = arith.index_cast %scan3A_951 : i32 to index
        %get3A_1392 = arith.constant 704 : index
        %get3A_1393 = tpu.vector_load %arg9[%get3A_1391, %get3A_1392] {strides = array<i32>} : memref<16x768xf32, #tpu.memory_space<vmem>>, vector<1x16xf32>,
        %get3A_1394 = vector.shape_cast %get3A_1393 : vector<1x16xf32> to vector<16xf32>
        %add3A_1395 = arith.addf %get3A_1394, %get3A_259 : vector<16xf32>
        %swap3A_1396 = arith.index_cast %scan3A_951 : i32 to index
        %swap3A_1397 = arith.constant 704 : index
        %swap3A_1398 = tpu.vector_load %arg9[%swap3A_1396, %swap3A_1397] {strides = array<i32>} : memref<16x768xf32, #tpu.memory_space<vmem>>, vector<1x16xf32>,
        %swap3A_1399 = vector.shape_cast %swap3A_1398 : vector<1x16xf32> to vector<16xf32>
        %swap3A_1400 = vector.shape_cast %add3A_1395 : vector<16xf32> to vector<1x16xf32>
        tpu.vector_store %arg9[%swap3A_1396, %swap3A_1397], %swap3A_1400 {strides = array<i32>} : memref<16x768xf32, #tpu.memory_space<vmem>>, vector<1x16xf32>,
        %get3A_1401 = arith.index_cast %scan3A_951 : i32 to index
        %get3A_1402 = arith.constant 720 : index
        %get3A_1403 = tpu.vector_load %arg9[%get3A_1401, %get3A_1402] {strides = array<i32>} : memref<16x768xf32, #tpu.memory_space<vmem>>, vector<1x16xf32>,
        %get3A_1404 = vector.shape_cast %get3A_1403 : vector<1x16xf32> to vector<16xf32>
        %add3A_1405 = arith.addf %get3A_1404, %get3A_263 : vector<16xf32>
        %swap3A_1406 = arith.index_cast %scan3A_951 : i32 to index
        %swap3A_1407 = arith.constant 720 : index
        %swap3A_1408 = tpu.vector_load %arg9[%swap3A_1406, %swap3A_1407] {strides = array<i32>} : memref<16x768xf32, #tpu.memory_space<vmem>>, vector<1x16xf32>,
        %swap3A_1409 = vector.shape_cast %swap3A_1408 : vector<1x16xf32> to vector<16xf32>
        %swap3A_1410 = vector.shape_cast %add3A_1405 : vector<16xf32> to vector<1x16xf32>
        tpu.vector_store %arg9[%swap3A_1406, %swap3A_1407], %swap3A_1410 {strides = array<i32>} : memref<16x768xf32, #tpu.memory_space<vmem>>, vector<1x16xf32>,
        %get3A_1411 = arith.index_cast %scan3A_951 : i32 to index
        %get3A_1412 = arith.constant 736 : index
        %get3A_1413 = tpu.vector_load %arg9[%get3A_1411, %get3A_1412] {strides = array<i32>} : memref<16x768xf32, #tpu.memory_space<vmem>>, vector<1x16xf32>,
        %get3A_1414 = vector.shape_cast %get3A_1413 : vector<1x16xf32> to vector<16xf32>
        %add3A_1415 = arith.addf %get3A_1414, %get3A_267 : vector<16xf32>
        %swap3A_1416 = arith.index_cast %scan3A_951 : i32 to index
        %swap3A_1417 = arith.constant 736 : index
        %swap3A_1418 = tpu.vector_load %arg9[%swap3A_1416, %swap3A_1417] {strides = array<i32>} : memref<16x768xf32, #tpu.memory_space<vmem>>, vector<1x16xf32>,
        %swap3A_1419 = vector.shape_cast %swap3A_1418 : vector<1x16xf32> to vector<16xf32>
        %swap3A_1420 = vector.shape_cast %add3A_1415 : vector<16xf32> to vector<1x16xf32>
        tpu.vector_store %arg9[%swap3A_1416, %swap3A_1417], %swap3A_1420 {strides = array<i32>} : memref<16x768xf32, #tpu.memory_space<vmem>>, vector<1x16xf32>,
        %get3A_1421 = arith.index_cast %scan3A_951 : i32 to index
        %get3A_1422 = arith.constant 752 : index
        %get3A_1423 = tpu.vector_load %arg9[%get3A_1421, %get3A_1422] {strides = array<i32>} : memref<16x768xf32, #tpu.memory_space<vmem>>, vector<1x16xf32>,
        %get3A_1424 = vector.shape_cast %get3A_1423 : vector<1x16xf32> to vector<16xf32>
        %add3A_1425 = arith.addf %get3A_1424, %get3A_271 : vector<16xf32>
        %swap3A_1426 = arith.index_cast %scan3A_951 : i32 to index
        %swap3A_1427 = arith.constant 752 : index
        %swap3A_1428 = tpu.vector_load %arg9[%swap3A_1426, %swap3A_1427] {strides = array<i32>} : memref<16x768xf32, #tpu.memory_space<vmem>>, vector<1x16xf32>,
        %swap3A_1429 = vector.shape_cast %swap3A_1428 : vector<1x16xf32> to vector<16xf32>
        %swap3A_1430 = vector.shape_cast %add3A_1425 : vector<16xf32> to vector<1x16xf32>
        tpu.vector_store %arg9[%swap3A_1426, %swap3A_1427], %swap3A_1430 {strides = array<i32>} : memref<16x768xf32, #tpu.memory_space<vmem>>, vector<1x16xf32>,
      }
      %scan3A_277 = arith.constant 16 : i32
      %dma_start3A_278 = arith.constant 0 : i32
      %dma_start3A_279 = tpu.memref_slice %arg7[%add3A_74, %dma_start3A_278] : memref<64x16xi32, #tpu.memory_space<vmem>> -> memref<1x16xi32, #tpu.memory_space<vmem>>
      %dma_start3A_280 = tpu.memref_squeeze %dma_start3A_279 : memref<1x16xi32, #tpu.memory_space<vmem>> -> memref<16xi32, #tpu.memory_space<vmem>>
      %dma_start3A_281 = arith.constant 0 : i32
      %dma_start3A_282 = arith.constant 0 : i32
      %dma_start3A_283 = tpu.memref_slice %arg5[%dma_start3A_281, %dma_start3A_282] : memref<32768x768xf32, #tpu.memory_space<hbm>> -> memref<32768x768xf32, #tpu.memory_space<hbm>>
      tpu.enqueue_indirect_dma source(%arg9 : memref<16x768xf32, #tpu.memory_space<vmem>>) target(%dma_start3A_283 : memref<32768x768xf32, #tpu.memory_space<hbm>>) offsets(%dma_start3A_280 : memref<16xi32, #tpu.memory_space<vmem>>) semaphore(%arg17 : memref<!tpu.dma_semaphore, #tpu.memory_space<semaphore_mem>>)
      %gt3A = arith.constant 0 : i32
      %gt3A_284 = arith.cmpi sgt, %scan3A_70, %gt3A : i32
      %convert_element_type3A = arith.extui %gt3A_284 : i1 to i32
      %cond3A = arith.constant 0 : i32
      %cond3A_285 = arith.cmpi ne, %convert_element_type3A, %cond3A : i32
      scf.if %cond3A_285 {
        %sub3A_951 = arith.constant 1 : i32
        %sub3A_952 = arith.subi %add3A_74, %sub3A_951 : i32
        %dma_wait3A_953 = arith.constant 0 : i32
        %dma_wait3A_954 = tpu.memref_slice %arg7[%sub3A_952, %dma_wait3A_953] : memref<64x16xi32, #tpu.memory_space<vmem>> -> memref<1x16xi32, #tpu.memory_space<vmem>>
        %dma_wait3A_955 = tpu.memref_squeeze %dma_wait3A_954 : memref<1x16xi32, #tpu.memory_space<vmem>> -> memref<16xi32, #tpu.memory_space<vmem>>
        %dma_wait3A_956 = arith.constant 0 : i32
        %dma_wait3A_957 = arith.constant 0 : i32
        %dma_wait3A_958 = tpu.memref_slice %arg5[%dma_wait3A_956, %dma_wait3A_957] : memref<32768x768xf32, #tpu.memory_space<hbm>> -> memref<32768x768xf32, #tpu.memory_space<hbm>>
        tpu.wait_indirect_dma semaphore(%arg20 : memref<!tpu.dma_semaphore, #tpu.memory_space<semaphore_mem>>) src(%arg12 : memref<16x768xf32, #tpu.memory_space<vmem>>) dst(%dma_wait3A_958 : memref<32768x768xf32, #tpu.memory_space<hbm>>)
      } else {
      }
      %add3A_286 = arith.constant 4 : i32
      %add3A_287 = arith.addi %add3A_74, %add3A_286 : i32
      %sub3A = arith.constant 1 : i32
      %sub3A_288 = arith.subi %add3A_287, %sub3A : i32
      %mul3A_289 = arith.constant 16 : i32
      %mul3A_290 = arith.muli %sub3A_288, %mul3A_289 : i32
      %dma_start3A_291 = tpu.memref_slice %arg6[%mul3A_290] : memref<1024xi32, #tpu.memory_space<vmem>> -> memref<16xi32, #tpu.memory_space<vmem>>
      %dma_start3A_292 = arith.constant 0 : i32
      %dma_start3A_293 = arith.constant 0 : i32
      %dma_start3A_294 = tpu.memref_slice %arg3[%dma_start3A_292, %dma_start3A_293] : memref<100000x768xf32, #tpu.memory_space<hbm>> -> memref<100000x768xf32, #tpu.memory_space<hbm>>
      tpu.enqueue_indirect_dma source(%dma_start3A_294 : memref<100000x768xf32, #tpu.memory_space<hbm>>) target(%arg12 : memref<16x768xf32, #tpu.memory_space<vmem>>) offsets(%dma_start3A_291 : memref<16xi32, #tpu.memory_space<vmem>>) semaphore(%arg16 : memref<!tpu.dma_semaphore, #tpu.memory_space<semaphore_mem>>)
      %mul3A_295 = arith.constant 4 : i32
      %mul3A_296 = arith.muli %scan3A_70, %mul3A_295 : i32
      %add3A_297 = arith.constant 1 : i32
      %add3A_298 = arith.addi %mul3A_296, %add3A_297 : i32
      %mul3A_299 = arith.constant 16 : i32
      %mul3A_300 = arith.muli %add3A_298, %mul3A_299 : i32
      %dma_wait3A_301 = tpu.memref_slice %arg6[%mul3A_300] : memref<1024xi32, #tpu.memory_space<vmem>> -> memref<16xi32, #tpu.memory_space<vmem>>
      %dma_wait3A_302 = arith.constant 0 : i32
      %dma_wait3A_303 = arith.constant 0 : i32
      %dma_wait3A_304 = tpu.memref_slice %arg3[%dma_wait3A_302, %dma_wait3A_303] : memref<100000x768xf32, #tpu.memory_space<hbm>> -> memref<100000x768xf32, #tpu.memory_space<hbm>>
      tpu.wait_indirect_dma semaphore(%arg14 : memref<!tpu.dma_semaphore, #tpu.memory_space<semaphore_mem>>) src(%dma_wait3A_304 : memref<100000x768xf32, #tpu.memory_space<hbm>>) dst(%arg10 : memref<16x768xf32, #tpu.memory_space<vmem>>)
      %get3A_305 = arith.index_cast %add3A_298 : i32 to index
      %get3A_306 = arith.constant 0 : index
      %get3A_307 = tpu.vector_load %arg8[%get3A_305, %get3A_306] {strides = array<i32>} : memref<64x768xf32, #tpu.memory_space<vmem>>, vector<1x16xf32>,
      %get3A_308 = vector.shape_cast %get3A_307 : vector<1x16xf32> to vector<16xf32>
      %get3A_309 = arith.index_cast %add3A_298 : i32 to index
      %get3A_310 = arith.constant 16 : index
      %get3A_311 = tpu.vector_load %arg8[%get3A_309, %get3A_310] {strides = array<i32>} : memref<64x768xf32, #tpu.memory_space<vmem>>, vector<1x16xf32>,
      %get3A_312 = vector.shape_cast %get3A_311 : vector<1x16xf32> to vector<16xf32>
      %get3A_313 = arith.index_cast %add3A_298 : i32 to index
      %get3A_314 = arith.constant 32 : index
      %get3A_315 = tpu.vector_load %arg8[%get3A_313, %get3A_314] {strides = array<i32>} : memref<64x768xf32, #tpu.memory_space<vmem>>, vector<1x16xf32>,
      %get3A_316 = vector.shape_cast %get3A_315 : vector<1x16xf32> to vector<16xf32>
      %get3A_317 = arith.index_cast %add3A_298 : i32 to index
      %get3A_318 = arith.constant 48 : index
      %get3A_319 = tpu.vector_load %arg8[%get3A_317, %get3A_318] {strides = array<i32>} : memref<64x768xf32, #tpu.memory_space<vmem>>, vector<1x16xf32>,
      %get3A_320 = vector.shape_cast %get3A_319 : vector<1x16xf32> to vector<16xf32>
      %get3A_321 = arith.index_cast %add3A_298 : i32 to index
      %get3A_322 = arith.constant 64 : index
      %get3A_323 = tpu.vector_load %arg8[%get3A_321, %get3A_322] {strides = array<i32>} : memref<64x768xf32, #tpu.memory_space<vmem>>, vector<1x16xf32>,
      %get3A_324 = vector.shape_cast %get3A_323 : vector<1x16xf32> to vector<16xf32>
      %get3A_325 = arith.index_cast %add3A_298 : i32 to index
      %get3A_326 = arith.constant 80 : index
      %get3A_327 = tpu.vector_load %arg8[%get3A_325, %get3A_326] {strides = array<i32>} : memref<64x768xf32, #tpu.memory_space<vmem>>, vector<1x16xf32>,
      %get3A_328 = vector.shape_cast %get3A_327 : vector<1x16xf32> to vector<16xf32>
      %get3A_329 = arith.index_cast %add3A_298 : i32 to index
      %get3A_330 = arith.constant 96 : index
      %get3A_331 = tpu.vector_load %arg8[%get3A_329, %get3A_330] {strides = array<i32>} : memref<64x768xf32, #tpu.memory_space<vmem>>, vector<1x16xf32>,
      %get3A_332 = vector.shape_cast %get3A_331 : vector<1x16xf32> to vector<16xf32>
      %get3A_333 = arith.index_cast %add3A_298 : i32 to index
      %get3A_334 = arith.constant 112 : index
      %get3A_335 = tpu.vector_load %arg8[%get3A_333, %get3A_334] {strides = array<i32>} : memref<64x768xf32, #tpu.memory_space<vmem>>, vector<1x16xf32>,
      %get3A_336 = vector.shape_cast %get3A_335 : vector<1x16xf32> to vector<16xf32>
      %get3A_337 = arith.index_cast %add3A_298 : i32 to index
      %get3A_338 = arith.constant 128 : index
      %get3A_339 = tpu.vector_load %arg8[%get3A_337, %get3A_338] {strides = array<i32>} : memref<64x768xf32, #tpu.memory_space<vmem>>, vector<1x16xf32>,
      %get3A_340 = vector.shape_cast %get3A_339 : vector<1x16xf32> to vector<16xf32>
      %get3A_341 = arith.index_cast %add3A_298 : i32 to index
      %get3A_342 = arith.constant 144 : index
      %get3A_343 = tpu.vector_load %arg8[%get3A_341, %get3A_342] {strides = array<i32>} : memref<64x768xf32, #tpu.memory_space<vmem>>, vector<1x16xf32>,
      %get3A_344 = vector.shape_cast %get3A_343 : vector<1x16xf32> to vector<16xf32>
      %get3A_345 = arith.index_cast %add3A_298 : i32 to index
      %get3A_346 = arith.constant 160 : index
      %get3A_347 = tpu.vector_load %arg8[%get3A_345, %get3A_346] {strides = array<i32>} : memref<64x768xf32, #tpu.memory_space<vmem>>, vector<1x16xf32>,
      %get3A_348 = vector.shape_cast %get3A_347 : vector<1x16xf32> to vector<16xf32>
      %get3A_349 = arith.index_cast %add3A_298 : i32 to index
      %get3A_350 = arith.constant 176 : index
      %get3A_351 = tpu.vector_load %arg8[%get3A_349, %get3A_350] {strides = array<i32>} : memref<64x768xf32, #tpu.memory_space<vmem>>, vector<1x16xf32>,
      %get3A_352 = vector.shape_cast %get3A_351 : vector<1x16xf32> to vector<16xf32>
      %get3A_353 = arith.index_cast %add3A_298 : i32 to index
      %get3A_354 = arith.constant 192 : index
      %get3A_355 = tpu.vector_load %arg8[%get3A_353, %get3A_354] {strides = array<i32>} : memref<64x768xf32, #tpu.memory_space<vmem>>, vector<1x16xf32>,
      %get3A_356 = vector.shape_cast %get3A_355 : vector<1x16xf32> to vector<16xf32>
      %get3A_357 = arith.index_cast %add3A_298 : i32 to index
      %get3A_358 = arith.constant 208 : index
      %get3A_359 = tpu.vector_load %arg8[%get3A_357, %get3A_358] {strides = array<i32>} : memref<64x768xf32, #tpu.memory_space<vmem>>, vector<1x16xf32>,
      %get3A_360 = vector.shape_cast %get3A_359 : vector<1x16xf32> to vector<16xf32>
      %get3A_361 = arith.index_cast %add3A_298 : i32 to index
      %get3A_362 = arith.constant 224 : index
      %get3A_363 = tpu.vector_load %arg8[%get3A_361, %get3A_362] {strides = array<i32>} : memref<64x768xf32, #tpu.memory_space<vmem>>, vector<1x16xf32>,
      %get3A_364 = vector.shape_cast %get3A_363 : vector<1x16xf32> to vector<16xf32>
      %get3A_365 = arith.index_cast %add3A_298 : i32 to index
      %get3A_366 = arith.constant 240 : index
      %get3A_367 = tpu.vector_load %arg8[%get3A_365, %get3A_366] {strides = array<i32>} : memref<64x768xf32, #tpu.memory_space<vmem>>, vector<1x16xf32>,
      %get3A_368 = vector.shape_cast %get3A_367 : vector<1x16xf32> to vector<16xf32>
      %get3A_369 = arith.index_cast %add3A_298 : i32 to index
      %get3A_370 = arith.constant 256 : index
      %get3A_371 = tpu.vector_load %arg8[%get3A_369, %get3A_370] {strides = array<i32>} : memref<64x768xf32, #tpu.memory_space<vmem>>, vector<1x16xf32>,
      %get3A_372 = vector.shape_cast %get3A_371 : vector<1x16xf32> to vector<16xf32>
      %get3A_373 = arith.index_cast %add3A_298 : i32 to index
      %get3A_374 = arith.constant 272 : index
      %get3A_375 = tpu.vector_load %arg8[%get3A_373, %get3A_374] {strides = array<i32>} : memref<64x768xf32, #tpu.memory_space<vmem>>, vector<1x16xf32>,
      %get3A_376 = vector.shape_cast %get3A_375 : vector<1x16xf32> to vector<16xf32>
      %get3A_377 = arith.index_cast %add3A_298 : i32 to index
      %get3A_378 = arith.constant 288 : index
      %get3A_379 = tpu.vector_load %arg8[%get3A_377, %get3A_378] {strides = array<i32>} : memref<64x768xf32, #tpu.memory_space<vmem>>, vector<1x16xf32>,
      %get3A_380 = vector.shape_cast %get3A_379 : vector<1x16xf32> to vector<16xf32>
      %get3A_381 = arith.index_cast %add3A_298 : i32 to index
      %get3A_382 = arith.constant 304 : index
      %get3A_383 = tpu.vector_load %arg8[%get3A_381, %get3A_382] {strides = array<i32>} : memref<64x768xf32, #tpu.memory_space<vmem>>, vector<1x16xf32>,
      %get3A_384 = vector.shape_cast %get3A_383 : vector<1x16xf32> to vector<16xf32>
      %get3A_385 = arith.index_cast %add3A_298 : i32 to index
      %get3A_386 = arith.constant 320 : index
      %get3A_387 = tpu.vector_load %arg8[%get3A_385, %get3A_386] {strides = array<i32>} : memref<64x768xf32, #tpu.memory_space<vmem>>, vector<1x16xf32>,
      %get3A_388 = vector.shape_cast %get3A_387 : vector<1x16xf32> to vector<16xf32>
      %get3A_389 = arith.index_cast %add3A_298 : i32 to index
      %get3A_390 = arith.constant 336 : index
      %get3A_391 = tpu.vector_load %arg8[%get3A_389, %get3A_390] {strides = array<i32>} : memref<64x768xf32, #tpu.memory_space<vmem>>, vector<1x16xf32>,
      %get3A_392 = vector.shape_cast %get3A_391 : vector<1x16xf32> to vector<16xf32>
      %get3A_393 = arith.index_cast %add3A_298 : i32 to index
      %get3A_394 = arith.constant 352 : index
      %get3A_395 = tpu.vector_load %arg8[%get3A_393, %get3A_394] {strides = array<i32>} : memref<64x768xf32, #tpu.memory_space<vmem>>, vector<1x16xf32>,
      %get3A_396 = vector.shape_cast %get3A_395 : vector<1x16xf32> to vector<16xf32>
      %get3A_397 = arith.index_cast %add3A_298 : i32 to index
      %get3A_398 = arith.constant 368 : index
      %get3A_399 = tpu.vector_load %arg8[%get3A_397, %get3A_398] {strides = array<i32>} : memref<64x768xf32, #tpu.memory_space<vmem>>, vector<1x16xf32>,
      %get3A_400 = vector.shape_cast %get3A_399 : vector<1x16xf32> to vector<16xf32>
      %get3A_401 = arith.index_cast %add3A_298 : i32 to index
      %get3A_402 = arith.constant 384 : index
      %get3A_403 = tpu.vector_load %arg8[%get3A_401, %get3A_402] {strides = array<i32>} : memref<64x768xf32, #tpu.memory_space<vmem>>, vector<1x16xf32>,
      %get3A_404 = vector.shape_cast %get3A_403 : vector<1x16xf32> to vector<16xf32>
      %get3A_405 = arith.index_cast %add3A_298 : i32 to index
      %get3A_406 = arith.constant 400 : index
      %get3A_407 = tpu.vector_load %arg8[%get3A_405, %get3A_406] {strides = array<i32>} : memref<64x768xf32, #tpu.memory_space<vmem>>, vector<1x16xf32>,
      %get3A_408 = vector.shape_cast %get3A_407 : vector<1x16xf32> to vector<16xf32>
      %get3A_409 = arith.index_cast %add3A_298 : i32 to index
      %get3A_410 = arith.constant 416 : index
      %get3A_411 = tpu.vector_load %arg8[%get3A_409, %get3A_410] {strides = array<i32>} : memref<64x768xf32, #tpu.memory_space<vmem>>, vector<1x16xf32>,
      %get3A_412 = vector.shape_cast %get3A_411 : vector<1x16xf32> to vector<16xf32>
      %get3A_413 = arith.index_cast %add3A_298 : i32 to index
      %get3A_414 = arith.constant 432 : index
      %get3A_415 = tpu.vector_load %arg8[%get3A_413, %get3A_414] {strides = array<i32>} : memref<64x768xf32, #tpu.memory_space<vmem>>, vector<1x16xf32>,
      %get3A_416 = vector.shape_cast %get3A_415 : vector<1x16xf32> to vector<16xf32>
      %get3A_417 = arith.index_cast %add3A_298 : i32 to index
      %get3A_418 = arith.constant 448 : index
      %get3A_419 = tpu.vector_load %arg8[%get3A_417, %get3A_418] {strides = array<i32>} : memref<64x768xf32, #tpu.memory_space<vmem>>, vector<1x16xf32>,
      %get3A_420 = vector.shape_cast %get3A_419 : vector<1x16xf32> to vector<16xf32>
      %get3A_421 = arith.index_cast %add3A_298 : i32 to index
      %get3A_422 = arith.constant 464 : index
      %get3A_423 = tpu.vector_load %arg8[%get3A_421, %get3A_422] {strides = array<i32>} : memref<64x768xf32, #tpu.memory_space<vmem>>, vector<1x16xf32>,
      %get3A_424 = vector.shape_cast %get3A_423 : vector<1x16xf32> to vector<16xf32>
      %get3A_425 = arith.index_cast %add3A_298 : i32 to index
      %get3A_426 = arith.constant 480 : index
      %get3A_427 = tpu.vector_load %arg8[%get3A_425, %get3A_426] {strides = array<i32>} : memref<64x768xf32, #tpu.memory_space<vmem>>, vector<1x16xf32>,
      %get3A_428 = vector.shape_cast %get3A_427 : vector<1x16xf32> to vector<16xf32>
      %get3A_429 = arith.index_cast %add3A_298 : i32 to index
      %get3A_430 = arith.constant 496 : index
      %get3A_431 = tpu.vector_load %arg8[%get3A_429, %get3A_430] {strides = array<i32>} : memref<64x768xf32, #tpu.memory_space<vmem>>, vector<1x16xf32>,
      %get3A_432 = vector.shape_cast %get3A_431 : vector<1x16xf32> to vector<16xf32>
      %get3A_433 = arith.index_cast %add3A_298 : i32 to index
      %get3A_434 = arith.constant 512 : index
      %get3A_435 = tpu.vector_load %arg8[%get3A_433, %get3A_434] {strides = array<i32>} : memref<64x768xf32, #tpu.memory_space<vmem>>, vector<1x16xf32>,
      %get3A_436 = vector.shape_cast %get3A_435 : vector<1x16xf32> to vector<16xf32>
      %get3A_437 = arith.index_cast %add3A_298 : i32 to index
      %get3A_438 = arith.constant 528 : index
      %get3A_439 = tpu.vector_load %arg8[%get3A_437, %get3A_438] {strides = array<i32>} : memref<64x768xf32, #tpu.memory_space<vmem>>, vector<1x16xf32>,
      %get3A_440 = vector.shape_cast %get3A_439 : vector<1x16xf32> to vector<16xf32>
      %get3A_441 = arith.index_cast %add3A_298 : i32 to index
      %get3A_442 = arith.constant 544 : index
      %get3A_443 = tpu.vector_load %arg8[%get3A_441, %get3A_442] {strides = array<i32>} : memref<64x768xf32, #tpu.memory_space<vmem>>, vector<1x16xf32>,
      %get3A_444 = vector.shape_cast %get3A_443 : vector<1x16xf32> to vector<16xf32>
      %get3A_445 = arith.index_cast %add3A_298 : i32 to index
      %get3A_446 = arith.constant 560 : index
      %get3A_447 = tpu.vector_load %arg8[%get3A_445, %get3A_446] {strides = array<i32>} : memref<64x768xf32, #tpu.memory_space<vmem>>, vector<1x16xf32>,
      %get3A_448 = vector.shape_cast %get3A_447 : vector<1x16xf32> to vector<16xf32>
      %get3A_449 = arith.index_cast %add3A_298 : i32 to index
      %get3A_450 = arith.constant 576 : index
      %get3A_451 = tpu.vector_load %arg8[%get3A_449, %get3A_450] {strides = array<i32>} : memref<64x768xf32, #tpu.memory_space<vmem>>, vector<1x16xf32>,
      %get3A_452 = vector.shape_cast %get3A_451 : vector<1x16xf32> to vector<16xf32>
      %get3A_453 = arith.index_cast %add3A_298 : i32 to index
      %get3A_454 = arith.constant 592 : index
      %get3A_455 = tpu.vector_load %arg8[%get3A_453, %get3A_454] {strides = array<i32>} : memref<64x768xf32, #tpu.memory_space<vmem>>, vector<1x16xf32>,
      %get3A_456 = vector.shape_cast %get3A_455 : vector<1x16xf32> to vector<16xf32>
      %get3A_457 = arith.index_cast %add3A_298 : i32 to index
      %get3A_458 = arith.constant 608 : index
      %get3A_459 = tpu.vector_load %arg8[%get3A_457, %get3A_458] {strides = array<i32>} : memref<64x768xf32, #tpu.memory_space<vmem>>, vector<1x16xf32>,
      %get3A_460 = vector.shape_cast %get3A_459 : vector<1x16xf32> to vector<16xf32>
      %get3A_461 = arith.index_cast %add3A_298 : i32 to index
      %get3A_462 = arith.constant 624 : index
      %get3A_463 = tpu.vector_load %arg8[%get3A_461, %get3A_462] {strides = array<i32>} : memref<64x768xf32, #tpu.memory_space<vmem>>, vector<1x16xf32>,
      %get3A_464 = vector.shape_cast %get3A_463 : vector<1x16xf32> to vector<16xf32>
      %get3A_465 = arith.index_cast %add3A_298 : i32 to index
      %get3A_466 = arith.constant 640 : index
      %get3A_467 = tpu.vector_load %arg8[%get3A_465, %get3A_466] {strides = array<i32>} : memref<64x768xf32, #tpu.memory_space<vmem>>, vector<1x16xf32>,
      %get3A_468 = vector.shape_cast %get3A_467 : vector<1x16xf32> to vector<16xf32>
      %get3A_469 = arith.index_cast %add3A_298 : i32 to index
      %get3A_470 = arith.constant 656 : index
      %get3A_471 = tpu.vector_load %arg8[%get3A_469, %get3A_470] {strides = array<i32>} : memref<64x768xf32, #tpu.memory_space<vmem>>, vector<1x16xf32>,
      %get3A_472 = vector.shape_cast %get3A_471 : vector<1x16xf32> to vector<16xf32>
      %get3A_473 = arith.index_cast %add3A_298 : i32 to index
      %get3A_474 = arith.constant 672 : index
      %get3A_475 = tpu.vector_load %arg8[%get3A_473, %get3A_474] {strides = array<i32>} : memref<64x768xf32, #tpu.memory_space<vmem>>, vector<1x16xf32>,
      %get3A_476 = vector.shape_cast %get3A_475 : vector<1x16xf32> to vector<16xf32>
      %get3A_477 = arith.index_cast %add3A_298 : i32 to index
      %get3A_478 = arith.constant 688 : index
      %get3A_479 = tpu.vector_load %arg8[%get3A_477, %get3A_478] {strides = array<i32>} : memref<64x768xf32, #tpu.memory_space<vmem>>, vector<1x16xf32>,
      %get3A_480 = vector.shape_cast %get3A_479 : vector<1x16xf32> to vector<16xf32>
      %get3A_481 = arith.index_cast %add3A_298 : i32 to index
      %get3A_482 = arith.constant 704 : index
      %get3A_483 = tpu.vector_load %arg8[%get3A_481, %get3A_482] {strides = array<i32>} : memref<64x768xf32, #tpu.memory_space<vmem>>, vector<1x16xf32>,
      %get3A_484 = vector.shape_cast %get3A_483 : vector<1x16xf32> to vector<16xf32>
      %get3A_485 = arith.index_cast %add3A_298 : i32 to index
      %get3A_486 = arith.constant 720 : index
      %get3A_487 = tpu.vector_load %arg8[%get3A_485, %get3A_486] {strides = array<i32>} : memref<64x768xf32, #tpu.memory_space<vmem>>, vector<1x16xf32>,
      %get3A_488 = vector.shape_cast %get3A_487 : vector<1x16xf32> to vector<16xf32>
      %get3A_489 = arith.index_cast %add3A_298 : i32 to index
      %get3A_490 = arith.constant 736 : index
      %get3A_491 = tpu.vector_load %arg8[%get3A_489, %get3A_490] {strides = array<i32>} : memref<64x768xf32, #tpu.memory_space<vmem>>, vector<1x16xf32>,
      %get3A_492 = vector.shape_cast %get3A_491 : vector<1x16xf32> to vector<16xf32>
      %get3A_493 = arith.index_cast %add3A_298 : i32 to index
      %get3A_494 = arith.constant 752 : index
      %get3A_495 = tpu.vector_load %arg8[%get3A_493, %get3A_494] {strides = array<i32>} : memref<64x768xf32, #tpu.memory_space<vmem>>, vector<1x16xf32>,
      %get3A_496 = vector.shape_cast %get3A_495 : vector<1x16xf32> to vector<16xf32>
      %scan3A_497 = arith.constant 0 : i32
      %scan3A_498 = arith.constant 0 : i32
      %scan3A_499 = arith.constant 16 : i32
      %scan3A_500 = arith.addi %scan3A_498, %scan3A_499 : i32
      %scan3A_501 = arith.constant 1 : i32
      scf.for %scan3A_951 = %scan3A_498 to %scan3A_500 step %scan3A_501  : i32 {
        %get3A_952 = arith.index_cast %scan3A_951 : i32 to index
        %get3A_953 = arith.constant 0 : index
        %get3A_954 = tpu.vector_load %arg10[%get3A_952, %get3A_953] {strides = array<i32>} : memref<16x768xf32, #tpu.memory_space<vmem>>, vector<1x16xf32>,
        %get3A_955 = vector.shape_cast %get3A_954 : vector<1x16xf32> to vector<16xf32>
        %add3A_956 = arith.addf %get3A_955, %get3A_308 : vector<16xf32>
        %swap3A = arith.index_cast %scan3A_951 : i32 to index
        %swap3A_957 = arith.constant 0 : index
        %swap3A_958 = tpu.vector_load %arg10[%swap3A, %swap3A_957] {strides = array<i32>} : memref<16x768xf32, #tpu.memory_space<vmem>>, vector<1x16xf32>,
        %swap3A_959 = vector.shape_cast %swap3A_958 : vector<1x16xf32> to vector<16xf32>
        %swap3A_960 = vector.shape_cast %add3A_956 : vector<16xf32> to vector<1x16xf32>
        tpu.vector_store %arg10[%swap3A, %swap3A_957], %swap3A_960 {strides = array<i32>} : memref<16x768xf32, #tpu.memory_space<vmem>>, vector<1x16xf32>,
        %get3A_961 = arith.index_cast %scan3A_951 : i32 to index
        %get3A_962 = arith.constant 16 : index
        %get3A_963 = tpu.vector_load %arg10[%get3A_961, %get3A_962] {strides = array<i32>} : memref<16x768xf32, #tpu.memory_space<vmem>>, vector<1x16xf32>,
        %get3A_964 = vector.shape_cast %get3A_963 : vector<1x16xf32> to vector<16xf32>
        %add3A_965 = arith.addf %get3A_964, %get3A_312 : vector<16xf32>
        %swap3A_966 = arith.index_cast %scan3A_951 : i32 to index
        %swap3A_967 = arith.constant 16 : index
        %swap3A_968 = tpu.vector_load %arg10[%swap3A_966, %swap3A_967] {strides = array<i32>} : memref<16x768xf32, #tpu.memory_space<vmem>>, vector<1x16xf32>,
        %swap3A_969 = vector.shape_cast %swap3A_968 : vector<1x16xf32> to vector<16xf32>
        %swap3A_970 = vector.shape_cast %add3A_965 : vector<16xf32> to vector<1x16xf32>
        tpu.vector_store %arg10[%swap3A_966, %swap3A_967], %swap3A_970 {strides = array<i32>} : memref<16x768xf32, #tpu.memory_space<vmem>>, vector<1x16xf32>,
        %get3A_971 = arith.index_cast %scan3A_951 : i32 to index
        %get3A_972 = arith.constant 32 : index
        %get3A_973 = tpu.vector_load %arg10[%get3A_971, %get3A_972] {strides = array<i32>} : memref<16x768xf32, #tpu.memory_space<vmem>>, vector<1x16xf32>,
        %get3A_974 = vector.shape_cast %get3A_973 : vector<1x16xf32> to vector<16xf32>
        %add3A_975 = arith.addf %get3A_974, %get3A_316 : vector<16xf32>
        %swap3A_976 = arith.index_cast %scan3A_951 : i32 to index
        %swap3A_977 = arith.constant 32 : index
        %swap3A_978 = tpu.vector_load %arg10[%swap3A_976, %swap3A_977] {strides = array<i32>} : memref<16x768xf32, #tpu.memory_space<vmem>>, vector<1x16xf32>,
        %swap3A_979 = vector.shape_cast %swap3A_978 : vector<1x16xf32> to vector<16xf32>
        %swap3A_980 = vector.shape_cast %add3A_975 : vector<16xf32> to vector<1x16xf32>
        tpu.vector_store %arg10[%swap3A_976, %swap3A_977], %swap3A_980 {strides = array<i32>} : memref<16x768xf32, #tpu.memory_space<vmem>>, vector<1x16xf32>,
        %get3A_981 = arith.index_cast %scan3A_951 : i32 to index
        %get3A_982 = arith.constant 48 : index
        %get3A_983 = tpu.vector_load %arg10[%get3A_981, %get3A_982] {strides = array<i32>} : memref<16x768xf32, #tpu.memory_space<vmem>>, vector<1x16xf32>,
        %get3A_984 = vector.shape_cast %get3A_983 : vector<1x16xf32> to vector<16xf32>
        %add3A_985 = arith.addf %get3A_984, %get3A_320 : vector<16xf32>
        %swap3A_986 = arith.index_cast %scan3A_951 : i32 to index
        %swap3A_987 = arith.constant 48 : index
        %swap3A_988 = tpu.vector_load %arg10[%swap3A_986, %swap3A_987] {strides = array<i32>} : memref<16x768xf32, #tpu.memory_space<vmem>>, vector<1x16xf32>,
        %swap3A_989 = vector.shape_cast %swap3A_988 : vector<1x16xf32> to vector<16xf32>
        %swap3A_990 = vector.shape_cast %add3A_985 : vector<16xf32> to vector<1x16xf32>
        tpu.vector_store %arg10[%swap3A_986, %swap3A_987], %swap3A_990 {strides = array<i32>} : memref<16x768xf32, #tpu.memory_space<vmem>>, vector<1x16xf32>,
        %get3A_991 = arith.index_cast %scan3A_951 : i32 to index
        %get3A_992 = arith.constant 64 : index
        %get3A_993 = tpu.vector_load %arg10[%get3A_991, %get3A_992] {strides = array<i32>} : memref<16x768xf32, #tpu.memory_space<vmem>>, vector<1x16xf32>,
        %get3A_994 = vector.shape_cast %get3A_993 : vector<1x16xf32> to vector<16xf32>
        %add3A_995 = arith.addf %get3A_994, %get3A_324 : vector<16xf32>
        %swap3A_996 = arith.index_cast %scan3A_951 : i32 to index
        %swap3A_997 = arith.constant 64 : index
        %swap3A_998 = tpu.vector_load %arg10[%swap3A_996, %swap3A_997] {strides = array<i32>} : memref<16x768xf32, #tpu.memory_space<vmem>>, vector<1x16xf32>,
        %swap3A_999 = vector.shape_cast %swap3A_998 : vector<1x16xf32> to vector<16xf32>
        %swap3A_1000 = vector.shape_cast %add3A_995 : vector<16xf32> to vector<1x16xf32>
        tpu.vector_store %arg10[%swap3A_996, %swap3A_997], %swap3A_1000 {strides = array<i32>} : memref<16x768xf32, #tpu.memory_space<vmem>>, vector<1x16xf32>,
        %get3A_1001 = arith.index_cast %scan3A_951 : i32 to index
        %get3A_1002 = arith.constant 80 : index
        %get3A_1003 = tpu.vector_load %arg10[%get3A_1001, %get3A_1002] {strides = array<i32>} : memref<16x768xf32, #tpu.memory_space<vmem>>, vector<1x16xf32>,
        %get3A_1004 = vector.shape_cast %get3A_1003 : vector<1x16xf32> to vector<16xf32>
        %add3A_1005 = arith.addf %get3A_1004, %get3A_328 : vector<16xf32>
        %swap3A_1006 = arith.index_cast %scan3A_951 : i32 to index
        %swap3A_1007 = arith.constant 80 : index
        %swap3A_1008 = tpu.vector_load %arg10[%swap3A_1006, %swap3A_1007] {strides = array<i32>} : memref<16x768xf32, #tpu.memory_space<vmem>>, vector<1x16xf32>,
        %swap3A_1009 = vector.shape_cast %swap3A_1008 : vector<1x16xf32> to vector<16xf32>
        %swap3A_1010 = vector.shape_cast %add3A_1005 : vector<16xf32> to vector<1x16xf32>
        tpu.vector_store %arg10[%swap3A_1006, %swap3A_1007], %swap3A_1010 {strides = array<i32>} : memref<16x768xf32, #tpu.memory_space<vmem>>, vector<1x16xf32>,
        %get3A_1011 = arith.index_cast %scan3A_951 : i32 to index
        %get3A_1012 = arith.constant 96 : index
        %get3A_1013 = tpu.vector_load %arg10[%get3A_1011, %get3A_1012] {strides = array<i32>} : memref<16x768xf32, #tpu.memory_space<vmem>>, vector<1x16xf32>,
        %get3A_1014 = vector.shape_cast %get3A_1013 : vector<1x16xf32> to vector<16xf32>
        %add3A_1015 = arith.addf %get3A_1014, %get3A_332 : vector<16xf32>
        %swap3A_1016 = arith.index_cast %scan3A_951 : i32 to index
        %swap3A_1017 = arith.constant 96 : index
        %swap3A_1018 = tpu.vector_load %arg10[%swap3A_1016, %swap3A_1017] {strides = array<i32>} : memref<16x768xf32, #tpu.memory_space<vmem>>, vector<1x16xf32>,
        %swap3A_1019 = vector.shape_cast %swap3A_1018 : vector<1x16xf32> to vector<16xf32>
        %swap3A_1020 = vector.shape_cast %add3A_1015 : vector<16xf32> to vector<1x16xf32>
        tpu.vector_store %arg10[%swap3A_1016, %swap3A_1017], %swap3A_1020 {strides = array<i32>} : memref<16x768xf32, #tpu.memory_space<vmem>>, vector<1x16xf32>,
        %get3A_1021 = arith.index_cast %scan3A_951 : i32 to index
        %get3A_1022 = arith.constant 112 : index
        %get3A_1023 = tpu.vector_load %arg10[%get3A_1021, %get3A_1022] {strides = array<i32>} : memref<16x768xf32, #tpu.memory_space<vmem>>, vector<1x16xf32>,
        %get3A_1024 = vector.shape_cast %get3A_1023 : vector<1x16xf32> to vector<16xf32>
        %add3A_1025 = arith.addf %get3A_1024, %get3A_336 : vector<16xf32>
        %swap3A_1026 = arith.index_cast %scan3A_951 : i32 to index
        %swap3A_1027 = arith.constant 112 : index
        %swap3A_1028 = tpu.vector_load %arg10[%swap3A_1026, %swap3A_1027] {strides = array<i32>} : memref<16x768xf32, #tpu.memory_space<vmem>>, vector<1x16xf32>,
        %swap3A_1029 = vector.shape_cast %swap3A_1028 : vector<1x16xf32> to vector<16xf32>
        %swap3A_1030 = vector.shape_cast %add3A_1025 : vector<16xf32> to vector<1x16xf32>
        tpu.vector_store %arg10[%swap3A_1026, %swap3A_1027], %swap3A_1030 {strides = array<i32>} : memref<16x768xf32, #tpu.memory_space<vmem>>, vector<1x16xf32>,
        %get3A_1031 = arith.index_cast %scan3A_951 : i32 to index
        %get3A_1032 = arith.constant 128 : index
        %get3A_1033 = tpu.vector_load %arg10[%get3A_1031, %get3A_1032] {strides = array<i32>} : memref<16x768xf32, #tpu.memory_space<vmem>>, vector<1x16xf32>,
        %get3A_1034 = vector.shape_cast %get3A_1033 : vector<1x16xf32> to vector<16xf32>
        %add3A_1035 = arith.addf %get3A_1034, %get3A_340 : vector<16xf32>
        %swap3A_1036 = arith.index_cast %scan3A_951 : i32 to index
        %swap3A_1037 = arith.constant 128 : index
        %swap3A_1038 = tpu.vector_load %arg10[%swap3A_1036, %swap3A_1037] {strides = array<i32>} : memref<16x768xf32, #tpu.memory_space<vmem>>, vector<1x16xf32>,
        %swap3A_1039 = vector.shape_cast %swap3A_1038 : vector<1x16xf32> to vector<16xf32>
        %swap3A_1040 = vector.shape_cast %add3A_1035 : vector<16xf32> to vector<1x16xf32>
        tpu.vector_store %arg10[%swap3A_1036, %swap3A_1037], %swap3A_1040 {strides = array<i32>} : memref<16x768xf32, #tpu.memory_space<vmem>>, vector<1x16xf32>,
        %get3A_1041 = arith.index_cast %scan3A_951 : i32 to index
        %get3A_1042 = arith.constant 144 : index
        %get3A_1043 = tpu.vector_load %arg10[%get3A_1041, %get3A_1042] {strides = array<i32>} : memref<16x768xf32, #tpu.memory_space<vmem>>, vector<1x16xf32>,
        %get3A_1044 = vector.shape_cast %get3A_1043 : vector<1x16xf32> to vector<16xf32>
        %add3A_1045 = arith.addf %get3A_1044, %get3A_344 : vector<16xf32>
        %swap3A_1046 = arith.index_cast %scan3A_951 : i32 to index
        %swap3A_1047 = arith.constant 144 : index
        %swap3A_1048 = tpu.vector_load %arg10[%swap3A_1046, %swap3A_1047] {strides = array<i32>} : memref<16x768xf32, #tpu.memory_space<vmem>>, vector<1x16xf32>,
        %swap3A_1049 = vector.shape_cast %swap3A_1048 : vector<1x16xf32> to vector<16xf32>
        %swap3A_1050 = vector.shape_cast %add3A_1045 : vector<16xf32> to vector<1x16xf32>
        tpu.vector_store %arg10[%swap3A_1046, %swap3A_1047], %swap3A_1050 {strides = array<i32>} : memref<16x768xf32, #tpu.memory_space<vmem>>, vector<1x16xf32>,
        %get3A_1051 = arith.index_cast %scan3A_951 : i32 to index
        %get3A_1052 = arith.constant 160 : index
        %get3A_1053 = tpu.vector_load %arg10[%get3A_1051, %get3A_1052] {strides = array<i32>} : memref<16x768xf32, #tpu.memory_space<vmem>>, vector<1x16xf32>,
        %get3A_1054 = vector.shape_cast %get3A_1053 : vector<1x16xf32> to vector<16xf32>
        %add3A_1055 = arith.addf %get3A_1054, %get3A_348 : vector<16xf32>
        %swap3A_1056 = arith.index_cast %scan3A_951 : i32 to index
        %swap3A_1057 = arith.constant 160 : index
        %swap3A_1058 = tpu.vector_load %arg10[%swap3A_1056, %swap3A_1057] {strides = array<i32>} : memref<16x768xf32, #tpu.memory_space<vmem>>, vector<1x16xf32>,
        %swap3A_1059 = vector.shape_cast %swap3A_1058 : vector<1x16xf32> to vector<16xf32>
        %swap3A_1060 = vector.shape_cast %add3A_1055 : vector<16xf32> to vector<1x16xf32>
        tpu.vector_store %arg10[%swap3A_1056, %swap3A_1057], %swap3A_1060 {strides = array<i32>} : memref<16x768xf32, #tpu.memory_space<vmem>>, vector<1x16xf32>,
        %get3A_1061 = arith.index_cast %scan3A_951 : i32 to index
        %get3A_1062 = arith.constant 176 : index
        %get3A_1063 = tpu.vector_load %arg10[%get3A_1061, %get3A_1062] {strides = array<i32>} : memref<16x768xf32, #tpu.memory_space<vmem>>, vector<1x16xf32>,
        %get3A_1064 = vector.shape_cast %get3A_1063 : vector<1x16xf32> to vector<16xf32>
        %add3A_1065 = arith.addf %get3A_1064, %get3A_352 : vector<16xf32>
        %swap3A_1066 = arith.index_cast %scan3A_951 : i32 to index
        %swap3A_1067 = arith.constant 176 : index
        %swap3A_1068 = tpu.vector_load %arg10[%swap3A_1066, %swap3A_1067] {strides = array<i32>} : memref<16x768xf32, #tpu.memory_space<vmem>>, vector<1x16xf32>,
        %swap3A_1069 = vector.shape_cast %swap3A_1068 : vector<1x16xf32> to vector<16xf32>
        %swap3A_1070 = vector.shape_cast %add3A_1065 : vector<16xf32> to vector<1x16xf32>
        tpu.vector_store %arg10[%swap3A_1066, %swap3A_1067], %swap3A_1070 {strides = array<i32>} : memref<16x768xf32, #tpu.memory_space<vmem>>, vector<1x16xf32>,
        %get3A_1071 = arith.index_cast %scan3A_951 : i32 to index
        %get3A_1072 = arith.constant 192 : index
        %get3A_1073 = tpu.vector_load %arg10[%get3A_1071, %get3A_1072] {strides = array<i32>} : memref<16x768xf32, #tpu.memory_space<vmem>>, vector<1x16xf32>,
        %get3A_1074 = vector.shape_cast %get3A_1073 : vector<1x16xf32> to vector<16xf32>
        %add3A_1075 = arith.addf %get3A_1074, %get3A_356 : vector<16xf32>
        %swap3A_1076 = arith.index_cast %scan3A_951 : i32 to index
        %swap3A_1077 = arith.constant 192 : index
        %swap3A_1078 = tpu.vector_load %arg10[%swap3A_1076, %swap3A_1077] {strides = array<i32>} : memref<16x768xf32, #tpu.memory_space<vmem>>, vector<1x16xf32>,
        %swap3A_1079 = vector.shape_cast %swap3A_1078 : vector<1x16xf32> to vector<16xf32>
        %swap3A_1080 = vector.shape_cast %add3A_1075 : vector<16xf32> to vector<1x16xf32>
        tpu.vector_store %arg10[%swap3A_1076, %swap3A_1077], %swap3A_1080 {strides = array<i32>} : memref<16x768xf32, #tpu.memory_space<vmem>>, vector<1x16xf32>,
        %get3A_1081 = arith.index_cast %scan3A_951 : i32 to index
        %get3A_1082 = arith.constant 208 : index
        %get3A_1083 = tpu.vector_load %arg10[%get3A_1081, %get3A_1082] {strides = array<i32>} : memref<16x768xf32, #tpu.memory_space<vmem>>, vector<1x16xf32>,
        %get3A_1084 = vector.shape_cast %get3A_1083 : vector<1x16xf32> to vector<16xf32>
        %add3A_1085 = arith.addf %get3A_1084, %get3A_360 : vector<16xf32>
        %swap3A_1086 = arith.index_cast %scan3A_951 : i32 to index
        %swap3A_1087 = arith.constant 208 : index
        %swap3A_1088 = tpu.vector_load %arg10[%swap3A_1086, %swap3A_1087] {strides = array<i32>} : memref<16x768xf32, #tpu.memory_space<vmem>>, vector<1x16xf32>,
        %swap3A_1089 = vector.shape_cast %swap3A_1088 : vector<1x16xf32> to vector<16xf32>
        %swap3A_1090 = vector.shape_cast %add3A_1085 : vector<16xf32> to vector<1x16xf32>
        tpu.vector_store %arg10[%swap3A_1086, %swap3A_1087], %swap3A_1090 {strides = array<i32>} : memref<16x768xf32, #tpu.memory_space<vmem>>, vector<1x16xf32>,
        %get3A_1091 = arith.index_cast %scan3A_951 : i32 to index
        %get3A_1092 = arith.constant 224 : index
        %get3A_1093 = tpu.vector_load %arg10[%get3A_1091, %get3A_1092] {strides = array<i32>} : memref<16x768xf32, #tpu.memory_space<vmem>>, vector<1x16xf32>,
        %get3A_1094 = vector.shape_cast %get3A_1093 : vector<1x16xf32> to vector<16xf32>
        %add3A_1095 = arith.addf %get3A_1094, %get3A_364 : vector<16xf32>
        %swap3A_1096 = arith.index_cast %scan3A_951 : i32 to index
        %swap3A_1097 = arith.constant 224 : index
        %swap3A_1098 = tpu.vector_load %arg10[%swap3A_1096, %swap3A_1097] {strides = array<i32>} : memref<16x768xf32, #tpu.memory_space<vmem>>, vector<1x16xf32>,
        %swap3A_1099 = vector.shape_cast %swap3A_1098 : vector<1x16xf32> to vector<16xf32>
        %swap3A_1100 = vector.shape_cast %add3A_1095 : vector<16xf32> to vector<1x16xf32>
        tpu.vector_store %arg10[%swap3A_1096, %swap3A_1097], %swap3A_1100 {strides = array<i32>} : memref<16x768xf32, #tpu.memory_space<vmem>>, vector<1x16xf32>,
        %get3A_1101 = arith.index_cast %scan3A_951 : i32 to index
        %get3A_1102 = arith.constant 240 : index
        %get3A_1103 = tpu.vector_load %arg10[%get3A_1101, %get3A_1102] {strides = array<i32>} : memref<16x768xf32, #tpu.memory_space<vmem>>, vector<1x16xf32>,
        %get3A_1104 = vector.shape_cast %get3A_1103 : vector<1x16xf32> to vector<16xf32>
        %add3A_1105 = arith.addf %get3A_1104, %get3A_368 : vector<16xf32>
        %swap3A_1106 = arith.index_cast %scan3A_951 : i32 to index
        %swap3A_1107 = arith.constant 240 : index
        %swap3A_1108 = tpu.vector_load %arg10[%swap3A_1106, %swap3A_1107] {strides = array<i32>} : memref<16x768xf32, #tpu.memory_space<vmem>>, vector<1x16xf32>,
        %swap3A_1109 = vector.shape_cast %swap3A_1108 : vector<1x16xf32> to vector<16xf32>
        %swap3A_1110 = vector.shape_cast %add3A_1105 : vector<16xf32> to vector<1x16xf32>
        tpu.vector_store %arg10[%swap3A_1106, %swap3A_1107], %swap3A_1110 {strides = array<i32>} : memref<16x768xf32, #tpu.memory_space<vmem>>, vector<1x16xf32>,
        %get3A_1111 = arith.index_cast %scan3A_951 : i32 to index
        %get3A_1112 = arith.constant 256 : index
        %get3A_1113 = tpu.vector_load %arg10[%get3A_1111, %get3A_1112] {strides = array<i32>} : memref<16x768xf32, #tpu.memory_space<vmem>>, vector<1x16xf32>,
        %get3A_1114 = vector.shape_cast %get3A_1113 : vector<1x16xf32> to vector<16xf32>
        %add3A_1115 = arith.addf %get3A_1114, %get3A_372 : vector<16xf32>
        %swap3A_1116 = arith.index_cast %scan3A_951 : i32 to index
        %swap3A_1117 = arith.constant 256 : index
        %swap3A_1118 = tpu.vector_load %arg10[%swap3A_1116, %swap3A_1117] {strides = array<i32>} : memref<16x768xf32, #tpu.memory_space<vmem>>, vector<1x16xf32>,
        %swap3A_1119 = vector.shape_cast %swap3A_1118 : vector<1x16xf32> to vector<16xf32>
        %swap3A_1120 = vector.shape_cast %add3A_1115 : vector<16xf32> to vector<1x16xf32>
        tpu.vector_store %arg10[%swap3A_1116, %swap3A_1117], %swap3A_1120 {strides = array<i32>} : memref<16x768xf32, #tpu.memory_space<vmem>>, vector<1x16xf32>,
        %get3A_1121 = arith.index_cast %scan3A_951 : i32 to index
        %get3A_1122 = arith.constant 272 : index
        %get3A_1123 = tpu.vector_load %arg10[%get3A_1121, %get3A_1122] {strides = array<i32>} : memref<16x768xf32, #tpu.memory_space<vmem>>, vector<1x16xf32>,
        %get3A_1124 = vector.shape_cast %get3A_1123 : vector<1x16xf32> to vector<16xf32>
        %add3A_1125 = arith.addf %get3A_1124, %get3A_376 : vector<16xf32>
        %swap3A_1126 = arith.index_cast %scan3A_951 : i32 to index
        %swap3A_1127 = arith.constant 272 : index
        %swap3A_1128 = tpu.vector_load %arg10[%swap3A_1126, %swap3A_1127] {strides = array<i32>} : memref<16x768xf32, #tpu.memory_space<vmem>>, vector<1x16xf32>,
        %swap3A_1129 = vector.shape_cast %swap3A_1128 : vector<1x16xf32> to vector<16xf32>
        %swap3A_1130 = vector.shape_cast %add3A_1125 : vector<16xf32> to vector<1x16xf32>
        tpu.vector_store %arg10[%swap3A_1126, %swap3A_1127], %swap3A_1130 {strides = array<i32>} : memref<16x768xf32, #tpu.memory_space<vmem>>, vector<1x16xf32>,
        %get3A_1131 = arith.index_cast %scan3A_951 : i32 to index
        %get3A_1132 = arith.constant 288 : index
        %get3A_1133 = tpu.vector_load %arg10[%get3A_1131, %get3A_1132] {strides = array<i32>} : memref<16x768xf32, #tpu.memory_space<vmem>>, vector<1x16xf32>,
        %get3A_1134 = vector.shape_cast %get3A_1133 : vector<1x16xf32> to vector<16xf32>
        %add3A_1135 = arith.addf %get3A_1134, %get3A_380 : vector<16xf32>
        %swap3A_1136 = arith.index_cast %scan3A_951 : i32 to index
        %swap3A_1137 = arith.constant 288 : index
        %swap3A_1138 = tpu.vector_load %arg10[%swap3A_1136, %swap3A_1137] {strides = array<i32>} : memref<16x768xf32, #tpu.memory_space<vmem>>, vector<1x16xf32>,
        %swap3A_1139 = vector.shape_cast %swap3A_1138 : vector<1x16xf32> to vector<16xf32>
        %swap3A_1140 = vector.shape_cast %add3A_1135 : vector<16xf32> to vector<1x16xf32>
        tpu.vector_store %arg10[%swap3A_1136, %swap3A_1137], %swap3A_1140 {strides = array<i32>} : memref<16x768xf32, #tpu.memory_space<vmem>>, vector<1x16xf32>,
        %get3A_1141 = arith.index_cast %scan3A_951 : i32 to index
        %get3A_1142 = arith.constant 304 : index
        %get3A_1143 = tpu.vector_load %arg10[%get3A_1141, %get3A_1142] {strides = array<i32>} : memref<16x768xf32, #tpu.memory_space<vmem>>, vector<1x16xf32>,
        %get3A_1144 = vector.shape_cast %get3A_1143 : vector<1x16xf32> to vector<16xf32>
        %add3A_1145 = arith.addf %get3A_1144, %get3A_384 : vector<16xf32>
        %swap3A_1146 = arith.index_cast %scan3A_951 : i32 to index
        %swap3A_1147 = arith.constant 304 : index
        %swap3A_1148 = tpu.vector_load %arg10[%swap3A_1146, %swap3A_1147] {strides = array<i32>} : memref<16x768xf32, #tpu.memory_space<vmem>>, vector<1x16xf32>,
        %swap3A_1149 = vector.shape_cast %swap3A_1148 : vector<1x16xf32> to vector<16xf32>
        %swap3A_1150 = vector.shape_cast %add3A_1145 : vector<16xf32> to vector<1x16xf32>
        tpu.vector_store %arg10[%swap3A_1146, %swap3A_1147], %swap3A_1150 {strides = array<i32>} : memref<16x768xf32, #tpu.memory_space<vmem>>, vector<1x16xf32>,
        %get3A_1151 = arith.index_cast %scan3A_951 : i32 to index
        %get3A_1152 = arith.constant 320 : index
        %get3A_1153 = tpu.vector_load %arg10[%get3A_1151, %get3A_1152] {strides = array<i32>} : memref<16x768xf32, #tpu.memory_space<vmem>>, vector<1x16xf32>,
        %get3A_1154 = vector.shape_cast %get3A_1153 : vector<1x16xf32> to vector<16xf32>
        %add3A_1155 = arith.addf %get3A_1154, %get3A_388 : vector<16xf32>
        %swap3A_1156 = arith.index_cast %scan3A_951 : i32 to index
        %swap3A_1157 = arith.constant 320 : index
        %swap3A_1158 = tpu.vector_load %arg10[%swap3A_1156, %swap3A_1157] {strides = array<i32>} : memref<16x768xf32, #tpu.memory_space<vmem>>, vector<1x16xf32>,
        %swap3A_1159 = vector.shape_cast %swap3A_1158 : vector<1x16xf32> to vector<16xf32>
        %swap3A_1160 = vector.shape_cast %add3A_1155 : vector<16xf32> to vector<1x16xf32>
        tpu.vector_store %arg10[%swap3A_1156, %swap3A_1157], %swap3A_1160 {strides = array<i32>} : memref<16x768xf32, #tpu.memory_space<vmem>>, vector<1x16xf32>,
        %get3A_1161 = arith.index_cast %scan3A_951 : i32 to index
        %get3A_1162 = arith.constant 336 : index
        %get3A_1163 = tpu.vector_load %arg10[%get3A_1161, %get3A_1162] {strides = array<i32>} : memref<16x768xf32, #tpu.memory_space<vmem>>, vector<1x16xf32>,
        %get3A_1164 = vector.shape_cast %get3A_1163 : vector<1x16xf32> to vector<16xf32>
        %add3A_1165 = arith.addf %get3A_1164, %get3A_392 : vector<16xf32>
        %swap3A_1166 = arith.index_cast %scan3A_951 : i32 to index
        %swap3A_1167 = arith.constant 336 : index
        %swap3A_1168 = tpu.vector_load %arg10[%swap3A_1166, %swap3A_1167] {strides = array<i32>} : memref<16x768xf32, #tpu.memory_space<vmem>>, vector<1x16xf32>,
        %swap3A_1169 = vector.shape_cast %swap3A_1168 : vector<1x16xf32> to vector<16xf32>
        %swap3A_1170 = vector.shape_cast %add3A_1165 : vector<16xf32> to vector<1x16xf32>
        tpu.vector_store %arg10[%swap3A_1166, %swap3A_1167], %swap3A_1170 {strides = array<i32>} : memref<16x768xf32, #tpu.memory_space<vmem>>, vector<1x16xf32>,
        %get3A_1171 = arith.index_cast %scan3A_951 : i32 to index
        %get3A_1172 = arith.constant 352 : index
        %get3A_1173 = tpu.vector_load %arg10[%get3A_1171, %get3A_1172] {strides = array<i32>} : memref<16x768xf32, #tpu.memory_space<vmem>>, vector<1x16xf32>,
        %get3A_1174 = vector.shape_cast %get3A_1173 : vector<1x16xf32> to vector<16xf32>
        %add3A_1175 = arith.addf %get3A_1174, %get3A_396 : vector<16xf32>
        %swap3A_1176 = arith.index_cast %scan3A_951 : i32 to index
        %swap3A_1177 = arith.constant 352 : index
        %swap3A_1178 = tpu.vector_load %arg10[%swap3A_1176, %swap3A_1177] {strides = array<i32>} : memref<16x768xf32, #tpu.memory_space<vmem>>, vector<1x16xf32>,
        %swap3A_1179 = vector.shape_cast %swap3A_1178 : vector<1x16xf32> to vector<16xf32>
        %swap3A_1180 = vector.shape_cast %add3A_1175 : vector<16xf32> to vector<1x16xf32>
        tpu.vector_store %arg10[%swap3A_1176, %swap3A_1177], %swap3A_1180 {strides = array<i32>} : memref<16x768xf32, #tpu.memory_space<vmem>>, vector<1x16xf32>,
        %get3A_1181 = arith.index_cast %scan3A_951 : i32 to index
        %get3A_1182 = arith.constant 368 : index
        %get3A_1183 = tpu.vector_load %arg10[%get3A_1181, %get3A_1182] {strides = array<i32>} : memref<16x768xf32, #tpu.memory_space<vmem>>, vector<1x16xf32>,
        %get3A_1184 = vector.shape_cast %get3A_1183 : vector<1x16xf32> to vector<16xf32>
        %add3A_1185 = arith.addf %get3A_1184, %get3A_400 : vector<16xf32>
        %swap3A_1186 = arith.index_cast %scan3A_951 : i32 to index
        %swap3A_1187 = arith.constant 368 : index
        %swap3A_1188 = tpu.vector_load %arg10[%swap3A_1186, %swap3A_1187] {strides = array<i32>} : memref<16x768xf32, #tpu.memory_space<vmem>>, vector<1x16xf32>,
        %swap3A_1189 = vector.shape_cast %swap3A_1188 : vector<1x16xf32> to vector<16xf32>
        %swap3A_1190 = vector.shape_cast %add3A_1185 : vector<16xf32> to vector<1x16xf32>
        tpu.vector_store %arg10[%swap3A_1186, %swap3A_1187], %swap3A_1190 {strides = array<i32>} : memref<16x768xf32, #tpu.memory_space<vmem>>, vector<1x16xf32>,
        %get3A_1191 = arith.index_cast %scan3A_951 : i32 to index
        %get3A_1192 = arith.constant 384 : index
        %get3A_1193 = tpu.vector_load %arg10[%get3A_1191, %get3A_1192] {strides = array<i32>} : memref<16x768xf32, #tpu.memory_space<vmem>>, vector<1x16xf32>,
        %get3A_1194 = vector.shape_cast %get3A_1193 : vector<1x16xf32> to vector<16xf32>
        %add3A_1195 = arith.addf %get3A_1194, %get3A_404 : vector<16xf32>
        %swap3A_1196 = arith.index_cast %scan3A_951 : i32 to index
        %swap3A_1197 = arith.constant 384 : index
        %swap3A_1198 = tpu.vector_load %arg10[%swap3A_1196, %swap3A_1197] {strides = array<i32>} : memref<16x768xf32, #tpu.memory_space<vmem>>, vector<1x16xf32>,
        %swap3A_1199 = vector.shape_cast %swap3A_1198 : vector<1x16xf32> to vector<16xf32>
        %swap3A_1200 = vector.shape_cast %add3A_1195 : vector<16xf32> to vector<1x16xf32>
        tpu.vector_store %arg10[%swap3A_1196, %swap3A_1197], %swap3A_1200 {strides = array<i32>} : memref<16x768xf32, #tpu.memory_space<vmem>>, vector<1x16xf32>,
        %get3A_1201 = arith.index_cast %scan3A_951 : i32 to index
        %get3A_1202 = arith.constant 400 : index
        %get3A_1203 = tpu.vector_load %arg10[%get3A_1201, %get3A_1202] {strides = array<i32>} : memref<16x768xf32, #tpu.memory_space<vmem>>, vector<1x16xf32>,
        %get3A_1204 = vector.shape_cast %get3A_1203 : vector<1x16xf32> to vector<16xf32>
        %add3A_1205 = arith.addf %get3A_1204, %get3A_408 : vector<16xf32>
        %swap3A_1206 = arith.index_cast %scan3A_951 : i32 to index
        %swap3A_1207 = arith.constant 400 : index
        %swap3A_1208 = tpu.vector_load %arg10[%swap3A_1206, %swap3A_1207] {strides = array<i32>} : memref<16x768xf32, #tpu.memory_space<vmem>>, vector<1x16xf32>,
        %swap3A_1209 = vector.shape_cast %swap3A_1208 : vector<1x16xf32> to vector<16xf32>
        %swap3A_1210 = vector.shape_cast %add3A_1205 : vector<16xf32> to vector<1x16xf32>
        tpu.vector_store %arg10[%swap3A_1206, %swap3A_1207], %swap3A_1210 {strides = array<i32>} : memref<16x768xf32, #tpu.memory_space<vmem>>, vector<1x16xf32>,
        %get3A_1211 = arith.index_cast %scan3A_951 : i32 to index
        %get3A_1212 = arith.constant 416 : index
        %get3A_1213 = tpu.vector_load %arg10[%get3A_1211, %get3A_1212] {strides = array<i32>} : memref<16x768xf32, #tpu.memory_space<vmem>>, vector<1x16xf32>,
        %get3A_1214 = vector.shape_cast %get3A_1213 : vector<1x16xf32> to vector<16xf32>
        %add3A_1215 = arith.addf %get3A_1214, %get3A_412 : vector<16xf32>
        %swap3A_1216 = arith.index_cast %scan3A_951 : i32 to index
        %swap3A_1217 = arith.constant 416 : index
        %swap3A_1218 = tpu.vector_load %arg10[%swap3A_1216, %swap3A_1217] {strides = array<i32>} : memref<16x768xf32, #tpu.memory_space<vmem>>, vector<1x16xf32>,
        %swap3A_1219 = vector.shape_cast %swap3A_1218 : vector<1x16xf32> to vector<16xf32>
        %swap3A_1220 = vector.shape_cast %add3A_1215 : vector<16xf32> to vector<1x16xf32>
        tpu.vector_store %arg10[%swap3A_1216, %swap3A_1217], %swap3A_1220 {strides = array<i32>} : memref<16x768xf32, #tpu.memory_space<vmem>>, vector<1x16xf32>,
        %get3A_1221 = arith.index_cast %scan3A_951 : i32 to index
        %get3A_1222 = arith.constant 432 : index
        %get3A_1223 = tpu.vector_load %arg10[%get3A_1221, %get3A_1222] {strides = array<i32>} : memref<16x768xf32, #tpu.memory_space<vmem>>, vector<1x16xf32>,
        %get3A_1224 = vector.shape_cast %get3A_1223 : vector<1x16xf32> to vector<16xf32>
        %add3A_1225 = arith.addf %get3A_1224, %get3A_416 : vector<16xf32>
        %swap3A_1226 = arith.index_cast %scan3A_951 : i32 to index
        %swap3A_1227 = arith.constant 432 : index
        %swap3A_1228 = tpu.vector_load %arg10[%swap3A_1226, %swap3A_1227] {strides = array<i32>} : memref<16x768xf32, #tpu.memory_space<vmem>>, vector<1x16xf32>,
        %swap3A_1229 = vector.shape_cast %swap3A_1228 : vector<1x16xf32> to vector<16xf32>
        %swap3A_1230 = vector.shape_cast %add3A_1225 : vector<16xf32> to vector<1x16xf32>
        tpu.vector_store %arg10[%swap3A_1226, %swap3A_1227], %swap3A_1230 {strides = array<i32>} : memref<16x768xf32, #tpu.memory_space<vmem>>, vector<1x16xf32>,
        %get3A_1231 = arith.index_cast %scan3A_951 : i32 to index
        %get3A_1232 = arith.constant 448 : index
        %get3A_1233 = tpu.vector_load %arg10[%get3A_1231, %get3A_1232] {strides = array<i32>} : memref<16x768xf32, #tpu.memory_space<vmem>>, vector<1x16xf32>,
        %get3A_1234 = vector.shape_cast %get3A_1233 : vector<1x16xf32> to vector<16xf32>
        %add3A_1235 = arith.addf %get3A_1234, %get3A_420 : vector<16xf32>
        %swap3A_1236 = arith.index_cast %scan3A_951 : i32 to index
        %swap3A_1237 = arith.constant 448 : index
        %swap3A_1238 = tpu.vector_load %arg10[%swap3A_1236, %swap3A_1237] {strides = array<i32>} : memref<16x768xf32, #tpu.memory_space<vmem>>, vector<1x16xf32>,
        %swap3A_1239 = vector.shape_cast %swap3A_1238 : vector<1x16xf32> to vector<16xf32>
        %swap3A_1240 = vector.shape_cast %add3A_1235 : vector<16xf32> to vector<1x16xf32>
        tpu.vector_store %arg10[%swap3A_1236, %swap3A_1237], %swap3A_1240 {strides = array<i32>} : memref<16x768xf32, #tpu.memory_space<vmem>>, vector<1x16xf32>,
        %get3A_1241 = arith.index_cast %scan3A_951 : i32 to index
        %get3A_1242 = arith.constant 464 : index
        %get3A_1243 = tpu.vector_load %arg10[%get3A_1241, %get3A_1242] {strides = array<i32>} : memref<16x768xf32, #tpu.memory_space<vmem>>, vector<1x16xf32>,
        %get3A_1244 = vector.shape_cast %get3A_1243 : vector<1x16xf32> to vector<16xf32>
        %add3A_1245 = arith.addf %get3A_1244, %get3A_424 : vector<16xf32>
        %swap3A_1246 = arith.index_cast %scan3A_951 : i32 to index
        %swap3A_1247 = arith.constant 464 : index
        %swap3A_1248 = tpu.vector_load %arg10[%swap3A_1246, %swap3A_1247] {strides = array<i32>} : memref<16x768xf32, #tpu.memory_space<vmem>>, vector<1x16xf32>,
        %swap3A_1249 = vector.shape_cast %swap3A_1248 : vector<1x16xf32> to vector<16xf32>
        %swap3A_1250 = vector.shape_cast %add3A_1245 : vector<16xf32> to vector<1x16xf32>
        tpu.vector_store %arg10[%swap3A_1246, %swap3A_1247], %swap3A_1250 {strides = array<i32>} : memref<16x768xf32, #tpu.memory_space<vmem>>, vector<1x16xf32>,
        %get3A_1251 = arith.index_cast %scan3A_951 : i32 to index
        %get3A_1252 = arith.constant 480 : index
        %get3A_1253 = tpu.vector_load %arg10[%get3A_1251, %get3A_1252] {strides = array<i32>} : memref<16x768xf32, #tpu.memory_space<vmem>>, vector<1x16xf32>,
        %get3A_1254 = vector.shape_cast %get3A_1253 : vector<1x16xf32> to vector<16xf32>
        %add3A_1255 = arith.addf %get3A_1254, %get3A_428 : vector<16xf32>
        %swap3A_1256 = arith.index_cast %scan3A_951 : i32 to index
        %swap3A_1257 = arith.constant 480 : index
        %swap3A_1258 = tpu.vector_load %arg10[%swap3A_1256, %swap3A_1257] {strides = array<i32>} : memref<16x768xf32, #tpu.memory_space<vmem>>, vector<1x16xf32>,
        %swap3A_1259 = vector.shape_cast %swap3A_1258 : vector<1x16xf32> to vector<16xf32>
        %swap3A_1260 = vector.shape_cast %add3A_1255 : vector<16xf32> to vector<1x16xf32>
        tpu.vector_store %arg10[%swap3A_1256, %swap3A_1257], %swap3A_1260 {strides = array<i32>} : memref<16x768xf32, #tpu.memory_space<vmem>>, vector<1x16xf32>,
        %get3A_1261 = arith.index_cast %scan3A_951 : i32 to index
        %get3A_1262 = arith.constant 496 : index
        %get3A_1263 = tpu.vector_load %arg10[%get3A_1261, %get3A_1262] {strides = array<i32>} : memref<16x768xf32, #tpu.memory_space<vmem>>, vector<1x16xf32>,
        %get3A_1264 = vector.shape_cast %get3A_1263 : vector<1x16xf32> to vector<16xf32>
        %add3A_1265 = arith.addf %get3A_1264, %get3A_432 : vector<16xf32>
        %swap3A_1266 = arith.index_cast %scan3A_951 : i32 to index
        %swap3A_1267 = arith.constant 496 : index
        %swap3A_1268 = tpu.vector_load %arg10[%swap3A_1266, %swap3A_1267] {strides = array<i32>} : memref<16x768xf32, #tpu.memory_space<vmem>>, vector<1x16xf32>,
        %swap3A_1269 = vector.shape_cast %swap3A_1268 : vector<1x16xf32> to vector<16xf32>
        %swap3A_1270 = vector.shape_cast %add3A_1265 : vector<16xf32> to vector<1x16xf32>
        tpu.vector_store %arg10[%swap3A_1266, %swap3A_1267], %swap3A_1270 {strides = array<i32>} : memref<16x768xf32, #tpu.memory_space<vmem>>, vector<1x16xf32>,
        %get3A_1271 = arith.index_cast %scan3A_951 : i32 to index
        %get3A_1272 = arith.constant 512 : index
        %get3A_1273 = tpu.vector_load %arg10[%get3A_1271, %get3A_1272] {strides = array<i32>} : memref<16x768xf32, #tpu.memory_space<vmem>>, vector<1x16xf32>,
        %get3A_1274 = vector.shape_cast %get3A_1273 : vector<1x16xf32> to vector<16xf32>
        %add3A_1275 = arith.addf %get3A_1274, %get3A_436 : vector<16xf32>
        %swap3A_1276 = arith.index_cast %scan3A_951 : i32 to index
        %swap3A_1277 = arith.constant 512 : index
        %swap3A_1278 = tpu.vector_load %arg10[%swap3A_1276, %swap3A_1277] {strides = array<i32>} : memref<16x768xf32, #tpu.memory_space<vmem>>, vector<1x16xf32>,
        %swap3A_1279 = vector.shape_cast %swap3A_1278 : vector<1x16xf32> to vector<16xf32>
        %swap3A_1280 = vector.shape_cast %add3A_1275 : vector<16xf32> to vector<1x16xf32>
        tpu.vector_store %arg10[%swap3A_1276, %swap3A_1277], %swap3A_1280 {strides = array<i32>} : memref<16x768xf32, #tpu.memory_space<vmem>>, vector<1x16xf32>,
        %get3A_1281 = arith.index_cast %scan3A_951 : i32 to index
        %get3A_1282 = arith.constant 528 : index
        %get3A_1283 = tpu.vector_load %arg10[%get3A_1281, %get3A_1282] {strides = array<i32>} : memref<16x768xf32, #tpu.memory_space<vmem>>, vector<1x16xf32>,
        %get3A_1284 = vector.shape_cast %get3A_1283 : vector<1x16xf32> to vector<16xf32>
        %add3A_1285 = arith.addf %get3A_1284, %get3A_440 : vector<16xf32>
        %swap3A_1286 = arith.index_cast %scan3A_951 : i32 to index
        %swap3A_1287 = arith.constant 528 : index
        %swap3A_1288 = tpu.vector_load %arg10[%swap3A_1286, %swap3A_1287] {strides = array<i32>} : memref<16x768xf32, #tpu.memory_space<vmem>>, vector<1x16xf32>,
        %swap3A_1289 = vector.shape_cast %swap3A_1288 : vector<1x16xf32> to vector<16xf32>
        %swap3A_1290 = vector.shape_cast %add3A_1285 : vector<16xf32> to vector<1x16xf32>
        tpu.vector_store %arg10[%swap3A_1286, %swap3A_1287], %swap3A_1290 {strides = array<i32>} : memref<16x768xf32, #tpu.memory_space<vmem>>, vector<1x16xf32>,
        %get3A_1291 = arith.index_cast %scan3A_951 : i32 to index
        %get3A_1292 = arith.constant 544 : index
        %get3A_1293 = tpu.vector_load %arg10[%get3A_1291, %get3A_1292] {strides = array<i32>} : memref<16x768xf32, #tpu.memory_space<vmem>>, vector<1x16xf32>,
        %get3A_1294 = vector.shape_cast %get3A_1293 : vector<1x16xf32> to vector<16xf32>
        %add3A_1295 = arith.addf %get3A_1294, %get3A_444 : vector<16xf32>
        %swap3A_1296 = arith.index_cast %scan3A_951 : i32 to index
        %swap3A_1297 = arith.constant 544 : index
        %swap3A_1298 = tpu.vector_load %arg10[%swap3A_1296, %swap3A_1297] {strides = array<i32>} : memref<16x768xf32, #tpu.memory_space<vmem>>, vector<1x16xf32>,
        %swap3A_1299 = vector.shape_cast %swap3A_1298 : vector<1x16xf32> to vector<16xf32>
        %swap3A_1300 = vector.shape_cast %add3A_1295 : vector<16xf32> to vector<1x16xf32>
        tpu.vector_store %arg10[%swap3A_1296, %swap3A_1297], %swap3A_1300 {strides = array<i32>} : memref<16x768xf32, #tpu.memory_space<vmem>>, vector<1x16xf32>,
        %get3A_1301 = arith.index_cast %scan3A_951 : i32 to index
        %get3A_1302 = arith.constant 560 : index
        %get3A_1303 = tpu.vector_load %arg10[%get3A_1301, %get3A_1302] {strides = array<i32>} : memref<16x768xf32, #tpu.memory_space<vmem>>, vector<1x16xf32>,
        %get3A_1304 = vector.shape_cast %get3A_1303 : vector<1x16xf32> to vector<16xf32>
        %add3A_1305 = arith.addf %get3A_1304, %get3A_448 : vector<16xf32>
        %swap3A_1306 = arith.index_cast %scan3A_951 : i32 to index
        %swap3A_1307 = arith.constant 560 : index
        %swap3A_1308 = tpu.vector_load %arg10[%swap3A_1306, %swap3A_1307] {strides = array<i32>} : memref<16x768xf32, #tpu.memory_space<vmem>>, vector<1x16xf32>,
        %swap3A_1309 = vector.shape_cast %swap3A_1308 : vector<1x16xf32> to vector<16xf32>
        %swap3A_1310 = vector.shape_cast %add3A_1305 : vector<16xf32> to vector<1x16xf32>
        tpu.vector_store %arg10[%swap3A_1306, %swap3A_1307], %swap3A_1310 {strides = array<i32>} : memref<16x768xf32, #tpu.memory_space<vmem>>, vector<1x16xf32>,
        %get3A_1311 = arith.index_cast %scan3A_951 : i32 to index
        %get3A_1312 = arith.constant 576 : index
        %get3A_1313 = tpu.vector_load %arg10[%get3A_1311, %get3A_1312] {strides = array<i32>} : memref<16x768xf32, #tpu.memory_space<vmem>>, vector<1x16xf32>,
        %get3A_1314 = vector.shape_cast %get3A_1313 : vector<1x16xf32> to vector<16xf32>
        %add3A_1315 = arith.addf %get3A_1314, %get3A_452 : vector<16xf32>
        %swap3A_1316 = arith.index_cast %scan3A_951 : i32 to index
        %swap3A_1317 = arith.constant 576 : index
        %swap3A_1318 = tpu.vector_load %arg10[%swap3A_1316, %swap3A_1317] {strides = array<i32>} : memref<16x768xf32, #tpu.memory_space<vmem>>, vector<1x16xf32>,
        %swap3A_1319 = vector.shape_cast %swap3A_1318 : vector<1x16xf32> to vector<16xf32>
        %swap3A_1320 = vector.shape_cast %add3A_1315 : vector<16xf32> to vector<1x16xf32>
        tpu.vector_store %arg10[%swap3A_1316, %swap3A_1317], %swap3A_1320 {strides = array<i32>} : memref<16x768xf32, #tpu.memory_space<vmem>>, vector<1x16xf32>,
        %get3A_1321 = arith.index_cast %scan3A_951 : i32 to index
        %get3A_1322 = arith.constant 592 : index
        %get3A_1323 = tpu.vector_load %arg10[%get3A_1321, %get3A_1322] {strides = array<i32>} : memref<16x768xf32, #tpu.memory_space<vmem>>, vector<1x16xf32>,
        %get3A_1324 = vector.shape_cast %get3A_1323 : vector<1x16xf32> to vector<16xf32>
        %add3A_1325 = arith.addf %get3A_1324, %get3A_456 : vector<16xf32>
        %swap3A_1326 = arith.index_cast %scan3A_951 : i32 to index
        %swap3A_1327 = arith.constant 592 : index
        %swap3A_1328 = tpu.vector_load %arg10[%swap3A_1326, %swap3A_1327] {strides = array<i32>} : memref<16x768xf32, #tpu.memory_space<vmem>>, vector<1x16xf32>,
        %swap3A_1329 = vector.shape_cast %swap3A_1328 : vector<1x16xf32> to vector<16xf32>
        %swap3A_1330 = vector.shape_cast %add3A_1325 : vector<16xf32> to vector<1x16xf32>
        tpu.vector_store %arg10[%swap3A_1326, %swap3A_1327], %swap3A_1330 {strides = array<i32>} : memref<16x768xf32, #tpu.memory_space<vmem>>, vector<1x16xf32>,
        %get3A_1331 = arith.index_cast %scan3A_951 : i32 to index
        %get3A_1332 = arith.constant 608 : index
        %get3A_1333 = tpu.vector_load %arg10[%get3A_1331, %get3A_1332] {strides = array<i32>} : memref<16x768xf32, #tpu.memory_space<vmem>>, vector<1x16xf32>,
        %get3A_1334 = vector.shape_cast %get3A_1333 : vector<1x16xf32> to vector<16xf32>
        %add3A_1335 = arith.addf %get3A_1334, %get3A_460 : vector<16xf32>
        %swap3A_1336 = arith.index_cast %scan3A_951 : i32 to index
        %swap3A_1337 = arith.constant 608 : index
        %swap3A_1338 = tpu.vector_load %arg10[%swap3A_1336, %swap3A_1337] {strides = array<i32>} : memref<16x768xf32, #tpu.memory_space<vmem>>, vector<1x16xf32>,
        %swap3A_1339 = vector.shape_cast %swap3A_1338 : vector<1x16xf32> to vector<16xf32>
        %swap3A_1340 = vector.shape_cast %add3A_1335 : vector<16xf32> to vector<1x16xf32>
        tpu.vector_store %arg10[%swap3A_1336, %swap3A_1337], %swap3A_1340 {strides = array<i32>} : memref<16x768xf32, #tpu.memory_space<vmem>>, vector<1x16xf32>,
        %get3A_1341 = arith.index_cast %scan3A_951 : i32 to index
        %get3A_1342 = arith.constant 624 : index
        %get3A_1343 = tpu.vector_load %arg10[%get3A_1341, %get3A_1342] {strides = array<i32>} : memref<16x768xf32, #tpu.memory_space<vmem>>, vector<1x16xf32>,
        %get3A_1344 = vector.shape_cast %get3A_1343 : vector<1x16xf32> to vector<16xf32>
        %add3A_1345 = arith.addf %get3A_1344, %get3A_464 : vector<16xf32>
        %swap3A_1346 = arith.index_cast %scan3A_951 : i32 to index
        %swap3A_1347 = arith.constant 624 : index
        %swap3A_1348 = tpu.vector_load %arg10[%swap3A_1346, %swap3A_1347] {strides = array<i32>} : memref<16x768xf32, #tpu.memory_space<vmem>>, vector<1x16xf32>,
        %swap3A_1349 = vector.shape_cast %swap3A_1348 : vector<1x16xf32> to vector<16xf32>
        %swap3A_1350 = vector.shape_cast %add3A_1345 : vector<16xf32> to vector<1x16xf32>
        tpu.vector_store %arg10[%swap3A_1346, %swap3A_1347], %swap3A_1350 {strides = array<i32>} : memref<16x768xf32, #tpu.memory_space<vmem>>, vector<1x16xf32>,
        %get3A_1351 = arith.index_cast %scan3A_951 : i32 to index
        %get3A_1352 = arith.constant 640 : index
        %get3A_1353 = tpu.vector_load %arg10[%get3A_1351, %get3A_1352] {strides = array<i32>} : memref<16x768xf32, #tpu.memory_space<vmem>>, vector<1x16xf32>,
        %get3A_1354 = vector.shape_cast %get3A_1353 : vector<1x16xf32> to vector<16xf32>
        %add3A_1355 = arith.addf %get3A_1354, %get3A_468 : vector<16xf32>
        %swap3A_1356 = arith.index_cast %scan3A_951 : i32 to index
        %swap3A_1357 = arith.constant 640 : index
        %swap3A_1358 = tpu.vector_load %arg10[%swap3A_1356, %swap3A_1357] {strides = array<i32>} : memref<16x768xf32, #tpu.memory_space<vmem>>, vector<1x16xf32>,
        %swap3A_1359 = vector.shape_cast %swap3A_1358 : vector<1x16xf32> to vector<16xf32>
        %swap3A_1360 = vector.shape_cast %add3A_1355 : vector<16xf32> to vector<1x16xf32>
        tpu.vector_store %arg10[%swap3A_1356, %swap3A_1357], %swap3A_1360 {strides = array<i32>} : memref<16x768xf32, #tpu.memory_space<vmem>>, vector<1x16xf32>,
        %get3A_1361 = arith.index_cast %scan3A_951 : i32 to index
        %get3A_1362 = arith.constant 656 : index
        %get3A_1363 = tpu.vector_load %arg10[%get3A_1361, %get3A_1362] {strides = array<i32>} : memref<16x768xf32, #tpu.memory_space<vmem>>, vector<1x16xf32>,
        %get3A_1364 = vector.shape_cast %get3A_1363 : vector<1x16xf32> to vector<16xf32>
        %add3A_1365 = arith.addf %get3A_1364, %get3A_472 : vector<16xf32>
        %swap3A_1366 = arith.index_cast %scan3A_951 : i32 to index
        %swap3A_1367 = arith.constant 656 : index
        %swap3A_1368 = tpu.vector_load %arg10[%swap3A_1366, %swap3A_1367] {strides = array<i32>} : memref<16x768xf32, #tpu.memory_space<vmem>>, vector<1x16xf32>,
        %swap3A_1369 = vector.shape_cast %swap3A_1368 : vector<1x16xf32> to vector<16xf32>
        %swap3A_1370 = vector.shape_cast %add3A_1365 : vector<16xf32> to vector<1x16xf32>
        tpu.vector_store %arg10[%swap3A_1366, %swap3A_1367], %swap3A_1370 {strides = array<i32>} : memref<16x768xf32, #tpu.memory_space<vmem>>, vector<1x16xf32>,
        %get3A_1371 = arith.index_cast %scan3A_951 : i32 to index
        %get3A_1372 = arith.constant 672 : index
        %get3A_1373 = tpu.vector_load %arg10[%get3A_1371, %get3A_1372] {strides = array<i32>} : memref<16x768xf32, #tpu.memory_space<vmem>>, vector<1x16xf32>,
        %get3A_1374 = vector.shape_cast %get3A_1373 : vector<1x16xf32> to vector<16xf32>
        %add3A_1375 = arith.addf %get3A_1374, %get3A_476 : vector<16xf32>
        %swap3A_1376 = arith.index_cast %scan3A_951 : i32 to index
        %swap3A_1377 = arith.constant 672 : index
        %swap3A_1378 = tpu.vector_load %arg10[%swap3A_1376, %swap3A_1377] {strides = array<i32>} : memref<16x768xf32, #tpu.memory_space<vmem>>, vector<1x16xf32>,
        %swap3A_1379 = vector.shape_cast %swap3A_1378 : vector<1x16xf32> to vector<16xf32>
        %swap3A_1380 = vector.shape_cast %add3A_1375 : vector<16xf32> to vector<1x16xf32>
        tpu.vector_store %arg10[%swap3A_1376, %swap3A_1377], %swap3A_1380 {strides = array<i32>} : memref<16x768xf32, #tpu.memory_space<vmem>>, vector<1x16xf32>,
        %get3A_1381 = arith.index_cast %scan3A_951 : i32 to index
        %get3A_1382 = arith.constant 688 : index
        %get3A_1383 = tpu.vector_load %arg10[%get3A_1381, %get3A_1382] {strides = array<i32>} : memref<16x768xf32, #tpu.memory_space<vmem>>, vector<1x16xf32>,
        %get3A_1384 = vector.shape_cast %get3A_1383 : vector<1x16xf32> to vector<16xf32>
        %add3A_1385 = arith.addf %get3A_1384, %get3A_480 : vector<16xf32>
        %swap3A_1386 = arith.index_cast %scan3A_951 : i32 to index
        %swap3A_1387 = arith.constant 688 : index
        %swap3A_1388 = tpu.vector_load %arg10[%swap3A_1386, %swap3A_1387] {strides = array<i32>} : memref<16x768xf32, #tpu.memory_space<vmem>>, vector<1x16xf32>,
        %swap3A_1389 = vector.shape_cast %swap3A_1388 : vector<1x16xf32> to vector<16xf32>
        %swap3A_1390 = vector.shape_cast %add3A_1385 : vector<16xf32> to vector<1x16xf32>
        tpu.vector_store %arg10[%swap3A_1386, %swap3A_1387], %swap3A_1390 {strides = array<i32>} : memref<16x768xf32, #tpu.memory_space<vmem>>, vector<1x16xf32>,
        %get3A_1391 = arith.index_cast %scan3A_951 : i32 to index
        %get3A_1392 = arith.constant 704 : index
        %get3A_1393 = tpu.vector_load %arg10[%get3A_1391, %get3A_1392] {strides = array<i32>} : memref<16x768xf32, #tpu.memory_space<vmem>>, vector<1x16xf32>,
        %get3A_1394 = vector.shape_cast %get3A_1393 : vector<1x16xf32> to vector<16xf32>
        %add3A_1395 = arith.addf %get3A_1394, %get3A_484 : vector<16xf32>
        %swap3A_1396 = arith.index_cast %scan3A_951 : i32 to index
        %swap3A_1397 = arith.constant 704 : index
        %swap3A_1398 = tpu.vector_load %arg10[%swap3A_1396, %swap3A_1397] {strides = array<i32>} : memref<16x768xf32, #tpu.memory_space<vmem>>, vector<1x16xf32>,
        %swap3A_1399 = vector.shape_cast %swap3A_1398 : vector<1x16xf32> to vector<16xf32>
        %swap3A_1400 = vector.shape_cast %add3A_1395 : vector<16xf32> to vector<1x16xf32>
        tpu.vector_store %arg10[%swap3A_1396, %swap3A_1397], %swap3A_1400 {strides = array<i32>} : memref<16x768xf32, #tpu.memory_space<vmem>>, vector<1x16xf32>,
        %get3A_1401 = arith.index_cast %scan3A_951 : i32 to index
        %get3A_1402 = arith.constant 720 : index
        %get3A_1403 = tpu.vector_load %arg10[%get3A_1401, %get3A_1402] {strides = array<i32>} : memref<16x768xf32, #tpu.memory_space<vmem>>, vector<1x16xf32>,
        %get3A_1404 = vector.shape_cast %get3A_1403 : vector<1x16xf32> to vector<16xf32>
        %add3A_1405 = arith.addf %get3A_1404, %get3A_488 : vector<16xf32>
        %swap3A_1406 = arith.index_cast %scan3A_951 : i32 to index
        %swap3A_1407 = arith.constant 720 : index
        %swap3A_1408 = tpu.vector_load %arg10[%swap3A_1406, %swap3A_1407] {strides = array<i32>} : memref<16x768xf32, #tpu.memory_space<vmem>>, vector<1x16xf32>,
        %swap3A_1409 = vector.shape_cast %swap3A_1408 : vector<1x16xf32> to vector<16xf32>
        %swap3A_1410 = vector.shape_cast %add3A_1405 : vector<16xf32> to vector<1x16xf32>
        tpu.vector_store %arg10[%swap3A_1406, %swap3A_1407], %swap3A_1410 {strides = array<i32>} : memref<16x768xf32, #tpu.memory_space<vmem>>, vector<1x16xf32>,
        %get3A_1411 = arith.index_cast %scan3A_951 : i32 to index
        %get3A_1412 = arith.constant 736 : index
        %get3A_1413 = tpu.vector_load %arg10[%get3A_1411, %get3A_1412] {strides = array<i32>} : memref<16x768xf32, #tpu.memory_space<vmem>>, vector<1x16xf32>,
        %get3A_1414 = vector.shape_cast %get3A_1413 : vector<1x16xf32> to vector<16xf32>
        %add3A_1415 = arith.addf %get3A_1414, %get3A_492 : vector<16xf32>
        %swap3A_1416 = arith.index_cast %scan3A_951 : i32 to index
        %swap3A_1417 = arith.constant 736 : index
        %swap3A_1418 = tpu.vector_load %arg10[%swap3A_1416, %swap3A_1417] {strides = array<i32>} : memref<16x768xf32, #tpu.memory_space<vmem>>, vector<1x16xf32>,
        %swap3A_1419 = vector.shape_cast %swap3A_1418 : vector<1x16xf32> to vector<16xf32>
        %swap3A_1420 = vector.shape_cast %add3A_1415 : vector<16xf32> to vector<1x16xf32>
        tpu.vector_store %arg10[%swap3A_1416, %swap3A_1417], %swap3A_1420 {strides = array<i32>} : memref<16x768xf32, #tpu.memory_space<vmem>>, vector<1x16xf32>,
        %get3A_1421 = arith.index_cast %scan3A_951 : i32 to index
        %get3A_1422 = arith.constant 752 : index
        %get3A_1423 = tpu.vector_load %arg10[%get3A_1421, %get3A_1422] {strides = array<i32>} : memref<16x768xf32, #tpu.memory_space<vmem>>, vector<1x16xf32>,
        %get3A_1424 = vector.shape_cast %get3A_1423 : vector<1x16xf32> to vector<16xf32>
        %add3A_1425 = arith.addf %get3A_1424, %get3A_496 : vector<16xf32>
        %swap3A_1426 = arith.index_cast %scan3A_951 : i32 to index
        %swap3A_1427 = arith.constant 752 : index
        %swap3A_1428 = tpu.vector_load %arg10[%swap3A_1426, %swap3A_1427] {strides = array<i32>} : memref<16x768xf32, #tpu.memory_space<vmem>>, vector<1x16xf32>,
        %swap3A_1429 = vector.shape_cast %swap3A_1428 : vector<1x16xf32> to vector<16xf32>
        %swap3A_1430 = vector.shape_cast %add3A_1425 : vector<16xf32> to vector<1x16xf32>
        tpu.vector_store %arg10[%swap3A_1426, %swap3A_1427], %swap3A_1430 {strides = array<i32>} : memref<16x768xf32, #tpu.memory_space<vmem>>, vector<1x16xf32>,
      }
      %scan3A_502 = arith.constant 16 : i32
      %dma_start3A_503 = arith.constant 0 : i32
      %dma_start3A_504 = tpu.memref_slice %arg7[%add3A_298, %dma_start3A_503] : memref<64x16xi32, #tpu.memory_space<vmem>> -> memref<1x16xi32, #tpu.memory_space<vmem>>
      %dma_start3A_505 = tpu.memref_squeeze %dma_start3A_504 : memref<1x16xi32, #tpu.memory_space<vmem>> -> memref<16xi32, #tpu.memory_space<vmem>>
      %dma_start3A_506 = arith.constant 0 : i32
      %dma_start3A_507 = arith.constant 0 : i32
      %dma_start3A_508 = tpu.memref_slice %arg5[%dma_start3A_506, %dma_start3A_507] : memref<32768x768xf32, #tpu.memory_space<hbm>> -> memref<32768x768xf32, #tpu.memory_space<hbm>>
      tpu.enqueue_indirect_dma source(%arg10 : memref<16x768xf32, #tpu.memory_space<vmem>>) target(%dma_start3A_508 : memref<32768x768xf32, #tpu.memory_space<hbm>>) offsets(%dma_start3A_505 : memref<16xi32, #tpu.memory_space<vmem>>) semaphore(%arg18 : memref<!tpu.dma_semaphore, #tpu.memory_space<semaphore_mem>>)
      %lt3A = arith.constant 15 : i32
      %lt3A_509 = arith.cmpi slt, %scan3A_70, %lt3A : i32
      %convert_element_type3A_510 = arith.extui %lt3A_509 : i1 to i32
      %cond3A_511 = arith.constant 0 : i32
      %cond3A_512 = arith.cmpi ne, %convert_element_type3A_510, %cond3A_511 : i32
      scf.if %cond3A_512 {
        %sub3A_951 = arith.constant 1 : i32
        %sub3A_952 = arith.subi %add3A_298, %sub3A_951 : i32
        %dma_wait3A_953 = arith.constant 0 : i32
        %dma_wait3A_954 = tpu.memref_slice %arg7[%sub3A_952, %dma_wait3A_953] : memref<64x16xi32, #tpu.memory_space<vmem>> -> memref<1x16xi32, #tpu.memory_space<vmem>>
        %dma_wait3A_955 = tpu.memref_squeeze %dma_wait3A_954 : memref<1x16xi32, #tpu.memory_space<vmem>> -> memref<16xi32, #tpu.memory_space<vmem>>
        %dma_wait3A_956 = arith.constant 0 : i32
        %dma_wait3A_957 = arith.constant 0 : i32
        %dma_wait3A_958 = tpu.memref_slice %arg5[%dma_wait3A_956, %dma_wait3A_957] : memref<32768x768xf32, #tpu.memory_space<hbm>> -> memref<32768x768xf32, #tpu.memory_space<hbm>>
        tpu.wait_indirect_dma semaphore(%arg17 : memref<!tpu.dma_semaphore, #tpu.memory_space<semaphore_mem>>) src(%arg9 : memref<16x768xf32, #tpu.memory_space<vmem>>) dst(%dma_wait3A_958 : memref<32768x768xf32, #tpu.memory_space<hbm>>)
        %add3A_959 = arith.constant 4 : i32
        %add3A_960 = arith.addi %add3A_298, %add3A_959 : i32
        %sub3A_961 = arith.constant 1 : i32
        %sub3A_962 = arith.subi %add3A_960, %sub3A_961 : i32
        %mul3A_963 = arith.constant 16 : i32
        %mul3A_964 = arith.muli %sub3A_962, %mul3A_963 : i32
        %dma_start3A_965 = tpu.memref_slice %arg6[%mul3A_964] : memref<1024xi32, #tpu.memory_space<vmem>> -> memref<16xi32, #tpu.memory_space<vmem>>
        %dma_start3A_966 = arith.constant 0 : i32
        %dma_start3A_967 = arith.constant 0 : i32
        %dma_start3A_968 = tpu.memref_slice %arg3[%dma_start3A_966, %dma_start3A_967] : memref<100000x768xf32, #tpu.memory_space<hbm>> -> memref<100000x768xf32, #tpu.memory_space<hbm>>
        tpu.enqueue_indirect_dma source(%dma_start3A_968 : memref<100000x768xf32, #tpu.memory_space<hbm>>) target(%arg9 : memref<16x768xf32, #tpu.memory_space<vmem>>) offsets(%dma_start3A_965 : memref<16xi32, #tpu.memory_space<vmem>>) semaphore(%arg13 : memref<!tpu.dma_semaphore, #tpu.memory_space<semaphore_mem>>)
      } else {
      }
      %mul3A_513 = arith.constant 4 : i32
      %mul3A_514 = arith.muli %scan3A_70, %mul3A_513 : i32
      %add3A_515 = arith.constant 2 : i32
      %add3A_516 = arith.addi %mul3A_514, %add3A_515 : i32
      %mul3A_517 = arith.constant 16 : i32
      %mul3A_518 = arith.muli %add3A_516, %mul3A_517 : i32
      %dma_wait3A_519 = tpu.memref_slice %arg6[%mul3A_518] : memref<1024xi32, #tpu.memory_space<vmem>> -> memref<16xi32, #tpu.memory_space<vmem>>
      %dma_wait3A_520 = arith.constant 0 : i32
      %dma_wait3A_521 = arith.constant 0 : i32
      %dma_wait3A_522 = tpu.memref_slice %arg3[%dma_wait3A_520, %dma_wait3A_521] : memref<100000x768xf32, #tpu.memory_space<hbm>> -> memref<100000x768xf32, #tpu.memory_space<hbm>>
      tpu.wait_indirect_dma semaphore(%arg15 : memref<!tpu.dma_semaphore, #tpu.memory_space<semaphore_mem>>) src(%dma_wait3A_522 : memref<100000x768xf32, #tpu.memory_space<hbm>>) dst(%arg11 : memref<16x768xf32, #tpu.memory_space<vmem>>)
      %get3A_523 = arith.index_cast %add3A_516 : i32 to index
      %get3A_524 = arith.constant 0 : index
      %get3A_525 = tpu.vector_load %arg8[%get3A_523, %get3A_524] {strides = array<i32>} : memref<64x768xf32, #tpu.memory_space<vmem>>, vector<1x16xf32>,
      %get3A_526 = vector.shape_cast %get3A_525 : vector<1x16xf32> to vector<16xf32>
      %get3A_527 = arith.index_cast %add3A_516 : i32 to index
      %get3A_528 = arith.constant 16 : index
      %get3A_529 = tpu.vector_load %arg8[%get3A_527, %get3A_528] {strides = array<i32>} : memref<64x768xf32, #tpu.memory_space<vmem>>, vector<1x16xf32>,
      %get3A_530 = vector.shape_cast %get3A_529 : vector<1x16xf32> to vector<16xf32>
      %get3A_531 = arith.index_cast %add3A_516 : i32 to index
      %get3A_532 = arith.constant 32 : index
      %get3A_533 = tpu.vector_load %arg8[%get3A_531, %get3A_532] {strides = array<i32>} : memref<64x768xf32, #tpu.memory_space<vmem>>, vector<1x16xf32>,
      %get3A_534 = vector.shape_cast %get3A_533 : vector<1x16xf32> to vector<16xf32>
      %get3A_535 = arith.index_cast %add3A_516 : i32 to index
      %get3A_536 = arith.constant 48 : index
      %get3A_537 = tpu.vector_load %arg8[%get3A_535, %get3A_536] {strides = array<i32>} : memref<64x768xf32, #tpu.memory_space<vmem>>, vector<1x16xf32>,
      %get3A_538 = vector.shape_cast %get3A_537 : vector<1x16xf32> to vector<16xf32>
      %get3A_539 = arith.index_cast %add3A_516 : i32 to index
      %get3A_540 = arith.constant 64 : index
      %get3A_541 = tpu.vector_load %arg8[%get3A_539, %get3A_540] {strides = array<i32>} : memref<64x768xf32, #tpu.memory_space<vmem>>, vector<1x16xf32>,
      %get3A_542 = vector.shape_cast %get3A_541 : vector<1x16xf32> to vector<16xf32>
      %get3A_543 = arith.index_cast %add3A_516 : i32 to index
      %get3A_544 = arith.constant 80 : index
      %get3A_545 = tpu.vector_load %arg8[%get3A_543, %get3A_544] {strides = array<i32>} : memref<64x768xf32, #tpu.memory_space<vmem>>, vector<1x16xf32>,
      %get3A_546 = vector.shape_cast %get3A_545 : vector<1x16xf32> to vector<16xf32>
      %get3A_547 = arith.index_cast %add3A_516 : i32 to index
      %get3A_548 = arith.constant 96 : index
      %get3A_549 = tpu.vector_load %arg8[%get3A_547, %get3A_548] {strides = array<i32>} : memref<64x768xf32, #tpu.memory_space<vmem>>, vector<1x16xf32>,
      %get3A_550 = vector.shape_cast %get3A_549 : vector<1x16xf32> to vector<16xf32>
      %get3A_551 = arith.index_cast %add3A_516 : i32 to index
      %get3A_552 = arith.constant 112 : index
      %get3A_553 = tpu.vector_load %arg8[%get3A_551, %get3A_552] {strides = array<i32>} : memref<64x768xf32, #tpu.memory_space<vmem>>, vector<1x16xf32>,
      %get3A_554 = vector.shape_cast %get3A_553 : vector<1x16xf32> to vector<16xf32>
      %get3A_555 = arith.index_cast %add3A_516 : i32 to index
      %get3A_556 = arith.constant 128 : index
      %get3A_557 = tpu.vector_load %arg8[%get3A_555, %get3A_556] {strides = array<i32>} : memref<64x768xf32, #tpu.memory_space<vmem>>, vector<1x16xf32>,
      %get3A_558 = vector.shape_cast %get3A_557 : vector<1x16xf32> to vector<16xf32>
      %get3A_559 = arith.index_cast %add3A_516 : i32 to index
      %get3A_560 = arith.constant 144 : index
      %get3A_561 = tpu.vector_load %arg8[%get3A_559, %get3A_560] {strides = array<i32>} : memref<64x768xf32, #tpu.memory_space<vmem>>, vector<1x16xf32>,
      %get3A_562 = vector.shape_cast %get3A_561 : vector<1x16xf32> to vector<16xf32>
      %get3A_563 = arith.index_cast %add3A_516 : i32 to index
      %get3A_564 = arith.constant 160 : index
      %get3A_565 = tpu.vector_load %arg8[%get3A_563, %get3A_564] {strides = array<i32>} : memref<64x768xf32, #tpu.memory_space<vmem>>, vector<1x16xf32>,
      %get3A_566 = vector.shape_cast %get3A_565 : vector<1x16xf32> to vector<16xf32>
      %get3A_567 = arith.index_cast %add3A_516 : i32 to index
      %get3A_568 = arith.constant 176 : index
      %get3A_569 = tpu.vector_load %arg8[%get3A_567, %get3A_568] {strides = array<i32>} : memref<64x768xf32, #tpu.memory_space<vmem>>, vector<1x16xf32>,
      %get3A_570 = vector.shape_cast %get3A_569 : vector<1x16xf32> to vector<16xf32>
      %get3A_571 = arith.index_cast %add3A_516 : i32 to index
      %get3A_572 = arith.constant 192 : index
      %get3A_573 = tpu.vector_load %arg8[%get3A_571, %get3A_572] {strides = array<i32>} : memref<64x768xf32, #tpu.memory_space<vmem>>, vector<1x16xf32>,
      %get3A_574 = vector.shape_cast %get3A_573 : vector<1x16xf32> to vector<16xf32>
      %get3A_575 = arith.index_cast %add3A_516 : i32 to index
      %get3A_576 = arith.constant 208 : index
      %get3A_577 = tpu.vector_load %arg8[%get3A_575, %get3A_576] {strides = array<i32>} : memref<64x768xf32, #tpu.memory_space<vmem>>, vector<1x16xf32>,
      %get3A_578 = vector.shape_cast %get3A_577 : vector<1x16xf32> to vector<16xf32>
      %get3A_579 = arith.index_cast %add3A_516 : i32 to index
      %get3A_580 = arith.constant 224 : index
      %get3A_581 = tpu.vector_load %arg8[%get3A_579, %get3A_580] {strides = array<i32>} : memref<64x768xf32, #tpu.memory_space<vmem>>, vector<1x16xf32>,
      %get3A_582 = vector.shape_cast %get3A_581 : vector<1x16xf32> to vector<16xf32>
      %get3A_583 = arith.index_cast %add3A_516 : i32 to index
      %get3A_584 = arith.constant 240 : index
      %get3A_585 = tpu.vector_load %arg8[%get3A_583, %get3A_584] {strides = array<i32>} : memref<64x768xf32, #tpu.memory_space<vmem>>, vector<1x16xf32>,
      %get3A_586 = vector.shape_cast %get3A_585 : vector<1x16xf32> to vector<16xf32>
      %get3A_587 = arith.index_cast %add3A_516 : i32 to index
      %get3A_588 = arith.constant 256 : index
      %get3A_589 = tpu.vector_load %arg8[%get3A_587, %get3A_588] {strides = array<i32>} : memref<64x768xf32, #tpu.memory_space<vmem>>, vector<1x16xf32>,
      %get3A_590 = vector.shape_cast %get3A_589 : vector<1x16xf32> to vector<16xf32>
      %get3A_591 = arith.index_cast %add3A_516 : i32 to index
      %get3A_592 = arith.constant 272 : index
      %get3A_593 = tpu.vector_load %arg8[%get3A_591, %get3A_592] {strides = array<i32>} : memref<64x768xf32, #tpu.memory_space<vmem>>, vector<1x16xf32>,
      %get3A_594 = vector.shape_cast %get3A_593 : vector<1x16xf32> to vector<16xf32>
      %get3A_595 = arith.index_cast %add3A_516 : i32 to index
      %get3A_596 = arith.constant 288 : index
      %get3A_597 = tpu.vector_load %arg8[%get3A_595, %get3A_596] {strides = array<i32>} : memref<64x768xf32, #tpu.memory_space<vmem>>, vector<1x16xf32>,
      %get3A_598 = vector.shape_cast %get3A_597 : vector<1x16xf32> to vector<16xf32>
      %get3A_599 = arith.index_cast %add3A_516 : i32 to index
      %get3A_600 = arith.constant 304 : index
      %get3A_601 = tpu.vector_load %arg8[%get3A_599, %get3A_600] {strides = array<i32>} : memref<64x768xf32, #tpu.memory_space<vmem>>, vector<1x16xf32>,
      %get3A_602 = vector.shape_cast %get3A_601 : vector<1x16xf32> to vector<16xf32>
      %get3A_603 = arith.index_cast %add3A_516 : i32 to index
      %get3A_604 = arith.constant 320 : index
      %get3A_605 = tpu.vector_load %arg8[%get3A_603, %get3A_604] {strides = array<i32>} : memref<64x768xf32, #tpu.memory_space<vmem>>, vector<1x16xf32>,
      %get3A_606 = vector.shape_cast %get3A_605 : vector<1x16xf32> to vector<16xf32>
      %get3A_607 = arith.index_cast %add3A_516 : i32 to index
      %get3A_608 = arith.constant 336 : index
      %get3A_609 = tpu.vector_load %arg8[%get3A_607, %get3A_608] {strides = array<i32>} : memref<64x768xf32, #tpu.memory_space<vmem>>, vector<1x16xf32>,
      %get3A_610 = vector.shape_cast %get3A_609 : vector<1x16xf32> to vector<16xf32>
      %get3A_611 = arith.index_cast %add3A_516 : i32 to index
      %get3A_612 = arith.constant 352 : index
      %get3A_613 = tpu.vector_load %arg8[%get3A_611, %get3A_612] {strides = array<i32>} : memref<64x768xf32, #tpu.memory_space<vmem>>, vector<1x16xf32>,
      %get3A_614 = vector.shape_cast %get3A_613 : vector<1x16xf32> to vector<16xf32>
      %get3A_615 = arith.index_cast %add3A_516 : i32 to index
      %get3A_616 = arith.constant 368 : index
      %get3A_617 = tpu.vector_load %arg8[%get3A_615, %get3A_616] {strides = array<i32>} : memref<64x768xf32, #tpu.memory_space<vmem>>, vector<1x16xf32>,
      %get3A_618 = vector.shape_cast %get3A_617 : vector<1x16xf32> to vector<16xf32>
      %get3A_619 = arith.index_cast %add3A_516 : i32 to index
      %get3A_620 = arith.constant 384 : index
      %get3A_621 = tpu.vector_load %arg8[%get3A_619, %get3A_620] {strides = array<i32>} : memref<64x768xf32, #tpu.memory_space<vmem>>, vector<1x16xf32>,
      %get3A_622 = vector.shape_cast %get3A_621 : vector<1x16xf32> to vector<16xf32>
      %get3A_623 = arith.index_cast %add3A_516 : i32 to index
      %get3A_624 = arith.constant 400 : index
      %get3A_625 = tpu.vector_load %arg8[%get3A_623, %get3A_624] {strides = array<i32>} : memref<64x768xf32, #tpu.memory_space<vmem>>, vector<1x16xf32>,
      %get3A_626 = vector.shape_cast %get3A_625 : vector<1x16xf32> to vector<16xf32>
      %get3A_627 = arith.index_cast %add3A_516 : i32 to index
      %get3A_628 = arith.constant 416 : index
      %get3A_629 = tpu.vector_load %arg8[%get3A_627, %get3A_628] {strides = array<i32>} : memref<64x768xf32, #tpu.memory_space<vmem>>, vector<1x16xf32>,
      %get3A_630 = vector.shape_cast %get3A_629 : vector<1x16xf32> to vector<16xf32>
      %get3A_631 = arith.index_cast %add3A_516 : i32 to index
      %get3A_632 = arith.constant 432 : index
      %get3A_633 = tpu.vector_load %arg8[%get3A_631, %get3A_632] {strides = array<i32>} : memref<64x768xf32, #tpu.memory_space<vmem>>, vector<1x16xf32>,
      %get3A_634 = vector.shape_cast %get3A_633 : vector<1x16xf32> to vector<16xf32>
      %get3A_635 = arith.index_cast %add3A_516 : i32 to index
      %get3A_636 = arith.constant 448 : index
      %get3A_637 = tpu.vector_load %arg8[%get3A_635, %get3A_636] {strides = array<i32>} : memref<64x768xf32, #tpu.memory_space<vmem>>, vector<1x16xf32>,
      %get3A_638 = vector.shape_cast %get3A_637 : vector<1x16xf32> to vector<16xf32>
      %get3A_639 = arith.index_cast %add3A_516 : i32 to index
      %get3A_640 = arith.constant 464 : index
      %get3A_641 = tpu.vector_load %arg8[%get3A_639, %get3A_640] {strides = array<i32>} : memref<64x768xf32, #tpu.memory_space<vmem>>, vector<1x16xf32>,
      %get3A_642 = vector.shape_cast %get3A_641 : vector<1x16xf32> to vector<16xf32>
      %get3A_643 = arith.index_cast %add3A_516 : i32 to index
      %get3A_644 = arith.constant 480 : index
      %get3A_645 = tpu.vector_load %arg8[%get3A_643, %get3A_644] {strides = array<i32>} : memref<64x768xf32, #tpu.memory_space<vmem>>, vector<1x16xf32>,
      %get3A_646 = vector.shape_cast %get3A_645 : vector<1x16xf32> to vector<16xf32>
      %get3A_647 = arith.index_cast %add3A_516 : i32 to index
      %get3A_648 = arith.constant 496 : index
      %get3A_649 = tpu.vector_load %arg8[%get3A_647, %get3A_648] {strides = array<i32>} : memref<64x768xf32, #tpu.memory_space<vmem>>, vector<1x16xf32>,
      %get3A_650 = vector.shape_cast %get3A_649 : vector<1x16xf32> to vector<16xf32>
      %get3A_651 = arith.index_cast %add3A_516 : i32 to index
      %get3A_652 = arith.constant 512 : index
      %get3A_653 = tpu.vector_load %arg8[%get3A_651, %get3A_652] {strides = array<i32>} : memref<64x768xf32, #tpu.memory_space<vmem>>, vector<1x16xf32>,
      %get3A_654 = vector.shape_cast %get3A_653 : vector<1x16xf32> to vector<16xf32>
      %get3A_655 = arith.index_cast %add3A_516 : i32 to index
      %get3A_656 = arith.constant 528 : index
      %get3A_657 = tpu.vector_load %arg8[%get3A_655, %get3A_656] {strides = array<i32>} : memref<64x768xf32, #tpu.memory_space<vmem>>, vector<1x16xf32>,
      %get3A_658 = vector.shape_cast %get3A_657 : vector<1x16xf32> to vector<16xf32>
      %get3A_659 = arith.index_cast %add3A_516 : i32 to index
      %get3A_660 = arith.constant 544 : index
      %get3A_661 = tpu.vector_load %arg8[%get3A_659, %get3A_660] {strides = array<i32>} : memref<64x768xf32, #tpu.memory_space<vmem>>, vector<1x16xf32>,
      %get3A_662 = vector.shape_cast %get3A_661 : vector<1x16xf32> to vector<16xf32>
      %get3A_663 = arith.index_cast %add3A_516 : i32 to index
      %get3A_664 = arith.constant 560 : index
      %get3A_665 = tpu.vector_load %arg8[%get3A_663, %get3A_664] {strides = array<i32>} : memref<64x768xf32, #tpu.memory_space<vmem>>, vector<1x16xf32>,
      %get3A_666 = vector.shape_cast %get3A_665 : vector<1x16xf32> to vector<16xf32>
      %get3A_667 = arith.index_cast %add3A_516 : i32 to index
      %get3A_668 = arith.constant 576 : index
      %get3A_669 = tpu.vector_load %arg8[%get3A_667, %get3A_668] {strides = array<i32>} : memref<64x768xf32, #tpu.memory_space<vmem>>, vector<1x16xf32>,
      %get3A_670 = vector.shape_cast %get3A_669 : vector<1x16xf32> to vector<16xf32>
      %get3A_671 = arith.index_cast %add3A_516 : i32 to index
      %get3A_672 = arith.constant 592 : index
      %get3A_673 = tpu.vector_load %arg8[%get3A_671, %get3A_672] {strides = array<i32>} : memref<64x768xf32, #tpu.memory_space<vmem>>, vector<1x16xf32>,
      %get3A_674 = vector.shape_cast %get3A_673 : vector<1x16xf32> to vector<16xf32>
      %get3A_675 = arith.index_cast %add3A_516 : i32 to index
      %get3A_676 = arith.constant 608 : index
      %get3A_677 = tpu.vector_load %arg8[%get3A_675, %get3A_676] {strides = array<i32>} : memref<64x768xf32, #tpu.memory_space<vmem>>, vector<1x16xf32>,
      %get3A_678 = vector.shape_cast %get3A_677 : vector<1x16xf32> to vector<16xf32>
      %get3A_679 = arith.index_cast %add3A_516 : i32 to index
      %get3A_680 = arith.constant 624 : index
      %get3A_681 = tpu.vector_load %arg8[%get3A_679, %get3A_680] {strides = array<i32>} : memref<64x768xf32, #tpu.memory_space<vmem>>, vector<1x16xf32>,
      %get3A_682 = vector.shape_cast %get3A_681 : vector<1x16xf32> to vector<16xf32>
      %get3A_683 = arith.index_cast %add3A_516 : i32 to index
      %get3A_684 = arith.constant 640 : index
      %get3A_685 = tpu.vector_load %arg8[%get3A_683, %get3A_684] {strides = array<i32>} : memref<64x768xf32, #tpu.memory_space<vmem>>, vector<1x16xf32>,
      %get3A_686 = vector.shape_cast %get3A_685 : vector<1x16xf32> to vector<16xf32>
      %get3A_687 = arith.index_cast %add3A_516 : i32 to index
      %get3A_688 = arith.constant 656 : index
      %get3A_689 = tpu.vector_load %arg8[%get3A_687, %get3A_688] {strides = array<i32>} : memref<64x768xf32, #tpu.memory_space<vmem>>, vector<1x16xf32>,
      %get3A_690 = vector.shape_cast %get3A_689 : vector<1x16xf32> to vector<16xf32>
      %get3A_691 = arith.index_cast %add3A_516 : i32 to index
      %get3A_692 = arith.constant 672 : index
      %get3A_693 = tpu.vector_load %arg8[%get3A_691, %get3A_692] {strides = array<i32>} : memref<64x768xf32, #tpu.memory_space<vmem>>, vector<1x16xf32>,
      %get3A_694 = vector.shape_cast %get3A_693 : vector<1x16xf32> to vector<16xf32>
      %get3A_695 = arith.index_cast %add3A_516 : i32 to index
      %get3A_696 = arith.constant 688 : index
      %get3A_697 = tpu.vector_load %arg8[%get3A_695, %get3A_696] {strides = array<i32>} : memref<64x768xf32, #tpu.memory_space<vmem>>, vector<1x16xf32>,
      %get3A_698 = vector.shape_cast %get3A_697 : vector<1x16xf32> to vector<16xf32>
      %get3A_699 = arith.index_cast %add3A_516 : i32 to index
      %get3A_700 = arith.constant 704 : index
      %get3A_701 = tpu.vector_load %arg8[%get3A_699, %get3A_700] {strides = array<i32>} : memref<64x768xf32, #tpu.memory_space<vmem>>, vector<1x16xf32>,
      %get3A_702 = vector.shape_cast %get3A_701 : vector<1x16xf32> to vector<16xf32>
      %get3A_703 = arith.index_cast %add3A_516 : i32 to index
      %get3A_704 = arith.constant 720 : index
      %get3A_705 = tpu.vector_load %arg8[%get3A_703, %get3A_704] {strides = array<i32>} : memref<64x768xf32, #tpu.memory_space<vmem>>, vector<1x16xf32>,
      %get3A_706 = vector.shape_cast %get3A_705 : vector<1x16xf32> to vector<16xf32>
      %get3A_707 = arith.index_cast %add3A_516 : i32 to index
      %get3A_708 = arith.constant 736 : index
      %get3A_709 = tpu.vector_load %arg8[%get3A_707, %get3A_708] {strides = array<i32>} : memref<64x768xf32, #tpu.memory_space<vmem>>, vector<1x16xf32>,
      %get3A_710 = vector.shape_cast %get3A_709 : vector<1x16xf32> to vector<16xf32>
      %get3A_711 = arith.index_cast %add3A_516 : i32 to index
      %get3A_712 = arith.constant 752 : index
      %get3A_713 = tpu.vector_load %arg8[%get3A_711, %get3A_712] {strides = array<i32>} : memref<64x768xf32, #tpu.memory_space<vmem>>, vector<1x16xf32>,
      %get3A_714 = vector.shape_cast %get3A_713 : vector<1x16xf32> to vector<16xf32>
      %scan3A_715 = arith.constant 0 : i32
      %scan3A_716 = arith.constant 0 : i32
      %scan3A_717 = arith.constant 16 : i32
      %scan3A_718 = arith.addi %scan3A_716, %scan3A_717 : i32
      %scan3A_719 = arith.constant 1 : i32
      scf.for %scan3A_951 = %scan3A_716 to %scan3A_718 step %scan3A_719  : i32 {
        %get3A_952 = arith.index_cast %scan3A_951 : i32 to index
        %get3A_953 = arith.constant 0 : index
        %get3A_954 = tpu.vector_load %arg11[%get3A_952, %get3A_953] {strides = array<i32>} : memref<16x768xf32, #tpu.memory_space<vmem>>, vector<1x16xf32>,
        %get3A_955 = vector.shape_cast %get3A_954 : vector<1x16xf32> to vector<16xf32>
        %add3A_956 = arith.addf %get3A_955, %get3A_526 : vector<16xf32>
        %swap3A = arith.index_cast %scan3A_951 : i32 to index
        %swap3A_957 = arith.constant 0 : index
        %swap3A_958 = tpu.vector_load %arg11[%swap3A, %swap3A_957] {strides = array<i32>} : memref<16x768xf32, #tpu.memory_space<vmem>>, vector<1x16xf32>,
        %swap3A_959 = vector.shape_cast %swap3A_958 : vector<1x16xf32> to vector<16xf32>
        %swap3A_960 = vector.shape_cast %add3A_956 : vector<16xf32> to vector<1x16xf32>
        tpu.vector_store %arg11[%swap3A, %swap3A_957], %swap3A_960 {strides = array<i32>} : memref<16x768xf32, #tpu.memory_space<vmem>>, vector<1x16xf32>,
        %get3A_961 = arith.index_cast %scan3A_951 : i32 to index
        %get3A_962 = arith.constant 16 : index
        %get3A_963 = tpu.vector_load %arg11[%get3A_961, %get3A_962] {strides = array<i32>} : memref<16x768xf32, #tpu.memory_space<vmem>>, vector<1x16xf32>,
        %get3A_964 = vector.shape_cast %get3A_963 : vector<1x16xf32> to vector<16xf32>
        %add3A_965 = arith.addf %get3A_964, %get3A_530 : vector<16xf32>
        %swap3A_966 = arith.index_cast %scan3A_951 : i32 to index
        %swap3A_967 = arith.constant 16 : index
        %swap3A_968 = tpu.vector_load %arg11[%swap3A_966, %swap3A_967] {strides = array<i32>} : memref<16x768xf32, #tpu.memory_space<vmem>>, vector<1x16xf32>,
        %swap3A_969 = vector.shape_cast %swap3A_968 : vector<1x16xf32> to vector<16xf32>
        %swap3A_970 = vector.shape_cast %add3A_965 : vector<16xf32> to vector<1x16xf32>
        tpu.vector_store %arg11[%swap3A_966, %swap3A_967], %swap3A_970 {strides = array<i32>} : memref<16x768xf32, #tpu.memory_space<vmem>>, vector<1x16xf32>,
        %get3A_971 = arith.index_cast %scan3A_951 : i32 to index
        %get3A_972 = arith.constant 32 : index
        %get3A_973 = tpu.vector_load %arg11[%get3A_971, %get3A_972] {strides = array<i32>} : memref<16x768xf32, #tpu.memory_space<vmem>>, vector<1x16xf32>,
        %get3A_974 = vector.shape_cast %get3A_973 : vector<1x16xf32> to vector<16xf32>
        %add3A_975 = arith.addf %get3A_974, %get3A_534 : vector<16xf32>
        %swap3A_976 = arith.index_cast %scan3A_951 : i32 to index
        %swap3A_977 = arith.constant 32 : index
        %swap3A_978 = tpu.vector_load %arg11[%swap3A_976, %swap3A_977] {strides = array<i32>} : memref<16x768xf32, #tpu.memory_space<vmem>>, vector<1x16xf32>,
        %swap3A_979 = vector.shape_cast %swap3A_978 : vector<1x16xf32> to vector<16xf32>
        %swap3A_980 = vector.shape_cast %add3A_975 : vector<16xf32> to vector<1x16xf32>
        tpu.vector_store %arg11[%swap3A_976, %swap3A_977], %swap3A_980 {strides = array<i32>} : memref<16x768xf32, #tpu.memory_space<vmem>>, vector<1x16xf32>,
        %get3A_981 = arith.index_cast %scan3A_951 : i32 to index
        %get3A_982 = arith.constant 48 : index
        %get3A_983 = tpu.vector_load %arg11[%get3A_981, %get3A_982] {strides = array<i32>} : memref<16x768xf32, #tpu.memory_space<vmem>>, vector<1x16xf32>,
        %get3A_984 = vector.shape_cast %get3A_983 : vector<1x16xf32> to vector<16xf32>
        %add3A_985 = arith.addf %get3A_984, %get3A_538 : vector<16xf32>
        %swap3A_986 = arith.index_cast %scan3A_951 : i32 to index
        %swap3A_987 = arith.constant 48 : index
        %swap3A_988 = tpu.vector_load %arg11[%swap3A_986, %swap3A_987] {strides = array<i32>} : memref<16x768xf32, #tpu.memory_space<vmem>>, vector<1x16xf32>,
        %swap3A_989 = vector.shape_cast %swap3A_988 : vector<1x16xf32> to vector<16xf32>
        %swap3A_990 = vector.shape_cast %add3A_985 : vector<16xf32> to vector<1x16xf32>
        tpu.vector_store %arg11[%swap3A_986, %swap3A_987], %swap3A_990 {strides = array<i32>} : memref<16x768xf32, #tpu.memory_space<vmem>>, vector<1x16xf32>,
        %get3A_991 = arith.index_cast %scan3A_951 : i32 to index
        %get3A_992 = arith.constant 64 : index
        %get3A_993 = tpu.vector_load %arg11[%get3A_991, %get3A_992] {strides = array<i32>} : memref<16x768xf32, #tpu.memory_space<vmem>>, vector<1x16xf32>,
        %get3A_994 = vector.shape_cast %get3A_993 : vector<1x16xf32> to vector<16xf32>
        %add3A_995 = arith.addf %get3A_994, %get3A_542 : vector<16xf32>
        %swap3A_996 = arith.index_cast %scan3A_951 : i32 to index
        %swap3A_997 = arith.constant 64 : index
        %swap3A_998 = tpu.vector_load %arg11[%swap3A_996, %swap3A_997] {strides = array<i32>} : memref<16x768xf32, #tpu.memory_space<vmem>>, vector<1x16xf32>,
        %swap3A_999 = vector.shape_cast %swap3A_998 : vector<1x16xf32> to vector<16xf32>
        %swap3A_1000 = vector.shape_cast %add3A_995 : vector<16xf32> to vector<1x16xf32>
        tpu.vector_store %arg11[%swap3A_996, %swap3A_997], %swap3A_1000 {strides = array<i32>} : memref<16x768xf32, #tpu.memory_space<vmem>>, vector<1x16xf32>,
        %get3A_1001 = arith.index_cast %scan3A_951 : i32 to index
        %get3A_1002 = arith.constant 80 : index
        %get3A_1003 = tpu.vector_load %arg11[%get3A_1001, %get3A_1002] {strides = array<i32>} : memref<16x768xf32, #tpu.memory_space<vmem>>, vector<1x16xf32>,
        %get3A_1004 = vector.shape_cast %get3A_1003 : vector<1x16xf32> to vector<16xf32>
        %add3A_1005 = arith.addf %get3A_1004, %get3A_546 : vector<16xf32>
        %swap3A_1006 = arith.index_cast %scan3A_951 : i32 to index
        %swap3A_1007 = arith.constant 80 : index
        %swap3A_1008 = tpu.vector_load %arg11[%swap3A_1006, %swap3A_1007] {strides = array<i32>} : memref<16x768xf32, #tpu.memory_space<vmem>>, vector<1x16xf32>,
        %swap3A_1009 = vector.shape_cast %swap3A_1008 : vector<1x16xf32> to vector<16xf32>
        %swap3A_1010 = vector.shape_cast %add3A_1005 : vector<16xf32> to vector<1x16xf32>
        tpu.vector_store %arg11[%swap3A_1006, %swap3A_1007], %swap3A_1010 {strides = array<i32>} : memref<16x768xf32, #tpu.memory_space<vmem>>, vector<1x16xf32>,
        %get3A_1011 = arith.index_cast %scan3A_951 : i32 to index
        %get3A_1012 = arith.constant 96 : index
        %get3A_1013 = tpu.vector_load %arg11[%get3A_1011, %get3A_1012] {strides = array<i32>} : memref<16x768xf32, #tpu.memory_space<vmem>>, vector<1x16xf32>,
        %get3A_1014 = vector.shape_cast %get3A_1013 : vector<1x16xf32> to vector<16xf32>
        %add3A_1015 = arith.addf %get3A_1014, %get3A_550 : vector<16xf32>
        %swap3A_1016 = arith.index_cast %scan3A_951 : i32 to index
        %swap3A_1017 = arith.constant 96 : index
        %swap3A_1018 = tpu.vector_load %arg11[%swap3A_1016, %swap3A_1017] {strides = array<i32>} : memref<16x768xf32, #tpu.memory_space<vmem>>, vector<1x16xf32>,
        %swap3A_1019 = vector.shape_cast %swap3A_1018 : vector<1x16xf32> to vector<16xf32>
        %swap3A_1020 = vector.shape_cast %add3A_1015 : vector<16xf32> to vector<1x16xf32>
        tpu.vector_store %arg11[%swap3A_1016, %swap3A_1017], %swap3A_1020 {strides = array<i32>} : memref<16x768xf32, #tpu.memory_space<vmem>>, vector<1x16xf32>,
        %get3A_1021 = arith.index_cast %scan3A_951 : i32 to index
        %get3A_1022 = arith.constant 112 : index
        %get3A_1023 = tpu.vector_load %arg11[%get3A_1021, %get3A_1022] {strides = array<i32>} : memref<16x768xf32, #tpu.memory_space<vmem>>, vector<1x16xf32>,
        %get3A_1024 = vector.shape_cast %get3A_1023 : vector<1x16xf32> to vector<16xf32>
        %add3A_1025 = arith.addf %get3A_1024, %get3A_554 : vector<16xf32>
        %swap3A_1026 = arith.index_cast %scan3A_951 : i32 to index
        %swap3A_1027 = arith.constant 112 : index
        %swap3A_1028 = tpu.vector_load %arg11[%swap3A_1026, %swap3A_1027] {strides = array<i32>} : memref<16x768xf32, #tpu.memory_space<vmem>>, vector<1x16xf32>,
        %swap3A_1029 = vector.shape_cast %swap3A_1028 : vector<1x16xf32> to vector<16xf32>
        %swap3A_1030 = vector.shape_cast %add3A_1025 : vector<16xf32> to vector<1x16xf32>
        tpu.vector_store %arg11[%swap3A_1026, %swap3A_1027], %swap3A_1030 {strides = array<i32>} : memref<16x768xf32, #tpu.memory_space<vmem>>, vector<1x16xf32>,
        %get3A_1031 = arith.index_cast %scan3A_951 : i32 to index
        %get3A_1032 = arith.constant 128 : index
        %get3A_1033 = tpu.vector_load %arg11[%get3A_1031, %get3A_1032] {strides = array<i32>} : memref<16x768xf32, #tpu.memory_space<vmem>>, vector<1x16xf32>,
        %get3A_1034 = vector.shape_cast %get3A_1033 : vector<1x16xf32> to vector<16xf32>
        %add3A_1035 = arith.addf %get3A_1034, %get3A_558 : vector<16xf32>
        %swap3A_1036 = arith.index_cast %scan3A_951 : i32 to index
        %swap3A_1037 = arith.constant 128 : index
        %swap3A_1038 = tpu.vector_load %arg11[%swap3A_1036, %swap3A_1037] {strides = array<i32>} : memref<16x768xf32, #tpu.memory_space<vmem>>, vector<1x16xf32>,
        %swap3A_1039 = vector.shape_cast %swap3A_1038 : vector<1x16xf32> to vector<16xf32>
        %swap3A_1040 = vector.shape_cast %add3A_1035 : vector<16xf32> to vector<1x16xf32>
        tpu.vector_store %arg11[%swap3A_1036, %swap3A_1037], %swap3A_1040 {strides = array<i32>} : memref<16x768xf32, #tpu.memory_space<vmem>>, vector<1x16xf32>,
        %get3A_1041 = arith.index_cast %scan3A_951 : i32 to index
        %get3A_1042 = arith.constant 144 : index
        %get3A_1043 = tpu.vector_load %arg11[%get3A_1041, %get3A_1042] {strides = array<i32>} : memref<16x768xf32, #tpu.memory_space<vmem>>, vector<1x16xf32>,
        %get3A_1044 = vector.shape_cast %get3A_1043 : vector<1x16xf32> to vector<16xf32>
        %add3A_1045 = arith.addf %get3A_1044, %get3A_562 : vector<16xf32>
        %swap3A_1046 = arith.index_cast %scan3A_951 : i32 to index
        %swap3A_1047 = arith.constant 144 : index
        %swap3A_1048 = tpu.vector_load %arg11[%swap3A_1046, %swap3A_1047] {strides = array<i32>} : memref<16x768xf32, #tpu.memory_space<vmem>>, vector<1x16xf32>,
        %swap3A_1049 = vector.shape_cast %swap3A_1048 : vector<1x16xf32> to vector<16xf32>
        %swap3A_1050 = vector.shape_cast %add3A_1045 : vector<16xf32> to vector<1x16xf32>
        tpu.vector_store %arg11[%swap3A_1046, %swap3A_1047], %swap3A_1050 {strides = array<i32>} : memref<16x768xf32, #tpu.memory_space<vmem>>, vector<1x16xf32>,
        %get3A_1051 = arith.index_cast %scan3A_951 : i32 to index
        %get3A_1052 = arith.constant 160 : index
        %get3A_1053 = tpu.vector_load %arg11[%get3A_1051, %get3A_1052] {strides = array<i32>} : memref<16x768xf32, #tpu.memory_space<vmem>>, vector<1x16xf32>,
        %get3A_1054 = vector.shape_cast %get3A_1053 : vector<1x16xf32> to vector<16xf32>
        %add3A_1055 = arith.addf %get3A_1054, %get3A_566 : vector<16xf32>
        %swap3A_1056 = arith.index_cast %scan3A_951 : i32 to index
        %swap3A_1057 = arith.constant 160 : index
        %swap3A_1058 = tpu.vector_load %arg11[%swap3A_1056, %swap3A_1057] {strides = array<i32>} : memref<16x768xf32, #tpu.memory_space<vmem>>, vector<1x16xf32>,
        %swap3A_1059 = vector.shape_cast %swap3A_1058 : vector<1x16xf32> to vector<16xf32>
        %swap3A_1060 = vector.shape_cast %add3A_1055 : vector<16xf32> to vector<1x16xf32>
        tpu.vector_store %arg11[%swap3A_1056, %swap3A_1057], %swap3A_1060 {strides = array<i32>} : memref<16x768xf32, #tpu.memory_space<vmem>>, vector<1x16xf32>,
        %get3A_1061 = arith.index_cast %scan3A_951 : i32 to index
        %get3A_1062 = arith.constant 176 : index
        %get3A_1063 = tpu.vector_load %arg11[%get3A_1061, %get3A_1062] {strides = array<i32>} : memref<16x768xf32, #tpu.memory_space<vmem>>, vector<1x16xf32>,
        %get3A_1064 = vector.shape_cast %get3A_1063 : vector<1x16xf32> to vector<16xf32>
        %add3A_1065 = arith.addf %get3A_1064, %get3A_570 : vector<16xf32>
        %swap3A_1066 = arith.index_cast %scan3A_951 : i32 to index
        %swap3A_1067 = arith.constant 176 : index
        %swap3A_1068 = tpu.vector_load %arg11[%swap3A_1066, %swap3A_1067] {strides = array<i32>} : memref<16x768xf32, #tpu.memory_space<vmem>>, vector<1x16xf32>,
        %swap3A_1069 = vector.shape_cast %swap3A_1068 : vector<1x16xf32> to vector<16xf32>
        %swap3A_1070 = vector.shape_cast %add3A_1065 : vector<16xf32> to vector<1x16xf32>
        tpu.vector_store %arg11[%swap3A_1066, %swap3A_1067], %swap3A_1070 {strides = array<i32>} : memref<16x768xf32, #tpu.memory_space<vmem>>, vector<1x16xf32>,
        %get3A_1071 = arith.index_cast %scan3A_951 : i32 to index
        %get3A_1072 = arith.constant 192 : index
        %get3A_1073 = tpu.vector_load %arg11[%get3A_1071, %get3A_1072] {strides = array<i32>} : memref<16x768xf32, #tpu.memory_space<vmem>>, vector<1x16xf32>,
        %get3A_1074 = vector.shape_cast %get3A_1073 : vector<1x16xf32> to vector<16xf32>
        %add3A_1075 = arith.addf %get3A_1074, %get3A_574 : vector<16xf32>
        %swap3A_1076 = arith.index_cast %scan3A_951 : i32 to index
        %swap3A_1077 = arith.constant 192 : index
        %swap3A_1078 = tpu.vector_load %arg11[%swap3A_1076, %swap3A_1077] {strides = array<i32>} : memref<16x768xf32, #tpu.memory_space<vmem>>, vector<1x16xf32>,
        %swap3A_1079 = vector.shape_cast %swap3A_1078 : vector<1x16xf32> to vector<16xf32>
        %swap3A_1080 = vector.shape_cast %add3A_1075 : vector<16xf32> to vector<1x16xf32>
        tpu.vector_store %arg11[%swap3A_1076, %swap3A_1077], %swap3A_1080 {strides = array<i32>} : memref<16x768xf32, #tpu.memory_space<vmem>>, vector<1x16xf32>,
        %get3A_1081 = arith.index_cast %scan3A_951 : i32 to index
        %get3A_1082 = arith.constant 208 : index
        %get3A_1083 = tpu.vector_load %arg11[%get3A_1081, %get3A_1082] {strides = array<i32>} : memref<16x768xf32, #tpu.memory_space<vmem>>, vector<1x16xf32>,
        %get3A_1084 = vector.shape_cast %get3A_1083 : vector<1x16xf32> to vector<16xf32>
        %add3A_1085 = arith.addf %get3A_1084, %get3A_578 : vector<16xf32>
        %swap3A_1086 = arith.index_cast %scan3A_951 : i32 to index
        %swap3A_1087 = arith.constant 208 : index
        %swap3A_1088 = tpu.vector_load %arg11[%swap3A_1086, %swap3A_1087] {strides = array<i32>} : memref<16x768xf32, #tpu.memory_space<vmem>>, vector<1x16xf32>,
        %swap3A_1089 = vector.shape_cast %swap3A_1088 : vector<1x16xf32> to vector<16xf32>
        %swap3A_1090 = vector.shape_cast %add3A_1085 : vector<16xf32> to vector<1x16xf32>
        tpu.vector_store %arg11[%swap3A_1086, %swap3A_1087], %swap3A_1090 {strides = array<i32>} : memref<16x768xf32, #tpu.memory_space<vmem>>, vector<1x16xf32>,
        %get3A_1091 = arith.index_cast %scan3A_951 : i32 to index
        %get3A_1092 = arith.constant 224 : index
        %get3A_1093 = tpu.vector_load %arg11[%get3A_1091, %get3A_1092] {strides = array<i32>} : memref<16x768xf32, #tpu.memory_space<vmem>>, vector<1x16xf32>,
        %get3A_1094 = vector.shape_cast %get3A_1093 : vector<1x16xf32> to vector<16xf32>
        %add3A_1095 = arith.addf %get3A_1094, %get3A_582 : vector<16xf32>
        %swap3A_1096 = arith.index_cast %scan3A_951 : i32 to index
        %swap3A_1097 = arith.constant 224 : index
        %swap3A_1098 = tpu.vector_load %arg11[%swap3A_1096, %swap3A_1097] {strides = array<i32>} : memref<16x768xf32, #tpu.memory_space<vmem>>, vector<1x16xf32>,
        %swap3A_1099 = vector.shape_cast %swap3A_1098 : vector<1x16xf32> to vector<16xf32>
        %swap3A_1100 = vector.shape_cast %add3A_1095 : vector<16xf32> to vector<1x16xf32>
        tpu.vector_store %arg11[%swap3A_1096, %swap3A_1097], %swap3A_1100 {strides = array<i32>} : memref<16x768xf32, #tpu.memory_space<vmem>>, vector<1x16xf32>,
        %get3A_1101 = arith.index_cast %scan3A_951 : i32 to index
        %get3A_1102 = arith.constant 240 : index
        %get3A_1103 = tpu.vector_load %arg11[%get3A_1101, %get3A_1102] {strides = array<i32>} : memref<16x768xf32, #tpu.memory_space<vmem>>, vector<1x16xf32>,
        %get3A_1104 = vector.shape_cast %get3A_1103 : vector<1x16xf32> to vector<16xf32>
        %add3A_1105 = arith.addf %get3A_1104, %get3A_586 : vector<16xf32>
        %swap3A_1106 = arith.index_cast %scan3A_951 : i32 to index
        %swap3A_1107 = arith.constant 240 : index
        %swap3A_1108 = tpu.vector_load %arg11[%swap3A_1106, %swap3A_1107] {strides = array<i32>} : memref<16x768xf32, #tpu.memory_space<vmem>>, vector<1x16xf32>,
        %swap3A_1109 = vector.shape_cast %swap3A_1108 : vector<1x16xf32> to vector<16xf32>
        %swap3A_1110 = vector.shape_cast %add3A_1105 : vector<16xf32> to vector<1x16xf32>
        tpu.vector_store %arg11[%swap3A_1106, %swap3A_1107], %swap3A_1110 {strides = array<i32>} : memref<16x768xf32, #tpu.memory_space<vmem>>, vector<1x16xf32>,
        %get3A_1111 = arith.index_cast %scan3A_951 : i32 to index
        %get3A_1112 = arith.constant 256 : index
        %get3A_1113 = tpu.vector_load %arg11[%get3A_1111, %get3A_1112] {strides = array<i32>} : memref<16x768xf32, #tpu.memory_space<vmem>>, vector<1x16xf32>,
        %get3A_1114 = vector.shape_cast %get3A_1113 : vector<1x16xf32> to vector<16xf32>
        %add3A_1115 = arith.addf %get3A_1114, %get3A_590 : vector<16xf32>
        %swap3A_1116 = arith.index_cast %scan3A_951 : i32 to index
        %swap3A_1117 = arith.constant 256 : index
        %swap3A_1118 = tpu.vector_load %arg11[%swap3A_1116, %swap3A_1117] {strides = array<i32>} : memref<16x768xf32, #tpu.memory_space<vmem>>, vector<1x16xf32>,
        %swap3A_1119 = vector.shape_cast %swap3A_1118 : vector<1x16xf32> to vector<16xf32>
        %swap3A_1120 = vector.shape_cast %add3A_1115 : vector<16xf32> to vector<1x16xf32>
        tpu.vector_store %arg11[%swap3A_1116, %swap3A_1117], %swap3A_1120 {strides = array<i32>} : memref<16x768xf32, #tpu.memory_space<vmem>>, vector<1x16xf32>,
        %get3A_1121 = arith.index_cast %scan3A_951 : i32 to index
        %get3A_1122 = arith.constant 272 : index
        %get3A_1123 = tpu.vector_load %arg11[%get3A_1121, %get3A_1122] {strides = array<i32>} : memref<16x768xf32, #tpu.memory_space<vmem>>, vector<1x16xf32>,
        %get3A_1124 = vector.shape_cast %get3A_1123 : vector<1x16xf32> to vector<16xf32>
        %add3A_1125 = arith.addf %get3A_1124, %get3A_594 : vector<16xf32>
        %swap3A_1126 = arith.index_cast %scan3A_951 : i32 to index
        %swap3A_1127 = arith.constant 272 : index
        %swap3A_1128 = tpu.vector_load %arg11[%swap3A_1126, %swap3A_1127] {strides = array<i32>} : memref<16x768xf32, #tpu.memory_space<vmem>>, vector<1x16xf32>,
        %swap3A_1129 = vector.shape_cast %swap3A_1128 : vector<1x16xf32> to vector<16xf32>
        %swap3A_1130 = vector.shape_cast %add3A_1125 : vector<16xf32> to vector<1x16xf32>
        tpu.vector_store %arg11[%swap3A_1126, %swap3A_1127], %swap3A_1130 {strides = array<i32>} : memref<16x768xf32, #tpu.memory_space<vmem>>, vector<1x16xf32>,
        %get3A_1131 = arith.index_cast %scan3A_951 : i32 to index
        %get3A_1132 = arith.constant 288 : index
        %get3A_1133 = tpu.vector_load %arg11[%get3A_1131, %get3A_1132] {strides = array<i32>} : memref<16x768xf32, #tpu.memory_space<vmem>>, vector<1x16xf32>,
        %get3A_1134 = vector.shape_cast %get3A_1133 : vector<1x16xf32> to vector<16xf32>
        %add3A_1135 = arith.addf %get3A_1134, %get3A_598 : vector<16xf32>
        %swap3A_1136 = arith.index_cast %scan3A_951 : i32 to index
        %swap3A_1137 = arith.constant 288 : index
        %swap3A_1138 = tpu.vector_load %arg11[%swap3A_1136, %swap3A_1137] {strides = array<i32>} : memref<16x768xf32, #tpu.memory_space<vmem>>, vector<1x16xf32>,
        %swap3A_1139 = vector.shape_cast %swap3A_1138 : vector<1x16xf32> to vector<16xf32>
        %swap3A_1140 = vector.shape_cast %add3A_1135 : vector<16xf32> to vector<1x16xf32>
        tpu.vector_store %arg11[%swap3A_1136, %swap3A_1137], %swap3A_1140 {strides = array<i32>} : memref<16x768xf32, #tpu.memory_space<vmem>>, vector<1x16xf32>,
        %get3A_1141 = arith.index_cast %scan3A_951 : i32 to index
        %get3A_1142 = arith.constant 304 : index
        %get3A_1143 = tpu.vector_load %arg11[%get3A_1141, %get3A_1142] {strides = array<i32>} : memref<16x768xf32, #tpu.memory_space<vmem>>, vector<1x16xf32>,
        %get3A_1144 = vector.shape_cast %get3A_1143 : vector<1x16xf32> to vector<16xf32>
        %add3A_1145 = arith.addf %get3A_1144, %get3A_602 : vector<16xf32>
        %swap3A_1146 = arith.index_cast %scan3A_951 : i32 to index
        %swap3A_1147 = arith.constant 304 : index
        %swap3A_1148 = tpu.vector_load %arg11[%swap3A_1146, %swap3A_1147] {strides = array<i32>} : memref<16x768xf32, #tpu.memory_space<vmem>>, vector<1x16xf32>,
        %swap3A_1149 = vector.shape_cast %swap3A_1148 : vector<1x16xf32> to vector<16xf32>
        %swap3A_1150 = vector.shape_cast %add3A_1145 : vector<16xf32> to vector<1x16xf32>
        tpu.vector_store %arg11[%swap3A_1146, %swap3A_1147], %swap3A_1150 {strides = array<i32>} : memref<16x768xf32, #tpu.memory_space<vmem>>, vector<1x16xf32>,
        %get3A_1151 = arith.index_cast %scan3A_951 : i32 to index
        %get3A_1152 = arith.constant 320 : index
        %get3A_1153 = tpu.vector_load %arg11[%get3A_1151, %get3A_1152] {strides = array<i32>} : memref<16x768xf32, #tpu.memory_space<vmem>>, vector<1x16xf32>,
        %get3A_1154 = vector.shape_cast %get3A_1153 : vector<1x16xf32> to vector<16xf32>
        %add3A_1155 = arith.addf %get3A_1154, %get3A_606 : vector<16xf32>
        %swap3A_1156 = arith.index_cast %scan3A_951 : i32 to index
        %swap3A_1157 = arith.constant 320 : index
        %swap3A_1158 = tpu.vector_load %arg11[%swap3A_1156, %swap3A_1157] {strides = array<i32>} : memref<16x768xf32, #tpu.memory_space<vmem>>, vector<1x16xf32>,
        %swap3A_1159 = vector.shape_cast %swap3A_1158 : vector<1x16xf32> to vector<16xf32>
        %swap3A_1160 = vector.shape_cast %add3A_1155 : vector<16xf32> to vector<1x16xf32>
        tpu.vector_store %arg11[%swap3A_1156, %swap3A_1157], %swap3A_1160 {strides = array<i32>} : memref<16x768xf32, #tpu.memory_space<vmem>>, vector<1x16xf32>,
        %get3A_1161 = arith.index_cast %scan3A_951 : i32 to index
        %get3A_1162 = arith.constant 336 : index
        %get3A_1163 = tpu.vector_load %arg11[%get3A_1161, %get3A_1162] {strides = array<i32>} : memref<16x768xf32, #tpu.memory_space<vmem>>, vector<1x16xf32>,
        %get3A_1164 = vector.shape_cast %get3A_1163 : vector<1x16xf32> to vector<16xf32>
        %add3A_1165 = arith.addf %get3A_1164, %get3A_610 : vector<16xf32>
        %swap3A_1166 = arith.index_cast %scan3A_951 : i32 to index
        %swap3A_1167 = arith.constant 336 : index
        %swap3A_1168 = tpu.vector_load %arg11[%swap3A_1166, %swap3A_1167] {strides = array<i32>} : memref<16x768xf32, #tpu.memory_space<vmem>>, vector<1x16xf32>,
        %swap3A_1169 = vector.shape_cast %swap3A_1168 : vector<1x16xf32> to vector<16xf32>
        %swap3A_1170 = vector.shape_cast %add3A_1165 : vector<16xf32> to vector<1x16xf32>
        tpu.vector_store %arg11[%swap3A_1166, %swap3A_1167], %swap3A_1170 {strides = array<i32>} : memref<16x768xf32, #tpu.memory_space<vmem>>, vector<1x16xf32>,
        %get3A_1171 = arith.index_cast %scan3A_951 : i32 to index
        %get3A_1172 = arith.constant 352 : index
        %get3A_1173 = tpu.vector_load %arg11[%get3A_1171, %get3A_1172] {strides = array<i32>} : memref<16x768xf32, #tpu.memory_space<vmem>>, vector<1x16xf32>,
        %get3A_1174 = vector.shape_cast %get3A_1173 : vector<1x16xf32> to vector<16xf32>
        %add3A_1175 = arith.addf %get3A_1174, %get3A_614 : vector<16xf32>
        %swap3A_1176 = arith.index_cast %scan3A_951 : i32 to index
        %swap3A_1177 = arith.constant 352 : index
        %swap3A_1178 = tpu.vector_load %arg11[%swap3A_1176, %swap3A_1177] {strides = array<i32>} : memref<16x768xf32, #tpu.memory_space<vmem>>, vector<1x16xf32>,
        %swap3A_1179 = vector.shape_cast %swap3A_1178 : vector<1x16xf32> to vector<16xf32>
        %swap3A_1180 = vector.shape_cast %add3A_1175 : vector<16xf32> to vector<1x16xf32>
        tpu.vector_store %arg11[%swap3A_1176, %swap3A_1177], %swap3A_1180 {strides = array<i32>} : memref<16x768xf32, #tpu.memory_space<vmem>>, vector<1x16xf32>,
        %get3A_1181 = arith.index_cast %scan3A_951 : i32 to index
        %get3A_1182 = arith.constant 368 : index
        %get3A_1183 = tpu.vector_load %arg11[%get3A_1181, %get3A_1182] {strides = array<i32>} : memref<16x768xf32, #tpu.memory_space<vmem>>, vector<1x16xf32>,
        %get3A_1184 = vector.shape_cast %get3A_1183 : vector<1x16xf32> to vector<16xf32>
        %add3A_1185 = arith.addf %get3A_1184, %get3A_618 : vector<16xf32>
        %swap3A_1186 = arith.index_cast %scan3A_951 : i32 to index
        %swap3A_1187 = arith.constant 368 : index
        %swap3A_1188 = tpu.vector_load %arg11[%swap3A_1186, %swap3A_1187] {strides = array<i32>} : memref<16x768xf32, #tpu.memory_space<vmem>>, vector<1x16xf32>,
        %swap3A_1189 = vector.shape_cast %swap3A_1188 : vector<1x16xf32> to vector<16xf32>
        %swap3A_1190 = vector.shape_cast %add3A_1185 : vector<16xf32> to vector<1x16xf32>
        tpu.vector_store %arg11[%swap3A_1186, %swap3A_1187], %swap3A_1190 {strides = array<i32>} : memref<16x768xf32, #tpu.memory_space<vmem>>, vector<1x16xf32>,
        %get3A_1191 = arith.index_cast %scan3A_951 : i32 to index
        %get3A_1192 = arith.constant 384 : index
        %get3A_1193 = tpu.vector_load %arg11[%get3A_1191, %get3A_1192] {strides = array<i32>} : memref<16x768xf32, #tpu.memory_space<vmem>>, vector<1x16xf32>,
        %get3A_1194 = vector.shape_cast %get3A_1193 : vector<1x16xf32> to vector<16xf32>
        %add3A_1195 = arith.addf %get3A_1194, %get3A_622 : vector<16xf32>
        %swap3A_1196 = arith.index_cast %scan3A_951 : i32 to index
        %swap3A_1197 = arith.constant 384 : index
        %swap3A_1198 = tpu.vector_load %arg11[%swap3A_1196, %swap3A_1197] {strides = array<i32>} : memref<16x768xf32, #tpu.memory_space<vmem>>, vector<1x16xf32>,
        %swap3A_1199 = vector.shape_cast %swap3A_1198 : vector<1x16xf32> to vector<16xf32>
        %swap3A_1200 = vector.shape_cast %add3A_1195 : vector<16xf32> to vector<1x16xf32>
        tpu.vector_store %arg11[%swap3A_1196, %swap3A_1197], %swap3A_1200 {strides = array<i32>} : memref<16x768xf32, #tpu.memory_space<vmem>>, vector<1x16xf32>,
        %get3A_1201 = arith.index_cast %scan3A_951 : i32 to index
        %get3A_1202 = arith.constant 400 : index
        %get3A_1203 = tpu.vector_load %arg11[%get3A_1201, %get3A_1202] {strides = array<i32>} : memref<16x768xf32, #tpu.memory_space<vmem>>, vector<1x16xf32>,
        %get3A_1204 = vector.shape_cast %get3A_1203 : vector<1x16xf32> to vector<16xf32>
        %add3A_1205 = arith.addf %get3A_1204, %get3A_626 : vector<16xf32>
        %swap3A_1206 = arith.index_cast %scan3A_951 : i32 to index
        %swap3A_1207 = arith.constant 400 : index
        %swap3A_1208 = tpu.vector_load %arg11[%swap3A_1206, %swap3A_1207] {strides = array<i32>} : memref<16x768xf32, #tpu.memory_space<vmem>>, vector<1x16xf32>,
        %swap3A_1209 = vector.shape_cast %swap3A_1208 : vector<1x16xf32> to vector<16xf32>
        %swap3A_1210 = vector.shape_cast %add3A_1205 : vector<16xf32> to vector<1x16xf32>
        tpu.vector_store %arg11[%swap3A_1206, %swap3A_1207], %swap3A_1210 {strides = array<i32>} : memref<16x768xf32, #tpu.memory_space<vmem>>, vector<1x16xf32>,
        %get3A_1211 = arith.index_cast %scan3A_951 : i32 to index
        %get3A_1212 = arith.constant 416 : index
        %get3A_1213 = tpu.vector_load %arg11[%get3A_1211, %get3A_1212] {strides = array<i32>} : memref<16x768xf32, #tpu.memory_space<vmem>>, vector<1x16xf32>,
        %get3A_1214 = vector.shape_cast %get3A_1213 : vector<1x16xf32> to vector<16xf32>
        %add3A_1215 = arith.addf %get3A_1214, %get3A_630 : vector<16xf32>
        %swap3A_1216 = arith.index_cast %scan3A_951 : i32 to index
        %swap3A_1217 = arith.constant 416 : index
        %swap3A_1218 = tpu.vector_load %arg11[%swap3A_1216, %swap3A_1217] {strides = array<i32>} : memref<16x768xf32, #tpu.memory_space<vmem>>, vector<1x16xf32>,
        %swap3A_1219 = vector.shape_cast %swap3A_1218 : vector<1x16xf32> to vector<16xf32>
        %swap3A_1220 = vector.shape_cast %add3A_1215 : vector<16xf32> to vector<1x16xf32>
        tpu.vector_store %arg11[%swap3A_1216, %swap3A_1217], %swap3A_1220 {strides = array<i32>} : memref<16x768xf32, #tpu.memory_space<vmem>>, vector<1x16xf32>,
        %get3A_1221 = arith.index_cast %scan3A_951 : i32 to index
        %get3A_1222 = arith.constant 432 : index
        %get3A_1223 = tpu.vector_load %arg11[%get3A_1221, %get3A_1222] {strides = array<i32>} : memref<16x768xf32, #tpu.memory_space<vmem>>, vector<1x16xf32>,
        %get3A_1224 = vector.shape_cast %get3A_1223 : vector<1x16xf32> to vector<16xf32>
        %add3A_1225 = arith.addf %get3A_1224, %get3A_634 : vector<16xf32>
        %swap3A_1226 = arith.index_cast %scan3A_951 : i32 to index
        %swap3A_1227 = arith.constant 432 : index
        %swap3A_1228 = tpu.vector_load %arg11[%swap3A_1226, %swap3A_1227] {strides = array<i32>} : memref<16x768xf32, #tpu.memory_space<vmem>>, vector<1x16xf32>,
        %swap3A_1229 = vector.shape_cast %swap3A_1228 : vector<1x16xf32> to vector<16xf32>
        %swap3A_1230 = vector.shape_cast %add3A_1225 : vector<16xf32> to vector<1x16xf32>
        tpu.vector_store %arg11[%swap3A_1226, %swap3A_1227], %swap3A_1230 {strides = array<i32>} : memref<16x768xf32, #tpu.memory_space<vmem>>, vector<1x16xf32>,
        %get3A_1231 = arith.index_cast %scan3A_951 : i32 to index
        %get3A_1232 = arith.constant 448 : index
        %get3A_1233 = tpu.vector_load %arg11[%get3A_1231, %get3A_1232] {strides = array<i32>} : memref<16x768xf32, #tpu.memory_space<vmem>>, vector<1x16xf32>,
        %get3A_1234 = vector.shape_cast %get3A_1233 : vector<1x16xf32> to vector<16xf32>
        %add3A_1235 = arith.addf %get3A_1234, %get3A_638 : vector<16xf32>
        %swap3A_1236 = arith.index_cast %scan3A_951 : i32 to index
        %swap3A_1237 = arith.constant 448 : index
        %swap3A_1238 = tpu.vector_load %arg11[%swap3A_1236, %swap3A_1237] {strides = array<i32>} : memref<16x768xf32, #tpu.memory_space<vmem>>, vector<1x16xf32>,
        %swap3A_1239 = vector.shape_cast %swap3A_1238 : vector<1x16xf32> to vector<16xf32>
        %swap3A_1240 = vector.shape_cast %add3A_1235 : vector<16xf32> to vector<1x16xf32>
        tpu.vector_store %arg11[%swap3A_1236, %swap3A_1237], %swap3A_1240 {strides = array<i32>} : memref<16x768xf32, #tpu.memory_space<vmem>>, vector<1x16xf32>,
        %get3A_1241 = arith.index_cast %scan3A_951 : i32 to index
        %get3A_1242 = arith.constant 464 : index
        %get3A_1243 = tpu.vector_load %arg11[%get3A_1241, %get3A_1242] {strides = array<i32>} : memref<16x768xf32, #tpu.memory_space<vmem>>, vector<1x16xf32>,
        %get3A_1244 = vector.shape_cast %get3A_1243 : vector<1x16xf32> to vector<16xf32>
        %add3A_1245 = arith.addf %get3A_1244, %get3A_642 : vector<16xf32>
        %swap3A_1246 = arith.index_cast %scan3A_951 : i32 to index
        %swap3A_1247 = arith.constant 464 : index
        %swap3A_1248 = tpu.vector_load %arg11[%swap3A_1246, %swap3A_1247] {strides = array<i32>} : memref<16x768xf32, #tpu.memory_space<vmem>>, vector<1x16xf32>,
        %swap3A_1249 = vector.shape_cast %swap3A_1248 : vector<1x16xf32> to vector<16xf32>
        %swap3A_1250 = vector.shape_cast %add3A_1245 : vector<16xf32> to vector<1x16xf32>
        tpu.vector_store %arg11[%swap3A_1246, %swap3A_1247], %swap3A_1250 {strides = array<i32>} : memref<16x768xf32, #tpu.memory_space<vmem>>, vector<1x16xf32>,
        %get3A_1251 = arith.index_cast %scan3A_951 : i32 to index
        %get3A_1252 = arith.constant 480 : index
        %get3A_1253 = tpu.vector_load %arg11[%get3A_1251, %get3A_1252] {strides = array<i32>} : memref<16x768xf32, #tpu.memory_space<vmem>>, vector<1x16xf32>,
        %get3A_1254 = vector.shape_cast %get3A_1253 : vector<1x16xf32> to vector<16xf32>
        %add3A_1255 = arith.addf %get3A_1254, %get3A_646 : vector<16xf32>
        %swap3A_1256 = arith.index_cast %scan3A_951 : i32 to index
        %swap3A_1257 = arith.constant 480 : index
        %swap3A_1258 = tpu.vector_load %arg11[%swap3A_1256, %swap3A_1257] {strides = array<i32>} : memref<16x768xf32, #tpu.memory_space<vmem>>, vector<1x16xf32>,
        %swap3A_1259 = vector.shape_cast %swap3A_1258 : vector<1x16xf32> to vector<16xf32>
        %swap3A_1260 = vector.shape_cast %add3A_1255 : vector<16xf32> to vector<1x16xf32>
        tpu.vector_store %arg11[%swap3A_1256, %swap3A_1257], %swap3A_1260 {strides = array<i32>} : memref<16x768xf32, #tpu.memory_space<vmem>>, vector<1x16xf32>,
        %get3A_1261 = arith.index_cast %scan3A_951 : i32 to index
        %get3A_1262 = arith.constant 496 : index
        %get3A_1263 = tpu.vector_load %arg11[%get3A_1261, %get3A_1262] {strides = array<i32>} : memref<16x768xf32, #tpu.memory_space<vmem>>, vector<1x16xf32>,
        %get3A_1264 = vector.shape_cast %get3A_1263 : vector<1x16xf32> to vector<16xf32>
        %add3A_1265 = arith.addf %get3A_1264, %get3A_650 : vector<16xf32>
        %swap3A_1266 = arith.index_cast %scan3A_951 : i32 to index
        %swap3A_1267 = arith.constant 496 : index
        %swap3A_1268 = tpu.vector_load %arg11[%swap3A_1266, %swap3A_1267] {strides = array<i32>} : memref<16x768xf32, #tpu.memory_space<vmem>>, vector<1x16xf32>,
        %swap3A_1269 = vector.shape_cast %swap3A_1268 : vector<1x16xf32> to vector<16xf32>
        %swap3A_1270 = vector.shape_cast %add3A_1265 : vector<16xf32> to vector<1x16xf32>
        tpu.vector_store %arg11[%swap3A_1266, %swap3A_1267], %swap3A_1270 {strides = array<i32>} : memref<16x768xf32, #tpu.memory_space<vmem>>, vector<1x16xf32>,
        %get3A_1271 = arith.index_cast %scan3A_951 : i32 to index
        %get3A_1272 = arith.constant 512 : index
        %get3A_1273 = tpu.vector_load %arg11[%get3A_1271, %get3A_1272] {strides = array<i32>} : memref<16x768xf32, #tpu.memory_space<vmem>>, vector<1x16xf32>,
        %get3A_1274 = vector.shape_cast %get3A_1273 : vector<1x16xf32> to vector<16xf32>
        %add3A_1275 = arith.addf %get3A_1274, %get3A_654 : vector<16xf32>
        %swap3A_1276 = arith.index_cast %scan3A_951 : i32 to index
        %swap3A_1277 = arith.constant 512 : index
        %swap3A_1278 = tpu.vector_load %arg11[%swap3A_1276, %swap3A_1277] {strides = array<i32>} : memref<16x768xf32, #tpu.memory_space<vmem>>, vector<1x16xf32>,
        %swap3A_1279 = vector.shape_cast %swap3A_1278 : vector<1x16xf32> to vector<16xf32>
        %swap3A_1280 = vector.shape_cast %add3A_1275 : vector<16xf32> to vector<1x16xf32>
        tpu.vector_store %arg11[%swap3A_1276, %swap3A_1277], %swap3A_1280 {strides = array<i32>} : memref<16x768xf32, #tpu.memory_space<vmem>>, vector<1x16xf32>,
        %get3A_1281 = arith.index_cast %scan3A_951 : i32 to index
        %get3A_1282 = arith.constant 528 : index
        %get3A_1283 = tpu.vector_load %arg11[%get3A_1281, %get3A_1282] {strides = array<i32>} : memref<16x768xf32, #tpu.memory_space<vmem>>, vector<1x16xf32>,
        %get3A_1284 = vector.shape_cast %get3A_1283 : vector<1x16xf32> to vector<16xf32>
        %add3A_1285 = arith.addf %get3A_1284, %get3A_658 : vector<16xf32>
        %swap3A_1286 = arith.index_cast %scan3A_951 : i32 to index
        %swap3A_1287 = arith.constant 528 : index
        %swap3A_1288 = tpu.vector_load %arg11[%swap3A_1286, %swap3A_1287] {strides = array<i32>} : memref<16x768xf32, #tpu.memory_space<vmem>>, vector<1x16xf32>,
        %swap3A_1289 = vector.shape_cast %swap3A_1288 : vector<1x16xf32> to vector<16xf32>
        %swap3A_1290 = vector.shape_cast %add3A_1285 : vector<16xf32> to vector<1x16xf32>
        tpu.vector_store %arg11[%swap3A_1286, %swap3A_1287], %swap3A_1290 {strides = array<i32>} : memref<16x768xf32, #tpu.memory_space<vmem>>, vector<1x16xf32>,
        %get3A_1291 = arith.index_cast %scan3A_951 : i32 to index
        %get3A_1292 = arith.constant 544 : index
        %get3A_1293 = tpu.vector_load %arg11[%get3A_1291, %get3A_1292] {strides = array<i32>} : memref<16x768xf32, #tpu.memory_space<vmem>>, vector<1x16xf32>,
        %get3A_1294 = vector.shape_cast %get3A_1293 : vector<1x16xf32> to vector<16xf32>
        %add3A_1295 = arith.addf %get3A_1294, %get3A_662 : vector<16xf32>
        %swap3A_1296 = arith.index_cast %scan3A_951 : i32 to index
        %swap3A_1297 = arith.constant 544 : index
        %swap3A_1298 = tpu.vector_load %arg11[%swap3A_1296, %swap3A_1297] {strides = array<i32>} : memref<16x768xf32, #tpu.memory_space<vmem>>, vector<1x16xf32>,
        %swap3A_1299 = vector.shape_cast %swap3A_1298 : vector<1x16xf32> to vector<16xf32>
        %swap3A_1300 = vector.shape_cast %add3A_1295 : vector<16xf32> to vector<1x16xf32>
        tpu.vector_store %arg11[%swap3A_1296, %swap3A_1297], %swap3A_1300 {strides = array<i32>} : memref<16x768xf32, #tpu.memory_space<vmem>>, vector<1x16xf32>,
        %get3A_1301 = arith.index_cast %scan3A_951 : i32 to index
        %get3A_1302 = arith.constant 560 : index
        %get3A_1303 = tpu.vector_load %arg11[%get3A_1301, %get3A_1302] {strides = array<i32>} : memref<16x768xf32, #tpu.memory_space<vmem>>, vector<1x16xf32>,
        %get3A_1304 = vector.shape_cast %get3A_1303 : vector<1x16xf32> to vector<16xf32>
        %add3A_1305 = arith.addf %get3A_1304, %get3A_666 : vector<16xf32>
        %swap3A_1306 = arith.index_cast %scan3A_951 : i32 to index
        %swap3A_1307 = arith.constant 560 : index
        %swap3A_1308 = tpu.vector_load %arg11[%swap3A_1306, %swap3A_1307] {strides = array<i32>} : memref<16x768xf32, #tpu.memory_space<vmem>>, vector<1x16xf32>,
        %swap3A_1309 = vector.shape_cast %swap3A_1308 : vector<1x16xf32> to vector<16xf32>
        %swap3A_1310 = vector.shape_cast %add3A_1305 : vector<16xf32> to vector<1x16xf32>
        tpu.vector_store %arg11[%swap3A_1306, %swap3A_1307], %swap3A_1310 {strides = array<i32>} : memref<16x768xf32, #tpu.memory_space<vmem>>, vector<1x16xf32>,
        %get3A_1311 = arith.index_cast %scan3A_951 : i32 to index
        %get3A_1312 = arith.constant 576 : index
        %get3A_1313 = tpu.vector_load %arg11[%get3A_1311, %get3A_1312] {strides = array<i32>} : memref<16x768xf32, #tpu.memory_space<vmem>>, vector<1x16xf32>,
        %get3A_1314 = vector.shape_cast %get3A_1313 : vector<1x16xf32> to vector<16xf32>
        %add3A_1315 = arith.addf %get3A_1314, %get3A_670 : vector<16xf32>
        %swap3A_1316 = arith.index_cast %scan3A_951 : i32 to index
        %swap3A_1317 = arith.constant 576 : index
        %swap3A_1318 = tpu.vector_load %arg11[%swap3A_1316, %swap3A_1317] {strides = array<i32>} : memref<16x768xf32, #tpu.memory_space<vmem>>, vector<1x16xf32>,
        %swap3A_1319 = vector.shape_cast %swap3A_1318 : vector<1x16xf32> to vector<16xf32>
        %swap3A_1320 = vector.shape_cast %add3A_1315 : vector<16xf32> to vector<1x16xf32>
        tpu.vector_store %arg11[%swap3A_1316, %swap3A_1317], %swap3A_1320 {strides = array<i32>} : memref<16x768xf32, #tpu.memory_space<vmem>>, vector<1x16xf32>,
        %get3A_1321 = arith.index_cast %scan3A_951 : i32 to index
        %get3A_1322 = arith.constant 592 : index
        %get3A_1323 = tpu.vector_load %arg11[%get3A_1321, %get3A_1322] {strides = array<i32>} : memref<16x768xf32, #tpu.memory_space<vmem>>, vector<1x16xf32>,
        %get3A_1324 = vector.shape_cast %get3A_1323 : vector<1x16xf32> to vector<16xf32>
        %add3A_1325 = arith.addf %get3A_1324, %get3A_674 : vector<16xf32>
        %swap3A_1326 = arith.index_cast %scan3A_951 : i32 to index
        %swap3A_1327 = arith.constant 592 : index
        %swap3A_1328 = tpu.vector_load %arg11[%swap3A_1326, %swap3A_1327] {strides = array<i32>} : memref<16x768xf32, #tpu.memory_space<vmem>>, vector<1x16xf32>,
        %swap3A_1329 = vector.shape_cast %swap3A_1328 : vector<1x16xf32> to vector<16xf32>
        %swap3A_1330 = vector.shape_cast %add3A_1325 : vector<16xf32> to vector<1x16xf32>
        tpu.vector_store %arg11[%swap3A_1326, %swap3A_1327], %swap3A_1330 {strides = array<i32>} : memref<16x768xf32, #tpu.memory_space<vmem>>, vector<1x16xf32>,
        %get3A_1331 = arith.index_cast %scan3A_951 : i32 to index
        %get3A_1332 = arith.constant 608 : index
        %get3A_1333 = tpu.vector_load %arg11[%get3A_1331, %get3A_1332] {strides = array<i32>} : memref<16x768xf32, #tpu.memory_space<vmem>>, vector<1x16xf32>,
        %get3A_1334 = vector.shape_cast %get3A_1333 : vector<1x16xf32> to vector<16xf32>
        %add3A_1335 = arith.addf %get3A_1334, %get3A_678 : vector<16xf32>
        %swap3A_1336 = arith.index_cast %scan3A_951 : i32 to index
        %swap3A_1337 = arith.constant 608 : index
        %swap3A_1338 = tpu.vector_load %arg11[%swap3A_1336, %swap3A_1337] {strides = array<i32>} : memref<16x768xf32, #tpu.memory_space<vmem>>, vector<1x16xf32>,
        %swap3A_1339 = vector.shape_cast %swap3A_1338 : vector<1x16xf32> to vector<16xf32>
        %swap3A_1340 = vector.shape_cast %add3A_1335 : vector<16xf32> to vector<1x16xf32>
        tpu.vector_store %arg11[%swap3A_1336, %swap3A_1337], %swap3A_1340 {strides = array<i32>} : memref<16x768xf32, #tpu.memory_space<vmem>>, vector<1x16xf32>,
        %get3A_1341 = arith.index_cast %scan3A_951 : i32 to index
        %get3A_1342 = arith.constant 624 : index
        %get3A_1343 = tpu.vector_load %arg11[%get3A_1341, %get3A_1342] {strides = array<i32>} : memref<16x768xf32, #tpu.memory_space<vmem>>, vector<1x16xf32>,
        %get3A_1344 = vector.shape_cast %get3A_1343 : vector<1x16xf32> to vector<16xf32>
        %add3A_1345 = arith.addf %get3A_1344, %get3A_682 : vector<16xf32>
        %swap3A_1346 = arith.index_cast %scan3A_951 : i32 to index
        %swap3A_1347 = arith.constant 624 : index
        %swap3A_1348 = tpu.vector_load %arg11[%swap3A_1346, %swap3A_1347] {strides = array<i32>} : memref<16x768xf32, #tpu.memory_space<vmem>>, vector<1x16xf32>,
        %swap3A_1349 = vector.shape_cast %swap3A_1348 : vector<1x16xf32> to vector<16xf32>
        %swap3A_1350 = vector.shape_cast %add3A_1345 : vector<16xf32> to vector<1x16xf32>
        tpu.vector_store %arg11[%swap3A_1346, %swap3A_1347], %swap3A_1350 {strides = array<i32>} : memref<16x768xf32, #tpu.memory_space<vmem>>, vector<1x16xf32>,
        %get3A_1351 = arith.index_cast %scan3A_951 : i32 to index
        %get3A_1352 = arith.constant 640 : index
        %get3A_1353 = tpu.vector_load %arg11[%get3A_1351, %get3A_1352] {strides = array<i32>} : memref<16x768xf32, #tpu.memory_space<vmem>>, vector<1x16xf32>,
        %get3A_1354 = vector.shape_cast %get3A_1353 : vector<1x16xf32> to vector<16xf32>
        %add3A_1355 = arith.addf %get3A_1354, %get3A_686 : vector<16xf32>
        %swap3A_1356 = arith.index_cast %scan3A_951 : i32 to index
        %swap3A_1357 = arith.constant 640 : index
        %swap3A_1358 = tpu.vector_load %arg11[%swap3A_1356, %swap3A_1357] {strides = array<i32>} : memref<16x768xf32, #tpu.memory_space<vmem>>, vector<1x16xf32>,
        %swap3A_1359 = vector.shape_cast %swap3A_1358 : vector<1x16xf32> to vector<16xf32>
        %swap3A_1360 = vector.shape_cast %add3A_1355 : vector<16xf32> to vector<1x16xf32>
        tpu.vector_store %arg11[%swap3A_1356, %swap3A_1357], %swap3A_1360 {strides = array<i32>} : memref<16x768xf32, #tpu.memory_space<vmem>>, vector<1x16xf32>,
        %get3A_1361 = arith.index_cast %scan3A_951 : i32 to index
        %get3A_1362 = arith.constant 656 : index
        %get3A_1363 = tpu.vector_load %arg11[%get3A_1361, %get3A_1362] {strides = array<i32>} : memref<16x768xf32, #tpu.memory_space<vmem>>, vector<1x16xf32>,
        %get3A_1364 = vector.shape_cast %get3A_1363 : vector<1x16xf32> to vector<16xf32>
        %add3A_1365 = arith.addf %get3A_1364, %get3A_690 : vector<16xf32>
        %swap3A_1366 = arith.index_cast %scan3A_951 : i32 to index
        %swap3A_1367 = arith.constant 656 : index
        %swap3A_1368 = tpu.vector_load %arg11[%swap3A_1366, %swap3A_1367] {strides = array<i32>} : memref<16x768xf32, #tpu.memory_space<vmem>>, vector<1x16xf32>,
        %swap3A_1369 = vector.shape_cast %swap3A_1368 : vector<1x16xf32> to vector<16xf32>
        %swap3A_1370 = vector.shape_cast %add3A_1365 : vector<16xf32> to vector<1x16xf32>
        tpu.vector_store %arg11[%swap3A_1366, %swap3A_1367], %swap3A_1370 {strides = array<i32>} : memref<16x768xf32, #tpu.memory_space<vmem>>, vector<1x16xf32>,
        %get3A_1371 = arith.index_cast %scan3A_951 : i32 to index
        %get3A_1372 = arith.constant 672 : index
        %get3A_1373 = tpu.vector_load %arg11[%get3A_1371, %get3A_1372] {strides = array<i32>} : memref<16x768xf32, #tpu.memory_space<vmem>>, vector<1x16xf32>,
        %get3A_1374 = vector.shape_cast %get3A_1373 : vector<1x16xf32> to vector<16xf32>
        %add3A_1375 = arith.addf %get3A_1374, %get3A_694 : vector<16xf32>
        %swap3A_1376 = arith.index_cast %scan3A_951 : i32 to index
        %swap3A_1377 = arith.constant 672 : index
        %swap3A_1378 = tpu.vector_load %arg11[%swap3A_1376, %swap3A_1377] {strides = array<i32>} : memref<16x768xf32, #tpu.memory_space<vmem>>, vector<1x16xf32>,
        %swap3A_1379 = vector.shape_cast %swap3A_1378 : vector<1x16xf32> to vector<16xf32>
        %swap3A_1380 = vector.shape_cast %add3A_1375 : vector<16xf32> to vector<1x16xf32>
        tpu.vector_store %arg11[%swap3A_1376, %swap3A_1377], %swap3A_1380 {strides = array<i32>} : memref<16x768xf32, #tpu.memory_space<vmem>>, vector<1x16xf32>,
        %get3A_1381 = arith.index_cast %scan3A_951 : i32 to index
        %get3A_1382 = arith.constant 688 : index
        %get3A_1383 = tpu.vector_load %arg11[%get3A_1381, %get3A_1382] {strides = array<i32>} : memref<16x768xf32, #tpu.memory_space<vmem>>, vector<1x16xf32>,
        %get3A_1384 = vector.shape_cast %get3A_1383 : vector<1x16xf32> to vector<16xf32>
        %add3A_1385 = arith.addf %get3A_1384, %get3A_698 : vector<16xf32>
        %swap3A_1386 = arith.index_cast %scan3A_951 : i32 to index
        %swap3A_1387 = arith.constant 688 : index
        %swap3A_1388 = tpu.vector_load %arg11[%swap3A_1386, %swap3A_1387] {strides = array<i32>} : memref<16x768xf32, #tpu.memory_space<vmem>>, vector<1x16xf32>,
        %swap3A_1389 = vector.shape_cast %swap3A_1388 : vector<1x16xf32> to vector<16xf32>
        %swap3A_1390 = vector.shape_cast %add3A_1385 : vector<16xf32> to vector<1x16xf32>
        tpu.vector_store %arg11[%swap3A_1386, %swap3A_1387], %swap3A_1390 {strides = array<i32>} : memref<16x768xf32, #tpu.memory_space<vmem>>, vector<1x16xf32>,
        %get3A_1391 = arith.index_cast %scan3A_951 : i32 to index
        %get3A_1392 = arith.constant 704 : index
        %get3A_1393 = tpu.vector_load %arg11[%get3A_1391, %get3A_1392] {strides = array<i32>} : memref<16x768xf32, #tpu.memory_space<vmem>>, vector<1x16xf32>,
        %get3A_1394 = vector.shape_cast %get3A_1393 : vector<1x16xf32> to vector<16xf32>
        %add3A_1395 = arith.addf %get3A_1394, %get3A_702 : vector<16xf32>
        %swap3A_1396 = arith.index_cast %scan3A_951 : i32 to index
        %swap3A_1397 = arith.constant 704 : index
        %swap3A_1398 = tpu.vector_load %arg11[%swap3A_1396, %swap3A_1397] {strides = array<i32>} : memref<16x768xf32, #tpu.memory_space<vmem>>, vector<1x16xf32>,
        %swap3A_1399 = vector.shape_cast %swap3A_1398 : vector<1x16xf32> to vector<16xf32>
        %swap3A_1400 = vector.shape_cast %add3A_1395 : vector<16xf32> to vector<1x16xf32>
        tpu.vector_store %arg11[%swap3A_1396, %swap3A_1397], %swap3A_1400 {strides = array<i32>} : memref<16x768xf32, #tpu.memory_space<vmem>>, vector<1x16xf32>,
        %get3A_1401 = arith.index_cast %scan3A_951 : i32 to index
        %get3A_1402 = arith.constant 720 : index
        %get3A_1403 = tpu.vector_load %arg11[%get3A_1401, %get3A_1402] {strides = array<i32>} : memref<16x768xf32, #tpu.memory_space<vmem>>, vector<1x16xf32>,
        %get3A_1404 = vector.shape_cast %get3A_1403 : vector<1x16xf32> to vector<16xf32>
        %add3A_1405 = arith.addf %get3A_1404, %get3A_706 : vector<16xf32>
        %swap3A_1406 = arith.index_cast %scan3A_951 : i32 to index
        %swap3A_1407 = arith.constant 720 : index
        %swap3A_1408 = tpu.vector_load %arg11[%swap3A_1406, %swap3A_1407] {strides = array<i32>} : memref<16x768xf32, #tpu.memory_space<vmem>>, vector<1x16xf32>,
        %swap3A_1409 = vector.shape_cast %swap3A_1408 : vector<1x16xf32> to vector<16xf32>
        %swap3A_1410 = vector.shape_cast %add3A_1405 : vector<16xf32> to vector<1x16xf32>
        tpu.vector_store %arg11[%swap3A_1406, %swap3A_1407], %swap3A_1410 {strides = array<i32>} : memref<16x768xf32, #tpu.memory_space<vmem>>, vector<1x16xf32>,
        %get3A_1411 = arith.index_cast %scan3A_951 : i32 to index
        %get3A_1412 = arith.constant 736 : index
        %get3A_1413 = tpu.vector_load %arg11[%get3A_1411, %get3A_1412] {strides = array<i32>} : memref<16x768xf32, #tpu.memory_space<vmem>>, vector<1x16xf32>,
        %get3A_1414 = vector.shape_cast %get3A_1413 : vector<1x16xf32> to vector<16xf32>
        %add3A_1415 = arith.addf %get3A_1414, %get3A_710 : vector<16xf32>
        %swap3A_1416 = arith.index_cast %scan3A_951 : i32 to index
        %swap3A_1417 = arith.constant 736 : index
        %swap3A_1418 = tpu.vector_load %arg11[%swap3A_1416, %swap3A_1417] {strides = array<i32>} : memref<16x768xf32, #tpu.memory_space<vmem>>, vector<1x16xf32>,
        %swap3A_1419 = vector.shape_cast %swap3A_1418 : vector<1x16xf32> to vector<16xf32>
        %swap3A_1420 = vector.shape_cast %add3A_1415 : vector<16xf32> to vector<1x16xf32>
        tpu.vector_store %arg11[%swap3A_1416, %swap3A_1417], %swap3A_1420 {strides = array<i32>} : memref<16x768xf32, #tpu.memory_space<vmem>>, vector<1x16xf32>,
        %get3A_1421 = arith.index_cast %scan3A_951 : i32 to index
        %get3A_1422 = arith.constant 752 : index
        %get3A_1423 = tpu.vector_load %arg11[%get3A_1421, %get3A_1422] {strides = array<i32>} : memref<16x768xf32, #tpu.memory_space<vmem>>, vector<1x16xf32>,
        %get3A_1424 = vector.shape_cast %get3A_1423 : vector<1x16xf32> to vector<16xf32>
        %add3A_1425 = arith.addf %get3A_1424, %get3A_714 : vector<16xf32>
        %swap3A_1426 = arith.index_cast %scan3A_951 : i32 to index
        %swap3A_1427 = arith.constant 752 : index
        %swap3A_1428 = tpu.vector_load %arg11[%swap3A_1426, %swap3A_1427] {strides = array<i32>} : memref<16x768xf32, #tpu.memory_space<vmem>>, vector<1x16xf32>,
        %swap3A_1429 = vector.shape_cast %swap3A_1428 : vector<1x16xf32> to vector<16xf32>
        %swap3A_1430 = vector.shape_cast %add3A_1425 : vector<16xf32> to vector<1x16xf32>
        tpu.vector_store %arg11[%swap3A_1426, %swap3A_1427], %swap3A_1430 {strides = array<i32>} : memref<16x768xf32, #tpu.memory_space<vmem>>, vector<1x16xf32>,
      }
      %scan3A_720 = arith.constant 16 : i32
      %dma_start3A_721 = arith.constant 0 : i32
      %dma_start3A_722 = tpu.memref_slice %arg7[%add3A_516, %dma_start3A_721] : memref<64x16xi32, #tpu.memory_space<vmem>> -> memref<1x16xi32, #tpu.memory_space<vmem>>
      %dma_start3A_723 = tpu.memref_squeeze %dma_start3A_722 : memref<1x16xi32, #tpu.memory_space<vmem>> -> memref<16xi32, #tpu.memory_space<vmem>>
      %dma_start3A_724 = arith.constant 0 : i32
      %dma_start3A_725 = arith.constant 0 : i32
      %dma_start3A_726 = tpu.memref_slice %arg5[%dma_start3A_724, %dma_start3A_725] : memref<32768x768xf32, #tpu.memory_space<hbm>> -> memref<32768x768xf32, #tpu.memory_space<hbm>>
      tpu.enqueue_indirect_dma source(%arg11 : memref<16x768xf32, #tpu.memory_space<vmem>>) target(%dma_start3A_726 : memref<32768x768xf32, #tpu.memory_space<hbm>>) offsets(%dma_start3A_723 : memref<16xi32, #tpu.memory_space<vmem>>) semaphore(%arg19 : memref<!tpu.dma_semaphore, #tpu.memory_space<semaphore_mem>>)
      %lt3A_727 = arith.constant 15 : i32
      %lt3A_728 = arith.cmpi slt, %scan3A_70, %lt3A_727 : i32
      %convert_element_type3A_729 = arith.extui %lt3A_728 : i1 to i32
      %cond3A_730 = arith.constant 0 : i32
      %cond3A_731 = arith.cmpi ne, %convert_element_type3A_729, %cond3A_730 : i32
      scf.if %cond3A_731 {
        %sub3A_951 = arith.constant 1 : i32
        %sub3A_952 = arith.subi %add3A_516, %sub3A_951 : i32
        %dma_wait3A_953 = arith.constant 0 : i32
        %dma_wait3A_954 = tpu.memref_slice %arg7[%sub3A_952, %dma_wait3A_953] : memref<64x16xi32, #tpu.memory_space<vmem>> -> memref<1x16xi32, #tpu.memory_space<vmem>>
        %dma_wait3A_955 = tpu.memref_squeeze %dma_wait3A_954 : memref<1x16xi32, #tpu.memory_space<vmem>> -> memref<16xi32, #tpu.memory_space<vmem>>
        %dma_wait3A_956 = arith.constant 0 : i32
        %dma_wait3A_957 = arith.constant 0 : i32
        %dma_wait3A_958 = tpu.memref_slice %arg5[%dma_wait3A_956, %dma_wait3A_957] : memref<32768x768xf32, #tpu.memory_space<hbm>> -> memref<32768x768xf32, #tpu.memory_space<hbm>>
        tpu.wait_indirect_dma semaphore(%arg18 : memref<!tpu.dma_semaphore, #tpu.memory_space<semaphore_mem>>) src(%arg10 : memref<16x768xf32, #tpu.memory_space<vmem>>) dst(%dma_wait3A_958 : memref<32768x768xf32, #tpu.memory_space<hbm>>)
        %add3A_959 = arith.constant 4 : i32
        %add3A_960 = arith.addi %add3A_516, %add3A_959 : i32
        %sub3A_961 = arith.constant 1 : i32
        %sub3A_962 = arith.subi %add3A_960, %sub3A_961 : i32
        %mul3A_963 = arith.constant 16 : i32
        %mul3A_964 = arith.muli %sub3A_962, %mul3A_963 : i32
        %dma_start3A_965 = tpu.memref_slice %arg6[%mul3A_964] : memref<1024xi32, #tpu.memory_space<vmem>> -> memref<16xi32, #tpu.memory_space<vmem>>
        %dma_start3A_966 = arith.constant 0 : i32
        %dma_start3A_967 = arith.constant 0 : i32
        %dma_start3A_968 = tpu.memref_slice %arg3[%dma_start3A_966, %dma_start3A_967] : memref<100000x768xf32, #tpu.memory_space<hbm>> -> memref<100000x768xf32, #tpu.memory_space<hbm>>
        tpu.enqueue_indirect_dma source(%dma_start3A_968 : memref<100000x768xf32, #tpu.memory_space<hbm>>) target(%arg10 : memref<16x768xf32, #tpu.memory_space<vmem>>) offsets(%dma_start3A_965 : memref<16xi32, #tpu.memory_space<vmem>>) semaphore(%arg14 : memref<!tpu.dma_semaphore, #tpu.memory_space<semaphore_mem>>)
      } else {
      }
      %mul3A_732 = arith.constant 4 : i32
      %mul3A_733 = arith.muli %scan3A_70, %mul3A_732 : i32
      %add3A_734 = arith.constant 3 : i32
      %add3A_735 = arith.addi %mul3A_733, %add3A_734 : i32
      %mul3A_736 = arith.constant 16 : i32
      %mul3A_737 = arith.muli %add3A_735, %mul3A_736 : i32
      %dma_wait3A_738 = tpu.memref_slice %arg6[%mul3A_737] : memref<1024xi32, #tpu.memory_space<vmem>> -> memref<16xi32, #tpu.memory_space<vmem>>
      %dma_wait3A_739 = arith.constant 0 : i32
      %dma_wait3A_740 = arith.constant 0 : i32
      %dma_wait3A_741 = tpu.memref_slice %arg3[%dma_wait3A_739, %dma_wait3A_740] : memref<100000x768xf32, #tpu.memory_space<hbm>> -> memref<100000x768xf32, #tpu.memory_space<hbm>>
      tpu.wait_indirect_dma semaphore(%arg16 : memref<!tpu.dma_semaphore, #tpu.memory_space<semaphore_mem>>) src(%dma_wait3A_741 : memref<100000x768xf32, #tpu.memory_space<hbm>>) dst(%arg12 : memref<16x768xf32, #tpu.memory_space<vmem>>)
      %get3A_742 = arith.index_cast %add3A_735 : i32 to index
      %get3A_743 = arith.constant 0 : index
      %get3A_744 = tpu.vector_load %arg8[%get3A_742, %get3A_743] {strides = array<i32>} : memref<64x768xf32, #tpu.memory_space<vmem>>, vector<1x16xf32>,
      %get3A_745 = vector.shape_cast %get3A_744 : vector<1x16xf32> to vector<16xf32>
      %get3A_746 = arith.index_cast %add3A_735 : i32 to index
      %get3A_747 = arith.constant 16 : index
      %get3A_748 = tpu.vector_load %arg8[%get3A_746, %get3A_747] {strides = array<i32>} : memref<64x768xf32, #tpu.memory_space<vmem>>, vector<1x16xf32>,
      %get3A_749 = vector.shape_cast %get3A_748 : vector<1x16xf32> to vector<16xf32>
      %get3A_750 = arith.index_cast %add3A_735 : i32 to index
      %get3A_751 = arith.constant 32 : index
      %get3A_752 = tpu.vector_load %arg8[%get3A_750, %get3A_751] {strides = array<i32>} : memref<64x768xf32, #tpu.memory_space<vmem>>, vector<1x16xf32>,
      %get3A_753 = vector.shape_cast %get3A_752 : vector<1x16xf32> to vector<16xf32>
      %get3A_754 = arith.index_cast %add3A_735 : i32 to index
      %get3A_755 = arith.constant 48 : index
      %get3A_756 = tpu.vector_load %arg8[%get3A_754, %get3A_755] {strides = array<i32>} : memref<64x768xf32, #tpu.memory_space<vmem>>, vector<1x16xf32>,
      %get3A_757 = vector.shape_cast %get3A_756 : vector<1x16xf32> to vector<16xf32>
      %get3A_758 = arith.index_cast %add3A_735 : i32 to index
      %get3A_759 = arith.constant 64 : index
      %get3A_760 = tpu.vector_load %arg8[%get3A_758, %get3A_759] {strides = array<i32>} : memref<64x768xf32, #tpu.memory_space<vmem>>, vector<1x16xf32>,
      %get3A_761 = vector.shape_cast %get3A_760 : vector<1x16xf32> to vector<16xf32>
      %get3A_762 = arith.index_cast %add3A_735 : i32 to index
      %get3A_763 = arith.constant 80 : index
      %get3A_764 = tpu.vector_load %arg8[%get3A_762, %get3A_763] {strides = array<i32>} : memref<64x768xf32, #tpu.memory_space<vmem>>, vector<1x16xf32>,
      %get3A_765 = vector.shape_cast %get3A_764 : vector<1x16xf32> to vector<16xf32>
      %get3A_766 = arith.index_cast %add3A_735 : i32 to index
      %get3A_767 = arith.constant 96 : index
      %get3A_768 = tpu.vector_load %arg8[%get3A_766, %get3A_767] {strides = array<i32>} : memref<64x768xf32, #tpu.memory_space<vmem>>, vector<1x16xf32>,
      %get3A_769 = vector.shape_cast %get3A_768 : vector<1x16xf32> to vector<16xf32>
      %get3A_770 = arith.index_cast %add3A_735 : i32 to index
      %get3A_771 = arith.constant 112 : index
      %get3A_772 = tpu.vector_load %arg8[%get3A_770, %get3A_771] {strides = array<i32>} : memref<64x768xf32, #tpu.memory_space<vmem>>, vector<1x16xf32>,
      %get3A_773 = vector.shape_cast %get3A_772 : vector<1x16xf32> to vector<16xf32>
      %get3A_774 = arith.index_cast %add3A_735 : i32 to index
      %get3A_775 = arith.constant 128 : index
      %get3A_776 = tpu.vector_load %arg8[%get3A_774, %get3A_775] {strides = array<i32>} : memref<64x768xf32, #tpu.memory_space<vmem>>, vector<1x16xf32>,
      %get3A_777 = vector.shape_cast %get3A_776 : vector<1x16xf32> to vector<16xf32>
      %get3A_778 = arith.index_cast %add3A_735 : i32 to index
      %get3A_779 = arith.constant 144 : index
      %get3A_780 = tpu.vector_load %arg8[%get3A_778, %get3A_779] {strides = array<i32>} : memref<64x768xf32, #tpu.memory_space<vmem>>, vector<1x16xf32>,
      %get3A_781 = vector.shape_cast %get3A_780 : vector<1x16xf32> to vector<16xf32>
      %get3A_782 = arith.index_cast %add3A_735 : i32 to index
      %get3A_783 = arith.constant 160 : index
      %get3A_784 = tpu.vector_load %arg8[%get3A_782, %get3A_783] {strides = array<i32>} : memref<64x768xf32, #tpu.memory_space<vmem>>, vector<1x16xf32>,
      %get3A_785 = vector.shape_cast %get3A_784 : vector<1x16xf32> to vector<16xf32>
      %get3A_786 = arith.index_cast %add3A_735 : i32 to index
      %get3A_787 = arith.constant 176 : index
      %get3A_788 = tpu.vector_load %arg8[%get3A_786, %get3A_787] {strides = array<i32>} : memref<64x768xf32, #tpu.memory_space<vmem>>, vector<1x16xf32>,
      %get3A_789 = vector.shape_cast %get3A_788 : vector<1x16xf32> to vector<16xf32>
      %get3A_790 = arith.index_cast %add3A_735 : i32 to index
      %get3A_791 = arith.constant 192 : index
      %get3A_792 = tpu.vector_load %arg8[%get3A_790, %get3A_791] {strides = array<i32>} : memref<64x768xf32, #tpu.memory_space<vmem>>, vector<1x16xf32>,
      %get3A_793 = vector.shape_cast %get3A_792 : vector<1x16xf32> to vector<16xf32>
      %get3A_794 = arith.index_cast %add3A_735 : i32 to index
      %get3A_795 = arith.constant 208 : index
      %get3A_796 = tpu.vector_load %arg8[%get3A_794, %get3A_795] {strides = array<i32>} : memref<64x768xf32, #tpu.memory_space<vmem>>, vector<1x16xf32>,
      %get3A_797 = vector.shape_cast %get3A_796 : vector<1x16xf32> to vector<16xf32>
      %get3A_798 = arith.index_cast %add3A_735 : i32 to index
      %get3A_799 = arith.constant 224 : index
      %get3A_800 = tpu.vector_load %arg8[%get3A_798, %get3A_799] {strides = array<i32>} : memref<64x768xf32, #tpu.memory_space<vmem>>, vector<1x16xf32>,
      %get3A_801 = vector.shape_cast %get3A_800 : vector<1x16xf32> to vector<16xf32>
      %get3A_802 = arith.index_cast %add3A_735 : i32 to index
      %get3A_803 = arith.constant 240 : index
      %get3A_804 = tpu.vector_load %arg8[%get3A_802, %get3A_803] {strides = array<i32>} : memref<64x768xf32, #tpu.memory_space<vmem>>, vector<1x16xf32>,
      %get3A_805 = vector.shape_cast %get3A_804 : vector<1x16xf32> to vector<16xf32>
      %get3A_806 = arith.index_cast %add3A_735 : i32 to index
      %get3A_807 = arith.constant 256 : index
      %get3A_808 = tpu.vector_load %arg8[%get3A_806, %get3A_807] {strides = array<i32>} : memref<64x768xf32, #tpu.memory_space<vmem>>, vector<1x16xf32>,
      %get3A_809 = vector.shape_cast %get3A_808 : vector<1x16xf32> to vector<16xf32>
      %get3A_810 = arith.index_cast %add3A_735 : i32 to index
      %get3A_811 = arith.constant 272 : index
      %get3A_812 = tpu.vector_load %arg8[%get3A_810, %get3A_811] {strides = array<i32>} : memref<64x768xf32, #tpu.memory_space<vmem>>, vector<1x16xf32>,
      %get3A_813 = vector.shape_cast %get3A_812 : vector<1x16xf32> to vector<16xf32>
      %get3A_814 = arith.index_cast %add3A_735 : i32 to index
      %get3A_815 = arith.constant 288 : index
      %get3A_816 = tpu.vector_load %arg8[%get3A_814, %get3A_815] {strides = array<i32>} : memref<64x768xf32, #tpu.memory_space<vmem>>, vector<1x16xf32>,
      %get3A_817 = vector.shape_cast %get3A_816 : vector<1x16xf32> to vector<16xf32>
      %get3A_818 = arith.index_cast %add3A_735 : i32 to index
      %get3A_819 = arith.constant 304 : index
      %get3A_820 = tpu.vector_load %arg8[%get3A_818, %get3A_819] {strides = array<i32>} : memref<64x768xf32, #tpu.memory_space<vmem>>, vector<1x16xf32>,
      %get3A_821 = vector.shape_cast %get3A_820 : vector<1x16xf32> to vector<16xf32>
      %get3A_822 = arith.index_cast %add3A_735 : i32 to index
      %get3A_823 = arith.constant 320 : index
      %get3A_824 = tpu.vector_load %arg8[%get3A_822, %get3A_823] {strides = array<i32>} : memref<64x768xf32, #tpu.memory_space<vmem>>, vector<1x16xf32>,
      %get3A_825 = vector.shape_cast %get3A_824 : vector<1x16xf32> to vector<16xf32>
      %get3A_826 = arith.index_cast %add3A_735 : i32 to index
      %get3A_827 = arith.constant 336 : index
      %get3A_828 = tpu.vector_load %arg8[%get3A_826, %get3A_827] {strides = array<i32>} : memref<64x768xf32, #tpu.memory_space<vmem>>, vector<1x16xf32>,
      %get3A_829 = vector.shape_cast %get3A_828 : vector<1x16xf32> to vector<16xf32>
      %get3A_830 = arith.index_cast %add3A_735 : i32 to index
      %get3A_831 = arith.constant 352 : index
      %get3A_832 = tpu.vector_load %arg8[%get3A_830, %get3A_831] {strides = array<i32>} : memref<64x768xf32, #tpu.memory_space<vmem>>, vector<1x16xf32>,
      %get3A_833 = vector.shape_cast %get3A_832 : vector<1x16xf32> to vector<16xf32>
      %get3A_834 = arith.index_cast %add3A_735 : i32 to index
      %get3A_835 = arith.constant 368 : index
      %get3A_836 = tpu.vector_load %arg8[%get3A_834, %get3A_835] {strides = array<i32>} : memref<64x768xf32, #tpu.memory_space<vmem>>, vector<1x16xf32>,
      %get3A_837 = vector.shape_cast %get3A_836 : vector<1x16xf32> to vector<16xf32>
      %get3A_838 = arith.index_cast %add3A_735 : i32 to index
      %get3A_839 = arith.constant 384 : index
      %get3A_840 = tpu.vector_load %arg8[%get3A_838, %get3A_839] {strides = array<i32>} : memref<64x768xf32, #tpu.memory_space<vmem>>, vector<1x16xf32>,
      %get3A_841 = vector.shape_cast %get3A_840 : vector<1x16xf32> to vector<16xf32>
      %get3A_842 = arith.index_cast %add3A_735 : i32 to index
      %get3A_843 = arith.constant 400 : index
      %get3A_844 = tpu.vector_load %arg8[%get3A_842, %get3A_843] {strides = array<i32>} : memref<64x768xf32, #tpu.memory_space<vmem>>, vector<1x16xf32>,
      %get3A_845 = vector.shape_cast %get3A_844 : vector<1x16xf32> to vector<16xf32>
      %get3A_846 = arith.index_cast %add3A_735 : i32 to index
      %get3A_847 = arith.constant 416 : index
      %get3A_848 = tpu.vector_load %arg8[%get3A_846, %get3A_847] {strides = array<i32>} : memref<64x768xf32, #tpu.memory_space<vmem>>, vector<1x16xf32>,
      %get3A_849 = vector.shape_cast %get3A_848 : vector<1x16xf32> to vector<16xf32>
      %get3A_850 = arith.index_cast %add3A_735 : i32 to index
      %get3A_851 = arith.constant 432 : index
      %get3A_852 = tpu.vector_load %arg8[%get3A_850, %get3A_851] {strides = array<i32>} : memref<64x768xf32, #tpu.memory_space<vmem>>, vector<1x16xf32>,
      %get3A_853 = vector.shape_cast %get3A_852 : vector<1x16xf32> to vector<16xf32>
      %get3A_854 = arith.index_cast %add3A_735 : i32 to index
      %get3A_855 = arith.constant 448 : index
      %get3A_856 = tpu.vector_load %arg8[%get3A_854, %get3A_855] {strides = array<i32>} : memref<64x768xf32, #tpu.memory_space<vmem>>, vector<1x16xf32>,
      %get3A_857 = vector.shape_cast %get3A_856 : vector<1x16xf32> to vector<16xf32>
      %get3A_858 = arith.index_cast %add3A_735 : i32 to index
      %get3A_859 = arith.constant 464 : index
      %get3A_860 = tpu.vector_load %arg8[%get3A_858, %get3A_859] {strides = array<i32>} : memref<64x768xf32, #tpu.memory_space<vmem>>, vector<1x16xf32>,
      %get3A_861 = vector.shape_cast %get3A_860 : vector<1x16xf32> to vector<16xf32>
      %get3A_862 = arith.index_cast %add3A_735 : i32 to index
      %get3A_863 = arith.constant 480 : index
      %get3A_864 = tpu.vector_load %arg8[%get3A_862, %get3A_863] {strides = array<i32>} : memref<64x768xf32, #tpu.memory_space<vmem>>, vector<1x16xf32>,
      %get3A_865 = vector.shape_cast %get3A_864 : vector<1x16xf32> to vector<16xf32>
      %get3A_866 = arith.index_cast %add3A_735 : i32 to index
      %get3A_867 = arith.constant 496 : index
      %get3A_868 = tpu.vector_load %arg8[%get3A_866, %get3A_867] {strides = array<i32>} : memref<64x768xf32, #tpu.memory_space<vmem>>, vector<1x16xf32>,
      %get3A_869 = vector.shape_cast %get3A_868 : vector<1x16xf32> to vector<16xf32>
      %get3A_870 = arith.index_cast %add3A_735 : i32 to index
      %get3A_871 = arith.constant 512 : index
      %get3A_872 = tpu.vector_load %arg8[%get3A_870, %get3A_871] {strides = array<i32>} : memref<64x768xf32, #tpu.memory_space<vmem>>, vector<1x16xf32>,
      %get3A_873 = vector.shape_cast %get3A_872 : vector<1x16xf32> to vector<16xf32>
      %get3A_874 = arith.index_cast %add3A_735 : i32 to index
      %get3A_875 = arith.constant 528 : index
      %get3A_876 = tpu.vector_load %arg8[%get3A_874, %get3A_875] {strides = array<i32>} : memref<64x768xf32, #tpu.memory_space<vmem>>, vector<1x16xf32>,
      %get3A_877 = vector.shape_cast %get3A_876 : vector<1x16xf32> to vector<16xf32>
      %get3A_878 = arith.index_cast %add3A_735 : i32 to index
      %get3A_879 = arith.constant 544 : index
      %get3A_880 = tpu.vector_load %arg8[%get3A_878, %get3A_879] {strides = array<i32>} : memref<64x768xf32, #tpu.memory_space<vmem>>, vector<1x16xf32>,
      %get3A_881 = vector.shape_cast %get3A_880 : vector<1x16xf32> to vector<16xf32>
      %get3A_882 = arith.index_cast %add3A_735 : i32 to index
      %get3A_883 = arith.constant 560 : index
      %get3A_884 = tpu.vector_load %arg8[%get3A_882, %get3A_883] {strides = array<i32>} : memref<64x768xf32, #tpu.memory_space<vmem>>, vector<1x16xf32>,
      %get3A_885 = vector.shape_cast %get3A_884 : vector<1x16xf32> to vector<16xf32>
      %get3A_886 = arith.index_cast %add3A_735 : i32 to index
      %get3A_887 = arith.constant 576 : index
      %get3A_888 = tpu.vector_load %arg8[%get3A_886, %get3A_887] {strides = array<i32>} : memref<64x768xf32, #tpu.memory_space<vmem>>, vector<1x16xf32>,
      %get3A_889 = vector.shape_cast %get3A_888 : vector<1x16xf32> to vector<16xf32>
      %get3A_890 = arith.index_cast %add3A_735 : i32 to index
      %get3A_891 = arith.constant 592 : index
      %get3A_892 = tpu.vector_load %arg8[%get3A_890, %get3A_891] {strides = array<i32>} : memref<64x768xf32, #tpu.memory_space<vmem>>, vector<1x16xf32>,
      %get3A_893 = vector.shape_cast %get3A_892 : vector<1x16xf32> to vector<16xf32>
      %get3A_894 = arith.index_cast %add3A_735 : i32 to index
      %get3A_895 = arith.constant 608 : index
      %get3A_896 = tpu.vector_load %arg8[%get3A_894, %get3A_895] {strides = array<i32>} : memref<64x768xf32, #tpu.memory_space<vmem>>, vector<1x16xf32>,
      %get3A_897 = vector.shape_cast %get3A_896 : vector<1x16xf32> to vector<16xf32>
      %get3A_898 = arith.index_cast %add3A_735 : i32 to index
      %get3A_899 = arith.constant 624 : index
      %get3A_900 = tpu.vector_load %arg8[%get3A_898, %get3A_899] {strides = array<i32>} : memref<64x768xf32, #tpu.memory_space<vmem>>, vector<1x16xf32>,
      %get3A_901 = vector.shape_cast %get3A_900 : vector<1x16xf32> to vector<16xf32>
      %get3A_902 = arith.index_cast %add3A_735 : i32 to index
      %get3A_903 = arith.constant 640 : index
      %get3A_904 = tpu.vector_load %arg8[%get3A_902, %get3A_903] {strides = array<i32>} : memref<64x768xf32, #tpu.memory_space<vmem>>, vector<1x16xf32>,
      %get3A_905 = vector.shape_cast %get3A_904 : vector<1x16xf32> to vector<16xf32>
      %get3A_906 = arith.index_cast %add3A_735 : i32 to index
      %get3A_907 = arith.constant 656 : index
      %get3A_908 = tpu.vector_load %arg8[%get3A_906, %get3A_907] {strides = array<i32>} : memref<64x768xf32, #tpu.memory_space<vmem>>, vector<1x16xf32>,
      %get3A_909 = vector.shape_cast %get3A_908 : vector<1x16xf32> to vector<16xf32>
      %get3A_910 = arith.index_cast %add3A_735 : i32 to index
      %get3A_911 = arith.constant 672 : index
      %get3A_912 = tpu.vector_load %arg8[%get3A_910, %get3A_911] {strides = array<i32>} : memref<64x768xf32, #tpu.memory_space<vmem>>, vector<1x16xf32>,
      %get3A_913 = vector.shape_cast %get3A_912 : vector<1x16xf32> to vector<16xf32>
      %get3A_914 = arith.index_cast %add3A_735 : i32 to index
      %get3A_915 = arith.constant 688 : index
      %get3A_916 = tpu.vector_load %arg8[%get3A_914, %get3A_915] {strides = array<i32>} : memref<64x768xf32, #tpu.memory_space<vmem>>, vector<1x16xf32>,
      %get3A_917 = vector.shape_cast %get3A_916 : vector<1x16xf32> to vector<16xf32>
      %get3A_918 = arith.index_cast %add3A_735 : i32 to index
      %get3A_919 = arith.constant 704 : index
      %get3A_920 = tpu.vector_load %arg8[%get3A_918, %get3A_919] {strides = array<i32>} : memref<64x768xf32, #tpu.memory_space<vmem>>, vector<1x16xf32>,
      %get3A_921 = vector.shape_cast %get3A_920 : vector<1x16xf32> to vector<16xf32>
      %get3A_922 = arith.index_cast %add3A_735 : i32 to index
      %get3A_923 = arith.constant 720 : index
      %get3A_924 = tpu.vector_load %arg8[%get3A_922, %get3A_923] {strides = array<i32>} : memref<64x768xf32, #tpu.memory_space<vmem>>, vector<1x16xf32>,
      %get3A_925 = vector.shape_cast %get3A_924 : vector<1x16xf32> to vector<16xf32>
      %get3A_926 = arith.index_cast %add3A_735 : i32 to index
      %get3A_927 = arith.constant 736 : index
      %get3A_928 = tpu.vector_load %arg8[%get3A_926, %get3A_927] {strides = array<i32>} : memref<64x768xf32, #tpu.memory_space<vmem>>, vector<1x16xf32>,
      %get3A_929 = vector.shape_cast %get3A_928 : vector<1x16xf32> to vector<16xf32>
      %get3A_930 = arith.index_cast %add3A_735 : i32 to index
      %get3A_931 = arith.constant 752 : index
      %get3A_932 = tpu.vector_load %arg8[%get3A_930, %get3A_931] {strides = array<i32>} : memref<64x768xf32, #tpu.memory_space<vmem>>, vector<1x16xf32>,
      %get3A_933 = vector.shape_cast %get3A_932 : vector<1x16xf32> to vector<16xf32>
      %scan3A_934 = arith.constant 0 : i32
      %scan3A_935 = arith.constant 0 : i32
      %scan3A_936 = arith.constant 16 : i32
      %scan3A_937 = arith.addi %scan3A_935, %scan3A_936 : i32
      %scan3A_938 = arith.constant 1 : i32
      scf.for %scan3A_951 = %scan3A_935 to %scan3A_937 step %scan3A_938  : i32 {
        %get3A_952 = arith.index_cast %scan3A_951 : i32 to index
        %get3A_953 = arith.constant 0 : index
        %get3A_954 = tpu.vector_load %arg12[%get3A_952, %get3A_953] {strides = array<i32>} : memref<16x768xf32, #tpu.memory_space<vmem>>, vector<1x16xf32>,
        %get3A_955 = vector.shape_cast %get3A_954 : vector<1x16xf32> to vector<16xf32>
        %add3A_956 = arith.addf %get3A_955, %get3A_745 : vector<16xf32>
        %swap3A = arith.index_cast %scan3A_951 : i32 to index
        %swap3A_957 = arith.constant 0 : index
        %swap3A_958 = tpu.vector_load %arg12[%swap3A, %swap3A_957] {strides = array<i32>} : memref<16x768xf32, #tpu.memory_space<vmem>>, vector<1x16xf32>,
        %swap3A_959 = vector.shape_cast %swap3A_958 : vector<1x16xf32> to vector<16xf32>
        %swap3A_960 = vector.shape_cast %add3A_956 : vector<16xf32> to vector<1x16xf32>
        tpu.vector_store %arg12[%swap3A, %swap3A_957], %swap3A_960 {strides = array<i32>} : memref<16x768xf32, #tpu.memory_space<vmem>>, vector<1x16xf32>,
        %get3A_961 = arith.index_cast %scan3A_951 : i32 to index
        %get3A_962 = arith.constant 16 : index
        %get3A_963 = tpu.vector_load %arg12[%get3A_961, %get3A_962] {strides = array<i32>} : memref<16x768xf32, #tpu.memory_space<vmem>>, vector<1x16xf32>,
        %get3A_964 = vector.shape_cast %get3A_963 : vector<1x16xf32> to vector<16xf32>
        %add3A_965 = arith.addf %get3A_964, %get3A_749 : vector<16xf32>
        %swap3A_966 = arith.index_cast %scan3A_951 : i32 to index
        %swap3A_967 = arith.constant 16 : index
        %swap3A_968 = tpu.vector_load %arg12[%swap3A_966, %swap3A_967] {strides = array<i32>} : memref<16x768xf32, #tpu.memory_space<vmem>>, vector<1x16xf32>,
        %swap3A_969 = vector.shape_cast %swap3A_968 : vector<1x16xf32> to vector<16xf32>
        %swap3A_970 = vector.shape_cast %add3A_965 : vector<16xf32> to vector<1x16xf32>
        tpu.vector_store %arg12[%swap3A_966, %swap3A_967], %swap3A_970 {strides = array<i32>} : memref<16x768xf32, #tpu.memory_space<vmem>>, vector<1x16xf32>,
        %get3A_971 = arith.index_cast %scan3A_951 : i32 to index
        %get3A_972 = arith.constant 32 : index
        %get3A_973 = tpu.vector_load %arg12[%get3A_971, %get3A_972] {strides = array<i32>} : memref<16x768xf32, #tpu.memory_space<vmem>>, vector<1x16xf32>,
        %get3A_974 = vector.shape_cast %get3A_973 : vector<1x16xf32> to vector<16xf32>
        %add3A_975 = arith.addf %get3A_974, %get3A_753 : vector<16xf32>
        %swap3A_976 = arith.index_cast %scan3A_951 : i32 to index
        %swap3A_977 = arith.constant 32 : index
        %swap3A_978 = tpu.vector_load %arg12[%swap3A_976, %swap3A_977] {strides = array<i32>} : memref<16x768xf32, #tpu.memory_space<vmem>>, vector<1x16xf32>,
        %swap3A_979 = vector.shape_cast %swap3A_978 : vector<1x16xf32> to vector<16xf32>
        %swap3A_980 = vector.shape_cast %add3A_975 : vector<16xf32> to vector<1x16xf32>
        tpu.vector_store %arg12[%swap3A_976, %swap3A_977], %swap3A_980 {strides = array<i32>} : memref<16x768xf32, #tpu.memory_space<vmem>>, vector<1x16xf32>,
        %get3A_981 = arith.index_cast %scan3A_951 : i32 to index
        %get3A_982 = arith.constant 48 : index
        %get3A_983 = tpu.vector_load %arg12[%get3A_981, %get3A_982] {strides = array<i32>} : memref<16x768xf32, #tpu.memory_space<vmem>>, vector<1x16xf32>,
        %get3A_984 = vector.shape_cast %get3A_983 : vector<1x16xf32> to vector<16xf32>
        %add3A_985 = arith.addf %get3A_984, %get3A_757 : vector<16xf32>
        %swap3A_986 = arith.index_cast %scan3A_951 : i32 to index
        %swap3A_987 = arith.constant 48 : index
        %swap3A_988 = tpu.vector_load %arg12[%swap3A_986, %swap3A_987] {strides = array<i32>} : memref<16x768xf32, #tpu.memory_space<vmem>>, vector<1x16xf32>,
        %swap3A_989 = vector.shape_cast %swap3A_988 : vector<1x16xf32> to vector<16xf32>
        %swap3A_990 = vector.shape_cast %add3A_985 : vector<16xf32> to vector<1x16xf32>
        tpu.vector_store %arg12[%swap3A_986, %swap3A_987], %swap3A_990 {strides = array<i32>} : memref<16x768xf32, #tpu.memory_space<vmem>>, vector<1x16xf32>,
        %get3A_991 = arith.index_cast %scan3A_951 : i32 to index
        %get3A_992 = arith.constant 64 : index
        %get3A_993 = tpu.vector_load %arg12[%get3A_991, %get3A_992] {strides = array<i32>} : memref<16x768xf32, #tpu.memory_space<vmem>>, vector<1x16xf32>,
        %get3A_994 = vector.shape_cast %get3A_993 : vector<1x16xf32> to vector<16xf32>
        %add3A_995 = arith.addf %get3A_994, %get3A_761 : vector<16xf32>
        %swap3A_996 = arith.index_cast %scan3A_951 : i32 to index
        %swap3A_997 = arith.constant 64 : index
        %swap3A_998 = tpu.vector_load %arg12[%swap3A_996, %swap3A_997] {strides = array<i32>} : memref<16x768xf32, #tpu.memory_space<vmem>>, vector<1x16xf32>,
        %swap3A_999 = vector.shape_cast %swap3A_998 : vector<1x16xf32> to vector<16xf32>
        %swap3A_1000 = vector.shape_cast %add3A_995 : vector<16xf32> to vector<1x16xf32>
        tpu.vector_store %arg12[%swap3A_996, %swap3A_997], %swap3A_1000 {strides = array<i32>} : memref<16x768xf32, #tpu.memory_space<vmem>>, vector<1x16xf32>,
        %get3A_1001 = arith.index_cast %scan3A_951 : i32 to index
        %get3A_1002 = arith.constant 80 : index
        %get3A_1003 = tpu.vector_load %arg12[%get3A_1001, %get3A_1002] {strides = array<i32>} : memref<16x768xf32, #tpu.memory_space<vmem>>, vector<1x16xf32>,
        %get3A_1004 = vector.shape_cast %get3A_1003 : vector<1x16xf32> to vector<16xf32>
        %add3A_1005 = arith.addf %get3A_1004, %get3A_765 : vector<16xf32>
        %swap3A_1006 = arith.index_cast %scan3A_951 : i32 to index
        %swap3A_1007 = arith.constant 80 : index
        %swap3A_1008 = tpu.vector_load %arg12[%swap3A_1006, %swap3A_1007] {strides = array<i32>} : memref<16x768xf32, #tpu.memory_space<vmem>>, vector<1x16xf32>,
        %swap3A_1009 = vector.shape_cast %swap3A_1008 : vector<1x16xf32> to vector<16xf32>
        %swap3A_1010 = vector.shape_cast %add3A_1005 : vector<16xf32> to vector<1x16xf32>
        tpu.vector_store %arg12[%swap3A_1006, %swap3A_1007], %swap3A_1010 {strides = array<i32>} : memref<16x768xf32, #tpu.memory_space<vmem>>, vector<1x16xf32>,
        %get3A_1011 = arith.index_cast %scan3A_951 : i32 to index
        %get3A_1012 = arith.constant 96 : index
        %get3A_1013 = tpu.vector_load %arg12[%get3A_1011, %get3A_1012] {strides = array<i32>} : memref<16x768xf32, #tpu.memory_space<vmem>>, vector<1x16xf32>,
        %get3A_1014 = vector.shape_cast %get3A_1013 : vector<1x16xf32> to vector<16xf32>
        %add3A_1015 = arith.addf %get3A_1014, %get3A_769 : vector<16xf32>
        %swap3A_1016 = arith.index_cast %scan3A_951 : i32 to index
        %swap3A_1017 = arith.constant 96 : index
        %swap3A_1018 = tpu.vector_load %arg12[%swap3A_1016, %swap3A_1017] {strides = array<i32>} : memref<16x768xf32, #tpu.memory_space<vmem>>, vector<1x16xf32>,
        %swap3A_1019 = vector.shape_cast %swap3A_1018 : vector<1x16xf32> to vector<16xf32>
        %swap3A_1020 = vector.shape_cast %add3A_1015 : vector<16xf32> to vector<1x16xf32>
        tpu.vector_store %arg12[%swap3A_1016, %swap3A_1017], %swap3A_1020 {strides = array<i32>} : memref<16x768xf32, #tpu.memory_space<vmem>>, vector<1x16xf32>,
        %get3A_1021 = arith.index_cast %scan3A_951 : i32 to index
        %get3A_1022 = arith.constant 112 : index
        %get3A_1023 = tpu.vector_load %arg12[%get3A_1021, %get3A_1022] {strides = array<i32>} : memref<16x768xf32, #tpu.memory_space<vmem>>, vector<1x16xf32>,
        %get3A_1024 = vector.shape_cast %get3A_1023 : vector<1x16xf32> to vector<16xf32>
        %add3A_1025 = arith.addf %get3A_1024, %get3A_773 : vector<16xf32>
        %swap3A_1026 = arith.index_cast %scan3A_951 : i32 to index
        %swap3A_1027 = arith.constant 112 : index
        %swap3A_1028 = tpu.vector_load %arg12[%swap3A_1026, %swap3A_1027] {strides = array<i32>} : memref<16x768xf32, #tpu.memory_space<vmem>>, vector<1x16xf32>,
        %swap3A_1029 = vector.shape_cast %swap3A_1028 : vector<1x16xf32> to vector<16xf32>
        %swap3A_1030 = vector.shape_cast %add3A_1025 : vector<16xf32> to vector<1x16xf32>
        tpu.vector_store %arg12[%swap3A_1026, %swap3A_1027], %swap3A_1030 {strides = array<i32>} : memref<16x768xf32, #tpu.memory_space<vmem>>, vector<1x16xf32>,
        %get3A_1031 = arith.index_cast %scan3A_951 : i32 to index
        %get3A_1032 = arith.constant 128 : index
        %get3A_1033 = tpu.vector_load %arg12[%get3A_1031, %get3A_1032] {strides = array<i32>} : memref<16x768xf32, #tpu.memory_space<vmem>>, vector<1x16xf32>,
        %get3A_1034 = vector.shape_cast %get3A_1033 : vector<1x16xf32> to vector<16xf32>
        %add3A_1035 = arith.addf %get3A_1034, %get3A_777 : vector<16xf32>
        %swap3A_1036 = arith.index_cast %scan3A_951 : i32 to index
        %swap3A_1037 = arith.constant 128 : index
        %swap3A_1038 = tpu.vector_load %arg12[%swap3A_1036, %swap3A_1037] {strides = array<i32>} : memref<16x768xf32, #tpu.memory_space<vmem>>, vector<1x16xf32>,
        %swap3A_1039 = vector.shape_cast %swap3A_1038 : vector<1x16xf32> to vector<16xf32>
        %swap3A_1040 = vector.shape_cast %add3A_1035 : vector<16xf32> to vector<1x16xf32>
        tpu.vector_store %arg12[%swap3A_1036, %swap3A_1037], %swap3A_1040 {strides = array<i32>} : memref<16x768xf32, #tpu.memory_space<vmem>>, vector<1x16xf32>,
        %get3A_1041 = arith.index_cast %scan3A_951 : i32 to index
        %get3A_1042 = arith.constant 144 : index
        %get3A_1043 = tpu.vector_load %arg12[%get3A_1041, %get3A_1042] {strides = array<i32>} : memref<16x768xf32, #tpu.memory_space<vmem>>, vector<1x16xf32>,
        %get3A_1044 = vector.shape_cast %get3A_1043 : vector<1x16xf32> to vector<16xf32>
        %add3A_1045 = arith.addf %get3A_1044, %get3A_781 : vector<16xf32>
        %swap3A_1046 = arith.index_cast %scan3A_951 : i32 to index
        %swap3A_1047 = arith.constant 144 : index
        %swap3A_1048 = tpu.vector_load %arg12[%swap3A_1046, %swap3A_1047] {strides = array<i32>} : memref<16x768xf32, #tpu.memory_space<vmem>>, vector<1x16xf32>,
        %swap3A_1049 = vector.shape_cast %swap3A_1048 : vector<1x16xf32> to vector<16xf32>
        %swap3A_1050 = vector.shape_cast %add3A_1045 : vector<16xf32> to vector<1x16xf32>
        tpu.vector_store %arg12[%swap3A_1046, %swap3A_1047], %swap3A_1050 {strides = array<i32>} : memref<16x768xf32, #tpu.memory_space<vmem>>, vector<1x16xf32>,
        %get3A_1051 = arith.index_cast %scan3A_951 : i32 to index
        %get3A_1052 = arith.constant 160 : index
        %get3A_1053 = tpu.vector_load %arg12[%get3A_1051, %get3A_1052] {strides = array<i32>} : memref<16x768xf32, #tpu.memory_space<vmem>>, vector<1x16xf32>,
        %get3A_1054 = vector.shape_cast %get3A_1053 : vector<1x16xf32> to vector<16xf32>
        %add3A_1055 = arith.addf %get3A_1054, %get3A_785 : vector<16xf32>
        %swap3A_1056 = arith.index_cast %scan3A_951 : i32 to index
        %swap3A_1057 = arith.constant 160 : index
        %swap3A_1058 = tpu.vector_load %arg12[%swap3A_1056, %swap3A_1057] {strides = array<i32>} : memref<16x768xf32, #tpu.memory_space<vmem>>, vector<1x16xf32>,
        %swap3A_1059 = vector.shape_cast %swap3A_1058 : vector<1x16xf32> to vector<16xf32>
        %swap3A_1060 = vector.shape_cast %add3A_1055 : vector<16xf32> to vector<1x16xf32>
        tpu.vector_store %arg12[%swap3A_1056, %swap3A_1057], %swap3A_1060 {strides = array<i32>} : memref<16x768xf32, #tpu.memory_space<vmem>>, vector<1x16xf32>,
        %get3A_1061 = arith.index_cast %scan3A_951 : i32 to index
        %get3A_1062 = arith.constant 176 : index
        %get3A_1063 = tpu.vector_load %arg12[%get3A_1061, %get3A_1062] {strides = array<i32>} : memref<16x768xf32, #tpu.memory_space<vmem>>, vector<1x16xf32>,
        %get3A_1064 = vector.shape_cast %get3A_1063 : vector<1x16xf32> to vector<16xf32>
        %add3A_1065 = arith.addf %get3A_1064, %get3A_789 : vector<16xf32>
        %swap3A_1066 = arith.index_cast %scan3A_951 : i32 to index
        %swap3A_1067 = arith.constant 176 : index
        %swap3A_1068 = tpu.vector_load %arg12[%swap3A_1066, %swap3A_1067] {strides = array<i32>} : memref<16x768xf32, #tpu.memory_space<vmem>>, vector<1x16xf32>,
        %swap3A_1069 = vector.shape_cast %swap3A_1068 : vector<1x16xf32> to vector<16xf32>
        %swap3A_1070 = vector.shape_cast %add3A_1065 : vector<16xf32> to vector<1x16xf32>
        tpu.vector_store %arg12[%swap3A_1066, %swap3A_1067], %swap3A_1070 {strides = array<i32>} : memref<16x768xf32, #tpu.memory_space<vmem>>, vector<1x16xf32>,
        %get3A_1071 = arith.index_cast %scan3A_951 : i32 to index
        %get3A_1072 = arith.constant 192 : index
        %get3A_1073 = tpu.vector_load %arg12[%get3A_1071, %get3A_1072] {strides = array<i32>} : memref<16x768xf32, #tpu.memory_space<vmem>>, vector<1x16xf32>,
        %get3A_1074 = vector.shape_cast %get3A_1073 : vector<1x16xf32> to vector<16xf32>
        %add3A_1075 = arith.addf %get3A_1074, %get3A_793 : vector<16xf32>
        %swap3A_1076 = arith.index_cast %scan3A_951 : i32 to index
        %swap3A_1077 = arith.constant 192 : index
        %swap3A_1078 = tpu.vector_load %arg12[%swap3A_1076, %swap3A_1077] {strides = array<i32>} : memref<16x768xf32, #tpu.memory_space<vmem>>, vector<1x16xf32>,
        %swap3A_1079 = vector.shape_cast %swap3A_1078 : vector<1x16xf32> to vector<16xf32>
        %swap3A_1080 = vector.shape_cast %add3A_1075 : vector<16xf32> to vector<1x16xf32>
        tpu.vector_store %arg12[%swap3A_1076, %swap3A_1077], %swap3A_1080 {strides = array<i32>} : memref<16x768xf32, #tpu.memory_space<vmem>>, vector<1x16xf32>,
        %get3A_1081 = arith.index_cast %scan3A_951 : i32 to index
        %get3A_1082 = arith.constant 208 : index
        %get3A_1083 = tpu.vector_load %arg12[%get3A_1081, %get3A_1082] {strides = array<i32>} : memref<16x768xf32, #tpu.memory_space<vmem>>, vector<1x16xf32>,
        %get3A_1084 = vector.shape_cast %get3A_1083 : vector<1x16xf32> to vector<16xf32>
        %add3A_1085 = arith.addf %get3A_1084, %get3A_797 : vector<16xf32>
        %swap3A_1086 = arith.index_cast %scan3A_951 : i32 to index
        %swap3A_1087 = arith.constant 208 : index
        %swap3A_1088 = tpu.vector_load %arg12[%swap3A_1086, %swap3A_1087] {strides = array<i32>} : memref<16x768xf32, #tpu.memory_space<vmem>>, vector<1x16xf32>,
        %swap3A_1089 = vector.shape_cast %swap3A_1088 : vector<1x16xf32> to vector<16xf32>
        %swap3A_1090 = vector.shape_cast %add3A_1085 : vector<16xf32> to vector<1x16xf32>
        tpu.vector_store %arg12[%swap3A_1086, %swap3A_1087], %swap3A_1090 {strides = array<i32>} : memref<16x768xf32, #tpu.memory_space<vmem>>, vector<1x16xf32>,
        %get3A_1091 = arith.index_cast %scan3A_951 : i32 to index
        %get3A_1092 = arith.constant 224 : index
        %get3A_1093 = tpu.vector_load %arg12[%get3A_1091, %get3A_1092] {strides = array<i32>} : memref<16x768xf32, #tpu.memory_space<vmem>>, vector<1x16xf32>,
        %get3A_1094 = vector.shape_cast %get3A_1093 : vector<1x16xf32> to vector<16xf32>
        %add3A_1095 = arith.addf %get3A_1094, %get3A_801 : vector<16xf32>
        %swap3A_1096 = arith.index_cast %scan3A_951 : i32 to index
        %swap3A_1097 = arith.constant 224 : index
        %swap3A_1098 = tpu.vector_load %arg12[%swap3A_1096, %swap3A_1097] {strides = array<i32>} : memref<16x768xf32, #tpu.memory_space<vmem>>, vector<1x16xf32>,
        %swap3A_1099 = vector.shape_cast %swap3A_1098 : vector<1x16xf32> to vector<16xf32>
        %swap3A_1100 = vector.shape_cast %add3A_1095 : vector<16xf32> to vector<1x16xf32>
        tpu.vector_store %arg12[%swap3A_1096, %swap3A_1097], %swap3A_1100 {strides = array<i32>} : memref<16x768xf32, #tpu.memory_space<vmem>>, vector<1x16xf32>,
        %get3A_1101 = arith.index_cast %scan3A_951 : i32 to index
        %get3A_1102 = arith.constant 240 : index
        %get3A_1103 = tpu.vector_load %arg12[%get3A_1101, %get3A_1102] {strides = array<i32>} : memref<16x768xf32, #tpu.memory_space<vmem>>, vector<1x16xf32>,
        %get3A_1104 = vector.shape_cast %get3A_1103 : vector<1x16xf32> to vector<16xf32>
        %add3A_1105 = arith.addf %get3A_1104, %get3A_805 : vector<16xf32>
        %swap3A_1106 = arith.index_cast %scan3A_951 : i32 to index
        %swap3A_1107 = arith.constant 240 : index
        %swap3A_1108 = tpu.vector_load %arg12[%swap3A_1106, %swap3A_1107] {strides = array<i32>} : memref<16x768xf32, #tpu.memory_space<vmem>>, vector<1x16xf32>,
        %swap3A_1109 = vector.shape_cast %swap3A_1108 : vector<1x16xf32> to vector<16xf32>
        %swap3A_1110 = vector.shape_cast %add3A_1105 : vector<16xf32> to vector<1x16xf32>
        tpu.vector_store %arg12[%swap3A_1106, %swap3A_1107], %swap3A_1110 {strides = array<i32>} : memref<16x768xf32, #tpu.memory_space<vmem>>, vector<1x16xf32>,
        %get3A_1111 = arith.index_cast %scan3A_951 : i32 to index
        %get3A_1112 = arith.constant 256 : index
        %get3A_1113 = tpu.vector_load %arg12[%get3A_1111, %get3A_1112] {strides = array<i32>} : memref<16x768xf32, #tpu.memory_space<vmem>>, vector<1x16xf32>,
        %get3A_1114 = vector.shape_cast %get3A_1113 : vector<1x16xf32> to vector<16xf32>
        %add3A_1115 = arith.addf %get3A_1114, %get3A_809 : vector<16xf32>
        %swap3A_1116 = arith.index_cast %scan3A_951 : i32 to index
        %swap3A_1117 = arith.constant 256 : index
        %swap3A_1118 = tpu.vector_load %arg12[%swap3A_1116, %swap3A_1117] {strides = array<i32>} : memref<16x768xf32, #tpu.memory_space<vmem>>, vector<1x16xf32>,
        %swap3A_1119 = vector.shape_cast %swap3A_1118 : vector<1x16xf32> to vector<16xf32>
        %swap3A_1120 = vector.shape_cast %add3A_1115 : vector<16xf32> to vector<1x16xf32>
        tpu.vector_store %arg12[%swap3A_1116, %swap3A_1117], %swap3A_1120 {strides = array<i32>} : memref<16x768xf32, #tpu.memory_space<vmem>>, vector<1x16xf32>,
        %get3A_1121 = arith.index_cast %scan3A_951 : i32 to index
        %get3A_1122 = arith.constant 272 : index
        %get3A_1123 = tpu.vector_load %arg12[%get3A_1121, %get3A_1122] {strides = array<i32>} : memref<16x768xf32, #tpu.memory_space<vmem>>, vector<1x16xf32>,
        %get3A_1124 = vector.shape_cast %get3A_1123 : vector<1x16xf32> to vector<16xf32>
        %add3A_1125 = arith.addf %get3A_1124, %get3A_813 : vector<16xf32>
        %swap3A_1126 = arith.index_cast %scan3A_951 : i32 to index
        %swap3A_1127 = arith.constant 272 : index
        %swap3A_1128 = tpu.vector_load %arg12[%swap3A_1126, %swap3A_1127] {strides = array<i32>} : memref<16x768xf32, #tpu.memory_space<vmem>>, vector<1x16xf32>,
        %swap3A_1129 = vector.shape_cast %swap3A_1128 : vector<1x16xf32> to vector<16xf32>
        %swap3A_1130 = vector.shape_cast %add3A_1125 : vector<16xf32> to vector<1x16xf32>
        tpu.vector_store %arg12[%swap3A_1126, %swap3A_1127], %swap3A_1130 {strides = array<i32>} : memref<16x768xf32, #tpu.memory_space<vmem>>, vector<1x16xf32>,
        %get3A_1131 = arith.index_cast %scan3A_951 : i32 to index
        %get3A_1132 = arith.constant 288 : index
        %get3A_1133 = tpu.vector_load %arg12[%get3A_1131, %get3A_1132] {strides = array<i32>} : memref<16x768xf32, #tpu.memory_space<vmem>>, vector<1x16xf32>,
        %get3A_1134 = vector.shape_cast %get3A_1133 : vector<1x16xf32> to vector<16xf32>
        %add3A_1135 = arith.addf %get3A_1134, %get3A_817 : vector<16xf32>
        %swap3A_1136 = arith.index_cast %scan3A_951 : i32 to index
        %swap3A_1137 = arith.constant 288 : index
        %swap3A_1138 = tpu.vector_load %arg12[%swap3A_1136, %swap3A_1137] {strides = array<i32>} : memref<16x768xf32, #tpu.memory_space<vmem>>, vector<1x16xf32>,
        %swap3A_1139 = vector.shape_cast %swap3A_1138 : vector<1x16xf32> to vector<16xf32>
        %swap3A_1140 = vector.shape_cast %add3A_1135 : vector<16xf32> to vector<1x16xf32>
        tpu.vector_store %arg12[%swap3A_1136, %swap3A_1137], %swap3A_1140 {strides = array<i32>} : memref<16x768xf32, #tpu.memory_space<vmem>>, vector<1x16xf32>,
        %get3A_1141 = arith.index_cast %scan3A_951 : i32 to index
        %get3A_1142 = arith.constant 304 : index
        %get3A_1143 = tpu.vector_load %arg12[%get3A_1141, %get3A_1142] {strides = array<i32>} : memref<16x768xf32, #tpu.memory_space<vmem>>, vector<1x16xf32>,
        %get3A_1144 = vector.shape_cast %get3A_1143 : vector<1x16xf32> to vector<16xf32>
        %add3A_1145 = arith.addf %get3A_1144, %get3A_821 : vector<16xf32>
        %swap3A_1146 = arith.index_cast %scan3A_951 : i32 to index
        %swap3A_1147 = arith.constant 304 : index
        %swap3A_1148 = tpu.vector_load %arg12[%swap3A_1146, %swap3A_1147] {strides = array<i32>} : memref<16x768xf32, #tpu.memory_space<vmem>>, vector<1x16xf32>,
        %swap3A_1149 = vector.shape_cast %swap3A_1148 : vector<1x16xf32> to vector<16xf32>
        %swap3A_1150 = vector.shape_cast %add3A_1145 : vector<16xf32> to vector<1x16xf32>
        tpu.vector_store %arg12[%swap3A_1146, %swap3A_1147], %swap3A_1150 {strides = array<i32>} : memref<16x768xf32, #tpu.memory_space<vmem>>, vector<1x16xf32>,
        %get3A_1151 = arith.index_cast %scan3A_951 : i32 to index
        %get3A_1152 = arith.constant 320 : index
        %get3A_1153 = tpu.vector_load %arg12[%get3A_1151, %get3A_1152] {strides = array<i32>} : memref<16x768xf32, #tpu.memory_space<vmem>>, vector<1x16xf32>,
        %get3A_1154 = vector.shape_cast %get3A_1153 : vector<1x16xf32> to vector<16xf32>
        %add3A_1155 = arith.addf %get3A_1154, %get3A_825 : vector<16xf32>
        %swap3A_1156 = arith.index_cast %scan3A_951 : i32 to index
        %swap3A_1157 = arith.constant 320 : index
        %swap3A_1158 = tpu.vector_load %arg12[%swap3A_1156, %swap3A_1157] {strides = array<i32>} : memref<16x768xf32, #tpu.memory_space<vmem>>, vector<1x16xf32>,
        %swap3A_1159 = vector.shape_cast %swap3A_1158 : vector<1x16xf32> to vector<16xf32>
        %swap3A_1160 = vector.shape_cast %add3A_1155 : vector<16xf32> to vector<1x16xf32>
        tpu.vector_store %arg12[%swap3A_1156, %swap3A_1157], %swap3A_1160 {strides = array<i32>} : memref<16x768xf32, #tpu.memory_space<vmem>>, vector<1x16xf32>,
        %get3A_1161 = arith.index_cast %scan3A_951 : i32 to index
        %get3A_1162 = arith.constant 336 : index
        %get3A_1163 = tpu.vector_load %arg12[%get3A_1161, %get3A_1162] {strides = array<i32>} : memref<16x768xf32, #tpu.memory_space<vmem>>, vector<1x16xf32>,
        %get3A_1164 = vector.shape_cast %get3A_1163 : vector<1x16xf32> to vector<16xf32>
        %add3A_1165 = arith.addf %get3A_1164, %get3A_829 : vector<16xf32>
        %swap3A_1166 = arith.index_cast %scan3A_951 : i32 to index
        %swap3A_1167 = arith.constant 336 : index
        %swap3A_1168 = tpu.vector_load %arg12[%swap3A_1166, %swap3A_1167] {strides = array<i32>} : memref<16x768xf32, #tpu.memory_space<vmem>>, vector<1x16xf32>,
        %swap3A_1169 = vector.shape_cast %swap3A_1168 : vector<1x16xf32> to vector<16xf32>
        %swap3A_1170 = vector.shape_cast %add3A_1165 : vector<16xf32> to vector<1x16xf32>
        tpu.vector_store %arg12[%swap3A_1166, %swap3A_1167], %swap3A_1170 {strides = array<i32>} : memref<16x768xf32, #tpu.memory_space<vmem>>, vector<1x16xf32>,
        %get3A_1171 = arith.index_cast %scan3A_951 : i32 to index
        %get3A_1172 = arith.constant 352 : index
        %get3A_1173 = tpu.vector_load %arg12[%get3A_1171, %get3A_1172] {strides = array<i32>} : memref<16x768xf32, #tpu.memory_space<vmem>>, vector<1x16xf32>,
        %get3A_1174 = vector.shape_cast %get3A_1173 : vector<1x16xf32> to vector<16xf32>
        %add3A_1175 = arith.addf %get3A_1174, %get3A_833 : vector<16xf32>
        %swap3A_1176 = arith.index_cast %scan3A_951 : i32 to index
        %swap3A_1177 = arith.constant 352 : index
        %swap3A_1178 = tpu.vector_load %arg12[%swap3A_1176, %swap3A_1177] {strides = array<i32>} : memref<16x768xf32, #tpu.memory_space<vmem>>, vector<1x16xf32>,
        %swap3A_1179 = vector.shape_cast %swap3A_1178 : vector<1x16xf32> to vector<16xf32>
        %swap3A_1180 = vector.shape_cast %add3A_1175 : vector<16xf32> to vector<1x16xf32>
        tpu.vector_store %arg12[%swap3A_1176, %swap3A_1177], %swap3A_1180 {strides = array<i32>} : memref<16x768xf32, #tpu.memory_space<vmem>>, vector<1x16xf32>,
        %get3A_1181 = arith.index_cast %scan3A_951 : i32 to index
        %get3A_1182 = arith.constant 368 : index
        %get3A_1183 = tpu.vector_load %arg12[%get3A_1181, %get3A_1182] {strides = array<i32>} : memref<16x768xf32, #tpu.memory_space<vmem>>, vector<1x16xf32>,
        %get3A_1184 = vector.shape_cast %get3A_1183 : vector<1x16xf32> to vector<16xf32>
        %add3A_1185 = arith.addf %get3A_1184, %get3A_837 : vector<16xf32>
        %swap3A_1186 = arith.index_cast %scan3A_951 : i32 to index
        %swap3A_1187 = arith.constant 368 : index
        %swap3A_1188 = tpu.vector_load %arg12[%swap3A_1186, %swap3A_1187] {strides = array<i32>} : memref<16x768xf32, #tpu.memory_space<vmem>>, vector<1x16xf32>,
        %swap3A_1189 = vector.shape_cast %swap3A_1188 : vector<1x16xf32> to vector<16xf32>
        %swap3A_1190 = vector.shape_cast %add3A_1185 : vector<16xf32> to vector<1x16xf32>
        tpu.vector_store %arg12[%swap3A_1186, %swap3A_1187], %swap3A_1190 {strides = array<i32>} : memref<16x768xf32, #tpu.memory_space<vmem>>, vector<1x16xf32>,
        %get3A_1191 = arith.index_cast %scan3A_951 : i32 to index
        %get3A_1192 = arith.constant 384 : index
        %get3A_1193 = tpu.vector_load %arg12[%get3A_1191, %get3A_1192] {strides = array<i32>} : memref<16x768xf32, #tpu.memory_space<vmem>>, vector<1x16xf32>,
        %get3A_1194 = vector.shape_cast %get3A_1193 : vector<1x16xf32> to vector<16xf32>
        %add3A_1195 = arith.addf %get3A_1194, %get3A_841 : vector<16xf32>
        %swap3A_1196 = arith.index_cast %scan3A_951 : i32 to index
        %swap3A_1197 = arith.constant 384 : index
        %swap3A_1198 = tpu.vector_load %arg12[%swap3A_1196, %swap3A_1197] {strides = array<i32>} : memref<16x768xf32, #tpu.memory_space<vmem>>, vector<1x16xf32>,
        %swap3A_1199 = vector.shape_cast %swap3A_1198 : vector<1x16xf32> to vector<16xf32>
        %swap3A_1200 = vector.shape_cast %add3A_1195 : vector<16xf32> to vector<1x16xf32>
        tpu.vector_store %arg12[%swap3A_1196, %swap3A_1197], %swap3A_1200 {strides = array<i32>} : memref<16x768xf32, #tpu.memory_space<vmem>>, vector<1x16xf32>,
        %get3A_1201 = arith.index_cast %scan3A_951 : i32 to index
        %get3A_1202 = arith.constant 400 : index
        %get3A_1203 = tpu.vector_load %arg12[%get3A_1201, %get3A_1202] {strides = array<i32>} : memref<16x768xf32, #tpu.memory_space<vmem>>, vector<1x16xf32>,
        %get3A_1204 = vector.shape_cast %get3A_1203 : vector<1x16xf32> to vector<16xf32>
        %add3A_1205 = arith.addf %get3A_1204, %get3A_845 : vector<16xf32>
        %swap3A_1206 = arith.index_cast %scan3A_951 : i32 to index
        %swap3A_1207 = arith.constant 400 : index
        %swap3A_1208 = tpu.vector_load %arg12[%swap3A_1206, %swap3A_1207] {strides = array<i32>} : memref<16x768xf32, #tpu.memory_space<vmem>>, vector<1x16xf32>,
        %swap3A_1209 = vector.shape_cast %swap3A_1208 : vector<1x16xf32> to vector<16xf32>
        %swap3A_1210 = vector.shape_cast %add3A_1205 : vector<16xf32> to vector<1x16xf32>
        tpu.vector_store %arg12[%swap3A_1206, %swap3A_1207], %swap3A_1210 {strides = array<i32>} : memref<16x768xf32, #tpu.memory_space<vmem>>, vector<1x16xf32>,
        %get3A_1211 = arith.index_cast %scan3A_951 : i32 to index
        %get3A_1212 = arith.constant 416 : index
        %get3A_1213 = tpu.vector_load %arg12[%get3A_1211, %get3A_1212] {strides = array<i32>} : memref<16x768xf32, #tpu.memory_space<vmem>>, vector<1x16xf32>,
        %get3A_1214 = vector.shape_cast %get3A_1213 : vector<1x16xf32> to vector<16xf32>
        %add3A_1215 = arith.addf %get3A_1214, %get3A_849 : vector<16xf32>
        %swap3A_1216 = arith.index_cast %scan3A_951 : i32 to index
        %swap3A_1217 = arith.constant 416 : index
        %swap3A_1218 = tpu.vector_load %arg12[%swap3A_1216, %swap3A_1217] {strides = array<i32>} : memref<16x768xf32, #tpu.memory_space<vmem>>, vector<1x16xf32>,
        %swap3A_1219 = vector.shape_cast %swap3A_1218 : vector<1x16xf32> to vector<16xf32>
        %swap3A_1220 = vector.shape_cast %add3A_1215 : vector<16xf32> to vector<1x16xf32>
        tpu.vector_store %arg12[%swap3A_1216, %swap3A_1217], %swap3A_1220 {strides = array<i32>} : memref<16x768xf32, #tpu.memory_space<vmem>>, vector<1x16xf32>,
        %get3A_1221 = arith.index_cast %scan3A_951 : i32 to index
        %get3A_1222 = arith.constant 432 : index
        %get3A_1223 = tpu.vector_load %arg12[%get3A_1221, %get3A_1222] {strides = array<i32>} : memref<16x768xf32, #tpu.memory_space<vmem>>, vector<1x16xf32>,
        %get3A_1224 = vector.shape_cast %get3A_1223 : vector<1x16xf32> to vector<16xf32>
        %add3A_1225 = arith.addf %get3A_1224, %get3A_853 : vector<16xf32>
        %swap3A_1226 = arith.index_cast %scan3A_951 : i32 to index
        %swap3A_1227 = arith.constant 432 : index
        %swap3A_1228 = tpu.vector_load %arg12[%swap3A_1226, %swap3A_1227] {strides = array<i32>} : memref<16x768xf32, #tpu.memory_space<vmem>>, vector<1x16xf32>,
        %swap3A_1229 = vector.shape_cast %swap3A_1228 : vector<1x16xf32> to vector<16xf32>
        %swap3A_1230 = vector.shape_cast %add3A_1225 : vector<16xf32> to vector<1x16xf32>
        tpu.vector_store %arg12[%swap3A_1226, %swap3A_1227], %swap3A_1230 {strides = array<i32>} : memref<16x768xf32, #tpu.memory_space<vmem>>, vector<1x16xf32>,
        %get3A_1231 = arith.index_cast %scan3A_951 : i32 to index
        %get3A_1232 = arith.constant 448 : index
        %get3A_1233 = tpu.vector_load %arg12[%get3A_1231, %get3A_1232] {strides = array<i32>} : memref<16x768xf32, #tpu.memory_space<vmem>>, vector<1x16xf32>,
        %get3A_1234 = vector.shape_cast %get3A_1233 : vector<1x16xf32> to vector<16xf32>
        %add3A_1235 = arith.addf %get3A_1234, %get3A_857 : vector<16xf32>
        %swap3A_1236 = arith.index_cast %scan3A_951 : i32 to index
        %swap3A_1237 = arith.constant 448 : index
        %swap3A_1238 = tpu.vector_load %arg12[%swap3A_1236, %swap3A_1237] {strides = array<i32>} : memref<16x768xf32, #tpu.memory_space<vmem>>, vector<1x16xf32>,
        %swap3A_1239 = vector.shape_cast %swap3A_1238 : vector<1x16xf32> to vector<16xf32>
        %swap3A_1240 = vector.shape_cast %add3A_1235 : vector<16xf32> to vector<1x16xf32>
        tpu.vector_store %arg12[%swap3A_1236, %swap3A_1237], %swap3A_1240 {strides = array<i32>} : memref<16x768xf32, #tpu.memory_space<vmem>>, vector<1x16xf32>,
        %get3A_1241 = arith.index_cast %scan3A_951 : i32 to index
        %get3A_1242 = arith.constant 464 : index
        %get3A_1243 = tpu.vector_load %arg12[%get3A_1241, %get3A_1242] {strides = array<i32>} : memref<16x768xf32, #tpu.memory_space<vmem>>, vector<1x16xf32>,
        %get3A_1244 = vector.shape_cast %get3A_1243 : vector<1x16xf32> to vector<16xf32>
        %add3A_1245 = arith.addf %get3A_1244, %get3A_861 : vector<16xf32>
        %swap3A_1246 = arith.index_cast %scan3A_951 : i32 to index
        %swap3A_1247 = arith.constant 464 : index
        %swap3A_1248 = tpu.vector_load %arg12[%swap3A_1246, %swap3A_1247] {strides = array<i32>} : memref<16x768xf32, #tpu.memory_space<vmem>>, vector<1x16xf32>,
        %swap3A_1249 = vector.shape_cast %swap3A_1248 : vector<1x16xf32> to vector<16xf32>
        %swap3A_1250 = vector.shape_cast %add3A_1245 : vector<16xf32> to vector<1x16xf32>
        tpu.vector_store %arg12[%swap3A_1246, %swap3A_1247], %swap3A_1250 {strides = array<i32>} : memref<16x768xf32, #tpu.memory_space<vmem>>, vector<1x16xf32>,
        %get3A_1251 = arith.index_cast %scan3A_951 : i32 to index
        %get3A_1252 = arith.constant 480 : index
        %get3A_1253 = tpu.vector_load %arg12[%get3A_1251, %get3A_1252] {strides = array<i32>} : memref<16x768xf32, #tpu.memory_space<vmem>>, vector<1x16xf32>,
        %get3A_1254 = vector.shape_cast %get3A_1253 : vector<1x16xf32> to vector<16xf32>
        %add3A_1255 = arith.addf %get3A_1254, %get3A_865 : vector<16xf32>
        %swap3A_1256 = arith.index_cast %scan3A_951 : i32 to index
        %swap3A_1257 = arith.constant 480 : index
        %swap3A_1258 = tpu.vector_load %arg12[%swap3A_1256, %swap3A_1257] {strides = array<i32>} : memref<16x768xf32, #tpu.memory_space<vmem>>, vector<1x16xf32>,
        %swap3A_1259 = vector.shape_cast %swap3A_1258 : vector<1x16xf32> to vector<16xf32>
        %swap3A_1260 = vector.shape_cast %add3A_1255 : vector<16xf32> to vector<1x16xf32>
        tpu.vector_store %arg12[%swap3A_1256, %swap3A_1257], %swap3A_1260 {strides = array<i32>} : memref<16x768xf32, #tpu.memory_space<vmem>>, vector<1x16xf32>,
        %get3A_1261 = arith.index_cast %scan3A_951 : i32 to index
        %get3A_1262 = arith.constant 496 : index
        %get3A_1263 = tpu.vector_load %arg12[%get3A_1261, %get3A_1262] {strides = array<i32>} : memref<16x768xf32, #tpu.memory_space<vmem>>, vector<1x16xf32>,
        %get3A_1264 = vector.shape_cast %get3A_1263 : vector<1x16xf32> to vector<16xf32>
        %add3A_1265 = arith.addf %get3A_1264, %get3A_869 : vector<16xf32>
        %swap3A_1266 = arith.index_cast %scan3A_951 : i32 to index
        %swap3A_1267 = arith.constant 496 : index
        %swap3A_1268 = tpu.vector_load %arg12[%swap3A_1266, %swap3A_1267] {strides = array<i32>} : memref<16x768xf32, #tpu.memory_space<vmem>>, vector<1x16xf32>,
        %swap3A_1269 = vector.shape_cast %swap3A_1268 : vector<1x16xf32> to vector<16xf32>
        %swap3A_1270 = vector.shape_cast %add3A_1265 : vector<16xf32> to vector<1x16xf32>
        tpu.vector_store %arg12[%swap3A_1266, %swap3A_1267], %swap3A_1270 {strides = array<i32>} : memref<16x768xf32, #tpu.memory_space<vmem>>, vector<1x16xf32>,
        %get3A_1271 = arith.index_cast %scan3A_951 : i32 to index
        %get3A_1272 = arith.constant 512 : index
        %get3A_1273 = tpu.vector_load %arg12[%get3A_1271, %get3A_1272] {strides = array<i32>} : memref<16x768xf32, #tpu.memory_space<vmem>>, vector<1x16xf32>,
        %get3A_1274 = vector.shape_cast %get3A_1273 : vector<1x16xf32> to vector<16xf32>
        %add3A_1275 = arith.addf %get3A_1274, %get3A_873 : vector<16xf32>
        %swap3A_1276 = arith.index_cast %scan3A_951 : i32 to index
        %swap3A_1277 = arith.constant 512 : index
        %swap3A_1278 = tpu.vector_load %arg12[%swap3A_1276, %swap3A_1277] {strides = array<i32>} : memref<16x768xf32, #tpu.memory_space<vmem>>, vector<1x16xf32>,
        %swap3A_1279 = vector.shape_cast %swap3A_1278 : vector<1x16xf32> to vector<16xf32>
        %swap3A_1280 = vector.shape_cast %add3A_1275 : vector<16xf32> to vector<1x16xf32>
        tpu.vector_store %arg12[%swap3A_1276, %swap3A_1277], %swap3A_1280 {strides = array<i32>} : memref<16x768xf32, #tpu.memory_space<vmem>>, vector<1x16xf32>,
        %get3A_1281 = arith.index_cast %scan3A_951 : i32 to index
        %get3A_1282 = arith.constant 528 : index
        %get3A_1283 = tpu.vector_load %arg12[%get3A_1281, %get3A_1282] {strides = array<i32>} : memref<16x768xf32, #tpu.memory_space<vmem>>, vector<1x16xf32>,
        %get3A_1284 = vector.shape_cast %get3A_1283 : vector<1x16xf32> to vector<16xf32>
        %add3A_1285 = arith.addf %get3A_1284, %get3A_877 : vector<16xf32>
        %swap3A_1286 = arith.index_cast %scan3A_951 : i32 to index
        %swap3A_1287 = arith.constant 528 : index
        %swap3A_1288 = tpu.vector_load %arg12[%swap3A_1286, %swap3A_1287] {strides = array<i32>} : memref<16x768xf32, #tpu.memory_space<vmem>>, vector<1x16xf32>,
        %swap3A_1289 = vector.shape_cast %swap3A_1288 : vector<1x16xf32> to vector<16xf32>
        %swap3A_1290 = vector.shape_cast %add3A_1285 : vector<16xf32> to vector<1x16xf32>
        tpu.vector_store %arg12[%swap3A_1286, %swap3A_1287], %swap3A_1290 {strides = array<i32>} : memref<16x768xf32, #tpu.memory_space<vmem>>, vector<1x16xf32>,
        %get3A_1291 = arith.index_cast %scan3A_951 : i32 to index
        %get3A_1292 = arith.constant 544 : index
        %get3A_1293 = tpu.vector_load %arg12[%get3A_1291, %get3A_1292] {strides = array<i32>} : memref<16x768xf32, #tpu.memory_space<vmem>>, vector<1x16xf32>,
        %get3A_1294 = vector.shape_cast %get3A_1293 : vector<1x16xf32> to vector<16xf32>
        %add3A_1295 = arith.addf %get3A_1294, %get3A_881 : vector<16xf32>
        %swap3A_1296 = arith.index_cast %scan3A_951 : i32 to index
        %swap3A_1297 = arith.constant 544 : index
        %swap3A_1298 = tpu.vector_load %arg12[%swap3A_1296, %swap3A_1297] {strides = array<i32>} : memref<16x768xf32, #tpu.memory_space<vmem>>, vector<1x16xf32>,
        %swap3A_1299 = vector.shape_cast %swap3A_1298 : vector<1x16xf32> to vector<16xf32>
        %swap3A_1300 = vector.shape_cast %add3A_1295 : vector<16xf32> to vector<1x16xf32>
        tpu.vector_store %arg12[%swap3A_1296, %swap3A_1297], %swap3A_1300 {strides = array<i32>} : memref<16x768xf32, #tpu.memory_space<vmem>>, vector<1x16xf32>,
        %get3A_1301 = arith.index_cast %scan3A_951 : i32 to index
        %get3A_1302 = arith.constant 560 : index
        %get3A_1303 = tpu.vector_load %arg12[%get3A_1301, %get3A_1302] {strides = array<i32>} : memref<16x768xf32, #tpu.memory_space<vmem>>, vector<1x16xf32>,
        %get3A_1304 = vector.shape_cast %get3A_1303 : vector<1x16xf32> to vector<16xf32>
        %add3A_1305 = arith.addf %get3A_1304, %get3A_885 : vector<16xf32>
        %swap3A_1306 = arith.index_cast %scan3A_951 : i32 to index
        %swap3A_1307 = arith.constant 560 : index
        %swap3A_1308 = tpu.vector_load %arg12[%swap3A_1306, %swap3A_1307] {strides = array<i32>} : memref<16x768xf32, #tpu.memory_space<vmem>>, vector<1x16xf32>,
        %swap3A_1309 = vector.shape_cast %swap3A_1308 : vector<1x16xf32> to vector<16xf32>
        %swap3A_1310 = vector.shape_cast %add3A_1305 : vector<16xf32> to vector<1x16xf32>
        tpu.vector_store %arg12[%swap3A_1306, %swap3A_1307], %swap3A_1310 {strides = array<i32>} : memref<16x768xf32, #tpu.memory_space<vmem>>, vector<1x16xf32>,
        %get3A_1311 = arith.index_cast %scan3A_951 : i32 to index
        %get3A_1312 = arith.constant 576 : index
        %get3A_1313 = tpu.vector_load %arg12[%get3A_1311, %get3A_1312] {strides = array<i32>} : memref<16x768xf32, #tpu.memory_space<vmem>>, vector<1x16xf32>,
        %get3A_1314 = vector.shape_cast %get3A_1313 : vector<1x16xf32> to vector<16xf32>
        %add3A_1315 = arith.addf %get3A_1314, %get3A_889 : vector<16xf32>
        %swap3A_1316 = arith.index_cast %scan3A_951 : i32 to index
        %swap3A_1317 = arith.constant 576 : index
        %swap3A_1318 = tpu.vector_load %arg12[%swap3A_1316, %swap3A_1317] {strides = array<i32>} : memref<16x768xf32, #tpu.memory_space<vmem>>, vector<1x16xf32>,
        %swap3A_1319 = vector.shape_cast %swap3A_1318 : vector<1x16xf32> to vector<16xf32>
        %swap3A_1320 = vector.shape_cast %add3A_1315 : vector<16xf32> to vector<1x16xf32>
        tpu.vector_store %arg12[%swap3A_1316, %swap3A_1317], %swap3A_1320 {strides = array<i32>} : memref<16x768xf32, #tpu.memory_space<vmem>>, vector<1x16xf32>,
        %get3A_1321 = arith.index_cast %scan3A_951 : i32 to index
        %get3A_1322 = arith.constant 592 : index
        %get3A_1323 = tpu.vector_load %arg12[%get3A_1321, %get3A_1322] {strides = array<i32>} : memref<16x768xf32, #tpu.memory_space<vmem>>, vector<1x16xf32>,
        %get3A_1324 = vector.shape_cast %get3A_1323 : vector<1x16xf32> to vector<16xf32>
        %add3A_1325 = arith.addf %get3A_1324, %get3A_893 : vector<16xf32>
        %swap3A_1326 = arith.index_cast %scan3A_951 : i32 to index
        %swap3A_1327 = arith.constant 592 : index
        %swap3A_1328 = tpu.vector_load %arg12[%swap3A_1326, %swap3A_1327] {strides = array<i32>} : memref<16x768xf32, #tpu.memory_space<vmem>>, vector<1x16xf32>,
        %swap3A_1329 = vector.shape_cast %swap3A_1328 : vector<1x16xf32> to vector<16xf32>
        %swap3A_1330 = vector.shape_cast %add3A_1325 : vector<16xf32> to vector<1x16xf32>
        tpu.vector_store %arg12[%swap3A_1326, %swap3A_1327], %swap3A_1330 {strides = array<i32>} : memref<16x768xf32, #tpu.memory_space<vmem>>, vector<1x16xf32>,
        %get3A_1331 = arith.index_cast %scan3A_951 : i32 to index
        %get3A_1332 = arith.constant 608 : index
        %get3A_1333 = tpu.vector_load %arg12[%get3A_1331, %get3A_1332] {strides = array<i32>} : memref<16x768xf32, #tpu.memory_space<vmem>>, vector<1x16xf32>,
        %get3A_1334 = vector.shape_cast %get3A_1333 : vector<1x16xf32> to vector<16xf32>
        %add3A_1335 = arith.addf %get3A_1334, %get3A_897 : vector<16xf32>
        %swap3A_1336 = arith.index_cast %scan3A_951 : i32 to index
        %swap3A_1337 = arith.constant 608 : index
        %swap3A_1338 = tpu.vector_load %arg12[%swap3A_1336, %swap3A_1337] {strides = array<i32>} : memref<16x768xf32, #tpu.memory_space<vmem>>, vector<1x16xf32>,
        %swap3A_1339 = vector.shape_cast %swap3A_1338 : vector<1x16xf32> to vector<16xf32>
        %swap3A_1340 = vector.shape_cast %add3A_1335 : vector<16xf32> to vector<1x16xf32>
        tpu.vector_store %arg12[%swap3A_1336, %swap3A_1337], %swap3A_1340 {strides = array<i32>} : memref<16x768xf32, #tpu.memory_space<vmem>>, vector<1x16xf32>,
        %get3A_1341 = arith.index_cast %scan3A_951 : i32 to index
        %get3A_1342 = arith.constant 624 : index
        %get3A_1343 = tpu.vector_load %arg12[%get3A_1341, %get3A_1342] {strides = array<i32>} : memref<16x768xf32, #tpu.memory_space<vmem>>, vector<1x16xf32>,
        %get3A_1344 = vector.shape_cast %get3A_1343 : vector<1x16xf32> to vector<16xf32>
        %add3A_1345 = arith.addf %get3A_1344, %get3A_901 : vector<16xf32>
        %swap3A_1346 = arith.index_cast %scan3A_951 : i32 to index
        %swap3A_1347 = arith.constant 624 : index
        %swap3A_1348 = tpu.vector_load %arg12[%swap3A_1346, %swap3A_1347] {strides = array<i32>} : memref<16x768xf32, #tpu.memory_space<vmem>>, vector<1x16xf32>,
        %swap3A_1349 = vector.shape_cast %swap3A_1348 : vector<1x16xf32> to vector<16xf32>
        %swap3A_1350 = vector.shape_cast %add3A_1345 : vector<16xf32> to vector<1x16xf32>
        tpu.vector_store %arg12[%swap3A_1346, %swap3A_1347], %swap3A_1350 {strides = array<i32>} : memref<16x768xf32, #tpu.memory_space<vmem>>, vector<1x16xf32>,
        %get3A_1351 = arith.index_cast %scan3A_951 : i32 to index
        %get3A_1352 = arith.constant 640 : index
        %get3A_1353 = tpu.vector_load %arg12[%get3A_1351, %get3A_1352] {strides = array<i32>} : memref<16x768xf32, #tpu.memory_space<vmem>>, vector<1x16xf32>,
        %get3A_1354 = vector.shape_cast %get3A_1353 : vector<1x16xf32> to vector<16xf32>
        %add3A_1355 = arith.addf %get3A_1354, %get3A_905 : vector<16xf32>
        %swap3A_1356 = arith.index_cast %scan3A_951 : i32 to index
        %swap3A_1357 = arith.constant 640 : index
        %swap3A_1358 = tpu.vector_load %arg12[%swap3A_1356, %swap3A_1357] {strides = array<i32>} : memref<16x768xf32, #tpu.memory_space<vmem>>, vector<1x16xf32>,
        %swap3A_1359 = vector.shape_cast %swap3A_1358 : vector<1x16xf32> to vector<16xf32>
        %swap3A_1360 = vector.shape_cast %add3A_1355 : vector<16xf32> to vector<1x16xf32>
        tpu.vector_store %arg12[%swap3A_1356, %swap3A_1357], %swap3A_1360 {strides = array<i32>} : memref<16x768xf32, #tpu.memory_space<vmem>>, vector<1x16xf32>,
        %get3A_1361 = arith.index_cast %scan3A_951 : i32 to index
        %get3A_1362 = arith.constant 656 : index
        %get3A_1363 = tpu.vector_load %arg12[%get3A_1361, %get3A_1362] {strides = array<i32>} : memref<16x768xf32, #tpu.memory_space<vmem>>, vector<1x16xf32>,
        %get3A_1364 = vector.shape_cast %get3A_1363 : vector<1x16xf32> to vector<16xf32>
        %add3A_1365 = arith.addf %get3A_1364, %get3A_909 : vector<16xf32>
        %swap3A_1366 = arith.index_cast %scan3A_951 : i32 to index
        %swap3A_1367 = arith.constant 656 : index
        %swap3A_1368 = tpu.vector_load %arg12[%swap3A_1366, %swap3A_1367] {strides = array<i32>} : memref<16x768xf32, #tpu.memory_space<vmem>>, vector<1x16xf32>,
        %swap3A_1369 = vector.shape_cast %swap3A_1368 : vector<1x16xf32> to vector<16xf32>
        %swap3A_1370 = vector.shape_cast %add3A_1365 : vector<16xf32> to vector<1x16xf32>
        tpu.vector_store %arg12[%swap3A_1366, %swap3A_1367], %swap3A_1370 {strides = array<i32>} : memref<16x768xf32, #tpu.memory_space<vmem>>, vector<1x16xf32>,
        %get3A_1371 = arith.index_cast %scan3A_951 : i32 to index
        %get3A_1372 = arith.constant 672 : index
        %get3A_1373 = tpu.vector_load %arg12[%get3A_1371, %get3A_1372] {strides = array<i32>} : memref<16x768xf32, #tpu.memory_space<vmem>>, vector<1x16xf32>,
        %get3A_1374 = vector.shape_cast %get3A_1373 : vector<1x16xf32> to vector<16xf32>
        %add3A_1375 = arith.addf %get3A_1374, %get3A_913 : vector<16xf32>
        %swap3A_1376 = arith.index_cast %scan3A_951 : i32 to index
        %swap3A_1377 = arith.constant 672 : index
        %swap3A_1378 = tpu.vector_load %arg12[%swap3A_1376, %swap3A_1377] {strides = array<i32>} : memref<16x768xf32, #tpu.memory_space<vmem>>, vector<1x16xf32>,
        %swap3A_1379 = vector.shape_cast %swap3A_1378 : vector<1x16xf32> to vector<16xf32>
        %swap3A_1380 = vector.shape_cast %add3A_1375 : vector<16xf32> to vector<1x16xf32>
        tpu.vector_store %arg12[%swap3A_1376, %swap3A_1377], %swap3A_1380 {strides = array<i32>} : memref<16x768xf32, #tpu.memory_space<vmem>>, vector<1x16xf32>,
        %get3A_1381 = arith.index_cast %scan3A_951 : i32 to index
        %get3A_1382 = arith.constant 688 : index
        %get3A_1383 = tpu.vector_load %arg12[%get3A_1381, %get3A_1382] {strides = array<i32>} : memref<16x768xf32, #tpu.memory_space<vmem>>, vector<1x16xf32>,
        %get3A_1384 = vector.shape_cast %get3A_1383 : vector<1x16xf32> to vector<16xf32>
        %add3A_1385 = arith.addf %get3A_1384, %get3A_917 : vector<16xf32>
        %swap3A_1386 = arith.index_cast %scan3A_951 : i32 to index
        %swap3A_1387 = arith.constant 688 : index
        %swap3A_1388 = tpu.vector_load %arg12[%swap3A_1386, %swap3A_1387] {strides = array<i32>} : memref<16x768xf32, #tpu.memory_space<vmem>>, vector<1x16xf32>,
        %swap3A_1389 = vector.shape_cast %swap3A_1388 : vector<1x16xf32> to vector<16xf32>
        %swap3A_1390 = vector.shape_cast %add3A_1385 : vector<16xf32> to vector<1x16xf32>
        tpu.vector_store %arg12[%swap3A_1386, %swap3A_1387], %swap3A_1390 {strides = array<i32>} : memref<16x768xf32, #tpu.memory_space<vmem>>, vector<1x16xf32>,
        %get3A_1391 = arith.index_cast %scan3A_951 : i32 to index
        %get3A_1392 = arith.constant 704 : index
        %get3A_1393 = tpu.vector_load %arg12[%get3A_1391, %get3A_1392] {strides = array<i32>} : memref<16x768xf32, #tpu.memory_space<vmem>>, vector<1x16xf32>,
        %get3A_1394 = vector.shape_cast %get3A_1393 : vector<1x16xf32> to vector<16xf32>
        %add3A_1395 = arith.addf %get3A_1394, %get3A_921 : vector<16xf32>
        %swap3A_1396 = arith.index_cast %scan3A_951 : i32 to index
        %swap3A_1397 = arith.constant 704 : index
        %swap3A_1398 = tpu.vector_load %arg12[%swap3A_1396, %swap3A_1397] {strides = array<i32>} : memref<16x768xf32, #tpu.memory_space<vmem>>, vector<1x16xf32>,
        %swap3A_1399 = vector.shape_cast %swap3A_1398 : vector<1x16xf32> to vector<16xf32>
        %swap3A_1400 = vector.shape_cast %add3A_1395 : vector<16xf32> to vector<1x16xf32>
        tpu.vector_store %arg12[%swap3A_1396, %swap3A_1397], %swap3A_1400 {strides = array<i32>} : memref<16x768xf32, #tpu.memory_space<vmem>>, vector<1x16xf32>,
        %get3A_1401 = arith.index_cast %scan3A_951 : i32 to index
        %get3A_1402 = arith.constant 720 : index
        %get3A_1403 = tpu.vector_load %arg12[%get3A_1401, %get3A_1402] {strides = array<i32>} : memref<16x768xf32, #tpu.memory_space<vmem>>, vector<1x16xf32>,
        %get3A_1404 = vector.shape_cast %get3A_1403 : vector<1x16xf32> to vector<16xf32>
        %add3A_1405 = arith.addf %get3A_1404, %get3A_925 : vector<16xf32>
        %swap3A_1406 = arith.index_cast %scan3A_951 : i32 to index
        %swap3A_1407 = arith.constant 720 : index
        %swap3A_1408 = tpu.vector_load %arg12[%swap3A_1406, %swap3A_1407] {strides = array<i32>} : memref<16x768xf32, #tpu.memory_space<vmem>>, vector<1x16xf32>,
        %swap3A_1409 = vector.shape_cast %swap3A_1408 : vector<1x16xf32> to vector<16xf32>
        %swap3A_1410 = vector.shape_cast %add3A_1405 : vector<16xf32> to vector<1x16xf32>
        tpu.vector_store %arg12[%swap3A_1406, %swap3A_1407], %swap3A_1410 {strides = array<i32>} : memref<16x768xf32, #tpu.memory_space<vmem>>, vector<1x16xf32>,
        %get3A_1411 = arith.index_cast %scan3A_951 : i32 to index
        %get3A_1412 = arith.constant 736 : index
        %get3A_1413 = tpu.vector_load %arg12[%get3A_1411, %get3A_1412] {strides = array<i32>} : memref<16x768xf32, #tpu.memory_space<vmem>>, vector<1x16xf32>,
        %get3A_1414 = vector.shape_cast %get3A_1413 : vector<1x16xf32> to vector<16xf32>
        %add3A_1415 = arith.addf %get3A_1414, %get3A_929 : vector<16xf32>
        %swap3A_1416 = arith.index_cast %scan3A_951 : i32 to index
        %swap3A_1417 = arith.constant 736 : index
        %swap3A_1418 = tpu.vector_load %arg12[%swap3A_1416, %swap3A_1417] {strides = array<i32>} : memref<16x768xf32, #tpu.memory_space<vmem>>, vector<1x16xf32>,
        %swap3A_1419 = vector.shape_cast %swap3A_1418 : vector<1x16xf32> to vector<16xf32>
        %swap3A_1420 = vector.shape_cast %add3A_1415 : vector<16xf32> to vector<1x16xf32>
        tpu.vector_store %arg12[%swap3A_1416, %swap3A_1417], %swap3A_1420 {strides = array<i32>} : memref<16x768xf32, #tpu.memory_space<vmem>>, vector<1x16xf32>,
        %get3A_1421 = arith.index_cast %scan3A_951 : i32 to index
        %get3A_1422 = arith.constant 752 : index
        %get3A_1423 = tpu.vector_load %arg12[%get3A_1421, %get3A_1422] {strides = array<i32>} : memref<16x768xf32, #tpu.memory_space<vmem>>, vector<1x16xf32>,
        %get3A_1424 = vector.shape_cast %get3A_1423 : vector<1x16xf32> to vector<16xf32>
        %add3A_1425 = arith.addf %get3A_1424, %get3A_933 : vector<16xf32>
        %swap3A_1426 = arith.index_cast %scan3A_951 : i32 to index
        %swap3A_1427 = arith.constant 752 : index
        %swap3A_1428 = tpu.vector_load %arg12[%swap3A_1426, %swap3A_1427] {strides = array<i32>} : memref<16x768xf32, #tpu.memory_space<vmem>>, vector<1x16xf32>,
        %swap3A_1429 = vector.shape_cast %swap3A_1428 : vector<1x16xf32> to vector<16xf32>
        %swap3A_1430 = vector.shape_cast %add3A_1425 : vector<16xf32> to vector<1x16xf32>
        tpu.vector_store %arg12[%swap3A_1426, %swap3A_1427], %swap3A_1430 {strides = array<i32>} : memref<16x768xf32, #tpu.memory_space<vmem>>, vector<1x16xf32>,
      }
      %scan3A_939 = arith.constant 16 : i32
      %dma_start3A_940 = arith.constant 0 : i32
      %dma_start3A_941 = tpu.memref_slice %arg7[%add3A_735, %dma_start3A_940] : memref<64x16xi32, #tpu.memory_space<vmem>> -> memref<1x16xi32, #tpu.memory_space<vmem>>
      %dma_start3A_942 = tpu.memref_squeeze %dma_start3A_941 : memref<1x16xi32, #tpu.memory_space<vmem>> -> memref<16xi32, #tpu.memory_space<vmem>>
      %dma_start3A_943 = arith.constant 0 : i32
      %dma_start3A_944 = arith.constant 0 : i32
      %dma_start3A_945 = tpu.memref_slice %arg5[%dma_start3A_943, %dma_start3A_944] : memref<32768x768xf32, #tpu.memory_space<hbm>> -> memref<32768x768xf32, #tpu.memory_space<hbm>>
      tpu.enqueue_indirect_dma source(%arg12 : memref<16x768xf32, #tpu.memory_space<vmem>>) target(%dma_start3A_945 : memref<32768x768xf32, #tpu.memory_space<hbm>>) offsets(%dma_start3A_942 : memref<16xi32, #tpu.memory_space<vmem>>) semaphore(%arg20 : memref<!tpu.dma_semaphore, #tpu.memory_space<semaphore_mem>>)
      %lt3A_946 = arith.constant 15 : i32
      %lt3A_947 = arith.cmpi slt, %scan3A_70, %lt3A_946 : i32
      %convert_element_type3A_948 = arith.extui %lt3A_947 : i1 to i32
      %cond3A_949 = arith.constant 0 : i32
      %cond3A_950 = arith.cmpi ne, %convert_element_type3A_948, %cond3A_949 : i32
      scf.if %cond3A_950 {
        %sub3A_951 = arith.constant 1 : i32
        %sub3A_952 = arith.subi %add3A_735, %sub3A_951 : i32
        %dma_wait3A_953 = arith.constant 0 : i32
        %dma_wait3A_954 = tpu.memref_slice %arg7[%sub3A_952, %dma_wait3A_953] : memref<64x16xi32, #tpu.memory_space<vmem>> -> memref<1x16xi32, #tpu.memory_space<vmem>>
        %dma_wait3A_955 = tpu.memref_squeeze %dma_wait3A_954 : memref<1x16xi32, #tpu.memory_space<vmem>> -> memref<16xi32, #tpu.memory_space<vmem>>
        %dma_wait3A_956 = arith.constant 0 : i32
        %dma_wait3A_957 = arith.constant 0 : i32
        %dma_wait3A_958 = tpu.memref_slice %arg5[%dma_wait3A_956, %dma_wait3A_957] : memref<32768x768xf32, #tpu.memory_space<hbm>> -> memref<32768x768xf32, #tpu.memory_space<hbm>>
        tpu.wait_indirect_dma semaphore(%arg19 : memref<!tpu.dma_semaphore, #tpu.memory_space<semaphore_mem>>) src(%arg11 : memref<16x768xf32, #tpu.memory_space<vmem>>) dst(%dma_wait3A_958 : memref<32768x768xf32, #tpu.memory_space<hbm>>)
        %add3A_959 = arith.constant 4 : i32
        %add3A_960 = arith.addi %add3A_735, %add3A_959 : i32
        %sub3A_961 = arith.constant 1 : i32
        %sub3A_962 = arith.subi %add3A_960, %sub3A_961 : i32
        %mul3A_963 = arith.constant 16 : i32
        %mul3A_964 = arith.muli %sub3A_962, %mul3A_963 : i32
        %dma_start3A_965 = tpu.memref_slice %arg6[%mul3A_964] : memref<1024xi32, #tpu.memory_space<vmem>> -> memref<16xi32, #tpu.memory_space<vmem>>
        %dma_start3A_966 = arith.constant 0 : i32
        %dma_start3A_967 = arith.constant 0 : i32
        %dma_start3A_968 = tpu.memref_slice %arg3[%dma_start3A_966, %dma_start3A_967] : memref<100000x768xf32, #tpu.memory_space<hbm>> -> memref<100000x768xf32, #tpu.memory_space<hbm>>
        tpu.enqueue_indirect_dma source(%dma_start3A_968 : memref<100000x768xf32, #tpu.memory_space<hbm>>) target(%arg11 : memref<16x768xf32, #tpu.memory_space<vmem>>) offsets(%dma_start3A_965 : memref<16xi32, #tpu.memory_space<vmem>>) semaphore(%arg15 : memref<!tpu.dma_semaphore, #tpu.memory_space<semaphore_mem>>)
      } else {
      }
    }
    %scan3A_41 = arith.constant 16 : i32
    %dma_wait3A_42 = arith.constant 60 : i32
    %dma_wait3A_43 = arith.constant 0 : i32
    %dma_wait3A_44 = tpu.memref_slice %arg7[%dma_wait3A_42, %dma_wait3A_43] : memref<64x16xi32, #tpu.memory_space<vmem>> -> memref<1x16xi32, #tpu.memory_space<vmem>>
    %dma_wait3A_45 = tpu.memref_squeeze %dma_wait3A_44 : memref<1x16xi32, #tpu.memory_space<vmem>> -> memref<16xi32, #tpu.memory_space<vmem>>
    %dma_wait3A_46 = arith.constant 0 : i32
    %dma_wait3A_47 = arith.constant 0 : i32
    %dma_wait3A_48 = tpu.memref_slice %arg5[%dma_wait3A_46, %dma_wait3A_47] : memref<32768x768xf32, #tpu.memory_space<hbm>> -> memref<32768x768xf32, #tpu.memory_space<hbm>>
    tpu.wait_indirect_dma semaphore(%arg17 : memref<!tpu.dma_semaphore, #tpu.memory_space<semaphore_mem>>) src(%arg9 : memref<16x768xf32, #tpu.memory_space<vmem>>) dst(%dma_wait3A_48 : memref<32768x768xf32, #tpu.memory_space<hbm>>)
    %dma_wait3A_49 = arith.constant 61 : i32
    %dma_wait3A_50 = arith.constant 0 : i32
    %dma_wait3A_51 = tpu.memref_slice %arg7[%dma_wait3A_49, %dma_wait3A_50] : memref<64x16xi32, #tpu.memory_space<vmem>> -> memref<1x16xi32, #tpu.memory_space<vmem>>
    %dma_wait3A_52 = tpu.memref_squeeze %dma_wait3A_51 : memref<1x16xi32, #tpu.memory_space<vmem>> -> memref<16xi32, #tpu.memory_space<vmem>>
    %dma_wait3A_53 = arith.constant 0 : i32
    %dma_wait3A_54 = arith.constant 0 : i32
    %dma_wait3A_55 = tpu.memref_slice %arg5[%dma_wait3A_53, %dma_wait3A_54] : memref<32768x768xf32, #tpu.memory_space<hbm>> -> memref<32768x768xf32, #tpu.memory_space<hbm>>
    tpu.wait_indirect_dma semaphore(%arg18 : memref<!tpu.dma_semaphore, #tpu.memory_space<semaphore_mem>>) src(%arg10 : memref<16x768xf32, #tpu.memory_space<vmem>>) dst(%dma_wait3A_55 : memref<32768x768xf32, #tpu.memory_space<hbm>>)
    %dma_wait3A_56 = arith.constant 62 : i32
    %dma_wait3A_57 = arith.constant 0 : i32
    %dma_wait3A_58 = tpu.memref_slice %arg7[%dma_wait3A_56, %dma_wait3A_57] : memref<64x16xi32, #tpu.memory_space<vmem>> -> memref<1x16xi32, #tpu.memory_space<vmem>>
    %dma_wait3A_59 = tpu.memref_squeeze %dma_wait3A_58 : memref<1x16xi32, #tpu.memory_space<vmem>> -> memref<16xi32, #tpu.memory_space<vmem>>
    %dma_wait3A_60 = arith.constant 0 : i32
    %dma_wait3A_61 = arith.constant 0 : i32
    %dma_wait3A_62 = tpu.memref_slice %arg5[%dma_wait3A_60, %dma_wait3A_61] : memref<32768x768xf32, #tpu.memory_space<hbm>> -> memref<32768x768xf32, #tpu.memory_space<hbm>>
    tpu.wait_indirect_dma semaphore(%arg19 : memref<!tpu.dma_semaphore, #tpu.memory_space<semaphore_mem>>) src(%arg11 : memref<16x768xf32, #tpu.memory_space<vmem>>) dst(%dma_wait3A_62 : memref<32768x768xf32, #tpu.memory_space<hbm>>)
    %dma_wait3A_63 = arith.constant 63 : i32
    %dma_wait3A_64 = arith.constant 0 : i32
    %dma_wait3A_65 = tpu.memref_slice %arg7[%dma_wait3A_63, %dma_wait3A_64] : memref<64x16xi32, #tpu.memory_space<vmem>> -> memref<1x16xi32, #tpu.memory_space<vmem>>
    %dma_wait3A_66 = tpu.memref_squeeze %dma_wait3A_65 : memref<1x16xi32, #tpu.memory_space<vmem>> -> memref<16xi32, #tpu.memory_space<vmem>>
    %dma_wait3A_67 = arith.constant 0 : i32
    %dma_wait3A_68 = arith.constant 0 : i32
    %dma_wait3A_69 = tpu.memref_slice %arg5[%dma_wait3A_67, %dma_wait3A_68] : memref<32768x768xf32, #tpu.memory_space<hbm>> -> memref<32768x768xf32, #tpu.memory_space<hbm>>
    tpu.wait_indirect_dma semaphore(%arg20 : memref<!tpu.dma_semaphore, #tpu.memory_space<semaphore_mem>>) src(%arg12 : memref<16x768xf32, #tpu.memory_space<vmem>>) dst(%dma_wait3A_69 : memref<32768x768xf32, #tpu.memory_space<hbm>>)
    return
  }
}

</mosaic_0001>

<sc_bundles>
// kernel: kernel.3.cloned.1.call-start
scs
__scs_entry_jumppad:
0x0: {  	(pc) =	sbr.rel $0x88, $3  }
0x1: {  	(tag) =	ssettag $0x0;
	lr =	simm.s32 $0x1  }
0x2: {  	[smem:$0x3F9E] =	sst lr;
	_ =	strace $0xD0000000  }
0x3: {  	_ = 	snop  }
0x4: {  	_ = 	snop  }
0x5: {  	_ = 	snop  }
0x6: {  	_ = 	snop  }
0x7: {  	_ = 	snop  }
__scs_overlays_trampoline_lowered:
0x8: {  	[smem:$0x3FAD] =	sst s0  }
0x9: {  	[smem:$0x3FAE] =	sst s1  }
0xa: {  	[smem:$0x3FAF] =	sst s2  }
0xb: {  	[smem:$0x3FB0] =	sst s3  }
0xc: {  	[smem:$0x3FB1] =	sst s4  }
0xd: {  	[smem:$0x3FB2] =	sst s5  }
0xe: {  	[smem:$0x3FB3] =	sst s6  }
0xf: {  	[smem:$0x3FB4] =	sst s7  }
0x10: {  	[smem:$0x3FB5] =	sst s8  }
0x11: {  	[smem:$0x3FB6] =	sst s9;
	s0 =	simm.s32 @!p0 $0x0  }
0x12: {  	s1 =	sld [smem:$0x3F9C];
	s0 =	simm.s32 @p0 $0x1  }
0x13: {  	[smem:$0x3FB7] =	sst s0;
	s0 =	simm.s32 @!p1 $0x0  }
0x14: {  	s2 =	sld [smem:$0x3F9B];
	s0 =	simm.s32 @p1 $0x1  }
0x15: {  	[smem:$0x3FB8] =	sst s0;
	s0 =	simm.s32 @!p2 $0x0  }
0x16: {  	s3 =	sld [smem:$0x3FDB];
	s0 =	simm.s32 @p2 $0x1  }
0x17: {  	s4 =	simm.s32 $0x1BF5;
	[smem:$0x3FBA] =	sst s0  }
0x18: {  	s0 =	sld [smem:$0x3F9D];
	_ =	swait.ge [sflag:s4], $0x0  }
0x19: {  	s7 =	sld [smem:$0x3F9E]  }
0x1a: {  	s8 =	sadd.s32 $0xFFFFE003, lr  }
0x1b: {  	s9 =	sadd.s32 $0xFFFFFEF7, lr;
	s5 =	simm.s32 $0xFFFFFFFF;
	p2 =	slt.u32 s8, $0xFFFFF086  }
0x1c: {  	p1 =	slt.u32 s9, $0xF7A;
	s5 =	simm.s32 @!p2 $0x0  }
0x1d: {  	s5 =	simm.s32 @p1 $0x1;
	p0 =	seq.s32 s7, s2  }
0x1e: {  	s7 =	smul.u32 @!p0 $0xF7A, s2;
	p2 =	seq.s32 @!p0 s5, $0x0  }
0x1f: {  	s9 =	smul.u32 $0xF7A, s1;
	s8 =	simm.s32 @!p0 $0x1BF5;
	p2 =	por !p2, p0  }
0x20: {  	[sflag:s8] =	ssyncset.s32 @!p0 $0xFFFFF086;
	s6 =	sadd.s32 @!p0 s3, s7;
	s7 =	simm.s32 @!p0 $0x108  }
0x21: {  	s3 =	sadd.s32 s3, s9;
	s6 =	sadd.s32 @!p0 $0x88, s6;
	s7 =	simm.s32 @p2 $0x1082  }
0x22: {  	[simem:s7], [sflag:s8] =	dma.local @!p0 [hbm:s6], $0xF7A  }
0x23: {  	s9 =	sor.u32 $0xD0000000, s2;
	s6 =	simm.s32 $0x108;
	_ =	swait.ge @!p0 [sflag:s8], $0x0  }
0x24: {  	s3 =	sadd.s32 $0x88, s3;
	s6 =	simm.s32 @!p1 $0x1082;
	[sflag:s4] =	ssyncset.s32 $0xFFFFF086  }
0x25: {  	[simem:s6], [sflag:s4] =	dma.local [hbm:s3], $0xF7A  }
0x26: {  	[smem:$0x3F9E] =	sst s1;
	(tag) =	ssettag s2;
	_ =	strace s9  }
0x27: {  	s1 =	sld [smem:$0x3FAE]  }
0x28: {  	s2 =	sld [smem:$0x3FAF]  }
0x29: {  	s4 =	sld [smem:$0x3FB1]  }
0x2a: {  	p0 =	seq.s32 s5, $0x0;
	s5 =	sld [smem:$0x3FB2]  }
0x2b: {  	s6 =	sld [smem:$0x3FB3]  }
0x2c: {  	s7 =	sld [smem:$0x3FB4]  }
0x2d: {  	s3 =	simm.s32 $0x108;
	s8 =	sld [smem:$0x3FB5]  }
0x2e: {  	s3 =	simm.s32 @!p0 $0x1082;
	s9 =	sld [smem:$0x3FB6]  }
0x2f: {  	lr =	sadd.s32 s0, s3;
	s0 =	sld [smem:$0x3FAD]  }
0x30: {  	s3 =	sld [smem:$0x3FB0]  }
0x31: {  	[smem:$0x3FB9] =	sst s10  }
0x32: {  	s10 =	sld [smem:$0x3FB7];
	_ =	sdelay $0x3  }
0x33: {  	p0 =	seq.s32 s10, $0x1;
	s10 =	sld [smem:$0x3FB9];
	_ =	sdelay $0x3  }
0x34: {  	[smem:$0x3FB9] =	sst s10  }
0x35: {  	s10 =	sld [smem:$0x3FB8];
	_ =	sdelay $0x3  }
0x36: {  	p1 =	seq.s32 s10, $0x1;
	s10 =	sld [smem:$0x3FB9];
	_ =	sdelay $0x3  }
0x37: {  	[smem:$0x3FB9] =	sst s10  }
0x38: {  	s10 =	sld [smem:$0x3FBA]  }
0x39: {  	_ = 	snop;
	(pc) =	sbr.ind lr, $3  }
0x3a: {  	_ = 	snop  }
0x3b: {  	_ = 	snop  }
0x3c: {  	p2 =	seq.s32 s10, $0x1;
	s10 =	sld [smem:$0x3FB9]  }
0x3d: {  	_ =	shalt  }
0x3e: {  	_ =	shalt  }
0x3f: {  	_ =	shalt  }
0x40: {  	_ =	shalt  }
0x41: {  	_ =	shalt  }
0x42: {  	_ =	shalt  }
0x43: {  	_ =	shalt  }
0x44: {  	_ =	shalt  }
0x45: {  	_ =	shalt  }
0x46: {  	_ =	shalt  }
0x47: {  	_ =	shalt  }
0x48: {  	_ =	shalt  }
0x49: {  	_ =	shalt  }
0x4a: {  	_ =	shalt  }
0x4b: {  	_ =	shalt  }
0x4c: {  	_ =	shalt  }
0x4d: {  	_ =	shalt  }
0x4e: {  	_ =	shalt  }
0x4f: {  	_ =	shalt  }
0x50: {  	_ =	shalt  }
0x51: {  	_ =	shalt  }
0x52: {  	_ =	shalt  }
0x53: {  	_ =	shalt  }
0x54: {  	_ =	shalt  }
0x55: {  	_ =	shalt  }
0x56: {  	_ =	shalt  }
0x57: {  	_ =	shalt  }
0x58: {  	_ =	shalt  }
0x59: {  	_ =	shalt  }
0x5a: {  	_ =	shalt  }
0x5b: {  	_ =	shalt  }
0x5c: {  	_ =	shalt  }
0x5d: {  	_ =	shalt  }
0x5e: {  	_ =	shalt  }
0x5f: {  	_ =	shalt  }
0x60: {  	_ =	shalt  }
0x61: {  	_ =	shalt  }
0x62: {  	_ =	shalt  }
0x63: {  	_ =	shalt  }
0x64: {  	_ =	shalt  }
0x65: {  	_ =	shalt  }
0x66: {  	_ =	shalt  }
0x67: {  	_ =	shalt  }
0x68: {  	_ =	shalt  }
0x69: {  	_ =	shalt  }
0x6a: {  	_ =	shalt  }
0x6b: {  	_ =	shalt  }
0x6c: {  	_ =	shalt  }
0x6d: {  	_ =	shalt  }
0x6e: {  	_ =	shalt  }
0x6f: {  	_ =	shalt  }
0x70: {  	_ =	shalt  }
0x71: {  	_ =	shalt  }
0x72: {  	_ =	shalt  }
0x73: {  	_ =	shalt  }
0x74: {  	_ =	shalt  }
0x75: {  	_ =	shalt  }
0x76: {  	_ =	shalt  }
0x77: {  	_ =	shalt  }
0x78: {  	_ =	shalt  }
0x79: {  	_ =	shalt  }
0x7a: {  	_ =	shalt  }
0x7b: {  	_ =	shalt  }
0x7c: {  	_ =	shalt  }
0x7d: {  	_ =	shalt  }
0x7e: {  	_ =	shalt  }
0x7f: {  	_ =	shalt  }
0x80: {  	_ =	shalt  }
0x81: {  	_ =	shalt  }
0x82: {  	_ =	shalt  }
0x83: {  	_ =	shalt  }
0x84: {  	_ =	shalt  }
0x85: {  	_ =	shalt  }
0x86: {  	_ =	shalt  }
0x87: {  	_ =	shalt  }
.Lfunc_end0:
.L_simem_size_0:
called_computation_lowered:
.L_overlay_start_0:
0x88: {  	s2 =	sld [smem:$0x3FD9]  }
0x89: {  	s3 =	sld [smem:$0x3FFE];
	_ =	sdelay $0x1  }
0x8a: {  	s1 =	srdreg.scid  }
0x8b: {  	s0 =	sand.u32 $0x1, s1  }
0x8c: {  	s17 =	sshll.u32 s0, $0xA;
	s2 =	sadd.s32 s3, s2  }
0x8d: {  	s2 =	sadd.s32 s2, s17  }
0x8e: {  	[smem:$0x3FC5] =	sst s2  }
0x8f: {  	_ = 	snop  }
0x90: {  	s2 =	sld [smem:$0x3FC8]  }
0x91: {  	s18 =	sld [smem:$0x3FC7]  }
0x92: {  	s4 =	sld [smem:$0x3FD0];
	(tm) =	ssettm $0x1  }
0x93: {  	s5 =	sld [smem:$0x3FFB];
	_ =	sdelay $0x3  }
0x94: {  	_ =	strace s5  }
0x95: {  	s5 =	sld [smem:$0x3FFC];
	_ =	sdelay $0x3  }
0x96: {  	_ =	strace s5  }
0x97: {  	s5 =	sld [smem:$0x3FFD];
	_ =	sdelay $0x3  }
0x98: {  	_ =	strace s5  }
0x99: {  	_ =	strace $0x8FFFFFFF  }
0x9a: {  	s19 =	sld [smem:$0x3FDB];
	_ =	sdelay $0x1  }
0x9b: {  	s6 =	simm.s32 $_scs_section_size  }
0x9c: {  	s7 =	simm.s32 $_size__tile_overlayer_lowered;
	s8 =	simm.s32 $_tile_overlayer_lowered  }
0x9d: {  	s22 =	simm.s32 $0x1BFF;
	s21 =	sshll.u32 s8, $0x1;
	s5 =	sadd.s32 s6, s19  }
0x9e: {  	s9 =	simm.s32 $0x0;
	s20 =	sshll.u32 s7, $0x1;
	s7 =	sadd.s32 s21, s5  }
0x9f: {  	[timem:s9], [sflag:s22] =	dma.local [hbm:s7], s20  }
0xa0: {  	_ =	swait.ge [sflag:s22], s20  }
0xa1: {  	s6 =	ssub.s32 $0x0, s20;
	[sflag:s22] =	ssyncset.done $0x0  }
0xa2: {  	[sflag:s22] =	ssyncadd.s32 s6;
	_ =	sdelay $0x1  }
0xa3: {  	s23 =	simm.s32 $0x1B8B  }
0xa4: {  	_ =	swait.ge [sflag:s23], $0x1  }
0xa5: {  	[sflag:s23] =	ssyncset.done $0x0  }
0xa6: {  	s25 =	simm.s32 $0x1B8E;
	s24 =	sld [smem:$0x3FFE];
	[sflag:s23] =	ssyncadd.s32 $0xFFFFFFFF  }
0xa7: {  	s26 =	simm.s32 $execute0_lowered;
	[smem:$0x3FD2] =	sst s25  }
0xa8: {  	s7 =	sshll.u32 s26, $0x1;
	_ =	strace $0x80000046;
	[dreg:$0x1] =	wrdreg $0xFFFFFFFF  }
0xa9: {  	s28 =	simm.s32 $_size_execute0_lowered;
	s5 =	sadd.s32 s5, s7;
	[dreg:$0x0] =	wrdreg $0x0  }
0xaa: {  	s7 =	sshll.u32 s28, $0x1;
	[dreg:$0x2] =	wrdreg s5  }
0xab: {  	[dreg:$0x3] =	wrdreg s7  }
0xac: {  	[dreg:$0x4] =	wrdreg $0xC0  }
0xad: {  	_ =	task [dreg:s9], $0x5FFFF  }
0xae: {  	[dreg:$0x1] =	wrdreg $0xFFFFFFFF  }
0xaf: {  	[dreg:$0x0] =	wrdreg $0x60  }
0xb0: {  	[dreg:$0x2] =	wrdreg s24  }
0xb1: {  	[dreg:$0x3] =	wrdreg s2  }
0xb2: {  	[dreg:$0x4] =	wrdreg s18  }
0xb3: {  	[dreg:$0x5] =	wrdreg s4  }
0xb4: {  	[dreg:$0x6] =	wrdreg $0x9  }
0xb5: {  	_ =	task.clear_ibuf [dreg:s9], $0x7FFFF;
	_ =	strace $0x90000046  }
0xb6: {  	s29 =	simm.s32 $0x9;
	_ =	strace $0x80000048  }
0xb7: {  	_ =	swait.ge [sflag:s29], $0x1  }
0xb8: {  	[sflag:s29] =	ssyncadd.s32 $0xFFFFFFFF  }
0xb9: {  	_ =	strace $0x90000048  }
0xba: {  	_ =	sfence  }
0xbb: {  	s30 =	sld [smem:$0x0];
	_ =	sdelay $0x2  }
0xbc: {  	s31 =	sshll.u32 s1, $0xD;
	s1 =	sshrl.u32 s1, $0x2  }
0xbd: {  	s3 =	sand.u32 $0x4000, s31;
	s1 =	sadd.s32 s1, s30  }
0xbe: {  	s0 =	sor.u32 s3, s0;
	s1 =	sshll.u32 s1, $0x11  }
0xbf: {  	s0 =	sor.u32 s1, s0  }
0xc0: {  	s0 =	sadd.s32 $0x8F2B, s0  }
0xc1: {  	[sflag:s0] =	ssyncadd.remote.s32 $0x1  }
0xc2: {  	_ =	sfence.sel $0xFFFF  }
0xc3: {  	[dreg:$0x0] =	wrdreg $0xFFFFFFFF;
	(pc) =	sbr.abs _section_cstart, $3  }
0xc4: {  	[dreg:$0x1] =	wrdreg $0xFFFFFFFF  }
0xc5: {  	_ =	task.clear_ibuf [dreg:s9], $0x2FFFF;
	_ =	strace $0x9FFFFFFF  }
0xc6: {  	(tm) =	ssettm $0x7FFFFFFF  }
0xc7: {  	_ =	shalt  }
tec
execute0_lowered:
.L_overlay_start_1:
0x0: {  	(tag) =	ssettag $0x1  }
0x1: {  	s0 =	rddreg [dreg:$0x0]  }
0x2: {  	s1 =	rddreg [dreg:$0x1]  }
0x3: {  	s2 =	rddreg [dreg:$0x2]  }
0x4: {  	s3 =	rddreg [dreg:$0x3]  }
0x5: {  	s4 =	simm.s32 $0x0;
	s5 =	srdreg.scid;
	s6 =	stileid.u32  }
0x6: {  	s29 =	simm.s32 $0x14400;
	s31 =	simm.s32 $0x14C00;
	s14 =	simm.s32 $0x4  }
0x7: {  	s12 =	simm.s32 $0x17400;
	s13 =	simm.s32 $0x17C00;
	s15 =	simm.s32 $0x18C00  }
0x8: {  	s16 =	simm.s32 $0x19400;
	s17 =	simm.s32 $0x19C00;
	s18 =	simm.s32 $0x2  }
0x9: {  	s19 =	simm.s32 $0x3;
	s20 =	simm.s32 $0x7;
	[smem:$0x7FF] =	sst s4  }
0xa: {  	s5 =	sand.u32 $0x1, s5;
	s6 =	sshll.u32 s6, $0x1;
	s10 =	sadd.s32 $0x100, s3  }
0xb: {  	s11 =	sadd.s32 $0x200, s3;
	_ =	strace $0x80000047;
	s6 =	sor.u32 s5, s6  }
0xc: {  	s5 =	ssub.s32 $0x2, s5;
	s7 =	sshll.u32 s6, $0x7;
	s9 =	smul.u32 $0x1800, s6  }
.Ltmp0:
0xd: {  	s8 =	sshrl.u32 s5, $0x1;
	s0 =	sadd.s32 s7, s0;
	(pc) =	sbr.rel .LBB2_1-.Ltmp0, $4  }
0xe: {  	s26 =	ssub.s32 s5, s8;
	s5 =	sshll.u32 s6, $0x6;
	s0 =	sadd.s32 $0x400, s0  }
0xf: {  	v3 =	vlaneseq.u32;
	s8 =	sadd.s32 $0x100, s1;
	s28 =	sadd.s32 s2, s9;
	[dreg:$0x5] =	wrdreg s0  }
0x10: {  	vm0 =	vmmov $0xffff;
	v1 =	vshrl.u32 v3, $0x3;
	v0 =	vand.u32 $0x7, v3;
	s6 =	simm.s32 $0x1;
	s30 =	smax.u32 s26, $0x1;
	[dreg:$0x6] =	wrdreg s28  }
0x11: {  	v2 =	vor.u32 $0x8, v3;
	v3 =	vmul.u32 $0x800, v3;
	v1 =	vmul.u32 $0x8, v1;
	s7 =	simm.s32 $0x0;
	s9 =	sadd.s32 $0x200, s1;
	[dreg:$0x7] =	wrdreg s30  }
.LBB2_14:
0x12: {  	s0 =	simm.s32 $0x5  }
0x13: {  	_ =	swait.ge [sflag:s0], $0x3000  }
0x14: {  	[sflag:s0] =	ssyncset.done $0x0  }
0x15: {  	s28 =	simm.s32 $0x6;
	[sflag:s0] =	ssyncadd.s32 $0xFFFFD000  }
0x16: {  	_ =	swait.ge [sflag:s28], $0x3000  }
0x17: {  	[sflag:s28] =	ssyncset.done $0x0  }
0x18: {  	[sflag:s28] =	ssyncadd.s32 $0xFFFFD000  }
0x19: {  	_ =	swait.ge [sflag:s20], $0x3000  }
0x1a: {  	[sflag:s20] =	ssyncset.done $0x0  }
0x1b: {  	s2 =	simm.s32 $0x8;
	[sflag:s20] =	ssyncadd.s32 $0xFFFFD000  }
0x1c: {  	_ =	swait.ge [sflag:s2], $0x3000  }
0x1d: {  	s7 =	rddreg [dreg:$0x8]  }
0x1e: {  	s30 =	rddreg [dreg:$0x7];
	s7 =	sadd.s32 $0x1, s7  }
0x1f: {  	p0 =	sne.s32 s7, s30  }
.Ltmp1:
0x20: {  	_ = 	snop;
	(pc) =	sbr.rel @!p0 .LBB2_15-.Ltmp1, $3  }
0x21: {  	_ =	sdelay $0x1  }
0x22: {  	[sflag:s2] =	ssyncset.done $0x0  }
0x23: {  	[sflag:s2] =	ssyncadd.s32 $0xFFFFD000  }
.LBB2_1:
0x24: {  	[dreg:$0x8] =	wrdreg s7  }
0x25: {  	s0 =	rddreg [dreg:$0x5];
	s22 =	simm.s32 $0x9  }
0x26: {  	[tilespmem:s4], [sflag:$0x9] =	stream.linear.gather [hbm4b:s0+s4], $0x400, $0x38;
	[tilespmem:$0x1A400] =	vst v63  }
0x27: {  	_ =	swait.ge [sflag:s22], $0x400  }
0x28: {  	[sflag:s22] =	ssyncset.done $0x0  }
0x29: {  	s2 =	simm.s32 $0x2400;
	s23 =	rddreg [dreg:$0x6];
	[sflag:s22] =	ssyncadd.s32 $0xFFFFFC00  }
0x2a: {  	[tilespmem:s2], [sflag:$0x4] =	stream.linear.gather [hbm4b:s23+s4], $0xC000, $0x38;
	[tilespmem:$0x1A400] =	vst v63  }
0x2b: {  	v4 =	vld [tilespmem:$0x0];
	_ =	sdelay $0x4  }
0x2c: {  	v5 =	vshrl.u32 v4, $0x3  }
0x2d: {  	v5 =	vmul.u32 $0x30, v5  }
0x2e: {  	v4 =	vand.u32 $0x7, v4  }
0x2f: {  	v4 =	vor.u32 v4, v5  }
0x30: {  	v5 =	vperm.xlane v4, v0;
	_ =	sdelay $0x1  }
0x31: {  	v5 =	vadd.s32 v1, v5;
	_ =	sdelay $0x3  }
0x32: {  	s24 =	simm.s32 $0xE400;
	v4 =	vperm.xlane v4, v2  }
0x33: {  	[tilespmem:s24], [sflag:$0x1] =	stream.indirect_vreg.gather [hbm4b:s1+s4], $0x80, v5, vm0, $0xb8;
	[tilespmem:$0x1A400] =	vst v63  }
0x34: {  	s25 =	simm.s32 $0xEC00;
	v4 =	vadd.s32 v1, v4  }
0x35: {  	[tilespmem:s25], [sflag:$0x1] =	stream.indirect_vreg.gather [hbm4b:s8+s4], $0x80, v5, vm0, $0xb8;
	[tilespmem:$0x1A400] =	vst v63  }
0x36: {  	s26 =	simm.s32 $0xF400  }
0x37: {  	[tilespmem:s26], [sflag:$0x1] =	stream.indirect_vreg.gather [hbm4b:s9+s4], $0x80, v5, vm0, $0xb8;
	[tilespmem:$0x1A400] =	vst v63  }
0x38: {  	s28 =	simm.s32 $0xFC00  }
0x39: {  	[tilespmem:s28], [sflag:$0x1] =	stream.indirect_vreg.gather [hbm4b:s1+s4], $0x80, v4, vm0, $0xb8;
	[tilespmem:$0x1A400] =	vst v63  }
0x3a: {  	s30 =	simm.s32 $0x10400  }
0x3b: {  	[tilespmem:s30], [sflag:$0x1] =	stream.indirect_vreg.gather [hbm4b:s8+s4], $0x80, v4, vm0, $0xb8;
	[tilespmem:$0x1A400] =	vst v63  }
0x3c: {  	s2 =	simm.s32 $0x10C00  }
0x3d: {  	[tilespmem:s2], [sflag:$0x1] =	stream.indirect_vreg.gather [hbm4b:s9+s4], $0x80, v4, vm0, $0xb8;
	[tilespmem:$0x1A400] =	vst v63  }
0x3e: {  	v4 =	vld [tilespmem:$0x10];
	_ =	sdelay $0x4  }
0x3f: {  	v5 =	vshrl.u32 v4, $0x3  }
0x40: {  	v5 =	vmul.u32 $0x30, v5  }
0x41: {  	v4 =	vand.u32 $0x7, v4  }
0x42: {  	v4 =	vor.u32 v4, v5  }
0x43: {  	v5 =	vperm.xlane v4, v0;
	_ =	sdelay $0x1  }
0x44: {  	v5 =	vadd.s32 v1, v5;
	_ =	sdelay $0x3  }
0x45: {  	s7 =	simm.s32 $0x11400;
	v4 =	vperm.xlane v4, v2  }
0x46: {  	[tilespmem:s7], [sflag:$0x2] =	stream.indirect_vreg.gather [hbm4b:s1+s4], $0x80, v5, vm0, $0xb8;
	[tilespmem:$0x1A400] =	vst v63  }
0x47: {  	s21 =	simm.s32 $0x11C00;
	v4 =	vadd.s32 v1, v4  }
0x48: {  	[tilespmem:s21], [sflag:$0x2] =	stream.indirect_vreg.gather [hbm4b:s8+s4], $0x80, v5, vm0, $0xb8;
	[tilespmem:$0x1A400] =	vst v63  }
0x49: {  	s22 =	simm.s32 $0x12400  }
0x4a: {  	[tilespmem:s22], [sflag:$0x2] =	stream.indirect_vreg.gather [hbm4b:s9+s4], $0x80, v5, vm0, $0xb8;
	[tilespmem:$0x1A400] =	vst v63  }
0x4b: {  	s23 =	simm.s32 $0x12C00  }
0x4c: {  	[tilespmem:s23], [sflag:$0x2] =	stream.indirect_vreg.gather [hbm4b:s1+s4], $0x80, v4, vm0, $0xb8;
	[tilespmem:$0x1A400] =	vst v63  }
0x4d: {  	s24 =	simm.s32 $0x13400  }
0x4e: {  	[tilespmem:s24], [sflag:$0x2] =	stream.indirect_vreg.gather [hbm4b:s8+s4], $0x80, v4, vm0, $0xb8;
	[tilespmem:$0x1A400] =	vst v63  }
0x4f: {  	s25 =	simm.s32 $0x13C00  }
0x50: {  	[tilespmem:s25], [sflag:$0x2] =	stream.indirect_vreg.gather [hbm4b:s9+s4], $0x80, v4, vm0, $0xb8;
	[tilespmem:$0x1A400] =	vst v63  }
0x51: {  	v4 =	vld [tilespmem:$0x20];
	_ =	sdelay $0x4  }
0x52: {  	v5 =	vshrl.u32 v4, $0x3  }
0x53: {  	v5 =	vmul.u32 $0x30, v5  }
0x54: {  	v4 =	vand.u32 $0x7, v4  }
0x55: {  	v4 =	vor.u32 v4, v5  }
0x56: {  	v5 =	vperm.xlane v4, v0;
	_ =	sdelay $0x1  }
0x57: {  	v5 =	vadd.s32 v1, v5;
	_ =	sdelay $0x3  }
0x58: {  	v4 =	vperm.xlane v4, v2  }
0x59: {  	[tilespmem:s29], [sflag:$0x3] =	stream.indirect_vreg.gather [hbm4b:s1+s4], $0x80, v5, vm0, $0xb8;
	[tilespmem:$0x1A400] =	vst v63  }
0x5a: {  	v4 =	vadd.s32 v1, v4  }
0x5b: {  	[tilespmem:s31], [sflag:$0x3] =	stream.indirect_vreg.gather [hbm4b:s8+s4], $0x80, v5, vm0, $0xb8;
	[tilespmem:$0x1A400] =	vst v63  }
0x5c: {  	s26 =	simm.s32 $0x15400  }
0x5d: {  	[tilespmem:s26], [sflag:$0x3] =	stream.indirect_vreg.gather [hbm4b:s9+s4], $0x80, v5, vm0, $0xb8;
	[tilespmem:$0x1A400] =	vst v63  }
0x5e: {  	s28 =	simm.s32 $0x15C00  }
0x5f: {  	[tilespmem:s28], [sflag:$0x3] =	stream.indirect_vreg.gather [hbm4b:s1+s4], $0x80, v4, vm0, $0xb8;
	[tilespmem:$0x1A400] =	vst v63  }
0x60: {  	s29 =	simm.s32 $0x16400  }
0x61: {  	[tilespmem:s29], [sflag:$0x3] =	stream.indirect_vreg.gather [hbm4b:s8+s4], $0x80, v4, vm0, $0xb8;
	[tilespmem:$0x1A400] =	vst v63  }
0x62: {  	s0 =	simm.s32 $0x400;
	s30 =	simm.s32 $0x16C00;
	s31 =	sadd.s32 $0x0, s5  }
0x63: {  	[tilespmem:s30], [sflag:$0x3] =	stream.indirect_vreg.gather [hbm4b:s9+s4], $0x80, v4, vm0, $0xb8;
	v4 =	vadd.s32 s31, v3;
	[tilespmem:$0x1A400] =	vst v63  }
0x64: {  	s2 =	simm.s32 $0x1;
	[tilespmem:s0+$0x0] =	vst v4  }
.LBB2_2:
0x65: {  	p0 =	sne.s32 s2, $0x3F  }
.Ltmp2:
0x66: {  	_ = 	snop;
	(pc) =	sbr.rel @p0 .LBB2_2-.Ltmp2, $4  }
0x67: {  	_ = 	snop  }
0x68: {  	s7 =	sadd.s32 s5, s2;
	s2 =	sadd.s32 $0x1, s2  }
0x69: {  	s0 =	sadd.s32 $0x80, s0;
	v4 =	vadd.s32 s7, v3  }
0x6a: {  	[tilespmem:s0+$0x0] =	vst v4  }
0x6b: {  	_ =	swait.ge [sflag:s14], $0xC000  }
0x6c: {  	[sflag:s14] =	ssyncset.done $0x0  }
0x6d: {  	s22 =	simm.s32 $0x0;
	[sflag:s14] =	ssyncadd.s32 $0xFFFF4000  }
.LBB2_4:
0x6e: {  	s0 =	sshrl.u32 s22, $0x1  }
0x6f: {  	s0 =	smul.u32 $0x6000, s0;
	_ =	sdelay $0x1  }
0x70: {  	_ =	swait.ge [sflag:s6], $0x3000;
	s28 =	sshll.u32 s22, $0x9;
	s0 =	sshra.s32 s0, $0x2  }
0x71: {  	[sflag:s6] =	ssyncset.done $0x0;
	s2 =	sand.u32 $0x200, s28;
	s23 =	sadd.s32 $0x2400, s0  }
0x72: {  	[sflag:s6] =	ssyncadd.s32 $0xFFFFD000;
	s7 =	sor.u32 s2, s23  }
0x73: {  	v4 =	vld [tilespmem:s7+$0x0]  }
0x74: {  	v5 =	vld [tilespmem:s7+$0x10]  }
0x75: {  	v6 =	vld [tilespmem:s7+$0x20]  }
0x76: {  	v7 =	vld [tilespmem:s7+$0x30]  }
0x77: {  	v8 =	vld [tilespmem:s7+$0x40]  }
0x78: {  	v9 =	vld [tilespmem:s7+$0x50]  }
0x79: {  	v10 =	vld [tilespmem:s7+$0x60]  }
0x7a: {  	v11 =	vld [tilespmem:s7+$0x70]  }
0x7b: {  	v12 =	vld [tilespmem:s7+$0x400]  }
0x7c: {  	v13 =	vld [tilespmem:s7+$0x410]  }
0x7d: {  	v14 =	vld [tilespmem:s7+$0x420]  }
0x7e: {  	v15 =	vld [tilespmem:s7+$0x430]  }
0x7f: {  	v16 =	vld [tilespmem:s7+$0x440]  }
0x80: {  	v17 =	vld [tilespmem:s7+$0x450]  }
0x81: {  	s24 =	sadd.s32 $0x2C00, s0;
	v18 =	vld [tilespmem:s7+$0x460]  }
0x82: {  	s26 =	sor.u32 s2, s24;
	v19 =	vld [tilespmem:s7+$0x470]  }
0x83: {  	v20 =	vld [tilespmem:s26+$0x0]  }
0x84: {  	v21 =	vld [tilespmem:s26+$0x10]  }
0x85: {  	v22 =	vld [tilespmem:s26+$0x20]  }
0x86: {  	v23 =	vld [tilespmem:s26+$0x30]  }
0x87: {  	v24 =	vld [tilespmem:s26+$0x40]  }
0x88: {  	v25 =	vld [tilespmem:s26+$0x50]  }
0x89: {  	s25 =	sadd.s32 $0x3000, s0;
	v26 =	vld [tilespmem:s26+$0x60]  }
0x8a: {  	s30 =	sor.u32 s2, s25;
	v27 =	vld [tilespmem:s26+$0x70]  }
0x8b: {  	v28 =	vld [tilespmem:s30+$0x0]  }
0x8c: {  	v29 =	vld [tilespmem:s30+$0x10]  }
0x8d: {  	v30 =	vld [tilespmem:s30+$0x20]  }
0x8e: {  	v31 =	vld [tilespmem:s30+$0x30]  }
0x8f: {  	v32 =	vld [tilespmem:s30+$0x40]  }
0x90: {  	v34 =	vld [tilespmem:s30+$0x50]  }
0x91: {  	s21 =	sadd.s32 $0x3800, s0;
	v39 =	vld [tilespmem:s30+$0x60]  }
0x92: {  	s26 =	sadd.s32 $0x3400, s0;
	v41 =	vld [tilespmem:s30+$0x70];
	s0 =	sor.u32 s2, s21  }
0x93: {  	v44 =	vld [tilespmem:s0+$0x0]  }
0x94: {  	v42 =	vld [tilespmem:s0+$0x10]  }
0x95: {  	v40 =	vld [tilespmem:s0+$0x20]  }
0x96: {  	v35 =	vld [tilespmem:s0+$0x30]  }
0x97: {  	v36 =	vld [tilespmem:s0+$0x40]  }
0x98: {  	s31 =	sor.u32 s2, s26;
	v37 =	vld [tilespmem:s0+$0x50]  }
0x99: {  	v43 =	vld [tilespmem:s31+$0x0]  }
0x9a: {  	v45 =	vld [tilespmem:s31+$0x10]  }
0x9b: {  	v47 =	vld [tilespmem:s31+$0x20]  }
0x9c: {  	v49 =	vld [tilespmem:s31+$0x30]  }
0x9d: {  	v50 =	vld [tilespmem:s31+$0x40]  }
0x9e: {  	s30 =	simm.s32 $0x0;
	v51 =	vld [tilespmem:s31+$0x50]  }
0x9f: {  	s2 =	smul.u32 $0x6000, s30;
	v48 =	vld [tilespmem:s31+$0x60]  }
0xa0: {  	v46 =	vld [tilespmem:s31+$0x70];
	s31 =	simm.s32 $0x0  }
0xa1: {  	v33 =	vld [tilespmem:s0+$0x60];
	s7 =	sand.u32 $0x380, s31;
	s2 =	sshra.s32 s2, $0x2  }
0xa2: {  	v38 =	vld [tilespmem:s0+$0x70];
	s0 =	sor.u32 s7, s2  }
0xa3: {  	v52 =	vld [tilespmem:s0+$0xE400]  }
0xa4: {  	v53 =	vld [tilespmem:s0+$0xE410]  }
0xa5: {  	v54 =	vld [tilespmem:s0+$0xE420]  }
0xa6: {  	v55 =	vld [tilespmem:s0+$0xE430]  }
0xa7: {  	v56 =	vld [tilespmem:s0+$0xE440]  }
0xa8: {  	v57 =	vld [tilespmem:s0+$0xE450]  }
0xa9: {  	v58 =	vld [tilespmem:s0+$0xE460];
	v52 =	vadd.f32 v52, v4  }
0xaa: {  	v62 =	vld [tilespmem:s0+$0xE810];
	v53 =	vadd.f32 v53, v5  }
0xab: {  	v59 =	vadd.f32 v54, v6;
	v60 =	vadd.f32 v55, v7;
	v55 =	vld [tilespmem:s0+$0xE800];
	[tilespmem:s0+$0xE400] =	vst v52  }
0xac: {  	v54 =	vld [tilespmem:s0+$0xE470];
	[tilespmem:s0+$0xE410] =	vst v53  }
0xad: {  	v63 =	vadd.f32 v57, v9;
	v57 =	vld [tilespmem:s0+$0xE820];
	[tilespmem:s0+$0xE420] =	vst v59  }
0xae: {  	v61 =	vadd.f32 v56, v8;
	v56 =	vld [tilespmem:s0+$0xEC10];
	[tilespmem:s0+$0xE430] =	vst v60  }
0xaf: {  	v62 =	vadd.f32 v62, v13;
	[tilespmem:s0+$0xE450] =	vst v63;
	v63 =	vld [tilespmem:s0+$0xE840]  }
0xb0: {  	[tilespmem:s0+$0xE440] =	vst v61;
	v53 =	vld [tilespmem:s0+$0xEC00];
	v61 =	vadd.f32 v55, v12  }
0xb1: {  	v59 =	vadd.f32 v58, v10;
	v52 =	vld [tilespmem:s0+$0xE850];
	[tilespmem:s0+$0xE810] =	vst v62  }
0xb2: {  	v60 =	vadd.f32 v54, v11;
	[tilespmem:s0+$0xE800] =	vst v61;
	v61 =	vld [tilespmem:s0+$0xE860]  }
0xb3: {  	v62 =	vld [tilespmem:s0+$0xE870];
	[tilespmem:s0+$0xE460] =	vst v59;
	v56 =	vadd.f32 v56, v21  }
0xb4: {  	v54 =	vld [tilespmem:s0+$0xE830];
	[tilespmem:s0+$0xE470] =	vst v60;
	v60 =	vadd.f32 v57, v14  }
0xb5: {  	v55 =	vadd.f32 v63, v16;
	v63 =	vld [tilespmem:s0+$0xEC20];
	v53 =	vadd.f32 v53, v20;
	[tilespmem:s0+$0xEC10] =	vst v56  }
0xb6: {  	[tilespmem:s0+$0xE820] =	vst v60;
	v60 =	vld [tilespmem:s0+$0xEC30]  }
0xb7: {  	[tilespmem:s0+$0xEC00] =	vst v53;
	v53 =	vld [tilespmem:s0+$0xF010];
	v57 =	vadd.f32 v61, v18  }
0xb8: {  	v52 =	vadd.f32 v52, v17;
	[tilespmem:s0+$0xE840] =	vst v55;
	v61 =	vld [tilespmem:s0+$0xEC40]  }
0xb9: {  	v54 =	vadd.f32 v54, v15;
	[tilespmem:s0+$0xE860] =	vst v57;
	v57 =	vld [tilespmem:s0+$0xEC50]  }
0xba: {  	v58 =	vadd.f32 v62, v19;
	[tilespmem:s0+$0xE850] =	vst v52;
	v62 =	vadd.f32 v63, v22;
	v63 =	vld [tilespmem:s0+$0xEC60]  }
0xbb: {  	[tilespmem:s0+$0xE830] =	vst v54;
	v54 =	vld [tilespmem:s0+$0xF000]  }
0xbc: {  	[tilespmem:s0+$0xE870] =	vst v58;
	v55 =	vadd.f32 v60, v23;
	v60 =	vld [tilespmem:s0+$0xEC70]  }
0xbd: {  	[tilespmem:s0+$0xEC20] =	vst v62;
	v62 =	vld [tilespmem:s0+$0xF030];
	v53 =	vadd.f32 v53, v29  }
0xbe: {  	[tilespmem:s0+$0xEC30] =	vst v55;
	v52 =	vadd.f32 v61, v24;
	v61 =	vld [tilespmem:s0+$0xF020];
	v57 =	vadd.f32 v57, v25  }
0xbf: {  	[tilespmem:s0+$0xF010] =	vst v53;
	v56 =	vadd.f32 v63, v26;
	v63 =	vld [tilespmem:s0+$0xF050]  }
0xc0: {  	[tilespmem:s0+$0xEC50] =	vst v57;
	v57 =	vld [tilespmem:s0+$0xF040]  }
0xc1: {  	v54 =	vadd.f32 v54, v28;
	[tilespmem:s0+$0xEC40] =	vst v52  }
0xc2: {  	v58 =	vadd.f32 v60, v27;
	[tilespmem:s0+$0xEC60] =	vst v56;
	v52 =	vadd.f32 v62, v31;
	v62 =	vld [tilespmem:s0+$0xF070]  }
0xc3: {  	[tilespmem:s0+$0xF000] =	vst v54;
	v59 =	vadd.f32 v61, v30;
	v61 =	vld [tilespmem:s0+$0xF060]  }
0xc4: {  	v60 =	vld [tilespmem:s0+$0xF400];
	[tilespmem:s0+$0xEC70] =	vst v58;
	v56 =	vadd.f32 v63, v34  }
0xc5: {  	v54 =	vld [tilespmem:s0+$0xF410];
	[tilespmem:s0+$0xF030] =	vst v52;
	v57 =	vadd.f32 v57, v32  }
0xc6: {  	v52 =	vld [tilespmem:s0+$0xF420];
	[tilespmem:s0+$0xF050] =	vst v56  }
0xc7: {  	v56 =	vadd.f32 v62, v41;
	[tilespmem:s0+$0xF040] =	vst v57;
	v57 =	vld [tilespmem:s0+$0xF430]  }
0xc8: {  	[tilespmem:s0+$0xF020] =	vst v59;
	v59 =	vld [tilespmem:s0+$0xF440];
	v55 =	vadd.f32 v61, v39  }
0xc9: {  	v53 =	vadd.f32 v60, v43;
	v60 =	vld [tilespmem:s0+$0xF450];
	[tilespmem:s0+$0xF070] =	vst v56  }
0xca: {  	v54 =	vadd.f32 v54, v45;
	[tilespmem:s0+$0xF060] =	vst v55;
	v55 =	vld [tilespmem:s0+$0xF460]  }
0xcb: {  	[tilespmem:s0+$0xF400] =	vst v53;
	v52 =	vadd.f32 v52, v47;
	v56 =	vld [tilespmem:s0+$0xF470]  }
0xcc: {  	[tilespmem:s0+$0xF410] =	vst v54;
	v53 =	vld [tilespmem:s0+$0xF800];
	v63 =	vadd.f32 v57, v49  }
0xcd: {  	[tilespmem:s0+$0xF420] =	vst v52;
	v52 =	vld [tilespmem:s0+$0xF810];
	v58 =	vadd.f32 v59, v50  }
0xce: {  	s29 =	simm.s32 $0x0;
	s2 =	simm.s32 $0x1;
	v54 =	vld [tilespmem:s0+$0xF820];
	v57 =	vadd.f32 v60, v51;
	[tilespmem:s0+$0xF430] =	vst v63  }
.LBB2_5:
0xcf: {  	s7 =	sshrl.u32 s2, $0x3;
	p0 =	sne.s32 s2, $0xF;
	[tilespmem:s0+$0xF440] =	vst v58;
	v55 =	vadd.f32 v55, v48;
	v58 =	vld [tilespmem:s0+$0xF830]  }
0xd0: {  	s7 =	smul.u32 $0x6000, s7;
	[tilespmem:s0+$0xF450] =	vst v57;
	v56 =	vadd.f32 v56, v46;
	v57 =	vld [tilespmem:s0+$0xF840]  }
0xd1: {  	s29 =	sadd.s32 $0x80, s29;
	[tilespmem:s0+$0xF460] =	vst v55;
	v53 =	vadd.f32 v53, v44;
	v55 =	vld [tilespmem:s0+$0xF850]  }
0xd2: {  	s30 =	sand.u32 $0x380, s29;
	s7 =	sshra.s32 s7, $0x2;
	[tilespmem:s0+$0xF470] =	vst v56;
	v52 =	vadd.f32 v52, v42;
	v56 =	vld [tilespmem:s0+$0xF860]  }
0xd3: {  	s7 =	sor.u32 s30, s7;
	[tilespmem:s0+$0xF800] =	vst v53;
	v53 =	vadd.f32 v54, v40;
	v54 =	vld [tilespmem:s0+$0xF870]  }
0xd4: {  	v59 =	vld [tilespmem:s7+$0xE400];
	[tilespmem:s0+$0xF810] =	vst v52;
	v52 =	vadd.f32 v58, v35  }
0xd5: {  	v58 =	vld [tilespmem:s7+$0xE410];
	[tilespmem:s0+$0xF820] =	vst v53;
	v53 =	vadd.f32 v57, v36  }
0xd6: {  	v57 =	vld [tilespmem:s7+$0xE420];
	[tilespmem:s0+$0xF830] =	vst v52;
	v52 =	vadd.f32 v55, v37  }
0xd7: {  	v55 =	vld [tilespmem:s7+$0xE430];
	[tilespmem:s0+$0xF840] =	vst v53;
	v53 =	vadd.f32 v56, v33  }
0xd8: {  	v56 =	vld [tilespmem:s7+$0xE440];
	[tilespmem:s0+$0xF850] =	vst v52;
	v52 =	vadd.f32 v54, v38  }
0xd9: {  	v54 =	vadd.f32 v59, v4;
	v59 =	vld [tilespmem:s7+$0xE450];
	[tilespmem:s0+$0xF860] =	vst v53  }
0xda: {  	v53 =	vadd.f32 v58, v5;
	v58 =	vld [tilespmem:s7+$0xE460];
	[tilespmem:s0+$0xF870] =	vst v52;
	s0 =	smov.u32 s7  }
0xdb: {  	[tilespmem:s0+$0xE400] =	vst v54;
	v52 =	vadd.f32 v57, v6;
	v54 =	vld [tilespmem:s0+$0xE470]  }
0xdc: {  	[tilespmem:s0+$0xE410] =	vst v53;
	v53 =	vadd.f32 v55, v7;
	v55 =	vld [tilespmem:s0+$0xE800]  }
0xdd: {  	[tilespmem:s0+$0xE420] =	vst v52;
	v52 =	vadd.f32 v56, v8;
	v56 =	vld [tilespmem:s0+$0xE810]  }
0xde: {  	[tilespmem:s0+$0xE430] =	vst v53;
	v53 =	vadd.f32 v59, v9;
	v57 =	vld [tilespmem:s0+$0xE820]  }
0xdf: {  	[tilespmem:s0+$0xE440] =	vst v52;
	v52 =	vadd.f32 v58, v10;
	v58 =	vld [tilespmem:s0+$0xE830]  }
0xe0: {  	[tilespmem:s0+$0xE450] =	vst v53;
	v53 =	vadd.f32 v54, v11;
	v54 =	vld [tilespmem:s0+$0xE840]  }
0xe1: {  	[tilespmem:s0+$0xE460] =	vst v52;
	v52 =	vadd.f32 v55, v12;
	v55 =	vld [tilespmem:s0+$0xE850]  }
0xe2: {  	[tilespmem:s0+$0xE470] =	vst v53;
	v53 =	vadd.f32 v56, v13;
	v56 =	vld [tilespmem:s0+$0xE860]  }
0xe3: {  	[tilespmem:s0+$0xE800] =	vst v52;
	v52 =	vadd.f32 v57, v14;
	v57 =	vld [tilespmem:s0+$0xE870]  }
0xe4: {  	[tilespmem:s0+$0xE810] =	vst v53;
	v53 =	vadd.f32 v58, v15;
	v58 =	vld [tilespmem:s0+$0xEC00]  }
0xe5: {  	[tilespmem:s0+$0xE820] =	vst v52;
	v52 =	vadd.f32 v54, v16;
	v54 =	vld [tilespmem:s0+$0xEC10]  }
0xe6: {  	[tilespmem:s0+$0xE830] =	vst v53;
	v53 =	vadd.f32 v55, v17;
	v55 =	vld [tilespmem:s0+$0xEC20]  }
0xe7: {  	[tilespmem:s0+$0xE840] =	vst v52;
	v52 =	vadd.f32 v56, v18;
	v56 =	vld [tilespmem:s0+$0xEC30]  }
0xe8: {  	[tilespmem:s0+$0xE850] =	vst v53;
	v53 =	vadd.f32 v57, v19;
	v57 =	vld [tilespmem:s0+$0xEC40]  }
0xe9: {  	[tilespmem:s0+$0xE860] =	vst v52;
	v52 =	vadd.f32 v58, v20;
	v58 =	vld [tilespmem:s0+$0xEC50]  }
0xea: {  	[tilespmem:s0+$0xE870] =	vst v53;
	v53 =	vadd.f32 v54, v21;
	v54 =	vld [tilespmem:s0+$0xEC60]  }
0xeb: {  	[tilespmem:s0+$0xEC00] =	vst v52;
	v52 =	vadd.f32 v55, v22;
	v55 =	vld [tilespmem:s0+$0xEC70]  }
0xec: {  	[tilespmem:s0+$0xEC10] =	vst v53;
	v53 =	vadd.f32 v56, v23;
	v56 =	vld [tilespmem:s0+$0xF000]  }
0xed: {  	[tilespmem:s0+$0xEC20] =	vst v52;
	v52 =	vadd.f32 v57, v24;
	v57 =	vld [tilespmem:s0+$0xF010]  }
0xee: {  	[tilespmem:s0+$0xEC30] =	vst v53;
	v53 =	vadd.f32 v58, v25;
	v58 =	vld [tilespmem:s0+$0xF020]  }
0xef: {  	[tilespmem:s0+$0xEC40] =	vst v52;
	v52 =	vadd.f32 v54, v26;
	v54 =	vld [tilespmem:s0+$0xF030]  }
0xf0: {  	[tilespmem:s0+$0xEC50] =	vst v53;
	v53 =	vadd.f32 v55, v27;
	v55 =	vld [tilespmem:s0+$0xF040]  }
0xf1: {  	[tilespmem:s0+$0xEC60] =	vst v52;
	v52 =	vadd.f32 v56, v28;
	v56 =	vld [tilespmem:s0+$0xF050]  }
0xf2: {  	[tilespmem:s0+$0xEC70] =	vst v53;
	v53 =	vadd.f32 v57, v29;
	v57 =	vld [tilespmem:s0+$0xF060]  }
0xf3: {  	[tilespmem:s0+$0xF000] =	vst v52;
	v52 =	vadd.f32 v58, v30;
	v58 =	vld [tilespmem:s0+$0xF070]  }
0xf4: {  	[tilespmem:s0+$0xF010] =	vst v53;
	v53 =	vadd.f32 v54, v31;
	v54 =	vld [tilespmem:s0+$0xF400]  }
0xf5: {  	[tilespmem:s0+$0xF020] =	vst v52;
	v52 =	vadd.f32 v55, v32;
	v55 =	vld [tilespmem:s0+$0xF410]  }
0xf6: {  	[tilespmem:s0+$0xF030] =	vst v53;
	v53 =	vadd.f32 v56, v34;
	v56 =	vld [tilespmem:s0+$0xF420]  }
0xf7: {  	[tilespmem:s0+$0xF040] =	vst v52;
	v52 =	vadd.f32 v57, v39;
	v57 =	vld [tilespmem:s0+$0xF430]  }
0xf8: {  	[tilespmem:s0+$0xF050] =	vst v53;
	v53 =	vadd.f32 v58, v41;
	v58 =	vld [tilespmem:s0+$0xF440]  }
0xf9: {  	[tilespmem:s0+$0xF060] =	vst v52;
	v52 =	vadd.f32 v54, v43;
	v54 =	vld [tilespmem:s0+$0xF450]  }
.Ltmp3:
0xfa: {  	[tilespmem:s0+$0xF070] =	vst v53;
	v53 =	vadd.f32 v55, v45;
	v55 =	vld [tilespmem:s0+$0xF460];
	(pc) =	sbr.rel @p0 .LBB2_5-.Ltmp3, $4  }
0xfb: {  	[tilespmem:s0+$0xF400] =	vst v52;
	v52 =	vadd.f32 v56, v47;
	v56 =	vld [tilespmem:s0+$0xF470]  }
0xfc: {  	[tilespmem:s0+$0xF410] =	vst v53;
	v57 =	vadd.f32 v57, v49;
	v53 =	vld [tilespmem:s0+$0xF800]  }
0xfd: {  	[tilespmem:s0+$0xF420] =	vst v52;
	v58 =	vadd.f32 v58, v50;
	v52 =	vld [tilespmem:s0+$0xF810]  }
0xfe: {  	s2 =	sadd.s32 $0x1, s2;
	[tilespmem:s0+$0xF430] =	vst v57;
	v57 =	vadd.f32 v54, v51;
	v54 =	vld [tilespmem:s0+$0xF820]  }
0xff: {  	[tilespmem:s0+$0xF440] =	vst v58;
	v4 =	vld [tilespmem:s0+$0xF830];
	v5 =	vadd.f32 v55, v48  }
0x100: {  	v6 =	vld [tilespmem:s0+$0xF840];
	[tilespmem:s0+$0xF450] =	vst v57;
	v7 =	vadd.f32 v56, v46  }
0x101: {  	[tilespmem:s0+$0xF460] =	vst v5;
	v5 =	vld [tilespmem:s0+$0xF850];
	v8 =	vadd.f32 v53, v44  }
0x102: {  	v9 =	vld [tilespmem:s0+$0xF860];
	[tilespmem:s0+$0xF470] =	vst v7;
	v7 =	vadd.f32 v52, v42  }
0x103: {  	v10 =	vld [tilespmem:s0+$0xF870];
	[tilespmem:s0+$0xF800] =	vst v8;
	v8 =	vadd.f32 v54, v40  }
0x104: {  	[tilespmem:s0+$0xF810] =	vst v7;
	v4 =	vadd.f32 v4, v35  }
0x105: {  	v6 =	vadd.f32 v6, v36;
	[tilespmem:s0+$0xF820] =	vst v8  }
0x106: {  	[tilespmem:s0+$0xF830] =	vst v4;
	v4 =	vadd.f32 v5, v37  }
0x107: {  	[tilespmem:s0+$0xF840] =	vst v6;
	v5 =	vadd.f32 v9, v33  }
0x108: {  	[tilespmem:s0+$0xF850] =	vst v4;
	v4 =	vadd.f32 v10, v38  }
0x109: {  	[tilespmem:s0+$0xF860] =	vst v5  }
0x10a: {  	s2 =	sand.u32 $0x3FFFFE00, s28;
	[tilespmem:s0+$0xF870] =	vst v4  }
0x10b: {  	v4 =	vld [tilespmem:s2+$0x400];
	_ =	sdelay $0x4  }
0x10c: {  	v5 =	vshrl.u32 v4, $0x3  }
0x10d: {  	v5 =	vmul.u32 $0x30, v5  }
0x10e: {  	v4 =	vand.u32 $0x7, v4  }
0x10f: {  	v4 =	vor.u32 v4, v5  }
0x110: {  	v5 =	vperm.xlane v4, v0;
	_ =	sdelay $0x1  }
0x111: {  	v5 =	vadd.s32 v1, v5;
	_ =	sdelay $0x3  }
0x112: {  	s7 =	simm.s32 $0xE400;
	v4 =	vperm.xlane v4, v2  }
0x113: {  	[hbm4b:s3+s4] =	stream.indirect_vreg.scatter [tilespmem:s7], [sflag:$0x5], $0x80, v5, vm0, $0xb8;
	[tilespmem:$0x1A400] =	vst v63  }
0x114: {  	s2 =	simm.s32 $0xEC00;
	v4 =	vadd.s32 v1, v4  }
0x115: {  	[hbm4b:s10+s4] =	stream.indirect_vreg.scatter [tilespmem:s2], [sflag:$0x5], $0x80, v5, vm0, $0xb8;
	[tilespmem:$0x1A400] =	vst v63  }
0x116: {  	s7 =	simm.s32 $0xF400  }
0x117: {  	[hbm4b:s11+s4] =	stream.indirect_vreg.scatter [tilespmem:s7], [sflag:$0x5], $0x80, v5, vm0, $0xb8;
	[tilespmem:$0x1A400] =	vst v63  }
0x118: {  	s2 =	simm.s32 $0xFC00  }
0x119: {  	[hbm4b:s3+s4] =	stream.indirect_vreg.scatter [tilespmem:s2], [sflag:$0x5], $0x80, v4, vm0, $0xb8;
	[tilespmem:$0x1A400] =	vst v63  }
0x11a: {  	p0 =	seq.s32 s22, $0x0;
	s7 =	simm.s32 $0x10400  }
0x11b: {  	[hbm4b:s10+s4] =	stream.indirect_vreg.scatter [tilespmem:s7], [sflag:$0x5], $0x80, v4, vm0, $0xb8;
	[tilespmem:$0x1A400] =	vst v63  }
0x11c: {  	s29 =	sshll.u32 s22, $0x2;
	s0 =	simm.s32 @!p0 $0x8;
	s2 =	simm.s32 $0x10C00  }
0x11d: {  	[hbm4b:s11+s4] =	stream.indirect_vreg.scatter [tilespmem:s2], [sflag:$0x5], $0x80, v4, vm0, $0xb8;
	[tilespmem:$0x1A400] =	vst v63  }
0x11e: {  	s28 =	sor.u32 $0x3, s29;
	_ =	swait.ge @!p0 [sflag:s0], $0x3000  }
0x11f: {  	s2 =	sshll.u32 s28, $0x4;
	[sflag:s0] =	ssyncset.done @!p0 $0x0  }
0x120: {  	s7 =	sand.u32 $0x3FFFFFF0, s2;
	[sflag:s0] =	ssyncadd.s32 @!p0 $0xFFFFD000  }
0x121: {  	v4 =	vld [tilespmem:s7+$0x0];
	_ =	sdelay $0x4  }
0x122: {  	v5 =	vshrl.u32 v4, $0x3  }
0x123: {  	v5 =	vmul.u32 $0x30, v5  }
0x124: {  	v4 =	vand.u32 $0x7, v4  }
0x125: {  	v4 =	vor.u32 v4, v5  }
0x126: {  	v5 =	vperm.xlane v4, v0;
	_ =	sdelay $0x1  }
0x127: {  	v5 =	vadd.s32 v1, v5;
	_ =	sdelay $0x3  }
0x128: {  	s31 =	simm.s32 $0x0;
	v4 =	vperm.xlane v4, v2  }
0x129: {  	[tilespmem:s12], [sflag:$0x4] =	stream.indirect_vreg.gather [hbm4b:s1+s31], $0x80, v5, vm0, $0xb8;
	[tilespmem:$0x1A400] =	vst v63  }
0x12a: {  	v4 =	vadd.s32 v1, v4  }
0x12b: {  	[tilespmem:s13], [sflag:$0x4] =	stream.indirect_vreg.gather [hbm4b:s8+s31], $0x80, v5, vm0, $0xb8;
	[tilespmem:$0x1A400] =	vst v63  }
0x12c: {  	s13 =	simm.s32 $0x18400  }
0x12d: {  	[tilespmem:s13], [sflag:$0x4] =	stream.indirect_vreg.gather [hbm4b:s9+s31], $0x80, v5, vm0, $0xb8;
	[tilespmem:$0x1A400] =	vst v63  }
0x12e: {  	_ = 	snop  }
0x12f: {  	[tilespmem:s15], [sflag:$0x4] =	stream.indirect_vreg.gather [hbm4b:s1+s31], $0x80, v4, vm0, $0xb8;
	[tilespmem:$0x1A400] =	vst v63  }
0x130: {  	_ = 	snop  }
0x131: {  	[tilespmem:s16], [sflag:$0x4] =	stream.indirect_vreg.gather [hbm4b:s8+s31], $0x80, v4, vm0, $0xb8;
	[tilespmem:$0x1A400] =	vst v63  }
0x132: {  	s2 =	sor.u32 $0x1, s29  }
0x133: {  	[tilespmem:s17], [sflag:$0x4] =	stream.indirect_vreg.gather [hbm4b:s9+s31], $0x80, v4, vm0, $0xb8;
	[tilespmem:$0x1A400] =	vst v63  }
0x134: {  	s30 =	sshll.u32 s2, $0x7;
	_ =	swait.ge [sflag:s18], $0x3000  }
0x135: {  	s0 =	sand.u32 $0x280, s30;
	[sflag:s18] =	ssyncset.done $0x0  }
0x136: {  	s7 =	sadd.s32 s0, s23;
	[sflag:s18] =	ssyncadd.s32 $0xFFFFD000  }
0x137: {  	v4 =	vld [tilespmem:s7+$0x0]  }
0x138: {  	v5 =	vld [tilespmem:s7+$0x10]  }
0x139: {  	v6 =	vld [tilespmem:s7+$0x20]  }
0x13a: {  	v7 =	vld [tilespmem:s7+$0x30]  }
0x13b: {  	v10 =	vld [tilespmem:s7+$0x40]  }
0x13c: {  	v12 =	vld [tilespmem:s7+$0x50]  }
0x13d: {  	v13 =	vld [tilespmem:s7+$0x60]  }
0x13e: {  	v14 =	vld [tilespmem:s7+$0x70]  }
0x13f: {  	v15 =	vld [tilespmem:s7+$0x400]  }
0x140: {  	v16 =	vld [tilespmem:s7+$0x410]  }
0x141: {  	v17 =	vld [tilespmem:s7+$0x420]  }
0x142: {  	v18 =	vld [tilespmem:s7+$0x430]  }
0x143: {  	v19 =	vld [tilespmem:s7+$0x440]  }
0x144: {  	v20 =	vld [tilespmem:s7+$0x450]  }
0x145: {  	v21 =	vld [tilespmem:s7+$0x460]  }
0x146: {  	s12 =	sadd.s32 s0, s24;
	v22 =	vld [tilespmem:s7+$0x470]  }
0x147: {  	v23 =	vld [tilespmem:s12+$0x0]  }
0x148: {  	v28 =	vld [tilespmem:s12+$0x10]  }
0x149: {  	v31 =	vld [tilespmem:s12+$0x20]  }
0x14a: {  	v33 =	vld [tilespmem:s12+$0x30]  }
0x14b: {  	v35 =	vld [tilespmem:s12+$0x40]  }
0x14c: {  	v36 =	vld [tilespmem:s12+$0x50]  }
0x14d: {  	v37 =	vld [tilespmem:s12+$0x60]  }
0x14e: {  	s13 =	sadd.s32 s0, s25;
	v38 =	vld [tilespmem:s12+$0x70]  }
0x14f: {  	v39 =	vld [tilespmem:s13+$0x0]  }
0x150: {  	v40 =	vld [tilespmem:s13+$0x10]  }
0x151: {  	v42 =	vld [tilespmem:s13+$0x20]  }
0x152: {  	v43 =	vld [tilespmem:s13+$0x30]  }
0x153: {  	v44 =	vld [tilespmem:s13+$0x40]  }
0x154: {  	v45 =	vld [tilespmem:s13+$0x50]  }
0x155: {  	v47 =	vld [tilespmem:s13+$0x60]  }
0x156: {  	v50 =	vld [tilespmem:s13+$0x70];
	s7 =	sadd.s32 s0, s26  }
0x157: {  	v48 =	vld [tilespmem:s7+$0x0]  }
0x158: {  	v34 =	vld [tilespmem:s7+$0x10]  }
0x159: {  	v32 =	vld [tilespmem:s7+$0x20]  }
0x15a: {  	v29 =	vld [tilespmem:s7+$0x30]  }
0x15b: {  	v51 =	vld [tilespmem:s7+$0x40]  }
0x15c: {  	v49 =	vld [tilespmem:s7+$0x50]  }
0x15d: {  	v46 =	vld [tilespmem:s7+$0x60]  }
0x15e: {  	s12 =	sadd.s32 s0, s21;
	v41 =	vld [tilespmem:s7+$0x70]  }
0x15f: {  	v24 =	vld [tilespmem:s12+$0x0]  }
0x160: {  	v11 =	vld [tilespmem:s12+$0x10]  }
0x161: {  	v8 =	vld [tilespmem:s12+$0x20]  }
0x162: {  	s13 =	simm.s32 $0x0;
	v9 =	vld [tilespmem:s12+$0x30]  }
0x163: {  	s0 =	smul.u32 $0x6000, s13;
	v30 =	vld [tilespmem:s12+$0x40]  }
0x164: {  	v25 =	vld [tilespmem:s12+$0x50]  }
0x165: {  	s7 =	sand.u32 $0x380, s31;
	v26 =	vld [tilespmem:s12+$0x60];
	s0 =	sshra.s32 s0, $0x2  }
0x166: {  	v27 =	vld [tilespmem:s12+$0x70];
	s0 =	sor.u32 s7, s0  }
0x167: {  	s7 =	sadd.s32 $0x11400, s0;
	v53 =	vld [tilespmem:s0+$0x11400]  }
0x168: {  	v63 =	vld [tilespmem:s7+$0x430]  }
0x169: {  	v60 =	vld [tilespmem:s7+$0x440]  }
0x16a: {  	v55 =	vld [tilespmem:s7+$0x400]  }
0x16b: {  	v61 =	vld [tilespmem:s7+$0x460]  }
0x16c: {  	v62 =	vld [tilespmem:s7+$0x410];
	v53 =	vadd.f32 v53, v4  }
0x16d: {  	v58 =	vld [tilespmem:s7+$0x70];
	v52 =	vadd.f32 v63, v18  }
0x16e: {  	v63 =	vld [tilespmem:s7+$0x450];
	v54 =	vadd.f32 v60, v19;
	[tilespmem:s0+$0x11400] =	vst v53  }
0x16f: {  	v59 =	vld [tilespmem:s7+$0x50];
	v55 =	vadd.f32 v55, v15;
	[tilespmem:s7+$0x430] =	vst v52  }
0x170: {  	v60 =	vld [tilespmem:s7+$0x60];
	v56 =	vadd.f32 v61, v21;
	[tilespmem:s7+$0x440] =	vst v54  }
0x171: {  	v61 =	vadd.f32 v62, v16;
	v53 =	vld [tilespmem:s7+$0x470];
	[tilespmem:s7+$0x400] =	vst v55  }
0x172: {  	v58 =	vadd.f32 v58, v14;
	v55 =	vld [tilespmem:s7+$0x420];
	[tilespmem:s7+$0x460] =	vst v56  }
0x173: {  	[tilespmem:s7+$0x410] =	vst v61;
	v61 =	vld [tilespmem:s7+$0x40];
	v62 =	vadd.f32 v63, v20  }
0x174: {  	[tilespmem:s7+$0x70] =	vst v58;
	v63 =	vadd.f32 v59, v12;
	v59 =	vld [tilespmem:s7+$0x20]  }
0x175: {  	v52 =	vadd.f32 v60, v13;
	v60 =	vld [tilespmem:s7+$0x30];
	[tilespmem:s7+$0x450] =	vst v62  }
0x176: {  	v53 =	vadd.f32 v53, v22;
	[tilespmem:s7+$0x50] =	vst v63;
	v62 =	vld [tilespmem:s7+$0x10]  }
0x177: {  	[tilespmem:s7+$0x60] =	vst v52;
	v63 =	vadd.f32 v55, v17  }
0x178: {  	v61 =	vadd.f32 v61, v10;
	[tilespmem:s7+$0x470] =	vst v53  }
0x179: {  	[tilespmem:s7+$0x420] =	vst v63;
	v59 =	vadd.f32 v59, v6  }
0x17a: {  	[tilespmem:s7+$0x40] =	vst v61;
	v60 =	vadd.f32 v60, v7  }
0x17b: {  	[tilespmem:s7+$0x20] =	vst v59;
	v62 =	vadd.f32 v62, v5  }
0x17c: {  	[tilespmem:s7+$0x30] =	vst v60  }
0x17d: {  	[tilespmem:s7+$0x10] =	vst v62  }
0x17e: {  	v52 =	vld [tilespmem:s0+$0x11C00];
	_ =	sdelay $0x2  }
0x17f: {  	s12 =	sadd.s32 $0x11C00, s0  }
0x180: {  	v53 =	vld [tilespmem:s12+$0x40]  }
0x181: {  	v54 =	vld [tilespmem:s12+$0x50];
	v52 =	vadd.f32 v52, v23  }
0x182: {  	v55 =	vld [tilespmem:s12+$0x60]  }
0x183: {  	v63 =	vld [tilespmem:s12+$0x70];
	[tilespmem:s0+$0x11C00] =	vst v52  }
0x184: {  	v52 =	vld [tilespmem:s12+$0x10]  }
0x185: {  	v53 =	vadd.f32 v53, v35;
	v60 =	vld [tilespmem:s12+$0x20]  }
0x186: {  	v54 =	vadd.f32 v54, v36;
	v61 =	vld [tilespmem:s12+$0x30]  }
0x187: {  	v62 =	vadd.f32 v55, v37;
	[tilespmem:s12+$0x40] =	vst v53  }
0x188: {  	v63 =	vadd.f32 v63, v38;
	[tilespmem:s12+$0x50] =	vst v54  }
0x189: {  	[tilespmem:s12+$0x60] =	vst v62;
	v52 =	vadd.f32 v52, v28  }
0x18a: {  	[tilespmem:s12+$0x70] =	vst v63;
	v57 =	vadd.f32 v60, v31  }
0x18b: {  	v59 =	vadd.f32 v61, v33;
	[tilespmem:s12+$0x10] =	vst v52  }
0x18c: {  	[tilespmem:s12+$0x20] =	vst v57  }
0x18d: {  	[tilespmem:s12+$0x30] =	vst v59  }
0x18e: {  	v52 =	vld [tilespmem:s0+$0x12000];
	_ =	sdelay $0x2  }
0x18f: {  	s13 =	sadd.s32 $0x12000, s0  }
0x190: {  	v53 =	vld [tilespmem:s13+$0x40]  }
0x191: {  	v54 =	vld [tilespmem:s13+$0x50];
	v52 =	vadd.f32 v52, v39  }
0x192: {  	v60 =	vld [tilespmem:s13+$0x60]  }
0x193: {  	v61 =	vld [tilespmem:s13+$0x70];
	[tilespmem:s0+$0x12000] =	vst v52  }
0x194: {  	v52 =	vld [tilespmem:s13+$0x30]  }
0x195: {  	v53 =	vadd.f32 v53, v44;
	v62 =	vld [tilespmem:s13+$0x20]  }
0x196: {  	v54 =	vadd.f32 v54, v45;
	v63 =	vld [tilespmem:s13+$0x10]  }
0x197: {  	v60 =	vadd.f32 v60, v47;
	[tilespmem:s13+$0x40] =	vst v53  }
0x198: {  	v61 =	vadd.f32 v61, v50;
	[tilespmem:s13+$0x50] =	vst v54  }
0x199: {  	[tilespmem:s13+$0x60] =	vst v60;
	v52 =	vadd.f32 v52, v43  }
0x19a: {  	[tilespmem:s13+$0x70] =	vst v61;
	v62 =	vadd.f32 v62, v42  }
0x19b: {  	v63 =	vadd.f32 v63, v40;
	[tilespmem:s13+$0x30] =	vst v52  }
0x19c: {  	[tilespmem:s13+$0x20] =	vst v62  }
0x19d: {  	[tilespmem:s13+$0x10] =	vst v63  }
0x19e: {  	s7 =	sadd.s32 $0x12400, s0;
	v54 =	vld [tilespmem:s0+$0x12400]  }
0x19f: {  	v53 =	vld [tilespmem:s7+$0x40]  }
0x1a0: {  	s2 =	simm.s32 $0x1;
	v52 =	vld [tilespmem:s7+$0x50]  }
.LBB2_7:
0x1a1: {  	p0 =	sne.s32 s2, $0xF  }
0x1a2: {  	v55 =	vld [tilespmem:s7+$0x60];
	s31 =	sadd.s32 $0x80, s31;
	s12 =	smov.u32 s2;
	s2 =	sadd.s32 $0x1, s2  }
0x1a3: {  	v56 =	vld [tilespmem:s7+$0x70]  }
0x1a4: {  	v54 =	vadd.f32 v54, v48  }
0x1a5: {  	v53 =	vadd.f32 v53, v51  }
0x1a6: {  	[tilespmem:s0+$0x12400] =	vst v54;
	v52 =	vadd.f32 v52, v49  }
0x1a7: {  	v54 =	vld [tilespmem:s7+$0x10];
	[tilespmem:s7+$0x40] =	vst v53;
	v53 =	vadd.f32 v55, v46  }
0x1a8: {  	v55 =	vld [tilespmem:s7+$0x20];
	[tilespmem:s7+$0x50] =	vst v52;
	v52 =	vadd.f32 v56, v41  }
0x1a9: {  	[tilespmem:s7+$0x60] =	vst v53  }
0x1aa: {  	[tilespmem:s7+$0x70] =	vst v52;
	_ =	sdelay $0x1  }
0x1ab: {  	v52 =	vadd.f32 v54, v34;
	v53 =	vld [tilespmem:s7+$0x30]  }
0x1ac: {  	v54 =	vadd.f32 v55, v32  }
0x1ad: {  	[tilespmem:s7+$0x10] =	vst v52  }
0x1ae: {  	[tilespmem:s7+$0x20] =	vst v54;
	_ =	sdelay $0x1  }
0x1af: {  	v52 =	vadd.f32 v53, v29;
	_ =	sdelay $0x1  }
0x1b0: {  	[tilespmem:s7+$0x30] =	vst v52  }
0x1b1: {  	s13 =	sadd.s32 $0x12800, s0;
	v52 =	vld [tilespmem:s0+$0x12800]  }
0x1b2: {  	s7 =	sshrl.u32 s12, $0x3;
	v53 =	vld [tilespmem:s13+$0x40]  }
0x1b3: {  	s7 =	smul.u32 $0x6000, s7;
	v54 =	vld [tilespmem:s13+$0x50]  }
0x1b4: {  	v55 =	vld [tilespmem:s13+$0x60]  }
0x1b5: {  	s12 =	sand.u32 $0x380, s31;
	s7 =	sshra.s32 s7, $0x2;
	v56 =	vld [tilespmem:s13+$0x70]  }
0x1b6: {  	s7 =	sor.u32 s12, s7;
	v52 =	vadd.f32 v52, v24  }
0x1b7: {  	v53 =	vadd.f32 v53, v30  }
0x1b8: {  	[tilespmem:s0+$0x12800] =	vst v52;
	v52 =	vadd.f32 v54, v25;
	s0 =	smov.u32 s7  }
0x1b9: {  	v54 =	vld [tilespmem:s13+$0x10];
	[tilespmem:s13+$0x40] =	vst v53;
	v53 =	vadd.f32 v55, v26  }
0x1ba: {  	v55 =	vld [tilespmem:s13+$0x20];
	[tilespmem:s13+$0x50] =	vst v52;
	v52 =	vadd.f32 v56, v27  }
0x1bb: {  	v56 =	vld [tilespmem:s13+$0x30];
	[tilespmem:s13+$0x60] =	vst v53  }
0x1bc: {  	[tilespmem:s13+$0x70] =	vst v52;
	_ =	sdelay $0x1  }
0x1bd: {  	s7 =	sadd.s32 $0x11400, s0;
	v52 =	vadd.f32 v54, v11  }
0x1be: {  	v53 =	vadd.f32 v55, v8  }
0x1bf: {  	[tilespmem:s13+$0x10] =	vst v52;
	v52 =	vadd.f32 v56, v9  }
0x1c0: {  	[tilespmem:s13+$0x20] =	vst v53  }
0x1c1: {  	[tilespmem:s13+$0x30] =	vst v52;
	_ =	sdelay $0x1  }
0x1c2: {  	v52 =	vld [tilespmem:s7+$0x440]  }
0x1c3: {  	v53 =	vld [tilespmem:s7+$0x50]  }
0x1c4: {  	v54 =	vld [tilespmem:s7+$0x400]  }
0x1c5: {  	v55 =	vld [tilespmem:s7+$0x430]  }
0x1c6: {  	v56 =	vld [tilespmem:s7+$0x60]  }
0x1c7: {  	v57 =	vld [tilespmem:s0+$0x11400]  }
0x1c8: {  	v58 =	vld [tilespmem:s7+$0x410]  }
0x1c9: {  	v59 =	vld [tilespmem:s7+$0x460]  }
0x1ca: {  	v54 =	vadd.f32 v54, v15;
	v55 =	vadd.f32 v55, v18;
	v60 =	vld [tilespmem:s7+$0x450]  }
0x1cb: {  	v53 =	vadd.f32 v53, v12;
	v56 =	vadd.f32 v56, v13;
	v61 =	vld [tilespmem:s7+$0x470]  }
0x1cc: {  	v52 =	vadd.f32 v52, v19;
	v57 =	vadd.f32 v57, v4  }
0x1cd: {  	v58 =	vadd.f32 v58, v16;
	[tilespmem:s7+$0x430] =	vst v55  }
0x1ce: {  	[tilespmem:s0+$0x11400] =	vst v57;
	v55 =	vadd.f32 v59, v21  }
0x1cf: {  	v57 =	vld [tilespmem:s7+$0x30];
	[tilespmem:s7+$0x440] =	vst v52;
	v52 =	vadd.f32 v60, v20  }
0x1d0: {  	[tilespmem:s7+$0x400] =	vst v54;
	v54 =	vld [tilespmem:s7+$0x420]  }
0x1d1: {  	v59 =	vld [tilespmem:s7+$0x70];
	[tilespmem:s7+$0x460] =	vst v55  }
0x1d2: {  	v55 =	vld [tilespmem:s7+$0x20];
	[tilespmem:s7+$0x410] =	vst v58;
	v58 =	vadd.f32 v61, v22  }
0x1d3: {  	v60 =	vld [tilespmem:s7+$0x10];
	[tilespmem:s7+$0x450] =	vst v52  }
0x1d4: {  	v52 =	vadd.f32 v57, v7;
	v57 =	vld [tilespmem:s7+$0x40];
	[tilespmem:s7+$0x50] =	vst v53  }
0x1d5: {  	[tilespmem:s7+$0x60] =	vst v56;
	v53 =	vadd.f32 v54, v17  }
0x1d6: {  	v54 =	vadd.f32 v59, v14;
	[tilespmem:s7+$0x470] =	vst v58  }
0x1d7: {  	v55 =	vadd.f32 v55, v6;
	[tilespmem:s7+$0x420] =	vst v53  }
0x1d8: {  	v53 =	vadd.f32 v60, v5;
	[tilespmem:s7+$0x70] =	vst v54  }
0x1d9: {  	[tilespmem:s7+$0x20] =	vst v55;
	v54 =	vadd.f32 v57, v10  }
0x1da: {  	[tilespmem:s7+$0x30] =	vst v52  }
0x1db: {  	[tilespmem:s7+$0x40] =	vst v54  }
0x1dc: {  	[tilespmem:s7+$0x10] =	vst v53  }
0x1dd: {  	s7 =	sadd.s32 $0x11C00, s0;
	v52 =	vld [tilespmem:s0+$0x11C00]  }
0x1de: {  	v53 =	vld [tilespmem:s7+$0x40]  }
0x1df: {  	v54 =	vld [tilespmem:s7+$0x50]  }
0x1e0: {  	v55 =	vld [tilespmem:s7+$0x60]  }
0x1e1: {  	v56 =	vld [tilespmem:s7+$0x70]  }
0x1e2: {  	v52 =	vadd.f32 v52, v23  }
0x1e3: {  	v53 =	vadd.f32 v53, v35  }
0x1e4: {  	[tilespmem:s0+$0x11C00] =	vst v52;
	v52 =	vadd.f32 v54, v36  }
0x1e5: {  	v54 =	vld [tilespmem:s7+$0x10];
	[tilespmem:s7+$0x40] =	vst v53;
	v53 =	vadd.f32 v55, v37  }
0x1e6: {  	v55 =	vld [tilespmem:s7+$0x20];
	[tilespmem:s7+$0x50] =	vst v52;
	v52 =	vadd.f32 v56, v38  }
0x1e7: {  	v56 =	vld [tilespmem:s7+$0x30];
	[tilespmem:s7+$0x60] =	vst v53  }
0x1e8: {  	[tilespmem:s7+$0x70] =	vst v52;
	_ =	sdelay $0x1  }
0x1e9: {  	v52 =	vadd.f32 v54, v28  }
0x1ea: {  	v53 =	vadd.f32 v55, v31  }
0x1eb: {  	[tilespmem:s7+$0x10] =	vst v52;
	v52 =	vadd.f32 v56, v33  }
0x1ec: {  	[tilespmem:s7+$0x20] =	vst v53  }
0x1ed: {  	[tilespmem:s7+$0x30] =	vst v52  }
0x1ee: {  	s7 =	sadd.s32 $0x12000, s0;
	v52 =	vld [tilespmem:s0+$0x12000]  }
0x1ef: {  	v53 =	vld [tilespmem:s7+$0x40]  }
0x1f0: {  	v54 =	vld [tilespmem:s7+$0x50]  }
0x1f1: {  	v55 =	vld [tilespmem:s7+$0x60]  }
0x1f2: {  	v56 =	vld [tilespmem:s7+$0x70]  }
0x1f3: {  	v52 =	vadd.f32 v52, v39  }
0x1f4: {  	v53 =	vadd.f32 v53, v44  }
0x1f5: {  	[tilespmem:s0+$0x12000] =	vst v52;
	v52 =	vadd.f32 v54, v45  }
0x1f6: {  	v54 =	vld [tilespmem:s7+$0x30];
	[tilespmem:s7+$0x40] =	vst v53;
	v53 =	vadd.f32 v55, v47  }
0x1f7: {  	v55 =	vld [tilespmem:s7+$0x20];
	[tilespmem:s7+$0x50] =	vst v52;
	v52 =	vadd.f32 v56, v50  }
0x1f8: {  	v56 =	vld [tilespmem:s7+$0x10];
	[tilespmem:s7+$0x60] =	vst v53  }
0x1f9: {  	[tilespmem:s7+$0x70] =	vst v52;
	_ =	sdelay $0x1  }
0x1fa: {  	v52 =	vadd.f32 v54, v43  }
0x1fb: {  	v53 =	vadd.f32 v55, v42  }
0x1fc: {  	v54 =	vadd.f32 v56, v40;
	[tilespmem:s7+$0x30] =	vst v52  }
.Ltmp4:
0x1fd: {  	[tilespmem:s7+$0x20] =	vst v53;
	(pc) =	sbr.rel @p0 .LBB2_7-.Ltmp4, $4  }
0x1fe: {  	[tilespmem:s7+$0x10] =	vst v54  }
0x1ff: {  	s7 =	sadd.s32 $0x12400, s0;
	v54 =	vld [tilespmem:s0+$0x12400]  }
0x200: {  	v53 =	vld [tilespmem:s7+$0x40]  }
0x201: {  	v52 =	vld [tilespmem:s7+$0x50]  }
0x202: {  	v4 =	vld [tilespmem:s7+$0x60];
	_ =	sdelay $0x1  }
0x203: {  	v5 =	vadd.f32 v54, v48;
	_ =	sdelay $0x1  }
0x204: {  	v6 =	vld [tilespmem:s7+$0x70];
	v7 =	vadd.f32 v53, v51;
	[tilespmem:s0+$0x12400] =	vst v5  }
0x205: {  	v5 =	vld [tilespmem:s7+$0x10];
	v4 =	vadd.f32 v4, v46  }
0x206: {  	[tilespmem:s7+$0x40] =	vst v7;
	v7 =	vld [tilespmem:s7+$0x20]  }
0x207: {  	[tilespmem:s7+$0x60] =	vst v4;
	v4 =	vld [tilespmem:s7+$0x30]  }
0x208: {  	v10 =	vadd.f32 v52, v49  }
0x209: {  	v6 =	vadd.f32 v6, v41  }
0x20a: {  	[tilespmem:s7+$0x50] =	vst v10;
	v5 =	vadd.f32 v5, v34  }
0x20b: {  	[tilespmem:s7+$0x70] =	vst v6;
	v6 =	vadd.f32 v7, v32  }
0x20c: {  	[tilespmem:s7+$0x10] =	vst v5;
	v4 =	vadd.f32 v4, v29  }
0x20d: {  	[tilespmem:s7+$0x20] =	vst v6  }
0x20e: {  	[tilespmem:s7+$0x30] =	vst v4  }
0x20f: {  	v4 =	vld [tilespmem:s0+$0x12800];
	_ =	sdelay $0x2  }
0x210: {  	s2 =	sadd.s32 $0x12800, s0  }
0x211: {  	v5 =	vld [tilespmem:s2+$0x40]  }
0x212: {  	v6 =	vld [tilespmem:s2+$0x50];
	v4 =	vadd.f32 v4, v24  }
0x213: {  	v7 =	vld [tilespmem:s2+$0x60]  }
0x214: {  	v10 =	vld [tilespmem:s2+$0x70];
	[tilespmem:s0+$0x12800] =	vst v4  }
0x215: {  	v4 =	vld [tilespmem:s2+$0x10]  }
0x216: {  	v5 =	vadd.f32 v5, v30;
	v12 =	vld [tilespmem:s2+$0x20]  }
0x217: {  	v6 =	vadd.f32 v6, v25;
	v13 =	vld [tilespmem:s2+$0x30]  }
0x218: {  	[tilespmem:s2+$0x40] =	vst v5;
	v5 =	vadd.f32 v7, v26  }
0x219: {  	[tilespmem:s2+$0x50] =	vst v6;
	v6 =	vadd.f32 v10, v27  }
0x21a: {  	[tilespmem:s2+$0x60] =	vst v5;
	v4 =	vadd.f32 v4, v11  }
0x21b: {  	[tilespmem:s2+$0x70] =	vst v6;
	v5 =	vadd.f32 v12, v8  }
0x21c: {  	[tilespmem:s2+$0x10] =	vst v4;
	v4 =	vadd.f32 v13, v9  }
0x21d: {  	[tilespmem:s2+$0x20] =	vst v5  }
0x21e: {  	s7 =	sand.u32 $0x3FFFFF80, s30;
	[tilespmem:s2+$0x30] =	vst v4  }
0x21f: {  	v4 =	vld [tilespmem:s7+$0x400];
	_ =	sdelay $0x4  }
0x220: {  	v5 =	vshrl.u32 v4, $0x3  }
0x221: {  	v5 =	vmul.u32 $0x30, v5  }
0x222: {  	v4 =	vand.u32 $0x7, v4  }
0x223: {  	v4 =	vor.u32 v4, v5  }
0x224: {  	v5 =	vperm.xlane v4, v0;
	_ =	sdelay $0x1  }
0x225: {  	v5 =	vadd.s32 v1, v5;
	_ =	sdelay $0x3  }
0x226: {  	s12 =	simm.s32 $0x11400;
	v4 =	vperm.xlane v4, v2  }
0x227: {  	[hbm4b:s3+s4] =	stream.indirect_vreg.scatter [tilespmem:s12], [sflag:$0x6], $0x80, v5, vm0, $0xb8;
	[tilespmem:$0x1A400] =	vst v63  }
0x228: {  	s13 =	simm.s32 $0x11C00;
	v4 =	vadd.s32 v1, v4  }
0x229: {  	[hbm4b:s10+s4] =	stream.indirect_vreg.scatter [tilespmem:s13], [sflag:$0x6], $0x80, v5, vm0, $0xb8;
	[tilespmem:$0x1A400] =	vst v63  }
0x22a: {  	s2 =	simm.s32 $0x12400  }
0x22b: {  	[hbm4b:s11+s4] =	stream.indirect_vreg.scatter [tilespmem:s2], [sflag:$0x6], $0x80, v5, vm0, $0xb8;
	[tilespmem:$0x1A400] =	vst v63  }
0x22c: {  	s7 =	simm.s32 $0x12C00  }
0x22d: {  	[hbm4b:s3+s4] =	stream.indirect_vreg.scatter [tilespmem:s7], [sflag:$0x6], $0x80, v4, vm0, $0xb8;
	[tilespmem:$0x1A400] =	vst v63  }
0x22e: {  	p0 =	seq.s32 s22, $0xF;
	s12 =	simm.s32 $0x13400  }
0x22f: {  	[hbm4b:s10+s4] =	stream.indirect_vreg.scatter [tilespmem:s12], [sflag:$0x6], $0x80, v4, vm0, $0xb8;
	[tilespmem:$0x1A400] =	vst v63  }
0x230: {  	s0 =	simm.s32 @!p0 $0x5;
	s13 =	simm.s32 $0x13C00  }
0x231: {  	[hbm4b:s11+s4] =	stream.indirect_vreg.scatter [tilespmem:s13], [sflag:$0x6], $0x80, v4, vm0, $0xb8;
	[tilespmem:$0x1A400] =	vst v63  }
0x232: {  	_ =	swait.ge @!p0 [sflag:s0], $0x3000  }
0x233: {  	s2 =	sshll.u32 @!p0 s22, $0x6;
	[sflag:s0] =	ssyncset.done @!p0 $0x0  }
0x234: {  	s30 =	sand.u32 @!p0 $0x3FFFFFC0, s2;
	[sflag:s0] =	ssyncadd.s32 @!p0 $0xFFFFD000  }
0x235: {  	v4 =	vld @!p0 [tilespmem:s30+$0x40];
	_ =	sdelay $0x4  }
0x236: {  	v5 =	vshrl.u32 @!p0 v4, $0x3  }
0x237: {  	v5 =	vmul.u32 @!p0 $0x30, v5  }
0x238: {  	v6 =	vlaneseq.u32 @!p0;
	v4 =	vand.u32 @!p0 $0x7, v4  }
0x239: {  	v7 =	vshrl.u32 @!p0 v6, $0x3;
	v4 =	vor.u32 @!p0 v4, v5;
	v5 =	vand.u32 @!p0 $0x7, v6  }
0x23a: {  	v7 =	vmul.u32 @!p0 $0x8, v7;
	v5 =	vperm.xlane @!p0 v4, v5;
	_ =	sdelay $0x1  }
0x23b: {  	v5 =	vadd.s32 @!p0 v7, v5;
	_ =	sdelay $0x2  }
0x23c: {  	v6 =	vor.u32 @!p0 $0x8, v6  }
0x23d: {  	vm1 =	vmmov @!p0 $0xffff;
	s2 =	simm.s32 @!p0 $0xE400;
	s0 =	simm.s32 @!p0 $0x0;
	v4 =	vperm.xlane @!p0 v4, v6  }
0x23e: {  	[tilespmem:s2], [sflag:$0x1] =	stream.indirect_vreg.gather @!p0 [hbm4b:s1+s0], $0x80, v5, vm1, $0xb8;
	[tilespmem:$0x1A400] =	vst v63  }
0x23f: {  	v4 =	vadd.s32 @!p0 v7, v4;
	s2 =	simm.s32 @!p0 $0xEC00  }
0x240: {  	[tilespmem:s2], [sflag:$0x1] =	stream.indirect_vreg.gather @!p0 [hbm4b:s8+s0], $0x80, v5, vm1, $0xb8;
	[tilespmem:$0x1A400] =	vst v63  }
0x241: {  	s2 =	simm.s32 @!p0 $0xF400  }
0x242: {  	[tilespmem:s2], [sflag:$0x1] =	stream.indirect_vreg.gather @!p0 [hbm4b:s9+s0], $0x80, v5, vm1, $0xb8;
	[tilespmem:$0x1A400] =	vst v63  }
0x243: {  	s2 =	simm.s32 @!p0 $0xFC00  }
0x244: {  	[tilespmem:s2], [sflag:$0x1] =	stream.indirect_vreg.gather @!p0 [hbm4b:s1+s0], $0x80, v4, vm1, $0xb8;
	[tilespmem:$0x1A400] =	vst v63  }
0x245: {  	s2 =	simm.s32 @!p0 $0x10400  }
0x246: {  	[tilespmem:s2], [sflag:$0x1] =	stream.indirect_vreg.gather @!p0 [hbm4b:s8+s0], $0x80, v4, vm1, $0xb8;
	[tilespmem:$0x1A400] =	vst v63  }
0x247: {  	s2 =	simm.s32 @!p0 $0x10C00  }
0x248: {  	[tilespmem:s2], [sflag:$0x1] =	stream.indirect_vreg.gather @!p0 [hbm4b:s9+s0], $0x80, v4, vm1, $0xb8;
	[tilespmem:$0x1A400] =	vst v63  }
0x249: {  	s2 =	sor.u32 $0x2, s29  }
0x24a: {  	_ =	swait.ge [sflag:s19], $0x3000;
	s29 =	sshll.u32 s2, $0x7  }
0x24b: {  	[sflag:s19] =	ssyncset.done $0x0;
	s0 =	sand.u32 $0x300, s29  }
0x24c: {  	[sflag:s19] =	ssyncadd.s32 $0xFFFFD000;
	s7 =	sadd.s32 s0, s23  }
0x24d: {  	v4 =	vld [tilespmem:s7+$0x0]  }
0x24e: {  	v5 =	vld [tilespmem:s7+$0x10]  }
0x24f: {  	v6 =	vld [tilespmem:s7+$0x20]  }
0x250: {  	v7 =	vld [tilespmem:s7+$0x30]  }
0x251: {  	v10 =	vld [tilespmem:s7+$0x40]  }
0x252: {  	v12 =	vld [tilespmem:s7+$0x50]  }
0x253: {  	v13 =	vld [tilespmem:s7+$0x60]  }
0x254: {  	v14 =	vld [tilespmem:s7+$0x70]  }
0x255: {  	v15 =	vld [tilespmem:s7+$0x400]  }
0x256: {  	v16 =	vld [tilespmem:s7+$0x410]  }
0x257: {  	v17 =	vld [tilespmem:s7+$0x420]  }
0x258: {  	v18 =	vld [tilespmem:s7+$0x430]  }
0x259: {  	v19 =	vld [tilespmem:s7+$0x440]  }
0x25a: {  	v20 =	vld [tilespmem:s7+$0x450]  }
0x25b: {  	v21 =	vld [tilespmem:s7+$0x460]  }
0x25c: {  	s12 =	sadd.s32 s0, s24;
	v22 =	vld [tilespmem:s7+$0x470]  }
0x25d: {  	v23 =	vld [tilespmem:s12+$0x0]  }
0x25e: {  	v25 =	vld [tilespmem:s12+$0x10]  }
0x25f: {  	v31 =	vld [tilespmem:s12+$0x20]  }
0x260: {  	v33 =	vld [tilespmem:s12+$0x30]  }
0x261: {  	v35 =	vld [tilespmem:s12+$0x40]  }
0x262: {  	v36 =	vld [tilespmem:s12+$0x50]  }
0x263: {  	v37 =	vld [tilespmem:s12+$0x60]  }
0x264: {  	s13 =	sadd.s32 s0, s25;
	v38 =	vld [tilespmem:s12+$0x70]  }
0x265: {  	v39 =	vld [tilespmem:s13+$0x0]  }
0x266: {  	v40 =	vld [tilespmem:s13+$0x10]  }
0x267: {  	v42 =	vld [tilespmem:s13+$0x20]  }
0x268: {  	v43 =	vld [tilespmem:s13+$0x30]  }
0x269: {  	v44 =	vld [tilespmem:s13+$0x40]  }
0x26a: {  	v45 =	vld [tilespmem:s13+$0x50]  }
0x26b: {  	v47 =	vld [tilespmem:s13+$0x60]  }
0x26c: {  	s2 =	sadd.s32 s0, s21;
	v50 =	vld [tilespmem:s13+$0x70]  }
0x26d: {  	v24 =	vld [tilespmem:s2+$0x0]  }
0x26e: {  	v11 =	vld [tilespmem:s2+$0x10]  }
0x26f: {  	v8 =	vld [tilespmem:s2+$0x20]  }
0x270: {  	v9 =	vld [tilespmem:s2+$0x30]  }
0x271: {  	v27 =	vld [tilespmem:s2+$0x40]  }
0x272: {  	v28 =	vld [tilespmem:s2+$0x50]  }
0x273: {  	s7 =	sadd.s32 s0, s26;
	v29 =	vld [tilespmem:s2+$0x60]  }
0x274: {  	v48 =	vld [tilespmem:s7+$0x0]  }
0x275: {  	v34 =	vld [tilespmem:s7+$0x10]  }
0x276: {  	v32 =	vld [tilespmem:s7+$0x20]  }
0x277: {  	s12 =	simm.s32 $0x0;
	v26 =	vld [tilespmem:s7+$0x30]  }
0x278: {  	v51 =	vld [tilespmem:s7+$0x40];
	s0 =	smul.u32 $0x6000, s12  }
0x279: {  	s31 =	simm.s32 $0x0;
	v49 =	vld [tilespmem:s7+$0x50]  }
0x27a: {  	s13 =	sand.u32 $0x380, s31;
	v46 =	vld [tilespmem:s7+$0x60];
	s0 =	sshra.s32 s0, $0x2  }
0x27b: {  	v41 =	vld [tilespmem:s7+$0x70];
	s0 =	sor.u32 s13, s0  }
0x27c: {  	s7 =	sadd.s32 $0x14400, s0;
	v62 =	vld [tilespmem:s0+$0x14400]  }
0x27d: {  	v61 =	vld [tilespmem:s7+$0x430]  }
0x27e: {  	v63 =	vld [tilespmem:s7+$0x440]  }
0x27f: {  	v55 =	vld [tilespmem:s7+$0x400]  }
0x280: {  	v56 =	vld [tilespmem:s7+$0x460]  }
0x281: {  	v58 =	vld [tilespmem:s7+$0x450]  }
0x282: {  	v57 =	vld [tilespmem:s7+$0x410];
	v53 =	vadd.f32 v62, v4  }
0x283: {  	v30 =	vld [tilespmem:s2+$0x70];
	v52 =	vadd.f32 v61, v18  }
0x284: {  	v59 =	vld [tilespmem:s7+$0x50];
	v54 =	vadd.f32 v63, v19;
	[tilespmem:s0+$0x14400] =	vst v53  }
0x285: {  	v60 =	vld [tilespmem:s7+$0x60];
	v55 =	vadd.f32 v55, v15;
	[tilespmem:s7+$0x430] =	vst v52  }
0x286: {  	v56 =	vadd.f32 v56, v21;
	v62 =	vadd.f32 v58, v20;
	v58 =	vld [tilespmem:s7+$0x70];
	[tilespmem:s7+$0x440] =	vst v54  }
0x287: {  	v61 =	vadd.f32 v57, v16;
	v53 =	vld [tilespmem:s7+$0x470];
	[tilespmem:s7+$0x400] =	vst v55  }
0x288: {  	v55 =	vld [tilespmem:s7+$0x420];
	[tilespmem:s7+$0x460] =	vst v56  }
0x289: {  	v63 =	vadd.f32 v59, v12;
	v59 =	vld [tilespmem:s7+$0x20];
	[tilespmem:s7+$0x410] =	vst v61  }
0x28a: {  	v52 =	vadd.f32 v60, v13;
	v60 =	vld [tilespmem:s7+$0x30];
	[tilespmem:s7+$0x450] =	vst v62  }
0x28b: {  	v61 =	vld [tilespmem:s7+$0x40];
	[tilespmem:s7+$0x50] =	vst v63;
	v58 =	vadd.f32 v58, v14  }
0x28c: {  	v62 =	vld [tilespmem:s7+$0x10];
	[tilespmem:s7+$0x60] =	vst v52;
	v53 =	vadd.f32 v53, v22  }
0x28d: {  	v63 =	vadd.f32 v55, v17;
	[tilespmem:s7+$0x70] =	vst v58  }
0x28e: {  	v59 =	vadd.f32 v59, v6;
	[tilespmem:s7+$0x470] =	vst v53  }
0x28f: {  	v60 =	vadd.f32 v60, v7;
	[tilespmem:s7+$0x420] =	vst v63  }
0x290: {  	v61 =	vadd.f32 v61, v10;
	[tilespmem:s7+$0x20] =	vst v59  }
0x291: {  	v62 =	vadd.f32 v62, v5;
	[tilespmem:s7+$0x30] =	vst v60  }
0x292: {  	[tilespmem:s7+$0x40] =	vst v61  }
0x293: {  	[tilespmem:s7+$0x10] =	vst v62  }
0x294: {  	v52 =	vld [tilespmem:s0+$0x14C00];
	_ =	sdelay $0x2  }
0x295: {  	s12 =	sadd.s32 $0x14C00, s0  }
0x296: {  	v53 =	vld [tilespmem:s12+$0x40]  }
0x297: {  	v54 =	vld [tilespmem:s12+$0x50];
	v52 =	vadd.f32 v52, v23  }
0x298: {  	v55 =	vld [tilespmem:s12+$0x60]  }
0x299: {  	v63 =	vld [tilespmem:s12+$0x70];
	[tilespmem:s0+$0x14C00] =	vst v52  }
0x29a: {  	v52 =	vld [tilespmem:s12+$0x10]  }
0x29b: {  	v53 =	vadd.f32 v53, v35;
	v60 =	vld [tilespmem:s12+$0x20]  }
0x29c: {  	v54 =	vadd.f32 v54, v36;
	v61 =	vld [tilespmem:s12+$0x30]  }
0x29d: {  	v62 =	vadd.f32 v55, v37;
	[tilespmem:s12+$0x40] =	vst v53  }
0x29e: {  	v63 =	vadd.f32 v63, v38;
	[tilespmem:s12+$0x50] =	vst v54  }
0x29f: {  	[tilespmem:s12+$0x60] =	vst v62;
	v52 =	vadd.f32 v52, v25  }
0x2a0: {  	[tilespmem:s12+$0x70] =	vst v63;
	v57 =	vadd.f32 v60, v31  }
0x2a1: {  	v59 =	vadd.f32 v61, v33;
	[tilespmem:s12+$0x10] =	vst v52  }
0x2a2: {  	[tilespmem:s12+$0x20] =	vst v57  }
0x2a3: {  	[tilespmem:s12+$0x30] =	vst v59  }
0x2a4: {  	v52 =	vld [tilespmem:s0+$0x15000];
	_ =	sdelay $0x2  }
0x2a5: {  	s13 =	sadd.s32 $0x15000, s0  }
0x2a6: {  	v53 =	vld [tilespmem:s13+$0x40]  }
0x2a7: {  	v54 =	vld [tilespmem:s13+$0x50];
	v52 =	vadd.f32 v52, v39  }
0x2a8: {  	v60 =	vld [tilespmem:s13+$0x60]  }
0x2a9: {  	v61 =	vld [tilespmem:s13+$0x70];
	[tilespmem:s0+$0x15000] =	vst v52  }
0x2aa: {  	v52 =	vld [tilespmem:s13+$0x30]  }
0x2ab: {  	v53 =	vadd.f32 v53, v44;
	v62 =	vld [tilespmem:s13+$0x20]  }
0x2ac: {  	v54 =	vadd.f32 v54, v45;
	v63 =	vld [tilespmem:s13+$0x10]  }
0x2ad: {  	v60 =	vadd.f32 v60, v47;
	[tilespmem:s13+$0x40] =	vst v53  }
0x2ae: {  	v61 =	vadd.f32 v61, v50;
	[tilespmem:s13+$0x50] =	vst v54  }
0x2af: {  	[tilespmem:s13+$0x60] =	vst v60;
	v52 =	vadd.f32 v52, v43  }
0x2b0: {  	[tilespmem:s13+$0x70] =	vst v61;
	v62 =	vadd.f32 v62, v42  }
0x2b1: {  	v63 =	vadd.f32 v63, v40;
	[tilespmem:s13+$0x30] =	vst v52  }
0x2b2: {  	[tilespmem:s13+$0x20] =	vst v62  }
0x2b3: {  	[tilespmem:s13+$0x10] =	vst v63  }
0x2b4: {  	s7 =	sadd.s32 $0x15400, s0;
	v54 =	vld [tilespmem:s0+$0x15400]  }
0x2b5: {  	v53 =	vld [tilespmem:s7+$0x40]  }
0x2b6: {  	s2 =	simm.s32 $0x1;
	v52 =	vld [tilespmem:s7+$0x50]  }
.LBB2_9:
0x2b7: {  	p1 =	sne.s32 s2, $0xF  }
0x2b8: {  	v55 =	vld [tilespmem:s7+$0x60];
	s31 =	sadd.s32 $0x80, s31;
	s12 =	smov.u32 s2;
	s2 =	sadd.s32 $0x1, s2  }
0x2b9: {  	v56 =	vld [tilespmem:s7+$0x70]  }
0x2ba: {  	v54 =	vadd.f32 v54, v48  }
0x2bb: {  	v53 =	vadd.f32 v53, v51  }
0x2bc: {  	[tilespmem:s0+$0x15400] =	vst v54;
	v52 =	vadd.f32 v52, v49  }
0x2bd: {  	v54 =	vld [tilespmem:s7+$0x10];
	[tilespmem:s7+$0x40] =	vst v53;
	v53 =	vadd.f32 v55, v46  }
0x2be: {  	v55 =	vld [tilespmem:s7+$0x20];
	[tilespmem:s7+$0x50] =	vst v52;
	v52 =	vadd.f32 v56, v41  }
0x2bf: {  	[tilespmem:s7+$0x60] =	vst v53  }
0x2c0: {  	[tilespmem:s7+$0x70] =	vst v52;
	_ =	sdelay $0x1  }
0x2c1: {  	v52 =	vadd.f32 v54, v34;
	v53 =	vld [tilespmem:s7+$0x30]  }
0x2c2: {  	v54 =	vadd.f32 v55, v32  }
0x2c3: {  	[tilespmem:s7+$0x10] =	vst v52  }
0x2c4: {  	[tilespmem:s7+$0x20] =	vst v54;
	_ =	sdelay $0x1  }
0x2c5: {  	v52 =	vadd.f32 v53, v26;
	_ =	sdelay $0x1  }
0x2c6: {  	[tilespmem:s7+$0x30] =	vst v52  }
0x2c7: {  	s13 =	sadd.s32 $0x15800, s0;
	v52 =	vld [tilespmem:s0+$0x15800]  }
0x2c8: {  	s7 =	sshrl.u32 s12, $0x3;
	v53 =	vld [tilespmem:s13+$0x40]  }
0x2c9: {  	s7 =	smul.u32 $0x6000, s7;
	v54 =	vld [tilespmem:s13+$0x50]  }
0x2ca: {  	v55 =	vld [tilespmem:s13+$0x60]  }
0x2cb: {  	s12 =	sand.u32 $0x380, s31;
	s7 =	sshra.s32 s7, $0x2;
	v56 =	vld [tilespmem:s13+$0x70]  }
0x2cc: {  	s7 =	sor.u32 s12, s7;
	v52 =	vadd.f32 v52, v24  }
0x2cd: {  	v53 =	vadd.f32 v53, v27  }
0x2ce: {  	[tilespmem:s0+$0x15800] =	vst v52;
	v52 =	vadd.f32 v54, v28;
	s0 =	smov.u32 s7  }
0x2cf: {  	v54 =	vld [tilespmem:s13+$0x10];
	[tilespmem:s13+$0x40] =	vst v53;
	v53 =	vadd.f32 v55, v29  }
0x2d0: {  	v55 =	vld [tilespmem:s13+$0x20];
	[tilespmem:s13+$0x50] =	vst v52;
	v52 =	vadd.f32 v56, v30  }
0x2d1: {  	v56 =	vld [tilespmem:s13+$0x30];
	[tilespmem:s13+$0x60] =	vst v53  }
0x2d2: {  	[tilespmem:s13+$0x70] =	vst v52;
	_ =	sdelay $0x1  }
0x2d3: {  	s7 =	sadd.s32 $0x14400, s0;
	v52 =	vadd.f32 v54, v11  }
0x2d4: {  	v53 =	vadd.f32 v55, v8  }
0x2d5: {  	[tilespmem:s13+$0x10] =	vst v52;
	v52 =	vadd.f32 v56, v9  }
0x2d6: {  	[tilespmem:s13+$0x20] =	vst v53  }
0x2d7: {  	[tilespmem:s13+$0x30] =	vst v52;
	_ =	sdelay $0x1  }
0x2d8: {  	v52 =	vld [tilespmem:s7+$0x440]  }
0x2d9: {  	v53 =	vld [tilespmem:s7+$0x50]  }
0x2da: {  	v54 =	vld [tilespmem:s7+$0x400]  }
0x2db: {  	v55 =	vld [tilespmem:s7+$0x430]  }
0x2dc: {  	v56 =	vld [tilespmem:s7+$0x60]  }
0x2dd: {  	v57 =	vld [tilespmem:s0+$0x14400]  }
0x2de: {  	v58 =	vld [tilespmem:s7+$0x410]  }
0x2df: {  	v59 =	vld [tilespmem:s7+$0x460]  }
0x2e0: {  	v54 =	vadd.f32 v54, v15;
	v55 =	vadd.f32 v55, v18;
	v60 =	vld [tilespmem:s7+$0x450]  }
0x2e1: {  	v53 =	vadd.f32 v53, v12;
	v56 =	vadd.f32 v56, v13;
	v61 =	vld [tilespmem:s7+$0x470]  }
0x2e2: {  	v52 =	vadd.f32 v52, v19;
	v57 =	vadd.f32 v57, v4  }
0x2e3: {  	v58 =	vadd.f32 v58, v16;
	[tilespmem:s7+$0x430] =	vst v55  }
0x2e4: {  	[tilespmem:s0+$0x14400] =	vst v57;
	v55 =	vadd.f32 v59, v21  }
0x2e5: {  	v57 =	vld [tilespmem:s7+$0x30];
	[tilespmem:s7+$0x440] =	vst v52;
	v52 =	vadd.f32 v60, v20  }
0x2e6: {  	[tilespmem:s7+$0x400] =	vst v54;
	v54 =	vld [tilespmem:s7+$0x420]  }
0x2e7: {  	v59 =	vld [tilespmem:s7+$0x70];
	[tilespmem:s7+$0x460] =	vst v55  }
0x2e8: {  	v55 =	vld [tilespmem:s7+$0x20];
	[tilespmem:s7+$0x410] =	vst v58;
	v58 =	vadd.f32 v61, v22  }
0x2e9: {  	v60 =	vld [tilespmem:s7+$0x10];
	[tilespmem:s7+$0x450] =	vst v52  }
0x2ea: {  	v52 =	vadd.f32 v57, v7;
	v57 =	vld [tilespmem:s7+$0x40];
	[tilespmem:s7+$0x50] =	vst v53  }
0x2eb: {  	[tilespmem:s7+$0x60] =	vst v56;
	v53 =	vadd.f32 v54, v17  }
0x2ec: {  	v54 =	vadd.f32 v59, v14;
	[tilespmem:s7+$0x470] =	vst v58  }
0x2ed: {  	v55 =	vadd.f32 v55, v6;
	[tilespmem:s7+$0x420] =	vst v53  }
0x2ee: {  	v53 =	vadd.f32 v60, v5;
	[tilespmem:s7+$0x70] =	vst v54  }
0x2ef: {  	[tilespmem:s7+$0x20] =	vst v55;
	v54 =	vadd.f32 v57, v10  }
0x2f0: {  	[tilespmem:s7+$0x30] =	vst v52  }
0x2f1: {  	[tilespmem:s7+$0x40] =	vst v54  }
0x2f2: {  	[tilespmem:s7+$0x10] =	vst v53  }
0x2f3: {  	s7 =	sadd.s32 $0x14C00, s0;
	v52 =	vld [tilespmem:s0+$0x14C00]  }
0x2f4: {  	v53 =	vld [tilespmem:s7+$0x40]  }
0x2f5: {  	v54 =	vld [tilespmem:s7+$0x50]  }
0x2f6: {  	v55 =	vld [tilespmem:s7+$0x60]  }
0x2f7: {  	v56 =	vld [tilespmem:s7+$0x70]  }
0x2f8: {  	v52 =	vadd.f32 v52, v23  }
0x2f9: {  	v53 =	vadd.f32 v53, v35  }
0x2fa: {  	[tilespmem:s0+$0x14C00] =	vst v52;
	v52 =	vadd.f32 v54, v36  }
0x2fb: {  	v54 =	vld [tilespmem:s7+$0x10];
	[tilespmem:s7+$0x40] =	vst v53;
	v53 =	vadd.f32 v55, v37  }
0x2fc: {  	v55 =	vld [tilespmem:s7+$0x20];
	[tilespmem:s7+$0x50] =	vst v52;
	v52 =	vadd.f32 v56, v38  }
0x2fd: {  	v56 =	vld [tilespmem:s7+$0x30];
	[tilespmem:s7+$0x60] =	vst v53  }
0x2fe: {  	[tilespmem:s7+$0x70] =	vst v52;
	_ =	sdelay $0x1  }
0x2ff: {  	v52 =	vadd.f32 v54, v25  }
0x300: {  	v53 =	vadd.f32 v55, v31  }
0x301: {  	[tilespmem:s7+$0x10] =	vst v52;
	v52 =	vadd.f32 v56, v33  }
0x302: {  	[tilespmem:s7+$0x20] =	vst v53  }
0x303: {  	[tilespmem:s7+$0x30] =	vst v52  }
0x304: {  	s7 =	sadd.s32 $0x15000, s0;
	v52 =	vld [tilespmem:s0+$0x15000]  }
0x305: {  	v53 =	vld [tilespmem:s7+$0x40]  }
0x306: {  	v54 =	vld [tilespmem:s7+$0x50]  }
0x307: {  	v55 =	vld [tilespmem:s7+$0x60]  }
0x308: {  	v56 =	vld [tilespmem:s7+$0x70]  }
0x309: {  	v52 =	vadd.f32 v52, v39  }
0x30a: {  	v53 =	vadd.f32 v53, v44  }
0x30b: {  	[tilespmem:s0+$0x15000] =	vst v52;
	v52 =	vadd.f32 v54, v45  }
0x30c: {  	v54 =	vld [tilespmem:s7+$0x30];
	[tilespmem:s7+$0x40] =	vst v53;
	v53 =	vadd.f32 v55, v47  }
0x30d: {  	v55 =	vld [tilespmem:s7+$0x20];
	[tilespmem:s7+$0x50] =	vst v52;
	v52 =	vadd.f32 v56, v50  }
0x30e: {  	v56 =	vld [tilespmem:s7+$0x10];
	[tilespmem:s7+$0x60] =	vst v53  }
0x30f: {  	[tilespmem:s7+$0x70] =	vst v52;
	_ =	sdelay $0x1  }
0x310: {  	v52 =	vadd.f32 v54, v43  }
0x311: {  	v53 =	vadd.f32 v55, v42  }
0x312: {  	v54 =	vadd.f32 v56, v40;
	[tilespmem:s7+$0x30] =	vst v52  }
.Ltmp5:
0x313: {  	[tilespmem:s7+$0x20] =	vst v53;
	(pc) =	sbr.rel @p1 .LBB2_9-.Ltmp5, $4  }
0x314: {  	[tilespmem:s7+$0x10] =	vst v54  }
0x315: {  	s7 =	sadd.s32 $0x15400, s0;
	v54 =	vld [tilespmem:s0+$0x15400]  }
0x316: {  	v53 =	vld [tilespmem:s7+$0x40]  }
0x317: {  	v52 =	vld [tilespmem:s7+$0x50]  }
0x318: {  	v4 =	vld [tilespmem:s7+$0x60];
	_ =	sdelay $0x1  }
0x319: {  	v5 =	vadd.f32 v54, v48;
	_ =	sdelay $0x1  }
0x31a: {  	v6 =	vld [tilespmem:s7+$0x70];
	v7 =	vadd.f32 v53, v51;
	[tilespmem:s0+$0x15400] =	vst v5  }
0x31b: {  	v5 =	vld [tilespmem:s7+$0x10];
	v4 =	vadd.f32 v4, v46  }
0x31c: {  	[tilespmem:s7+$0x40] =	vst v7;
	v7 =	vld [tilespmem:s7+$0x20]  }
0x31d: {  	[tilespmem:s7+$0x60] =	vst v4;
	v4 =	vld [tilespmem:s7+$0x30]  }
0x31e: {  	v10 =	vadd.f32 v52, v49  }
0x31f: {  	v6 =	vadd.f32 v6, v41  }
0x320: {  	[tilespmem:s7+$0x50] =	vst v10;
	v5 =	vadd.f32 v5, v34  }
0x321: {  	[tilespmem:s7+$0x70] =	vst v6;
	v6 =	vadd.f32 v7, v32  }
0x322: {  	[tilespmem:s7+$0x10] =	vst v5;
	v4 =	vadd.f32 v4, v26  }
0x323: {  	[tilespmem:s7+$0x20] =	vst v6  }
0x324: {  	[tilespmem:s7+$0x30] =	vst v4  }
0x325: {  	v4 =	vld [tilespmem:s0+$0x15800];
	_ =	sdelay $0x2  }
0x326: {  	s2 =	sadd.s32 $0x15800, s0  }
0x327: {  	v5 =	vld [tilespmem:s2+$0x40]  }
0x328: {  	v6 =	vld [tilespmem:s2+$0x50];
	v4 =	vadd.f32 v4, v24  }
0x329: {  	v7 =	vld [tilespmem:s2+$0x60]  }
0x32a: {  	v10 =	vld [tilespmem:s2+$0x70];
	[tilespmem:s0+$0x15800] =	vst v4  }
0x32b: {  	v4 =	vld [tilespmem:s2+$0x10]  }
0x32c: {  	v5 =	vadd.f32 v5, v27;
	v12 =	vld [tilespmem:s2+$0x20]  }
0x32d: {  	v6 =	vadd.f32 v6, v28;
	v13 =	vld [tilespmem:s2+$0x30]  }
0x32e: {  	[tilespmem:s2+$0x40] =	vst v5;
	v5 =	vadd.f32 v7, v29  }
0x32f: {  	[tilespmem:s2+$0x50] =	vst v6;
	v6 =	vadd.f32 v10, v30  }
0x330: {  	[tilespmem:s2+$0x60] =	vst v5;
	v4 =	vadd.f32 v4, v11  }
0x331: {  	[tilespmem:s2+$0x70] =	vst v6;
	v5 =	vadd.f32 v12, v8  }
0x332: {  	[tilespmem:s2+$0x10] =	vst v4;
	v4 =	vadd.f32 v13, v9  }
0x333: {  	[tilespmem:s2+$0x20] =	vst v5  }
0x334: {  	s12 =	sand.u32 $0x3FFFFF80, s29;
	[tilespmem:s2+$0x30] =	vst v4  }
0x335: {  	v4 =	vld [tilespmem:s12+$0x400];
	_ =	sdelay $0x4  }
0x336: {  	v5 =	vshrl.u32 v4, $0x3  }
0x337: {  	v5 =	vmul.u32 $0x30, v5  }
0x338: {  	v4 =	vand.u32 $0x7, v4  }
0x339: {  	v4 =	vor.u32 v4, v5  }
0x33a: {  	v5 =	vperm.xlane v4, v0;
	_ =	sdelay $0x1  }
0x33b: {  	v5 =	vadd.s32 v1, v5;
	_ =	sdelay $0x3  }
0x33c: {  	s29 =	simm.s32 $0x14400;
	v4 =	vperm.xlane v4, v2  }
0x33d: {  	[hbm4b:s3+s4] =	stream.indirect_vreg.scatter [tilespmem:s29], [sflag:$0x7], $0x80, v5, vm0, $0xb8;
	[tilespmem:$0x1A400] =	vst v63  }
0x33e: {  	s31 =	simm.s32 $0x14C00;
	v4 =	vadd.s32 v1, v4  }
0x33f: {  	[hbm4b:s10+s4] =	stream.indirect_vreg.scatter [tilespmem:s31], [sflag:$0x7], $0x80, v5, vm0, $0xb8;
	[tilespmem:$0x1A400] =	vst v63  }
0x340: {  	s13 =	simm.s32 $0x15400  }
0x341: {  	[hbm4b:s11+s4] =	stream.indirect_vreg.scatter [tilespmem:s13], [sflag:$0x7], $0x80, v5, vm0, $0xb8;
	[tilespmem:$0x1A400] =	vst v63  }
0x342: {  	s2 =	simm.s32 $0x15C00  }
0x343: {  	[hbm4b:s3+s4] =	stream.indirect_vreg.scatter [tilespmem:s2], [sflag:$0x7], $0x80, v4, vm0, $0xb8;
	[tilespmem:$0x1A400] =	vst v63  }
0x344: {  	s7 =	simm.s32 $0x16400  }
0x345: {  	[hbm4b:s10+s4] =	stream.indirect_vreg.scatter [tilespmem:s7], [sflag:$0x7], $0x80, v4, vm0, $0xb8;
	[tilespmem:$0x1A400] =	vst v63  }
0x346: {  	s0 =	simm.s32 @!p0 $0x6;
	s12 =	simm.s32 $0x16C00  }
0x347: {  	[hbm4b:s11+s4] =	stream.indirect_vreg.scatter [tilespmem:s12], [sflag:$0x7], $0x80, v4, vm0, $0xb8;
	[tilespmem:$0x1A400] =	vst v63  }
0x348: {  	_ =	swait.ge @!p0 [sflag:s0], $0x3000  }
0x349: {  	[sflag:s0] =	ssyncset.done @!p0 $0x0  }
0x34a: {  	[sflag:s0] =	ssyncadd.s32 @!p0 $0xFFFFD000  }
0x34b: {  	v4 =	vld @!p0 [tilespmem:s30+$0x50];
	_ =	sdelay $0x4  }
0x34c: {  	v5 =	vshrl.u32 @!p0 v4, $0x3  }
0x34d: {  	v5 =	vmul.u32 @!p0 $0x30, v5  }
0x34e: {  	v6 =	vlaneseq.u32 @!p0;
	v4 =	vand.u32 @!p0 $0x7, v4  }
0x34f: {  	v7 =	vshrl.u32 @!p0 v6, $0x3;
	v4 =	vor.u32 @!p0 v4, v5;
	v5 =	vand.u32 @!p0 $0x7, v6  }
0x350: {  	v7 =	vmul.u32 @!p0 $0x8, v7;
	v5 =	vperm.xlane @!p0 v4, v5;
	_ =	sdelay $0x1  }
0x351: {  	v5 =	vadd.s32 @!p0 v7, v5;
	_ =	sdelay $0x2  }
0x352: {  	v6 =	vor.u32 @!p0 $0x8, v6  }
0x353: {  	s2 =	simm.s32 @!p0 $0x11400;
	s0 =	simm.s32 @!p0 $0x0;
	v4 =	vperm.xlane @!p0 v4, v6  }
0x354: {  	[tilespmem:s2], [sflag:$0x2] =	stream.indirect_vreg.gather @!p0 [hbm4b:s1+s0], $0x80, v5, vm1, $0xb8;
	[tilespmem:$0x1A400] =	vst v63  }
0x355: {  	v4 =	vadd.s32 @!p0 v7, v4;
	s2 =	simm.s32 @!p0 $0x11C00  }
0x356: {  	[tilespmem:s2], [sflag:$0x2] =	stream.indirect_vreg.gather @!p0 [hbm4b:s8+s0], $0x80, v5, vm1, $0xb8;
	[tilespmem:$0x1A400] =	vst v63  }
0x357: {  	s2 =	simm.s32 @!p0 $0x12400  }
0x358: {  	[tilespmem:s2], [sflag:$0x2] =	stream.indirect_vreg.gather @!p0 [hbm4b:s9+s0], $0x80, v5, vm1, $0xb8;
	[tilespmem:$0x1A400] =	vst v63  }
0x359: {  	s2 =	simm.s32 @!p0 $0x12C00  }
0x35a: {  	[tilespmem:s2], [sflag:$0x2] =	stream.indirect_vreg.gather @!p0 [hbm4b:s1+s0], $0x80, v4, vm1, $0xb8;
	[tilespmem:$0x1A400] =	vst v63  }
0x35b: {  	s2 =	simm.s32 @!p0 $0x13400  }
0x35c: {  	[tilespmem:s2], [sflag:$0x2] =	stream.indirect_vreg.gather @!p0 [hbm4b:s8+s0], $0x80, v4, vm1, $0xb8;
	[tilespmem:$0x1A400] =	vst v63  }
0x35d: {  	s2 =	simm.s32 @!p0 $0x13C00  }
0x35e: {  	[tilespmem:s2], [sflag:$0x2] =	stream.indirect_vreg.gather @!p0 [hbm4b:s9+s0], $0x80, v4, vm1, $0xb8;
	[tilespmem:$0x1A400] =	vst v63  }
0x35f: {  	s28 =	sshll.u32 s28, $0x7;
	_ =	swait.ge [sflag:s14], $0x3000  }
0x360: {  	s13 =	sand.u32 $0x380, s28;
	[sflag:s14] =	ssyncset.done $0x0  }
0x361: {  	s23 =	sadd.s32 s13, s23;
	[sflag:s14] =	ssyncadd.s32 $0xFFFFD000  }
0x362: {  	v4 =	vld [tilespmem:s23+$0x0]  }
0x363: {  	v5 =	vld [tilespmem:s23+$0x10]  }
0x364: {  	v6 =	vld [tilespmem:s23+$0x20]  }
0x365: {  	v7 =	vld [tilespmem:s23+$0x30]  }
0x366: {  	v10 =	vld [tilespmem:s23+$0x40]  }
0x367: {  	v12 =	vld [tilespmem:s23+$0x50]  }
0x368: {  	v13 =	vld [tilespmem:s23+$0x60]  }
0x369: {  	v14 =	vld [tilespmem:s23+$0x70]  }
0x36a: {  	v15 =	vld [tilespmem:s23+$0x400]  }
0x36b: {  	v16 =	vld [tilespmem:s23+$0x410]  }
0x36c: {  	v17 =	vld [tilespmem:s23+$0x420]  }
0x36d: {  	v18 =	vld [tilespmem:s23+$0x430]  }
0x36e: {  	v19 =	vld [tilespmem:s23+$0x440]  }
0x36f: {  	v20 =	vld [tilespmem:s23+$0x450]  }
0x370: {  	v21 =	vld [tilespmem:s23+$0x460]  }
0x371: {  	s30 =	sadd.s32 s13, s24;
	v22 =	vld [tilespmem:s23+$0x470]  }
0x372: {  	v23 =	vld [tilespmem:s30+$0x0]  }
0x373: {  	v25 =	vld [tilespmem:s30+$0x10]  }
0x374: {  	v31 =	vld [tilespmem:s30+$0x20]  }
0x375: {  	v33 =	vld [tilespmem:s30+$0x30]  }
0x376: {  	v35 =	vld [tilespmem:s30+$0x40]  }
0x377: {  	v36 =	vld [tilespmem:s30+$0x50]  }
0x378: {  	v37 =	vld [tilespmem:s30+$0x60]  }
0x379: {  	s7 =	sadd.s32 s13, s25;
	v38 =	vld [tilespmem:s30+$0x70]  }
0x37a: {  	v39 =	vld [tilespmem:s7+$0x0]  }
0x37b: {  	v40 =	vld [tilespmem:s7+$0x10]  }
0x37c: {  	v42 =	vld [tilespmem:s7+$0x20]  }
0x37d: {  	v43 =	vld [tilespmem:s7+$0x30]  }
0x37e: {  	v44 =	vld [tilespmem:s7+$0x40]  }
0x37f: {  	v45 =	vld [tilespmem:s7+$0x50]  }
0x380: {  	v47 =	vld [tilespmem:s7+$0x60]  }
0x381: {  	s12 =	sadd.s32 s13, s26;
	v50 =	vld [tilespmem:s7+$0x70]  }
0x382: {  	v48 =	vld [tilespmem:s12+$0x0]  }
0x383: {  	v34 =	vld [tilespmem:s12+$0x10]  }
0x384: {  	v32 =	vld [tilespmem:s12+$0x20]  }
0x385: {  	v26 =	vld [tilespmem:s12+$0x30]  }
0x386: {  	v51 =	vld [tilespmem:s12+$0x40]  }
0x387: {  	v49 =	vld [tilespmem:s12+$0x50]  }
0x388: {  	v46 =	vld [tilespmem:s12+$0x60]  }
0x389: {  	s13 =	sadd.s32 s13, s21;
	v41 =	vld [tilespmem:s12+$0x70]  }
0x38a: {  	v24 =	vld [tilespmem:s13+$0x0]  }
0x38b: {  	v11 =	vld [tilespmem:s13+$0x10]  }
0x38c: {  	v8 =	vld [tilespmem:s13+$0x20];
	s23 =	simm.s32 $0x0  }
0x38d: {  	v9 =	vld [tilespmem:s13+$0x30];
	s0 =	smul.u32 $0x6000, s23  }
0x38e: {  	s21 =	simm.s32 $0x0;
	v27 =	vld [tilespmem:s13+$0x40]  }
0x38f: {  	s24 =	sand.u32 $0x380, s21;
	v28 =	vld [tilespmem:s13+$0x50];
	s0 =	sshra.s32 s0, $0x2  }
0x390: {  	v29 =	vld [tilespmem:s13+$0x60];
	s0 =	sor.u32 s24, s0  }
0x391: {  	s25 =	sadd.s32 $0x17400, s0;
	v62 =	vld [tilespmem:s0+$0x17400]  }
0x392: {  	v61 =	vld [tilespmem:s25+$0x430]  }
0x393: {  	v63 =	vld [tilespmem:s25+$0x440]  }
0x394: {  	v55 =	vld [tilespmem:s25+$0x400]  }
0x395: {  	v56 =	vld [tilespmem:s25+$0x460]  }
0x396: {  	v58 =	vld [tilespmem:s25+$0x450]  }
0x397: {  	v57 =	vld [tilespmem:s25+$0x410];
	v53 =	vadd.f32 v62, v4  }
0x398: {  	v30 =	vld [tilespmem:s13+$0x70];
	v52 =	vadd.f32 v61, v18  }
0x399: {  	v59 =	vld [tilespmem:s25+$0x50];
	v54 =	vadd.f32 v63, v19;
	[tilespmem:s0+$0x17400] =	vst v53  }
0x39a: {  	v60 =	vld [tilespmem:s25+$0x60];
	v55 =	vadd.f32 v55, v15;
	[tilespmem:s25+$0x430] =	vst v52  }
0x39b: {  	v56 =	vadd.f32 v56, v21;
	v62 =	vadd.f32 v58, v20;
	v58 =	vld [tilespmem:s25+$0x70];
	[tilespmem:s25+$0x440] =	vst v54  }
0x39c: {  	v61 =	vadd.f32 v57, v16;
	v53 =	vld [tilespmem:s25+$0x470];
	[tilespmem:s25+$0x400] =	vst v55  }
0x39d: {  	v55 =	vld [tilespmem:s25+$0x420];
	[tilespmem:s25+$0x460] =	vst v56  }
0x39e: {  	v63 =	vadd.f32 v59, v12;
	v59 =	vld [tilespmem:s25+$0x20];
	[tilespmem:s25+$0x410] =	vst v61  }
0x39f: {  	v52 =	vadd.f32 v60, v13;
	v60 =	vld [tilespmem:s25+$0x30];
	[tilespmem:s25+$0x450] =	vst v62  }
0x3a0: {  	v61 =	vld [tilespmem:s25+$0x40];
	[tilespmem:s25+$0x50] =	vst v63;
	v58 =	vadd.f32 v58, v14  }
0x3a1: {  	v62 =	vld [tilespmem:s25+$0x10];
	[tilespmem:s25+$0x60] =	vst v52;
	v53 =	vadd.f32 v53, v22  }
0x3a2: {  	v63 =	vadd.f32 v55, v17;
	[tilespmem:s25+$0x70] =	vst v58  }
0x3a3: {  	v59 =	vadd.f32 v59, v6;
	[tilespmem:s25+$0x470] =	vst v53  }
0x3a4: {  	v60 =	vadd.f32 v60, v7;
	[tilespmem:s25+$0x420] =	vst v63  }
0x3a5: {  	v61 =	vadd.f32 v61, v10;
	[tilespmem:s25+$0x20] =	vst v59  }
0x3a6: {  	v62 =	vadd.f32 v62, v5;
	[tilespmem:s25+$0x30] =	vst v60  }
0x3a7: {  	[tilespmem:s25+$0x40] =	vst v61  }
0x3a8: {  	[tilespmem:s25+$0x10] =	vst v62  }
0x3a9: {  	v52 =	vld [tilespmem:s0+$0x17C00];
	_ =	sdelay $0x2  }
0x3aa: {  	s26 =	sadd.s32 $0x17C00, s0  }
0x3ab: {  	v53 =	vld [tilespmem:s26+$0x40]  }
0x3ac: {  	v54 =	vld [tilespmem:s26+$0x50];
	v52 =	vadd.f32 v52, v23  }
0x3ad: {  	v55 =	vld [tilespmem:s26+$0x60]  }
0x3ae: {  	v63 =	vld [tilespmem:s26+$0x70];
	[tilespmem:s0+$0x17C00] =	vst v52  }
0x3af: {  	v52 =	vld [tilespmem:s26+$0x10]  }
0x3b0: {  	v53 =	vadd.f32 v53, v35;
	v60 =	vld [tilespmem:s26+$0x20]  }
0x3b1: {  	v54 =	vadd.f32 v54, v36;
	v61 =	vld [tilespmem:s26+$0x30]  }
0x3b2: {  	v62 =	vadd.f32 v55, v37;
	[tilespmem:s26+$0x40] =	vst v53  }
0x3b3: {  	v63 =	vadd.f32 v63, v38;
	[tilespmem:s26+$0x50] =	vst v54  }
0x3b4: {  	[tilespmem:s26+$0x60] =	vst v62;
	v52 =	vadd.f32 v52, v25  }
0x3b5: {  	[tilespmem:s26+$0x70] =	vst v63;
	v57 =	vadd.f32 v60, v31  }
0x3b6: {  	v59 =	vadd.f32 v61, v33;
	[tilespmem:s26+$0x10] =	vst v52  }
0x3b7: {  	[tilespmem:s26+$0x20] =	vst v57  }
0x3b8: {  	[tilespmem:s26+$0x30] =	vst v59  }
0x3b9: {  	v52 =	vld [tilespmem:s0+$0x18000];
	_ =	sdelay $0x2  }
0x3ba: {  	s30 =	sadd.s32 $0x18000, s0  }
0x3bb: {  	v53 =	vld [tilespmem:s30+$0x40]  }
0x3bc: {  	v54 =	vld [tilespmem:s30+$0x50];
	v52 =	vadd.f32 v52, v39  }
0x3bd: {  	v60 =	vld [tilespmem:s30+$0x60]  }
0x3be: {  	v61 =	vld [tilespmem:s30+$0x70];
	[tilespmem:s0+$0x18000] =	vst v52  }
0x3bf: {  	v52 =	vld [tilespmem:s30+$0x30]  }
0x3c0: {  	v53 =	vadd.f32 v53, v44;
	v62 =	vld [tilespmem:s30+$0x20]  }
0x3c1: {  	v54 =	vadd.f32 v54, v45;
	v63 =	vld [tilespmem:s30+$0x10]  }
0x3c2: {  	v60 =	vadd.f32 v60, v47;
	[tilespmem:s30+$0x40] =	vst v53  }
0x3c3: {  	v61 =	vadd.f32 v61, v50;
	[tilespmem:s30+$0x50] =	vst v54  }
0x3c4: {  	[tilespmem:s30+$0x60] =	vst v60;
	v52 =	vadd.f32 v52, v43  }
0x3c5: {  	[tilespmem:s30+$0x70] =	vst v61;
	v62 =	vadd.f32 v62, v42  }
0x3c6: {  	v63 =	vadd.f32 v63, v40;
	[tilespmem:s30+$0x30] =	vst v52  }
0x3c7: {  	[tilespmem:s30+$0x20] =	vst v62  }
0x3c8: {  	[tilespmem:s30+$0x10] =	vst v63  }
0x3c9: {  	s7 =	sadd.s32 $0x18400, s0;
	v54 =	vld [tilespmem:s0+$0x18400]  }
0x3ca: {  	v53 =	vld [tilespmem:s7+$0x40]  }
0x3cb: {  	s2 =	simm.s32 $0x1;
	v52 =	vld [tilespmem:s7+$0x50]  }
.LBB2_11:
0x3cc: {  	p1 =	sne.s32 s2, $0xF  }
0x3cd: {  	v55 =	vld [tilespmem:s7+$0x60];
	s21 =	sadd.s32 $0x80, s21;
	s12 =	smov.u32 s2;
	s2 =	sadd.s32 $0x1, s2  }
0x3ce: {  	v56 =	vld [tilespmem:s7+$0x70]  }
0x3cf: {  	v54 =	vadd.f32 v54, v48  }
0x3d0: {  	v53 =	vadd.f32 v53, v51  }
0x3d1: {  	[tilespmem:s0+$0x18400] =	vst v54;
	v52 =	vadd.f32 v52, v49  }
0x3d2: {  	v54 =	vld [tilespmem:s7+$0x10];
	[tilespmem:s7+$0x40] =	vst v53;
	v53 =	vadd.f32 v55, v46  }
0x3d3: {  	v55 =	vld [tilespmem:s7+$0x20];
	[tilespmem:s7+$0x50] =	vst v52;
	v52 =	vadd.f32 v56, v41  }
0x3d4: {  	[tilespmem:s7+$0x60] =	vst v53  }
0x3d5: {  	[tilespmem:s7+$0x70] =	vst v52;
	_ =	sdelay $0x1  }
0x3d6: {  	v52 =	vadd.f32 v54, v34;
	v53 =	vld [tilespmem:s7+$0x30]  }
0x3d7: {  	v54 =	vadd.f32 v55, v32  }
0x3d8: {  	[tilespmem:s7+$0x10] =	vst v52  }
0x3d9: {  	[tilespmem:s7+$0x20] =	vst v54;
	_ =	sdelay $0x1  }
0x3da: {  	v52 =	vadd.f32 v53, v26;
	_ =	sdelay $0x1  }
0x3db: {  	[tilespmem:s7+$0x30] =	vst v52  }
0x3dc: {  	s13 =	sadd.s32 $0x18800, s0;
	v52 =	vld [tilespmem:s0+$0x18800]  }
0x3dd: {  	s7 =	sshrl.u32 s12, $0x3;
	v53 =	vld [tilespmem:s13+$0x40]  }
0x3de: {  	s7 =	smul.u32 $0x6000, s7;
	v54 =	vld [tilespmem:s13+$0x50]  }
0x3df: {  	v55 =	vld [tilespmem:s13+$0x60]  }
0x3e0: {  	s12 =	sand.u32 $0x380, s21;
	s7 =	sshra.s32 s7, $0x2;
	v56 =	vld [tilespmem:s13+$0x70]  }
0x3e1: {  	s7 =	sor.u32 s12, s7;
	v52 =	vadd.f32 v52, v24  }
0x3e2: {  	v53 =	vadd.f32 v53, v27  }
0x3e3: {  	[tilespmem:s0+$0x18800] =	vst v52;
	v52 =	vadd.f32 v54, v28;
	s0 =	smov.u32 s7  }
0x3e4: {  	v54 =	vld [tilespmem:s13+$0x10];
	[tilespmem:s13+$0x40] =	vst v53;
	v53 =	vadd.f32 v55, v29  }
0x3e5: {  	v55 =	vld [tilespmem:s13+$0x20];
	[tilespmem:s13+$0x50] =	vst v52;
	v52 =	vadd.f32 v56, v30  }
0x3e6: {  	v56 =	vld [tilespmem:s13+$0x30];
	[tilespmem:s13+$0x60] =	vst v53  }
0x3e7: {  	[tilespmem:s13+$0x70] =	vst v52;
	_ =	sdelay $0x1  }
0x3e8: {  	s7 =	sadd.s32 $0x17400, s0;
	v52 =	vadd.f32 v54, v11  }
0x3e9: {  	v53 =	vadd.f32 v55, v8  }
0x3ea: {  	[tilespmem:s13+$0x10] =	vst v52;
	v52 =	vadd.f32 v56, v9  }
0x3eb: {  	[tilespmem:s13+$0x20] =	vst v53  }
0x3ec: {  	[tilespmem:s13+$0x30] =	vst v52;
	_ =	sdelay $0x1  }
0x3ed: {  	v52 =	vld [tilespmem:s7+$0x440]  }
0x3ee: {  	v53 =	vld [tilespmem:s7+$0x50]  }
0x3ef: {  	v54 =	vld [tilespmem:s7+$0x400]  }
0x3f0: {  	v55 =	vld [tilespmem:s7+$0x430]  }
0x3f1: {  	v56 =	vld [tilespmem:s7+$0x60]  }
0x3f2: {  	v57 =	vld [tilespmem:s0+$0x17400]  }
0x3f3: {  	v58 =	vld [tilespmem:s7+$0x410]  }
0x3f4: {  	v59 =	vld [tilespmem:s7+$0x460]  }
0x3f5: {  	v54 =	vadd.f32 v54, v15;
	v55 =	vadd.f32 v55, v18;
	v60 =	vld [tilespmem:s7+$0x450]  }
0x3f6: {  	v53 =	vadd.f32 v53, v12;
	v56 =	vadd.f32 v56, v13;
	v61 =	vld [tilespmem:s7+$0x470]  }
0x3f7: {  	v52 =	vadd.f32 v52, v19;
	v57 =	vadd.f32 v57, v4  }
0x3f8: {  	v58 =	vadd.f32 v58, v16;
	[tilespmem:s7+$0x430] =	vst v55  }
0x3f9: {  	[tilespmem:s0+$0x17400] =	vst v57;
	v55 =	vadd.f32 v59, v21  }
0x3fa: {  	v57 =	vld [tilespmem:s7+$0x30];
	[tilespmem:s7+$0x440] =	vst v52;
	v52 =	vadd.f32 v60, v20  }
0x3fb: {  	[tilespmem:s7+$0x400] =	vst v54;
	v54 =	vld [tilespmem:s7+$0x420]  }
0x3fc: {  	v59 =	vld [tilespmem:s7+$0x70];
	[tilespmem:s7+$0x460] =	vst v55  }
0x3fd: {  	v55 =	vld [tilespmem:s7+$0x20];
	[tilespmem:s7+$0x410] =	vst v58;
	v58 =	vadd.f32 v61, v22  }
0x3fe: {  	v60 =	vld [tilespmem:s7+$0x10];
	[tilespmem:s7+$0x450] =	vst v52  }
0x3ff: {  	v52 =	vadd.f32 v57, v7;
	v57 =	vld [tilespmem:s7+$0x40];
	[tilespmem:s7+$0x50] =	vst v53  }
0x400: {  	[tilespmem:s7+$0x60] =	vst v56;
	v53 =	vadd.f32 v54, v17  }
0x401: {  	v54 =	vadd.f32 v59, v14;
	[tilespmem:s7+$0x470] =	vst v58  }
0x402: {  	v55 =	vadd.f32 v55, v6;
	[tilespmem:s7+$0x420] =	vst v53  }
0x403: {  	v53 =	vadd.f32 v60, v5;
	[tilespmem:s7+$0x70] =	vst v54  }
0x404: {  	[tilespmem:s7+$0x20] =	vst v55;
	v54 =	vadd.f32 v57, v10  }
0x405: {  	[tilespmem:s7+$0x30] =	vst v52  }
0x406: {  	[tilespmem:s7+$0x40] =	vst v54  }
0x407: {  	[tilespmem:s7+$0x10] =	vst v53  }
0x408: {  	s7 =	sadd.s32 $0x17C00, s0;
	v52 =	vld [tilespmem:s0+$0x17C00]  }
0x409: {  	v53 =	vld [tilespmem:s7+$0x40]  }
0x40a: {  	v54 =	vld [tilespmem:s7+$0x50]  }
0x40b: {  	v55 =	vld [tilespmem:s7+$0x60]  }
0x40c: {  	v56 =	vld [tilespmem:s7+$0x70]  }
0x40d: {  	v52 =	vadd.f32 v52, v23  }
0x40e: {  	v53 =	vadd.f32 v53, v35  }
0x40f: {  	[tilespmem:s0+$0x17C00] =	vst v52;
	v52 =	vadd.f32 v54, v36  }
0x410: {  	v54 =	vld [tilespmem:s7+$0x10];
	[tilespmem:s7+$0x40] =	vst v53;
	v53 =	vadd.f32 v55, v37  }
0x411: {  	v55 =	vld [tilespmem:s7+$0x20];
	[tilespmem:s7+$0x50] =	vst v52;
	v52 =	vadd.f32 v56, v38  }
0x412: {  	v56 =	vld [tilespmem:s7+$0x30];
	[tilespmem:s7+$0x60] =	vst v53  }
0x413: {  	[tilespmem:s7+$0x70] =	vst v52;
	_ =	sdelay $0x1  }
0x414: {  	v52 =	vadd.f32 v54, v25  }
0x415: {  	v53 =	vadd.f32 v55, v31  }
0x416: {  	[tilespmem:s7+$0x10] =	vst v52;
	v52 =	vadd.f32 v56, v33  }
0x417: {  	[tilespmem:s7+$0x20] =	vst v53  }
0x418: {  	[tilespmem:s7+$0x30] =	vst v52  }
0x419: {  	s7 =	sadd.s32 $0x18000, s0;
	v52 =	vld [tilespmem:s0+$0x18000]  }
0x41a: {  	v53 =	vld [tilespmem:s7+$0x40]  }
0x41b: {  	v54 =	vld [tilespmem:s7+$0x50]  }
0x41c: {  	v55 =	vld [tilespmem:s7+$0x60]  }
0x41d: {  	v56 =	vld [tilespmem:s7+$0x70]  }
0x41e: {  	v52 =	vadd.f32 v52, v39  }
0x41f: {  	v53 =	vadd.f32 v53, v44  }
0x420: {  	[tilespmem:s0+$0x18000] =	vst v52;
	v52 =	vadd.f32 v54, v45  }
0x421: {  	v54 =	vld [tilespmem:s7+$0x30];
	[tilespmem:s7+$0x40] =	vst v53;
	v53 =	vadd.f32 v55, v47  }
0x422: {  	v55 =	vld [tilespmem:s7+$0x20];
	[tilespmem:s7+$0x50] =	vst v52;
	v52 =	vadd.f32 v56, v50  }
0x423: {  	v56 =	vld [tilespmem:s7+$0x10];
	[tilespmem:s7+$0x60] =	vst v53  }
0x424: {  	[tilespmem:s7+$0x70] =	vst v52;
	_ =	sdelay $0x1  }
0x425: {  	v52 =	vadd.f32 v54, v43  }
0x426: {  	v53 =	vadd.f32 v55, v42  }
0x427: {  	v54 =	vadd.f32 v56, v40;
	[tilespmem:s7+$0x30] =	vst v52  }
.Ltmp6:
0x428: {  	[tilespmem:s7+$0x20] =	vst v53;
	(pc) =	sbr.rel @p1 .LBB2_11-.Ltmp6, $4  }
0x429: {  	[tilespmem:s7+$0x10] =	vst v54  }
0x42a: {  	s7 =	sadd.s32 $0x18400, s0;
	v54 =	vld [tilespmem:s0+$0x18400]  }
0x42b: {  	v53 =	vld [tilespmem:s7+$0x40]  }
0x42c: {  	v52 =	vld [tilespmem:s7+$0x50]  }
0x42d: {  	v4 =	vld [tilespmem:s7+$0x60];
	_ =	sdelay $0x1  }
0x42e: {  	v5 =	vadd.f32 v54, v48;
	_ =	sdelay $0x1  }
0x42f: {  	v6 =	vld [tilespmem:s7+$0x70];
	[tilespmem:s0+$0x18400] =	vst v5  }
0x430: {  	v5 =	vld [tilespmem:s7+$0x10];
	v4 =	vadd.f32 v4, v46  }
0x431: {  	v60 =	vld [tilespmem:s7+$0x20]  }
0x432: {  	v7 =	vadd.f32 v53, v51;
	[tilespmem:s7+$0x60] =	vst v4;
	v4 =	vld [tilespmem:s7+$0x30]  }
0x433: {  	v10 =	vadd.f32 v52, v49  }
0x434: {  	[tilespmem:s7+$0x40] =	vst v7;
	v6 =	vadd.f32 v6, v41  }
0x435: {  	[tilespmem:s7+$0x50] =	vst v10;
	v5 =	vadd.f32 v5, v34  }
0x436: {  	[tilespmem:s7+$0x70] =	vst v6;
	v61 =	vadd.f32 v60, v32  }
0x437: {  	[tilespmem:s7+$0x10] =	vst v5;
	v4 =	vadd.f32 v4, v26  }
0x438: {  	[tilespmem:s7+$0x20] =	vst v61  }
0x439: {  	[tilespmem:s7+$0x30] =	vst v4  }
0x43a: {  	v4 =	vld [tilespmem:s0+$0x18800];
	_ =	sdelay $0x2  }
0x43b: {  	s2 =	sadd.s32 $0x18800, s0  }
0x43c: {  	v5 =	vld [tilespmem:s2+$0x40]  }
0x43d: {  	v6 =	vld [tilespmem:s2+$0x50];
	v4 =	vadd.f32 v4, v24  }
0x43e: {  	v10 =	vld [tilespmem:s2+$0x70]  }
0x43f: {  	v62 =	vld [tilespmem:s2+$0x60];
	[tilespmem:s0+$0x18800] =	vst v4  }
0x440: {  	v4 =	vld [tilespmem:s2+$0x10]  }
0x441: {  	v5 =	vadd.f32 v5, v27;
	v12 =	vld [tilespmem:s2+$0x20]  }
0x442: {  	v6 =	vadd.f32 v6, v28;
	v13 =	vld [tilespmem:s2+$0x30]  }
0x443: {  	v63 =	vadd.f32 v10, v30;
	[tilespmem:s2+$0x40] =	vst v5  }
0x444: {  	v5 =	vadd.f32 v62, v29;
	[tilespmem:s2+$0x50] =	vst v6  }
0x445: {  	[tilespmem:s2+$0x70] =	vst v63;
	v4 =	vadd.f32 v4, v11  }
0x446: {  	[tilespmem:s2+$0x60] =	vst v5;
	v5 =	vadd.f32 v12, v8  }
0x447: {  	[tilespmem:s2+$0x10] =	vst v4;
	v4 =	vadd.f32 v13, v9  }
0x448: {  	[tilespmem:s2+$0x20] =	vst v5  }
0x449: {  	s28 =	sand.u32 $0x3FFFFF80, s28;
	[tilespmem:s2+$0x30] =	vst v4  }
0x44a: {  	v4 =	vld [tilespmem:s28+$0x400];
	_ =	sdelay $0x4  }
0x44b: {  	v5 =	vshrl.u32 v4, $0x3  }
0x44c: {  	v5 =	vmul.u32 $0x30, v5  }
0x44d: {  	v4 =	vand.u32 $0x7, v4  }
0x44e: {  	v4 =	vor.u32 v4, v5  }
0x44f: {  	v5 =	vperm.xlane v4, v0;
	_ =	sdelay $0x1  }
0x450: {  	v5 =	vadd.s32 v1, v5;
	_ =	sdelay $0x3  }
0x451: {  	s12 =	simm.s32 $0x17400;
	v4 =	vperm.xlane v4, v2  }
0x452: {  	[hbm4b:s3+s4] =	stream.indirect_vreg.scatter [tilespmem:s12], [sflag:$0x8], $0x80, v5, vm0, $0xb8;
	[tilespmem:$0x1A400] =	vst v63  }
0x453: {  	s13 =	simm.s32 $0x17C00;
	v4 =	vadd.s32 v1, v4  }
0x454: {  	[hbm4b:s10+s4] =	stream.indirect_vreg.scatter [tilespmem:s13], [sflag:$0x8], $0x80, v5, vm0, $0xb8;
	[tilespmem:$0x1A400] =	vst v63  }
0x455: {  	s30 =	simm.s32 $0x18400  }
0x456: {  	[hbm4b:s11+s4] =	stream.indirect_vreg.scatter [tilespmem:s30], [sflag:$0x8], $0x80, v5, vm0, $0xb8;
	[tilespmem:$0x1A400] =	vst v63  }
0x457: {  	_ = 	snop  }
0x458: {  	[hbm4b:s3+s4] =	stream.indirect_vreg.scatter [tilespmem:s15], [sflag:$0x8], $0x80, v4, vm0, $0xb8;
	[tilespmem:$0x1A400] =	vst v63  }
.Ltmp7:
0x459: {  	_ = 	snop;
	(pc) =	sbr.rel @p0 .LBB2_14-.Ltmp7, $4  }
0x45a: {  	_ = 	snop  }
0x45b: {  	[hbm4b:s10+s4] =	stream.indirect_vreg.scatter [tilespmem:s16], [sflag:$0x8], $0x80, v4, vm0, $0xb8;
	[tilespmem:$0x1A400] =	vst v63  }
0x45c: {  	_ = 	snop  }
0x45d: {  	[hbm4b:s11+s4] =	stream.indirect_vreg.scatter [tilespmem:s17], [sflag:$0x8], $0x80, v4, vm0, $0xb8;
	[tilespmem:$0x1A400] =	vst v63  }
0x45e: {  	_ =	swait.ge [sflag:s20], $0x3000  }
0x45f: {  	s0 =	sshll.u32 s22, $0x6;
	[sflag:s20] =	ssyncset.done $0x0  }
0x460: {  	s0 =	sand.u32 $0x3FFFFFC0, s0;
	[sflag:s20] =	ssyncadd.s32 $0xFFFFD000  }
0x461: {  	v4 =	vld [tilespmem:s0+$0x60];
	_ =	sdelay $0x4  }
0x462: {  	v5 =	vshrl.u32 v4, $0x3  }
0x463: {  	v5 =	vmul.u32 $0x30, v5  }
0x464: {  	v4 =	vand.u32 $0x7, v4  }
0x465: {  	v4 =	vor.u32 v4, v5  }
0x466: {  	v5 =	vperm.xlane v4, v0;
	_ =	sdelay $0x1  }
0x467: {  	v5 =	vadd.s32 v1, v5;
	_ =	sdelay $0x3  }
0x468: {  	v4 =	vperm.xlane v4, v2  }
0x469: {  	[tilespmem:s29], [sflag:$0x3] =	stream.indirect_vreg.gather [hbm4b:s1+s4], $0x80, v5, vm0, $0xb8;
	[tilespmem:$0x1A400] =	vst v63  }
0x46a: {  	v4 =	vadd.s32 v1, v4  }
0x46b: {  	[tilespmem:s31], [sflag:$0x3] =	stream.indirect_vreg.gather [hbm4b:s8+s4], $0x80, v5, vm0, $0xb8;
	[tilespmem:$0x1A400] =	vst v63  }
0x46c: {  	s28 =	simm.s32 $0x15400  }
0x46d: {  	[tilespmem:s28], [sflag:$0x3] =	stream.indirect_vreg.gather [hbm4b:s9+s4], $0x80, v5, vm0, $0xb8;
	[tilespmem:$0x1A400] =	vst v63  }
0x46e: {  	s29 =	simm.s32 $0x15C00  }
0x46f: {  	[tilespmem:s29], [sflag:$0x3] =	stream.indirect_vreg.gather [hbm4b:s1+s4], $0x80, v4, vm0, $0xb8;
	[tilespmem:$0x1A400] =	vst v63  }
.Ltmp8:
0x470: {  	_ = 	snop;
	(pc) =	sbr.rel .LBB2_4-.Ltmp8, $4  }
0x471: {  	s30 =	simm.s32 $0x16400  }
0x472: {  	[tilespmem:s30], [sflag:$0x3] =	stream.indirect_vreg.gather [hbm4b:s8+s4], $0x80, v4, vm0, $0xb8;
	[tilespmem:$0x1A400] =	vst v63  }
0x473: {  	s22 =	sadd.s32 $0x1, s22;
	s31 =	simm.s32 $0x16C00  }
0x474: {  	[tilespmem:s31], [sflag:$0x3] =	stream.indirect_vreg.gather [hbm4b:s9+s4], $0x80, v4, vm0, $0xb8;
	[tilespmem:$0x1A400] =	vst v63  }
.LBB2_15:
0x475: {  	_ =	sfence.sel $0x180000  }
0x476: {  	[bflag:$0x0] =	sbarrier.arrive $0xFFFF  }
0x477: {  	_ =	strace $0x90000047  }
0x478: {  	s0 =	stileid.u32;
	[bflag:$0x2] =	sbarrier.arrive $0xFFFF  }
0x479: {  	p0 =	sne.s32 s0, $0x0;
	s0 =	rddreg [dreg:$0x4]  }
0x47a: {  	s0 =	sadd.s32 @!p0 $0x100000, s0  }
0x47b: {  	[sflag:s0] =	ssyncadd.tile.s32 @!p0 $0x1;
	_ =	shalt  }
.Lfunc_end2:
_tile_overlayer_lowered:
.L_overlay_start_2:
0x47c: {  	(tag) =	ssettag $0x2  }
0x47d: {  	s0 =	rddreg [dreg:$0x0];
	s2 =	stileid.u32  }
0x47e: {  	s1 =	rddreg [dreg:$0x1];
	p0 =	sne.s32 s2, $0x0  }
0x47f: {  	s3 =	rddreg [dreg:$0x2];
	[bflag:$0x3] =	sbarrier.arrive $0xFFFF;
	s2 =	simm.s32 @!p0 $0x1C09  }
0x480: {  	[timem:s3], [sflag:s2] =	dma.local @!p0 [hbm:s0], s1  }
0x481: {  	s0 =	simm.s32 @!p0 $0x9  }
0x482: {  	_ =	swait.ge @!p0 [sflag:s0], s1  }
0x483: {  	s1 =	ssub.s32 @!p0 $0x0, s1;
	[sflag:s0] =	ssyncset.done @!p0 $0x0  }
0x484: {  	[sflag:s0] =	ssyncadd.s32 @!p0 s1  }
0x485: {  	[bflag:$0x3] =	sbarrier.arrive $0xFFFF  }
0x486: {  	_ =	shalt  }

</sc_bundles>
